<compile_context>
chip_gen: v7x
topology: tpu7x:2x2x1
jax: 0.10.2.dev20260603
libtpu: 0.0.44.dev20260713+nightly
codegen_flags: <defaults>
</compile_context>

<pallas_src>
import jax
import jax.numpy as jnp
from jax import lax
from jax.experimental import pallas as pl
from jax.experimental.pallas import tpu as pltpu
from jax.experimental.pallas import tpu_sc as plsc

N = 10000
E = 320000
NPAD = 10240
NC, NS, L = 2, 16, 16
CH = 128
C_CHUNKS = E // CH
CB = 2496 // 8
B0 = 156
TAIL0, TAILC = 2496, 4
GSZ = 40
WINC = 2456
RPT = NPAD // NS

_MESH = plsc.VectorSubcoreMesh(core_axis_name="c", subcore_axis_name="s",
                               num_cores=NC, num_subcores=NS)

_F32 = jnp.float32


def _chunk_range(cid, sid):
    base = jnp.where(cid == 0, 0, B0)
    wb = jnp.where(cid == 0, B0, CB - B0)
    t0 = 8 * (base + (sid * wb) // NS)
    t1 = 8 * (base + ((sid + 1) * wb) // NS)
    return t0, t1


def _is_tail_tile(cid, sid):
    return jnp.logical_and(cid == 1, sid == NS - 1)


def _group_geom(gi, t0, t1):
    gstart = t0 + gi * GSZ
    gcount = jnp.minimum(GSZ, t1 - gstart)
    win = pl.multiple_of(jnp.minimum(gstart, WINC), 8)
    roff = gstart - win
    return gstart, gcount, win, roff


def _ngroups(t0, t1):
    return (t1 - t0 + GSZ - 1) // GSZ



def _deg_body(dst_hbm, out_hbm, idx_v, ones_v, zb_v, acc_sh, sem):
    cid = lax.axis_index("c")
    sid = lax.axis_index("s")
    t0, t1 = _chunk_range(cid, sid)

    def fill_ones(i, c):
        ones_v[pl.ds(i * L, L)] = jnp.full((L,), 1.0, _F32)
        return c

    lax.fori_loop(0, CH // L, fill_ones, 0)

    def fill_zero(i, c):
        zb_v[pl.ds(i * L, L)] = jnp.zeros((L,), _F32)
        return c

    lax.fori_loop(0, RPT // L, fill_zero, 0)
    pltpu.sync_copy(zb_v, acc_sh.at[pl.ds(sid * RPT, RPT)])
    plsc.subcore_barrier()

    def group(gi, c):
        _, gcount, win, roff = _group_geom(gi, t0, t1)
        pltpu.async_copy(dst_hbm.at[pl.ds(win, GSZ)], idx_v, sem).wait()

        def body(j, c2):
            pltpu.sync_copy(ones_v, acc_sh.at[idx_v.at[roff + j]], add=True)
            return c2

        lax.fori_loop(0, gcount, body, 0)
        return c

    lax.fori_loop(0, _ngroups(t0, t1), group, 0)

    @pl.when(_is_tail_tile(cid, sid))
    def _():
        pltpu.async_copy(dst_hbm.at[pl.ds(TAIL0, TAILC)],
                         idx_v.at[pl.ds(0, TAILC)], sem).wait()

        def tbody(j, c):
            pltpu.sync_copy(ones_v, acc_sh.at[idx_v.at[j]], add=True)
            return c

        lax.fori_loop(0, TAILC, tbody, 0)

    plsc.subcore_barrier()
    pltpu.sync_copy(acc_sh.at[pl.ds(sid * RPT, RPT)],
                    out_hbm.at[cid, pl.ds(sid * RPT, RPT)])


_deg_call = pl.kernel(
    _deg_body,
    out_type=jax.ShapeDtypeStruct((NC, NPAD), _F32),
    mesh=_MESH,
    scratch_types=[
        pltpu.VMEM((GSZ, CH), jnp.int32),
        pltpu.VMEM((CH,), _F32),
        pltpu.VMEM((RPT,), _F32),
        pltpu.VMEM_SHARED((NPAD,), _F32),
        pltpu.SemaphoreType.DMA,
    ],
)



def _agg_body(g_hbm, src_hbm, dst_hbm, out_hbm, sidx, didx, buf, acc_sh, sem):
    cid = lax.axis_index("c")
    sid = lax.axis_index("s")
    t0, t1 = _chunk_range(cid, sid)

    def fill_zero(i, c):
        r = i // 8
        col = i % 8
        buf[0, r, pl.ds(col * L, L)] = jnp.zeros((L,), _F32)
        return c

    lax.fori_loop(0, CH * 8, fill_zero, 0)
    for t in range(RPT // CH):
        pltpu.sync_copy(buf.at[0], acc_sh.at[pl.ds(sid * RPT + t * CH, CH)])
    plsc.subcore_barrier()

    def group(gi, c):
        _, gcount, win, roff = _group_geom(gi, t0, t1)
        pltpu.async_copy(src_hbm.at[pl.ds(win, GSZ)], sidx, sem).wait()
        pltpu.async_copy(dst_hbm.at[pl.ds(win, GSZ)], didx, sem).wait()

        pltpu.async_copy(g_hbm.at[sidx.at[roff]], buf.at[0], sem)

        def body(j, c2):
            b = j % 2
            pltpu.make_async_copy(g_hbm.at[sidx.at[roff + j]], buf.at[b],
                                  sem).wait()

            @pl.when(j + 1 < gcount)
            def _():
                pltpu.async_copy(g_hbm.at[sidx.at[roff + j + 1]],
                                 buf.at[(j + 1) % 2], sem)

            pltpu.sync_copy(buf.at[b], acc_sh.at[didx.at[roff + j]], add=True)
            return c2

        lax.fori_loop(0, gcount, body, 0)
        return c

    lax.fori_loop(0, _ngroups(t0, t1), group, 0)

    @pl.when(_is_tail_tile(cid, sid))
    def _():
        pltpu.async_copy(src_hbm.at[pl.ds(TAIL0, TAILC)],
                         sidx.at[pl.ds(0, TAILC)], sem).wait()
        pltpu.async_copy(dst_hbm.at[pl.ds(TAIL0, TAILC)],
                         didx.at[pl.ds(0, TAILC)], sem).wait()

        def tbody(j, c):
            pltpu.async_copy(g_hbm.at[sidx.at[j]], buf.at[0], sem).wait()
            pltpu.sync_copy(buf.at[0], acc_sh.at[didx.at[j]], add=True)
            return c

        lax.fori_loop(0, TAILC, tbody, 0)

    plsc.subcore_barrier()
    pltpu.sync_copy(acc_sh.at[pl.ds(sid * RPT, RPT)],
                    out_hbm.at[cid, pl.ds(sid * RPT, RPT)])


_agg_call = pl.kernel(
    _agg_body,
    out_type=jax.ShapeDtypeStruct((NC, NPAD, 128), _F32),
    mesh=_MESH,
    scratch_types=[
        pltpu.VMEM((GSZ, CH), jnp.int32),
        pltpu.VMEM((GSZ, CH), jnp.int32),
        pltpu.VMEM((2, CH, 128), _F32),
        pltpu.VMEM_SHARED((NPAD, 128), _F32),
        pltpu.SemaphoreType.DMA,
    ],
)



def _edge_body(a_hbm, b_hbm, src_hbm, dst_hbm, out_hbm, sidx, didx, buf,
               sem_a, sem_b, sem_o):
    cid = lax.axis_index("c")
    sid = lax.axis_index("s")
    t0, t1 = _chunk_range(cid, sid)

    def group(gi, c):
        gstart, gcount, win, roff = _group_geom(gi, t0, t1)
        pltpu.async_copy(src_hbm.at[pl.ds(win, GSZ)], sidx, sem_a).wait()
        pltpu.async_copy(dst_hbm.at[pl.ds(win, GSZ)], didx, sem_a).wait()

        pltpu.async_copy(a_hbm.at[sidx.at[roff]], buf.at[0], sem_a)

        def body(j, c2):
            b = j % 2
            pltpu.make_async_copy(a_hbm.at[sidx.at[roff + j]], buf.at[b],
                                  sem_a).wait()
            pltpu.async_copy(b_hbm.at[didx.at[roff + j]], buf.at[b], sem_b,
                             add=True)

            @pl.when(j >= 1)
            def _():
                pltpu.make_async_copy(
                    buf.at[1 - b],
                    out_hbm.at[pl.ds(pl.multiple_of((gstart + j - 1) * CH, CH),
                                     CH)],
                    sem_o).wait()

            @pl.when(j + 1 < gcount)
            def _():
                pltpu.async_copy(a_hbm.at[sidx.at[roff + j + 1]],
                                 buf.at[1 - b], sem_a)

            pltpu.make_async_copy(b_hbm.at[didx.at[roff + j]], buf.at[b],
                                  sem_b).wait()
            pltpu.async_copy(
                buf.at[b],
                out_hbm.at[pl.ds(pl.multiple_of((gstart + j) * CH, CH), CH)],
                sem_o)
            return c2

        lax.fori_loop(0, gcount, body, 0)
        pltpu.make_async_copy(
            buf.at[(gcount - 1) % 2],
            out_hbm.at[pl.ds(pl.multiple_of((gstart + gcount - 1) * CH, CH),
                             CH)],
            sem_o).wait()
        return c

    lax.fori_loop(0, _ngroups(t0, t1), group, 0)

    @pl.when(_is_tail_tile(cid, sid))
    def _():
        pltpu.async_copy(src_hbm.at[pl.ds(TAIL0, TAILC)],
                         sidx.at[pl.ds(0, TAILC)], sem_a).wait()
        pltpu.async_copy(dst_hbm.at[pl.ds(TAIL0, TAILC)],
                         didx.at[pl.ds(0, TAILC)], sem_a).wait()

        def tbody(j, c):
            pltpu.async_copy(a_hbm.at[sidx.at[j]], buf.at[0], sem_a).wait()
            pltpu.async_copy(b_hbm.at[didx.at[j]], buf.at[0], sem_b,
                             add=True).wait()
            pltpu.sync_copy(
                buf.at[0],
                out_hbm.at[pl.ds(pl.multiple_of((TAIL0 + j) * CH, CH), CH)])
            return c

        lax.fori_loop(0, TAILC, tbody, 0)


_edge_call = pl.kernel(
    _edge_body,
    out_type=jax.ShapeDtypeStruct((E, 128), _F32),
    mesh=_MESH,
    scratch_types=[
        pltpu.VMEM((GSZ, CH), jnp.int32),
        pltpu.VMEM((GSZ, CH), jnp.int32),
        pltpu.VMEM((2, CH, 128), _F32),
        pltpu.SemaphoreType.DMA,
        pltpu.SemaphoreType.DMA,
        pltpu.SemaphoreType.DMA,
    ],
)



_PREC = lax.Precision.HIGHEST


def _mm_body(x_ref, w_ref, o_ref):
    o_ref[:] = jnp.dot(x_ref[:], w_ref[:], preferred_element_type=_F32,
                       precision=_PREC)


def _tc_matmul(x, w, rows_per_block=2048):
    m = x.shape[0]
    grid = m // rows_per_block
    return pl.pallas_call(
        _mm_body,
        grid=(grid,),
        in_specs=[
            pl.BlockSpec((rows_per_block, x.shape[1]), lambda i: (i, 0)),
            pl.BlockSpec(w.shape, lambda i: (0, 0)),
        ],
        out_specs=pl.BlockSpec((rows_per_block, w.shape[1]), lambda i: (i, 0)),
        out_shape=jax.ShapeDtypeStruct((m, w.shape[1]), _F32),
    )(x, w)


def _scale_body(h_ref, d_ref, g_ref, dinv_ref):
    dinv = lax.rsqrt(d_ref[0] + d_ref[1] + 1.0)
    dinv_ref[:] = dinv
    g_ref[:] = h_ref[:] * dinv


def _tc_scale(h, deg):
    grid = NPAD // 2048
    return pl.pallas_call(
        _scale_body,
        grid=(grid,),
        in_specs=[
            pl.BlockSpec((2048, 128), lambda i: (i, 0)),
            pl.BlockSpec((2, 2048, 1), lambda i: (0, i, 0)),
        ],
        out_specs=[
            pl.BlockSpec((2048, 128), lambda i: (i, 0)),
            pl.BlockSpec((2048, 1), lambda i: (i, 0)),
        ],
        out_shape=[
            jax.ShapeDtypeStruct((NPAD, 128), _F32),
            jax.ShapeDtypeStruct((NPAD, 1), _F32),
        ],
    )(h, deg)


def _layer_body(a_ref, g_ref, dinv_ref, b_ref, w_ref, o_ref):
    dinv = dinv_ref[:]
    h = (a_ref[0] + a_ref[1] + g_ref[:]) * dinv + b_ref[:]
    h = jnp.maximum(h, 0.0)
    o_ref[:] = jnp.dot(h, w_ref[:], preferred_element_type=_F32,
                       precision=_PREC) * dinv


def _tc_layer(agg, g, dinv, b, w):
    grid = NPAD // 2048
    return pl.pallas_call(
        _layer_body,
        grid=(grid,),
        in_specs=[
            pl.BlockSpec((2, 2048, 128), lambda i: (0, i, 0)),
            pl.BlockSpec((2048, 128), lambda i: (i, 0)),
            pl.BlockSpec((2048, 1), lambda i: (i, 0)),
            pl.BlockSpec((1, 128), lambda i: (0, 0)),
            pl.BlockSpec((128, 128), lambda i: (0, 0)),
        ],
        out_specs=pl.BlockSpec((2048, 128), lambda i: (i, 0)),
        out_shape=jax.ShapeDtypeStruct((NPAD, 128), _F32),
    )(agg, g, dinv, b, w)


def _final_node_body(a_ref, g_ref, dinv_ref, b_ref, wa_ref, wb_ref,
                     oa_ref, ob_ref):
    dinv = dinv_ref[:]
    h = (a_ref[0] + a_ref[1] + g_ref[:]) * dinv + b_ref[:]
    h = jnp.maximum(h, 0.0)
    oa_ref[:] = jnp.dot(h, wa_ref[:], preferred_element_type=_F32,
                        precision=_PREC)
    ob_ref[:] = jnp.dot(h, wb_ref[:], preferred_element_type=_F32,
                        precision=_PREC)


def _tc_final_node(agg, g, dinv, b, wa, wb):
    grid = NPAD // 2048
    return pl.pallas_call(
        _final_node_body,
        grid=(grid,),
        in_specs=[
            pl.BlockSpec((2, 2048, 128), lambda i: (0, i, 0)),
            pl.BlockSpec((2048, 128), lambda i: (i, 0)),
            pl.BlockSpec((2048, 1), lambda i: (i, 0)),
            pl.BlockSpec((1, 128), lambda i: (0, 0)),
            pl.BlockSpec((128, 128), lambda i: (0, 0)),
            pl.BlockSpec((128, 128), lambda i: (0, 0)),
        ],
        out_specs=[
            pl.BlockSpec((2048, 128), lambda i: (i, 0)),
            pl.BlockSpec((2048, 128), lambda i: (i, 0)),
        ],
        out_shape=[
            jax.ShapeDtypeStruct((NPAD, 128), _F32),
            jax.ShapeDtypeStruct((NPAD, 128), _F32),
        ],
    )(agg, g, dinv, b, wa, wb)


def _edge_mlp_body(s_ref, b1_ref, w2_ref, b2_ref, o_ref):
    z = jnp.maximum(s_ref[:] + b1_ref[:], 0.0).astype(jnp.bfloat16)
    w2 = w2_ref[:].astype(jnp.bfloat16)
    o_ref[:] = lax.dot_general(w2, z, (((0,), (1,)), ((), ())),
                               preferred_element_type=_F32) + b2_ref[:]


def _tc_edge_mlp(s, bm1, wm2, bm2):
    rows = 12800
    grid = E // rows
    return pl.pallas_call(
        _edge_mlp_body,
        grid=(grid,),
        in_specs=[
            pl.BlockSpec((rows, 128), lambda i: (i, 0)),
            pl.BlockSpec((1, 128), lambda i: (0, 0)),
            pl.BlockSpec((128, 16), lambda i: (0, 0)),
            pl.BlockSpec((16, 1), lambda i: (0, 0)),
        ],
        out_specs=pl.BlockSpec((16, rows), lambda i: (0, i)),
        out_shape=jax.ShapeDtypeStruct((16, E), _F32),
    )(s, bm1, wm2, bm2)



def kernel(x, edge_index, W1, b1, W2, b2, Wm1, bm1, Wm2, bm2):
    xp = jnp.pad(x, ((0, NPAD - N), (0, 0)))
    srcc = edge_index[0].reshape(C_CHUNKS, CH)
    dstc = edge_index[1].reshape(C_CHUNKS, CH)

    h1 = _tc_matmul(xp, W1)
    deg = _deg_call(dstc)
    g1, dinv = _tc_scale(h1, deg.reshape(NC, NPAD, 1))
    agg1 = _agg_call(g1, srcc, dstc)
    g2 = _tc_layer(agg1, g1, dinv, b1.reshape(1, 128), W2)
    agg2 = _agg_call(g2, srcc, dstc)
    A, B = _tc_final_node(agg2, g2, dinv, b2.reshape(1, 128),
                          Wm1[:128], Wm1[128:])
    S = _edge_call(A, B, srcc, dstc)
    pred_t = _tc_edge_mlp(S, bm1.reshape(1, 128), Wm2, bm2.reshape(16, 1))
    return pred_t.T

# --- scband reference (transcript-rebuilt; emitter-appended) ---
"""Pipeline reference for scband-edge-predictor-gnn-18013092839945 (READ-ONLY COPY).

The authoritative reference and input builder live on the scoring server;
editing this copy changes nothing except your own understanding.
"""

import jax, jax.numpy as jnp
import numpy as np

N_NODES = 10000
N_EDGES = 320000
IN_CH = 128
HID = 128
EDGE_OUT = 16


def setup_inputs(seed: int = 0) -> dict:
    key = jax.random.key(seed)
    ks = jax.random.split(key, 12)
    x = jax.random.normal(ks[0], (N_NODES, IN_CH), dtype=jnp.float32)
    edge_index = jax.random.randint(ks[1], (2, N_EDGES), 0, N_NODES, dtype=jnp.int64 if jax.config.jax_enable_x64 else jnp.int32).astype(jnp.int32)
    s1 = 1.0 / np.sqrt(IN_CH)
    W1 = jax.random.uniform(ks[2], (IN_CH, HID), minval=-s1, maxval=s1, dtype=jnp.float32)
    b1 = jnp.zeros((HID,), dtype=jnp.float32)
    s2 = 1.0 / np.sqrt(HID)
    W2 = jax.random.uniform(ks[3], (HID, HID), minval=-s2, maxval=s2, dtype=jnp.float32)
    b2 = jnp.zeros((HID,), dtype=jnp.float32)
    sm1 = 1.0 / np.sqrt(2 * HID)
    Wm1 = jax.random.uniform(ks[4], (2 * HID, HID), minval=-sm1, maxval=sm1, dtype=jnp.float32)
    bm1 = jax.random.uniform(ks[5], (HID,), minval=-sm1, maxval=sm1, dtype=jnp.float32)
    sm2 = 1.0 / np.sqrt(HID)
    Wm2 = jax.random.uniform(ks[6], (HID, EDGE_OUT), minval=-sm2, maxval=sm2, dtype=jnp.float32)
    bm2 = jax.random.uniform(ks[7], (EDGE_OUT,), minval=-sm2, maxval=sm2, dtype=jnp.float32)
    return {"x": x, "edge_index": edge_index, "W1": W1, "b1": b1, "W2": W2, "b2": b2, "Wm1": Wm1, "bm1": bm1, "Wm2": Wm2, "bm2": bm2}


def gcn_conv(x, edge_index, W, b, n):
    # PyG GCNConv: add self-loops, symmetric normalization, linear transform, scatter-add to target
    src = edge_index[0]
    dst = edge_index[1]
    loop = jnp.arange(n, dtype=src.dtype)
    src_full = jnp.concatenate([src, loop])
    dst_full = jnp.concatenate([dst, loop])
    deg = jnp.zeros((n,), dtype=x.dtype).at[dst_full].add(1.0)
    dinv = jax.lax.rsqrt(jnp.maximum(deg, 1e-12))
    dinv = jnp.where(deg > 0, dinv, 0.0)
    norm = dinv[src_full] * dinv[dst_full]
    h = x @ W
    msg = h[src_full] * norm[:, None]
    out = jnp.zeros((n, h.shape[1]), dtype=h.dtype).at[dst_full].add(msg)
    return out + b


def reference(x, edge_index, W1, b1, W2, b2, Wm1, bm1, Wm2, bm2):
    n = x.shape[0]
    h = gcn_conv(x, edge_index, W1, b1, n)
    h = jax.nn.relu(h)
    h = gcn_conv(h, edge_index, W2, b2, n)
    h = jax.nn.relu(h)
    row = edge_index[0]
    col = edge_index[1]
    edge_features = jnp.concatenate([h[row], h[col]], axis=1)
    z = edge_features @ Wm1 + bm1
    z = jax.nn.relu(z)
    pred_edge_attr = z @ Wm2 + bm2
    return pred_edge_attr

if __name__ == "__main__":
    import jax
    _d = setup_inputs()
    print(jax.jit(kernel)(*tuple(_d.values())))

</pallas_src>

<mosaic_0001>
#map = affine_map<(d0, d1) -> (0, 0)>
module attributes {stable_mosaic.version = 14 : i64} {
  func.func @_edge_body(%arg0: i32, %arg1: i32, %arg2: memref<10240x128xf32, #tpu.memory_space<hbm>>, %arg3: memref<10240x128xf32, #tpu.memory_space<hbm>>, %arg4: memref<2500x128xi32, #tpu.memory_space<hbm>>, %arg5: memref<2500x128xi32, #tpu.memory_space<hbm>>, %arg6: memref<320000x128xf32, #tpu.memory_space<hbm>>, %arg7: memref<40x128xi32, #tpu.memory_space<vmem>>, %arg8: memref<40x128xi32, #tpu.memory_space<vmem>>, %arg9: memref<2x128x128xf32, #tpu.memory_space<vmem>>, %arg10: memref<!tpu.dma_semaphore, #tpu.memory_space<semaphore_mem>>, %arg11: memref<!tpu.dma_semaphore, #tpu.memory_space<semaphore_mem>>, %arg12: memref<!tpu.dma_semaphore, #tpu.memory_space<semaphore_mem>>) attributes {dimension_semantics = [#tpu.dimension_semantics<core_parallel>, #tpu.dimension_semantics<subcore_parallel>], iteration_bounds = array<i64: 2, 16>, scalar_prefetch = 0 : i64, scratch_operands = 6 : i64, tpu.core_type = #tpu.core_type<sc_vector_subcore>, window_params = [{transform_indices = #map}, {transform_indices = #map}, {transform_indices = #map}, {transform_indices = #map}, {transform_indices = #map}]} {
    %eq3A = arith.constant 0 : i32
    %eq3A_0 = arith.cmpi eq, %arg0, %eq3A : i32
    %jit3A = arith.constant 0 : i32
    %jit3A_1 = arith.constant 156 : i32
    %select_n3A = arith.select %eq3A_0, %jit3A, %jit3A_1 : i32
    %eq3A_2 = arith.constant 0 : i32
    %eq3A_3 = arith.cmpi eq, %arg0, %eq3A_2 : i32
    %jit3A_4 = arith.constant 156 : i32
    %jit3A_5 = arith.constant 156 : i32
    %select_n3A_6 = arith.select %eq3A_3, %jit3A_4, %jit3A_5 : i32
    %mul3A = arith.muli %arg1, %select_n3A_6 : i32
    %jit3A_7 = arith.constant 16 : i32
    %div3A = arith.divsi %mul3A, %jit3A_7 : i32
    %sign3A = arith.constant 0 : i32
    %sign3A_8 = arith.cmpi sgt, %mul3A, %sign3A : i32
    %sign3A_9 = arith.extui %sign3A_8 : i1 to i32
    %sign3A_10 = arith.constant 0 : i32
    %sign3A_11 = arith.cmpi slt, %mul3A, %sign3A_10 : i32
    %sign3A_12 = arith.extui %sign3A_11 : i1 to i32
    %sign3A_13 = arith.subi %sign3A_9, %sign3A_12 : i32
    %sign3A_14 = arith.constant 0 : i32
    %sign3A_15 = arith.cmpi sgt, %jit3A_7, %sign3A_14 : i32
    %sign3A_16 = arith.extui %sign3A_15 : i1 to i32
    %sign3A_17 = arith.constant 0 : i32
    %sign3A_18 = arith.cmpi slt, %jit3A_7, %sign3A_17 : i32
    %sign3A_19 = arith.extui %sign3A_18 : i1 to i32
    %sign3A_20 = arith.subi %sign3A_16, %sign3A_19 : i32
    %ne3A = arith.cmpi ne, %sign3A_13, %sign3A_20 : i32
    %rem3A = arith.remsi %mul3A, %jit3A_7 : i32
    %ne3A_21 = arith.constant 0 : i32
    %ne3A_22 = arith.cmpi ne, %rem3A, %ne3A_21 : i32
    %and3A = arith.andi %ne3A, %ne3A_22 : i1
    %sub3A = arith.constant 1 : i32
    %sub3A_23 = arith.subi %div3A, %sub3A : i32
    %select_n3A_24 = arith.select %and3A, %sub3A_23, %div3A : i32
    %add3A = arith.addi %select_n3A, %select_n3A_24 : i32
    %mul3A_25 = arith.constant 8 : i32
    %mul3A_26 = arith.muli %mul3A_25, %add3A : i32
    %add3A_27 = arith.constant 1 : i32
    %add3A_28 = arith.addi %arg1, %add3A_27 : i32
    %mul3A_29 = arith.muli %add3A_28, %select_n3A_6 : i32
    %jit3A_30 = arith.constant 16 : i32
    %div3A_31 = arith.divsi %mul3A_29, %jit3A_30 : i32
    %sign3A_32 = arith.constant 0 : i32
    %sign3A_33 = arith.cmpi sgt, %mul3A_29, %sign3A_32 : i32
    %sign3A_34 = arith.extui %sign3A_33 : i1 to i32
    %sign3A_35 = arith.constant 0 : i32
    %sign3A_36 = arith.cmpi slt, %mul3A_29, %sign3A_35 : i32
    %sign3A_37 = arith.extui %sign3A_36 : i1 to i32
    %sign3A_38 = arith.subi %sign3A_34, %sign3A_37 : i32
    %sign3A_39 = arith.constant 0 : i32
    %sign3A_40 = arith.cmpi sgt, %jit3A_30, %sign3A_39 : i32
    %sign3A_41 = arith.extui %sign3A_40 : i1 to i32
    %sign3A_42 = arith.constant 0 : i32
    %sign3A_43 = arith.cmpi slt, %jit3A_30, %sign3A_42 : i32
    %sign3A_44 = arith.extui %sign3A_43 : i1 to i32
    %sign3A_45 = arith.subi %sign3A_41, %sign3A_44 : i32
    %ne3A_46 = arith.cmpi ne, %sign3A_38, %sign3A_45 : i32
    %rem3A_47 = arith.remsi %mul3A_29, %jit3A_30 : i32
    %ne3A_48 = arith.constant 0 : i32
    %ne3A_49 = arith.cmpi ne, %rem3A_47, %ne3A_48 : i32
    %and3A_50 = arith.andi %ne3A_46, %ne3A_49 : i1
    %sub3A_51 = arith.constant 1 : i32
    %sub3A_52 = arith.subi %div3A_31, %sub3A_51 : i32
    %select_n3A_53 = arith.select %and3A_50, %sub3A_52, %div3A_31 : i32
    %add3A_54 = arith.addi %select_n3A, %select_n3A_53 : i32
    %mul3A_55 = arith.constant 8 : i32
    %mul3A_56 = arith.muli %mul3A_55, %add3A_54 : i32
    %sub3A_57 = arith.subi %mul3A_56, %mul3A_26 : i32
    %add3A_58 = arith.constant 40 : i32
    %add3A_59 = arith.addi %sub3A_57, %add3A_58 : i32
    %sub3A_60 = arith.constant 1 : i32
    %sub3A_61 = arith.subi %add3A_59, %sub3A_60 : i32
    %jit3A_62 = arith.constant 40 : i32
    %div3A_63 = arith.divsi %sub3A_61, %jit3A_62 : i32
    %sign3A_64 = arith.constant 0 : i32
    %sign3A_65 = arith.cmpi sgt, %sub3A_61, %sign3A_64 : i32
    %sign3A_66 = arith.extui %sign3A_65 : i1 to i32
    %sign3A_67 = arith.constant 0 : i32
    %sign3A_68 = arith.cmpi slt, %sub3A_61, %sign3A_67 : i32
    %sign3A_69 = arith.extui %sign3A_68 : i1 to i32
    %sign3A_70 = arith.subi %sign3A_66, %sign3A_69 : i32
    %sign3A_71 = arith.constant 0 : i32
    %sign3A_72 = arith.cmpi sgt, %jit3A_62, %sign3A_71 : i32
    %sign3A_73 = arith.extui %sign3A_72 : i1 to i32
    %sign3A_74 = arith.constant 0 : i32
    %sign3A_75 = arith.cmpi slt, %jit3A_62, %sign3A_74 : i32
    %sign3A_76 = arith.extui %sign3A_75 : i1 to i32
    %sign3A_77 = arith.subi %sign3A_73, %sign3A_76 : i32
    %ne3A_78 = arith.cmpi ne, %sign3A_70, %sign3A_77 : i32
    %rem3A_79 = arith.remsi %sub3A_61, %jit3A_62 : i32
    %ne3A_80 = arith.constant 0 : i32
    %ne3A_81 = arith.cmpi ne, %rem3A_79, %ne3A_80 : i32
    %and3A_82 = arith.andi %ne3A_78, %ne3A_81 : i1
    %sub3A_83 = arith.constant 1 : i32
    %sub3A_84 = arith.subi %div3A_63, %sub3A_83 : i32
    %select_n3A_85 = arith.select %and3A_82, %sub3A_84, %div3A_63 : i32
    %while3A = arith.constant 0 : i32
    %while3A_86 = arith.constant 0 : i32
    %while3A_87 = arith.subi %select_n3A_85, %while3A_86 : i32
    %while3A_88 = arith.addi %while3A_86, %while3A_87 : i32
    %while3A_89 = arith.constant 1 : i32
    %while3A_90 = arith.divsi %while3A_87, %while3A_89 : i32
    %while3A_91 = arith.muli %while3A_90, %while3A_89 : i32
    %while3A_92 = arith.addi %while3A_86, %while3A_91 : i32
    %while3A_93 = arith.constant 1 : i32
    scf.for %while3A_101 = %while3A_86 to %while3A_92 step %while3A_93  : i32 {
      %mul3A_102 = arith.constant 40 : i32
      %mul3A_103 = arith.muli %while3A_101, %mul3A_102 : i32
      %add3A_104 = arith.addi %mul3A_26, %mul3A_103 : i32
      %sub3A_105 = arith.subi %mul3A_56, %add3A_104 : i32
      %min3A = arith.constant 40 : i32
      %min3A_106 = arith.minsi %min3A, %sub3A_105 : i32
      %min3A_107 = arith.constant 2456 : i32
      %min3A_108 = arith.minsi %add3A_104, %min3A_107 : i32
      %multiple_of3A = tpu.assume_multiple %min3A_108, 8 : i32
      %sub3A_109 = arith.subi %add3A_104, %multiple_of3A : i32
      %dma_start3A = arith.constant 0 : i32
      %dma_start3A_110 = tpu.memref_slice %arg4[%multiple_of3A, %dma_start3A] : memref<2500x128xi32, #tpu.memory_space<hbm>> -> memref<40x128xi32, #tpu.memory_space<hbm>>
      %dma_start3A_111 = arith.constant 0 : i32
      %dma_start3A_112 = tpu.memref_slice %arg4[%multiple_of3A, %dma_start3A_111] : memref<2500x128xi32, #tpu.memory_space<hbm>> -> memref<40x128xi32, #tpu.memory_space<hbm>>
      tpu.enqueue_dma source(%dma_start3A_112 : memref<40x128xi32, #tpu.memory_space<hbm>>) target(%arg7 : memref<40x128xi32, #tpu.memory_space<vmem>>) target_semaphore(%arg10 : memref<!tpu.dma_semaphore, #tpu.memory_space<semaphore_mem>>)
      %dma_wait3A = arith.constant 0 : i32
      %dma_wait3A_113 = tpu.memref_slice %arg4[%multiple_of3A, %dma_wait3A] : memref<2500x128xi32, #tpu.memory_space<hbm>> -> memref<40x128xi32, #tpu.memory_space<hbm>>
      %dma_wait3A_114 = arith.constant 0 : i32
      %dma_wait3A_115 = tpu.memref_slice %arg4[%multiple_of3A, %dma_wait3A_114] : memref<2500x128xi32, #tpu.memory_space<hbm>> -> memref<40x128xi32, #tpu.memory_space<hbm>>
      tpu.wait_dma2 semaphore(%arg10 : memref<!tpu.dma_semaphore, #tpu.memory_space<semaphore_mem>>) src(%dma_wait3A_115 : memref<40x128xi32, #tpu.memory_space<hbm>>) dst(%arg7 : memref<40x128xi32, #tpu.memory_space<vmem>>)
      %dma_start3A_116 = arith.constant 0 : i32
      %dma_start3A_117 = tpu.memref_slice %arg5[%multiple_of3A, %dma_start3A_116] : memref<2500x128xi32, #tpu.memory_space<hbm>> -> memref<40x128xi32, #tpu.memory_space<hbm>>
      %dma_start3A_118 = arith.constant 0 : i32
      %dma_start3A_119 = tpu.memref_slice %arg5[%multiple_of3A, %dma_start3A_118] : memref<2500x128xi32, #tpu.memory_space<hbm>> -> memref<40x128xi32, #tpu.memory_space<hbm>>
      tpu.enqueue_dma source(%dma_start3A_119 : memref<40x128xi32, #tpu.memory_space<hbm>>) target(%arg8 : memref<40x128xi32, #tpu.memory_space<vmem>>) target_semaphore(%arg10 : memref<!tpu.dma_semaphore, #tpu.memory_space<semaphore_mem>>)
      %dma_wait3A_120 = arith.constant 0 : i32
      %dma_wait3A_121 = tpu.memref_slice %arg5[%multiple_of3A, %dma_wait3A_120] : memref<2500x128xi32, #tpu.memory_space<hbm>> -> memref<40x128xi32, #tpu.memory_space<hbm>>
      %dma_wait3A_122 = arith.constant 0 : i32
      %dma_wait3A_123 = tpu.memref_slice %arg5[%multiple_of3A, %dma_wait3A_122] : memref<2500x128xi32, #tpu.memory_space<hbm>> -> memref<40x128xi32, #tpu.memory_space<hbm>>
      tpu.wait_dma2 semaphore(%arg10 : memref<!tpu.dma_semaphore, #tpu.memory_space<semaphore_mem>>) src(%dma_wait3A_123 : memref<40x128xi32, #tpu.memory_space<hbm>>) dst(%arg8 : memref<40x128xi32, #tpu.memory_space<vmem>>)
      %dma_start3A_124 = arith.constant 0 : i32
      %dma_start3A_125 = arith.constant 0 : i32
      %dma_start3A_126 = arith.constant 0 : i32
      %dma_start3A_127 = tpu.memref_slice %arg9[%dma_start3A_124, %dma_start3A_125, %dma_start3A_126] : memref<2x128x128xf32, #tpu.memory_space<vmem>> -> memref<1x128x128xf32, #tpu.memory_space<vmem>>
      %dma_start3A_128 = tpu.memref_squeeze %dma_start3A_127 : memref<1x128x128xf32, #tpu.memory_space<vmem>> -> memref<128x128xf32, #tpu.memory_space<vmem>>
      %dma_start3A_129 = arith.constant 0 : i32
      %dma_start3A_130 = tpu.memref_slice %arg7[%sub3A_109, %dma_start3A_129] : memref<40x128xi32, #tpu.memory_space<vmem>> -> memref<1x128xi32, #tpu.memory_space<vmem>>
      %dma_start3A_131 = tpu.memref_squeeze %dma_start3A_130 : memref<1x128xi32, #tpu.memory_space<vmem>> -> memref<128xi32, #tpu.memory_space<vmem>>
      %dma_start3A_132 = arith.constant 0 : i32
      %dma_start3A_133 = arith.constant 0 : i32
      %dma_start3A_134 = tpu.memref_slice %arg2[%dma_start3A_132, %dma_start3A_133] : memref<10240x128xf32, #tpu.memory_space<hbm>> -> memref<10240x128xf32, #tpu.memory_space<hbm>>
      tpu.enqueue_indirect_dma source(%dma_start3A_134 : memref<10240x128xf32, #tpu.memory_space<hbm>>) target(%dma_start3A_128 : memref<128x128xf32, #tpu.memory_space<vmem>>) offsets(%dma_start3A_131 : memref<128xi32, #tpu.memory_space<vmem>>) semaphore(%arg10 : memref<!tpu.dma_semaphore, #tpu.memory_space<semaphore_mem>>)
      %while3A_135 = arith.constant 0 : i32
      %while3A_136 = arith.constant 0 : i32
      %while3A_137 = arith.subi %min3A_106, %while3A_136 : i32
      %while3A_138 = arith.addi %while3A_136, %while3A_137 : i32
      %while3A_139 = arith.constant 1 : i32
      %while3A_140 = arith.divsi %while3A_137, %while3A_139 : i32
      %while3A_141 = arith.muli %while3A_140, %while3A_139 : i32
      %while3A_142 = arith.addi %while3A_136, %while3A_141 : i32
      %while3A_143 = arith.constant 1 : i32
      scf.for %while3A_180 = %while3A_136 to %while3A_142 step %while3A_143  : i32 {
        %jit3A_181 = arith.constant 2 : i32
        %eq3A_182 = arith.constant 0 : i32
        %eq3A_183 = arith.cmpi eq, %jit3A_181, %eq3A_182 : i32
        %jit3A_184 = arith.constant 1 : i32
        %select_n3A_185 = arith.select %eq3A_183, %jit3A_184, %jit3A_181 : i32
        %rem3A_186 = arith.remsi %while3A_180, %select_n3A_185 : i32
        %ne3A_187 = arith.constant 0 : i32
        %ne3A_188 = arith.cmpi ne, %rem3A_186, %ne3A_187 : i32
        %lt3A_189 = arith.constant 0 : i32
        %lt3A_190 = arith.cmpi slt, %rem3A_186, %lt3A_189 : i32
        %lt3A_191 = arith.constant 0 : i32
        %lt3A_192 = arith.cmpi slt, %select_n3A_185, %lt3A_191 : i32
        %ne3A_193 = arith.xori %lt3A_190, %lt3A_192 : i1
        %and3A_194 = arith.andi %ne3A_193, %ne3A_188 : i1
        %add3A_195 = arith.addi %rem3A_186, %select_n3A_185 : i32
        %select_n3A_196 = arith.select %and3A_194, %add3A_195, %rem3A_186 : i32
        %add3A_197 = arith.addi %sub3A_109, %while3A_180 : i32
        %dma_wait3A_198 = arith.constant 0 : i32
        %dma_wait3A_199 = arith.constant 0 : i32
        %dma_wait3A_200 = tpu.memref_slice %arg9[%select_n3A_196, %dma_wait3A_198, %dma_wait3A_199] : memref<2x128x128xf32, #tpu.memory_space<vmem>> -> memref<1x128x128xf32, #tpu.memory_space<vmem>>
        %dma_wait3A_201 = tpu.memref_squeeze %dma_wait3A_200 : memref<1x128x128xf32, #tpu.memory_space<vmem>> -> memref<128x128xf32, #tpu.memory_space<vmem>>
        %dma_wait3A_202 = arith.constant 0 : i32
        %dma_wait3A_203 = tpu.memref_slice %arg7[%add3A_197, %dma_wait3A_202] : memref<40x128xi32, #tpu.memory_space<vmem>> -> memref<1x128xi32, #tpu.memory_space<vmem>>
        %dma_wait3A_204 = tpu.memref_squeeze %dma_wait3A_203 : memref<1x128xi32, #tpu.memory_space<vmem>> -> memref<128xi32, #tpu.memory_space<vmem>>
        %dma_wait3A_205 = arith.constant 0 : i32
        %dma_wait3A_206 = arith.constant 0 : i32
        %dma_wait3A_207 = tpu.memref_slice %arg2[%dma_wait3A_205, %dma_wait3A_206] : memref<10240x128xf32, #tpu.memory_space<hbm>> -> memref<10240x128xf32, #tpu.memory_space<hbm>>
        tpu.wait_indirect_dma semaphore(%arg10 : memref<!tpu.dma_semaphore, #tpu.memory_space<semaphore_mem>>) src(%dma_wait3A_207 : memref<10240x128xf32, #tpu.memory_space<hbm>>) dst(%dma_wait3A_201 : memref<128x128xf32, #tpu.memory_space<vmem>>)
        %add3A_208 = arith.addi %sub3A_109, %while3A_180 : i32
        %dma_start3A_209 = arith.constant 0 : i32
        %dma_start3A_210 = arith.constant 0 : i32
        %dma_start3A_211 = tpu.memref_slice %arg9[%select_n3A_196, %dma_start3A_209, %dma_start3A_210] : memref<2x128x128xf32, #tpu.memory_space<vmem>> -> memref<1x128x128xf32, #tpu.memory_space<vmem>>
        %dma_start3A_212 = tpu.memref_squeeze %dma_start3A_211 : memref<1x128x128xf32, #tpu.memory_space<vmem>> -> memref<128x128xf32, #tpu.memory_space<vmem>>
        %dma_start3A_213 = arith.constant 0 : i32
        %dma_start3A_214 = tpu.memref_slice %arg8[%add3A_208, %dma_start3A_213] : memref<40x128xi32, #tpu.memory_space<vmem>> -> memref<1x128xi32, #tpu.memory_space<vmem>>
        %dma_start3A_215 = tpu.memref_squeeze %dma_start3A_214 : memref<1x128xi32, #tpu.memory_space<vmem>> -> memref<128xi32, #tpu.memory_space<vmem>>
        %dma_start3A_216 = arith.constant 0 : i32
        %dma_start3A_217 = arith.constant 0 : i32
        %dma_start3A_218 = tpu.memref_slice %arg3[%dma_start3A_216, %dma_start3A_217] : memref<10240x128xf32, #tpu.memory_space<hbm>> -> memref<10240x128xf32, #tpu.memory_space<hbm>>
        tpu.enqueue_indirect_dma source(%dma_start3A_218 : memref<10240x128xf32, #tpu.memory_space<hbm>>) target(%dma_start3A_212 : memref<128x128xf32, #tpu.memory_space<vmem>>) offsets(%dma_start3A_215 : memref<128xi32, #tpu.memory_space<vmem>>) semaphore(%arg11 : memref<!tpu.dma_semaphore, #tpu.memory_space<semaphore_mem>>) {add = true}
        %ge3A = arith.constant 1 : i32
        %ge3A_219 = arith.cmpi sge, %while3A_180, %ge3A : i32
        %convert_element_type3A_220 = arith.extui %ge3A_219 : i1 to i32
        %cond3A_221 = arith.constant 0 : i32
        %cond3A_222 = arith.cmpi ne, %convert_element_type3A_220, %cond3A_221 : i32
        scf.if %cond3A_222 {
          %sub3A_256 = arith.constant 1 : i32
          %sub3A_257 = arith.subi %sub3A_256, %select_n3A_196 : i32
          %add3A_258 = arith.addi %add3A_104, %while3A_180 : i32
          %sub3A_259 = arith.constant 1 : i32
          %sub3A_260 = arith.subi %add3A_258, %sub3A_259 : i32
          %mul3A_261 = arith.constant 128 : i32
          %mul3A_262 = arith.muli %sub3A_260, %mul3A_261 : i32
          %multiple_of3A_263 = tpu.assume_multiple %mul3A_262, 128 : i32
          %dma_wait3A_264 = arith.constant 0 : i32
          %dma_wait3A_265 = arith.constant 0 : i32
          %dma_wait3A_266 = tpu.memref_slice %arg9[%sub3A_257, %dma_wait3A_264, %dma_wait3A_265] : memref<2x128x128xf32, #tpu.memory_space<vmem>> -> memref<1x128x128xf32, #tpu.memory_space<vmem>>
          %dma_wait3A_267 = tpu.memref_squeeze %dma_wait3A_266 : memref<1x128x128xf32, #tpu.memory_space<vmem>> -> memref<128x128xf32, #tpu.memory_space<vmem>>
          %dma_wait3A_268 = arith.constant 0 : i32
          %dma_wait3A_269 = tpu.memref_slice %arg6[%multiple_of3A_263, %dma_wait3A_268] : memref<320000x128xf32, #tpu.memory_space<hbm>> -> memref<128x128xf32, #tpu.memory_space<hbm>>
          %dma_wait3A_270 = arith.constant 0 : i32
          %dma_wait3A_271 = tpu.memref_slice %arg6[%multiple_of3A_263, %dma_wait3A_270] : memref<320000x128xf32, #tpu.memory_space<hbm>> -> memref<128x128xf32, #tpu.memory_space<hbm>>
          %dma_wait3A_272 = arith.constant 0 : i32
          %dma_wait3A_273 = arith.constant 0 : i32
          %dma_wait3A_274 = tpu.memref_slice %arg9[%sub3A_257, %dma_wait3A_272, %dma_wait3A_273] : memref<2x128x128xf32, #tpu.memory_space<vmem>> -> memref<1x128x128xf32, #tpu.memory_space<vmem>>
          %dma_wait3A_275 = tpu.memref_squeeze %dma_wait3A_274 : memref<1x128x128xf32, #tpu.memory_space<vmem>> -> memref<128x128xf32, #tpu.memory_space<vmem>>
          tpu.wait_dma2 semaphore(%arg12 : memref<!tpu.dma_semaphore, #tpu.memory_space<semaphore_mem>>) src(%dma_wait3A_275 : memref<128x128xf32, #tpu.memory_space<vmem>>) dst(%dma_wait3A_271 : memref<128x128xf32, #tpu.memory_space<hbm>>)
        } else {
        }
        %add3A_223 = arith.constant 1 : i32
        %add3A_224 = arith.addi %while3A_180, %add3A_223 : i32
        %lt3A_225 = arith.cmpi slt, %add3A_224, %min3A_106 : i32
        %convert_element_type3A_226 = arith.extui %lt3A_225 : i1 to i32
        %cond3A_227 = arith.constant 0 : i32
        %cond3A_228 = arith.cmpi ne, %convert_element_type3A_226, %cond3A_227 : i32
        scf.if %cond3A_228 {
          %add3A_256 = arith.addi %sub3A_109, %while3A_180 : i32
          %add3A_257 = arith.constant 1 : i32
          %add3A_258 = arith.addi %add3A_256, %add3A_257 : i32
          %sub3A_259 = arith.constant 1 : i32
          %sub3A_260 = arith.subi %sub3A_259, %select_n3A_196 : i32
          %dma_start3A_261 = arith.constant 0 : i32
          %dma_start3A_262 = arith.constant 0 : i32
          %dma_start3A_263 = tpu.memref_slice %arg9[%sub3A_260, %dma_start3A_261, %dma_start3A_262] : memref<2x128x128xf32, #tpu.memory_space<vmem>> -> memref<1x128x128xf32, #tpu.memory_space<vmem>>
          %dma_start3A_264 = tpu.memref_squeeze %dma_start3A_263 : memref<1x128x128xf32, #tpu.memory_space<vmem>> -> memref<128x128xf32, #tpu.memory_space<vmem>>
          %dma_start3A_265 = arith.constant 0 : i32
          %dma_start3A_266 = tpu.memref_slice %arg7[%add3A_258, %dma_start3A_265] : memref<40x128xi32, #tpu.memory_space<vmem>> -> memref<1x128xi32, #tpu.memory_space<vmem>>
          %dma_start3A_267 = tpu.memref_squeeze %dma_start3A_266 : memref<1x128xi32, #tpu.memory_space<vmem>> -> memref<128xi32, #tpu.memory_space<vmem>>
          %dma_start3A_268 = arith.constant 0 : i32
          %dma_start3A_269 = arith.constant 0 : i32
          %dma_start3A_270 = tpu.memref_slice %arg2[%dma_start3A_268, %dma_start3A_269] : memref<10240x128xf32, #tpu.memory_space<hbm>> -> memref<10240x128xf32, #tpu.memory_space<hbm>>
          tpu.enqueue_indirect_dma source(%dma_start3A_270 : memref<10240x128xf32, #tpu.memory_space<hbm>>) target(%dma_start3A_264 : memref<128x128xf32, #tpu.memory_space<vmem>>) offsets(%dma_start3A_267 : memref<128xi32, #tpu.memory_space<vmem>>) semaphore(%arg10 : memref<!tpu.dma_semaphore, #tpu.memory_space<semaphore_mem>>)
        } else {
        }
        %add3A_229 = arith.addi %sub3A_109, %while3A_180 : i32
        %dma_wait3A_230 = arith.constant 0 : i32
        %dma_wait3A_231 = arith.constant 0 : i32
        %dma_wait3A_232 = tpu.memref_slice %arg9[%select_n3A_196, %dma_wait3A_230, %dma_wait3A_231] : memref<2x128x128xf32, #tpu.memory_space<vmem>> -> memref<1x128x128xf32, #tpu.memory_space<vmem>>
        %dma_wait3A_233 = tpu.memref_squeeze %dma_wait3A_232 : memref<1x128x128xf32, #tpu.memory_space<vmem>> -> memref<128x128xf32, #tpu.memory_space<vmem>>
        %dma_wait3A_234 = arith.constant 0 : i32
        %dma_wait3A_235 = tpu.memref_slice %arg8[%add3A_229, %dma_wait3A_234] : memref<40x128xi32, #tpu.memory_space<vmem>> -> memref<1x128xi32, #tpu.memory_space<vmem>>
        %dma_wait3A_236 = tpu.memref_squeeze %dma_wait3A_235 : memref<1x128xi32, #tpu.memory_space<vmem>> -> memref<128xi32, #tpu.memory_space<vmem>>
        %dma_wait3A_237 = arith.constant 0 : i32
        %dma_wait3A_238 = arith.constant 0 : i32
        %dma_wait3A_239 = tpu.memref_slice %arg3[%dma_wait3A_237, %dma_wait3A_238] : memref<10240x128xf32, #tpu.memory_space<hbm>> -> memref<10240x128xf32, #tpu.memory_space<hbm>>
        tpu.wait_indirect_dma semaphore(%arg11 : memref<!tpu.dma_semaphore, #tpu.memory_space<semaphore_mem>>) src(%dma_wait3A_239 : memref<10240x128xf32, #tpu.memory_space<hbm>>) dst(%dma_wait3A_233 : memref<128x128xf32, #tpu.memory_space<vmem>>)
        %add3A_240 = arith.addi %add3A_104, %while3A_180 : i32
        %mul3A_241 = arith.constant 128 : i32
        %mul3A_242 = arith.muli %add3A_240, %mul3A_241 : i32
        %multiple_of3A_243 = tpu.assume_multiple %mul3A_242, 128 : i32
        %dma_start3A_244 = arith.constant 0 : i32
        %dma_start3A_245 = arith.constant 0 : i32
        %dma_start3A_246 = tpu.memref_slice %arg9[%select_n3A_196, %dma_start3A_244, %dma_start3A_245] : memref<2x128x128xf32, #tpu.memory_space<vmem>> -> memref<1x128x128xf32, #tpu.memory_space<vmem>>
        %dma_start3A_247 = tpu.memref_squeeze %dma_start3A_246 : memref<1x128x128xf32, #tpu.memory_space<vmem>> -> memref<128x128xf32, #tpu.memory_space<vmem>>
        %dma_start3A_248 = arith.constant 0 : i32
        %dma_start3A_249 = tpu.memref_slice %arg6[%multiple_of3A_243, %dma_start3A_248] : memref<320000x128xf32, #tpu.memory_space<hbm>> -> memref<128x128xf32, #tpu.memory_space<hbm>>
        %dma_start3A_250 = arith.constant 0 : i32
        %dma_start3A_251 = tpu.memref_slice %arg6[%multiple_of3A_243, %dma_start3A_250] : memref<320000x128xf32, #tpu.memory_space<hbm>> -> memref<128x128xf32, #tpu.memory_space<hbm>>
        %dma_start3A_252 = arith.constant 0 : i32
        %dma_start3A_253 = arith.constant 0 : i32
        %dma_start3A_254 = tpu.memref_slice %arg9[%select_n3A_196, %dma_start3A_252, %dma_start3A_253] : memref<2x128x128xf32, #tpu.memory_space<vmem>> -> memref<1x128x128xf32, #tpu.memory_space<vmem>>
        %dma_start3A_255 = tpu.memref_squeeze %dma_start3A_254 : memref<1x128x128xf32, #tpu.memory_space<vmem>> -> memref<128x128xf32, #tpu.memory_space<vmem>>
        tpu.enqueue_dma source(%dma_start3A_255 : memref<128x128xf32, #tpu.memory_space<vmem>>) target(%dma_start3A_251 : memref<128x128xf32, #tpu.memory_space<hbm>>) target_semaphore(%arg12 : memref<!tpu.dma_semaphore, #tpu.memory_space<semaphore_mem>>)
      }
      %while3A_144 = arith.constant 1 : i32
      scf.for %while3A_180 = %while3A_142 to %while3A_138 step %while3A_144  : i32 {
        %jit3A_181 = arith.constant 2 : i32
        %eq3A_182 = arith.constant 0 : i32
        %eq3A_183 = arith.cmpi eq, %jit3A_181, %eq3A_182 : i32
        %jit3A_184 = arith.constant 1 : i32
        %select_n3A_185 = arith.select %eq3A_183, %jit3A_184, %jit3A_181 : i32
        %rem3A_186 = arith.remsi %while3A_180, %select_n3A_185 : i32
        %ne3A_187 = arith.constant 0 : i32
        %ne3A_188 = arith.cmpi ne, %rem3A_186, %ne3A_187 : i32
        %lt3A_189 = arith.constant 0 : i32
        %lt3A_190 = arith.cmpi slt, %rem3A_186, %lt3A_189 : i32
        %lt3A_191 = arith.constant 0 : i32
        %lt3A_192 = arith.cmpi slt, %select_n3A_185, %lt3A_191 : i32
        %ne3A_193 = arith.xori %lt3A_190, %lt3A_192 : i1
        %and3A_194 = arith.andi %ne3A_193, %ne3A_188 : i1
        %add3A_195 = arith.addi %rem3A_186, %select_n3A_185 : i32
        %select_n3A_196 = arith.select %and3A_194, %add3A_195, %rem3A_186 : i32
        %add3A_197 = arith.addi %sub3A_109, %while3A_180 : i32
        %dma_wait3A_198 = arith.constant 0 : i32
        %dma_wait3A_199 = arith.constant 0 : i32
        %dma_wait3A_200 = tpu.memref_slice %arg9[%select_n3A_196, %dma_wait3A_198, %dma_wait3A_199] : memref<2x128x128xf32, #tpu.memory_space<vmem>> -> memref<1x128x128xf32, #tpu.memory_space<vmem>>
        %dma_wait3A_201 = tpu.memref_squeeze %dma_wait3A_200 : memref<1x128x128xf32, #tpu.memory_space<vmem>> -> memref<128x128xf32, #tpu.memory_space<vmem>>
        %dma_wait3A_202 = arith.constant 0 : i32
        %dma_wait3A_203 = tpu.memref_slice %arg7[%add3A_197, %dma_wait3A_202] : memref<40x128xi32, #tpu.memory_space<vmem>> -> memref<1x128xi32, #tpu.memory_space<vmem>>
        %dma_wait3A_204 = tpu.memref_squeeze %dma_wait3A_203 : memref<1x128xi32, #tpu.memory_space<vmem>> -> memref<128xi32, #tpu.memory_space<vmem>>
        %dma_wait3A_205 = arith.constant 0 : i32
        %dma_wait3A_206 = arith.constant 0 : i32
        %dma_wait3A_207 = tpu.memref_slice %arg2[%dma_wait3A_205, %dma_wait3A_206] : memref<10240x128xf32, #tpu.memory_space<hbm>> -> memref<10240x128xf32, #tpu.memory_space<hbm>>
        tpu.wait_indirect_dma semaphore(%arg10 : memref<!tpu.dma_semaphore, #tpu.memory_space<semaphore_mem>>) src(%dma_wait3A_207 : memref<10240x128xf32, #tpu.memory_space<hbm>>) dst(%dma_wait3A_201 : memref<128x128xf32, #tpu.memory_space<vmem>>)
        %add3A_208 = arith.addi %sub3A_109, %while3A_180 : i32
        %dma_start3A_209 = arith.constant 0 : i32
        %dma_start3A_210 = arith.constant 0 : i32
        %dma_start3A_211 = tpu.memref_slice %arg9[%select_n3A_196, %dma_start3A_209, %dma_start3A_210] : memref<2x128x128xf32, #tpu.memory_space<vmem>> -> memref<1x128x128xf32, #tpu.memory_space<vmem>>
        %dma_start3A_212 = tpu.memref_squeeze %dma_start3A_211 : memref<1x128x128xf32, #tpu.memory_space<vmem>> -> memref<128x128xf32, #tpu.memory_space<vmem>>
        %dma_start3A_213 = arith.constant 0 : i32
        %dma_start3A_214 = tpu.memref_slice %arg8[%add3A_208, %dma_start3A_213] : memref<40x128xi32, #tpu.memory_space<vmem>> -> memref<1x128xi32, #tpu.memory_space<vmem>>
        %dma_start3A_215 = tpu.memref_squeeze %dma_start3A_214 : memref<1x128xi32, #tpu.memory_space<vmem>> -> memref<128xi32, #tpu.memory_space<vmem>>
        %dma_start3A_216 = arith.constant 0 : i32
        %dma_start3A_217 = arith.constant 0 : i32
        %dma_start3A_218 = tpu.memref_slice %arg3[%dma_start3A_216, %dma_start3A_217] : memref<10240x128xf32, #tpu.memory_space<hbm>> -> memref<10240x128xf32, #tpu.memory_space<hbm>>
        tpu.enqueue_indirect_dma source(%dma_start3A_218 : memref<10240x128xf32, #tpu.memory_space<hbm>>) target(%dma_start3A_212 : memref<128x128xf32, #tpu.memory_space<vmem>>) offsets(%dma_start3A_215 : memref<128xi32, #tpu.memory_space<vmem>>) semaphore(%arg11 : memref<!tpu.dma_semaphore, #tpu.memory_space<semaphore_mem>>) {add = true}
        %ge3A = arith.constant 1 : i32
        %ge3A_219 = arith.cmpi sge, %while3A_180, %ge3A : i32
        %convert_element_type3A_220 = arith.extui %ge3A_219 : i1 to i32
        %cond3A_221 = arith.constant 0 : i32
        %cond3A_222 = arith.cmpi ne, %convert_element_type3A_220, %cond3A_221 : i32
        scf.if %cond3A_222 {
          %sub3A_256 = arith.constant 1 : i32
          %sub3A_257 = arith.subi %sub3A_256, %select_n3A_196 : i32
          %add3A_258 = arith.addi %add3A_104, %while3A_180 : i32
          %sub3A_259 = arith.constant 1 : i32
          %sub3A_260 = arith.subi %add3A_258, %sub3A_259 : i32
          %mul3A_261 = arith.constant 128 : i32
          %mul3A_262 = arith.muli %sub3A_260, %mul3A_261 : i32
          %multiple_of3A_263 = tpu.assume_multiple %mul3A_262, 128 : i32
          %dma_wait3A_264 = arith.constant 0 : i32
          %dma_wait3A_265 = arith.constant 0 : i32
          %dma_wait3A_266 = tpu.memref_slice %arg9[%sub3A_257, %dma_wait3A_264, %dma_wait3A_265] : memref<2x128x128xf32, #tpu.memory_space<vmem>> -> memref<1x128x128xf32, #tpu.memory_space<vmem>>
          %dma_wait3A_267 = tpu.memref_squeeze %dma_wait3A_266 : memref<1x128x128xf32, #tpu.memory_space<vmem>> -> memref<128x128xf32, #tpu.memory_space<vmem>>
          %dma_wait3A_268 = arith.constant 0 : i32
          %dma_wait3A_269 = tpu.memref_slice %arg6[%multiple_of3A_263, %dma_wait3A_268] : memref<320000x128xf32, #tpu.memory_space<hbm>> -> memref<128x128xf32, #tpu.memory_space<hbm>>
          %dma_wait3A_270 = arith.constant 0 : i32
          %dma_wait3A_271 = tpu.memref_slice %arg6[%multiple_of3A_263, %dma_wait3A_270] : memref<320000x128xf32, #tpu.memory_space<hbm>> -> memref<128x128xf32, #tpu.memory_space<hbm>>
          %dma_wait3A_272 = arith.constant 0 : i32
          %dma_wait3A_273 = arith.constant 0 : i32
          %dma_wait3A_274 = tpu.memref_slice %arg9[%sub3A_257, %dma_wait3A_272, %dma_wait3A_273] : memref<2x128x128xf32, #tpu.memory_space<vmem>> -> memref<1x128x128xf32, #tpu.memory_space<vmem>>
          %dma_wait3A_275 = tpu.memref_squeeze %dma_wait3A_274 : memref<1x128x128xf32, #tpu.memory_space<vmem>> -> memref<128x128xf32, #tpu.memory_space<vmem>>
          tpu.wait_dma2 semaphore(%arg12 : memref<!tpu.dma_semaphore, #tpu.memory_space<semaphore_mem>>) src(%dma_wait3A_275 : memref<128x128xf32, #tpu.memory_space<vmem>>) dst(%dma_wait3A_271 : memref<128x128xf32, #tpu.memory_space<hbm>>)
        } else {
        }
        %add3A_223 = arith.constant 1 : i32
        %add3A_224 = arith.addi %while3A_180, %add3A_223 : i32
        %lt3A_225 = arith.cmpi slt, %add3A_224, %min3A_106 : i32
        %convert_element_type3A_226 = arith.extui %lt3A_225 : i1 to i32
        %cond3A_227 = arith.constant 0 : i32
        %cond3A_228 = arith.cmpi ne, %convert_element_type3A_226, %cond3A_227 : i32
        scf.if %cond3A_228 {
          %add3A_256 = arith.addi %sub3A_109, %while3A_180 : i32
          %add3A_257 = arith.constant 1 : i32
          %add3A_258 = arith.addi %add3A_256, %add3A_257 : i32
          %sub3A_259 = arith.constant 1 : i32
          %sub3A_260 = arith.subi %sub3A_259, %select_n3A_196 : i32
          %dma_start3A_261 = arith.constant 0 : i32
          %dma_start3A_262 = arith.constant 0 : i32
          %dma_start3A_263 = tpu.memref_slice %arg9[%sub3A_260, %dma_start3A_261, %dma_start3A_262] : memref<2x128x128xf32, #tpu.memory_space<vmem>> -> memref<1x128x128xf32, #tpu.memory_space<vmem>>
          %dma_start3A_264 = tpu.memref_squeeze %dma_start3A_263 : memref<1x128x128xf32, #tpu.memory_space<vmem>> -> memref<128x128xf32, #tpu.memory_space<vmem>>
          %dma_start3A_265 = arith.constant 0 : i32
          %dma_start3A_266 = tpu.memref_slice %arg7[%add3A_258, %dma_start3A_265] : memref<40x128xi32, #tpu.memory_space<vmem>> -> memref<1x128xi32, #tpu.memory_space<vmem>>
          %dma_start3A_267 = tpu.memref_squeeze %dma_start3A_266 : memref<1x128xi32, #tpu.memory_space<vmem>> -> memref<128xi32, #tpu.memory_space<vmem>>
          %dma_start3A_268 = arith.constant 0 : i32
          %dma_start3A_269 = arith.constant 0 : i32
          %dma_start3A_270 = tpu.memref_slice %arg2[%dma_start3A_268, %dma_start3A_269] : memref<10240x128xf32, #tpu.memory_space<hbm>> -> memref<10240x128xf32, #tpu.memory_space<hbm>>
          tpu.enqueue_indirect_dma source(%dma_start3A_270 : memref<10240x128xf32, #tpu.memory_space<hbm>>) target(%dma_start3A_264 : memref<128x128xf32, #tpu.memory_space<vmem>>) offsets(%dma_start3A_267 : memref<128xi32, #tpu.memory_space<vmem>>) semaphore(%arg10 : memref<!tpu.dma_semaphore, #tpu.memory_space<semaphore_mem>>)
        } else {
        }
        %add3A_229 = arith.addi %sub3A_109, %while3A_180 : i32
        %dma_wait3A_230 = arith.constant 0 : i32
        %dma_wait3A_231 = arith.constant 0 : i32
        %dma_wait3A_232 = tpu.memref_slice %arg9[%select_n3A_196, %dma_wait3A_230, %dma_wait3A_231] : memref<2x128x128xf32, #tpu.memory_space<vmem>> -> memref<1x128x128xf32, #tpu.memory_space<vmem>>
        %dma_wait3A_233 = tpu.memref_squeeze %dma_wait3A_232 : memref<1x128x128xf32, #tpu.memory_space<vmem>> -> memref<128x128xf32, #tpu.memory_space<vmem>>
        %dma_wait3A_234 = arith.constant 0 : i32
        %dma_wait3A_235 = tpu.memref_slice %arg8[%add3A_229, %dma_wait3A_234] : memref<40x128xi32, #tpu.memory_space<vmem>> -> memref<1x128xi32, #tpu.memory_space<vmem>>
        %dma_wait3A_236 = tpu.memref_squeeze %dma_wait3A_235 : memref<1x128xi32, #tpu.memory_space<vmem>> -> memref<128xi32, #tpu.memory_space<vmem>>
        %dma_wait3A_237 = arith.constant 0 : i32
        %dma_wait3A_238 = arith.constant 0 : i32
        %dma_wait3A_239 = tpu.memref_slice %arg3[%dma_wait3A_237, %dma_wait3A_238] : memref<10240x128xf32, #tpu.memory_space<hbm>> -> memref<10240x128xf32, #tpu.memory_space<hbm>>
        tpu.wait_indirect_dma semaphore(%arg11 : memref<!tpu.dma_semaphore, #tpu.memory_space<semaphore_mem>>) src(%dma_wait3A_239 : memref<10240x128xf32, #tpu.memory_space<hbm>>) dst(%dma_wait3A_233 : memref<128x128xf32, #tpu.memory_space<vmem>>)
        %add3A_240 = arith.addi %add3A_104, %while3A_180 : i32
        %mul3A_241 = arith.constant 128 : i32
        %mul3A_242 = arith.muli %add3A_240, %mul3A_241 : i32
        %multiple_of3A_243 = tpu.assume_multiple %mul3A_242, 128 : i32
        %dma_start3A_244 = arith.constant 0 : i32
        %dma_start3A_245 = arith.constant 0 : i32
        %dma_start3A_246 = tpu.memref_slice %arg9[%select_n3A_196, %dma_start3A_244, %dma_start3A_245] : memref<2x128x128xf32, #tpu.memory_space<vmem>> -> memref<1x128x128xf32, #tpu.memory_space<vmem>>
        %dma_start3A_247 = tpu.memref_squeeze %dma_start3A_246 : memref<1x128x128xf32, #tpu.memory_space<vmem>> -> memref<128x128xf32, #tpu.memory_space<vmem>>
        %dma_start3A_248 = arith.constant 0 : i32
        %dma_start3A_249 = tpu.memref_slice %arg6[%multiple_of3A_243, %dma_start3A_248] : memref<320000x128xf32, #tpu.memory_space<hbm>> -> memref<128x128xf32, #tpu.memory_space<hbm>>
        %dma_start3A_250 = arith.constant 0 : i32
        %dma_start3A_251 = tpu.memref_slice %arg6[%multiple_of3A_243, %dma_start3A_250] : memref<320000x128xf32, #tpu.memory_space<hbm>> -> memref<128x128xf32, #tpu.memory_space<hbm>>
        %dma_start3A_252 = arith.constant 0 : i32
        %dma_start3A_253 = arith.constant 0 : i32
        %dma_start3A_254 = tpu.memref_slice %arg9[%select_n3A_196, %dma_start3A_252, %dma_start3A_253] : memref<2x128x128xf32, #tpu.memory_space<vmem>> -> memref<1x128x128xf32, #tpu.memory_space<vmem>>
        %dma_start3A_255 = tpu.memref_squeeze %dma_start3A_254 : memref<1x128x128xf32, #tpu.memory_space<vmem>> -> memref<128x128xf32, #tpu.memory_space<vmem>>
        tpu.enqueue_dma source(%dma_start3A_255 : memref<128x128xf32, #tpu.memory_space<vmem>>) target(%dma_start3A_251 : memref<128x128xf32, #tpu.memory_space<hbm>>) target_semaphore(%arg12 : memref<!tpu.dma_semaphore, #tpu.memory_space<semaphore_mem>>)
      }
      %sub3A_145 = arith.constant 1 : i32
      %sub3A_146 = arith.subi %min3A_106, %sub3A_145 : i32
      %jit3A_147 = arith.constant 2 : i32
      %eq3A_148 = arith.constant 0 : i32
      %eq3A_149 = arith.cmpi eq, %jit3A_147, %eq3A_148 : i32
      %jit3A_150 = arith.constant 1 : i32
      %select_n3A_151 = arith.select %eq3A_149, %jit3A_150, %jit3A_147 : i32
      %rem3A_152 = arith.remsi %sub3A_146, %select_n3A_151 : i32
      %ne3A_153 = arith.constant 0 : i32
      %ne3A_154 = arith.cmpi ne, %rem3A_152, %ne3A_153 : i32
      %lt3A = arith.constant 0 : i32
      %lt3A_155 = arith.cmpi slt, %rem3A_152, %lt3A : i32
      %lt3A_156 = arith.constant 0 : i32
      %lt3A_157 = arith.cmpi slt, %select_n3A_151, %lt3A_156 : i32
      %ne3A_158 = arith.xori %lt3A_155, %lt3A_157 : i1
      %and3A_159 = arith.andi %ne3A_158, %ne3A_154 : i1
      %add3A_160 = arith.addi %rem3A_152, %select_n3A_151 : i32
      %select_n3A_161 = arith.select %and3A_159, %add3A_160, %rem3A_152 : i32
      %add3A_162 = arith.addi %add3A_104, %min3A_106 : i32
      %sub3A_163 = arith.constant 1 : i32
      %sub3A_164 = arith.subi %add3A_162, %sub3A_163 : i32
      %mul3A_165 = arith.constant 128 : i32
      %mul3A_166 = arith.muli %sub3A_164, %mul3A_165 : i32
      %multiple_of3A_167 = tpu.assume_multiple %mul3A_166, 128 : i32
      %dma_wait3A_168 = arith.constant 0 : i32
      %dma_wait3A_169 = arith.constant 0 : i32
      %dma_wait3A_170 = tpu.memref_slice %arg9[%select_n3A_161, %dma_wait3A_168, %dma_wait3A_169] : memref<2x128x128xf32, #tpu.memory_space<vmem>> -> memref<1x128x128xf32, #tpu.memory_space<vmem>>
      %dma_wait3A_171 = tpu.memref_squeeze %dma_wait3A_170 : memref<1x128x128xf32, #tpu.memory_space<vmem>> -> memref<128x128xf32, #tpu.memory_space<vmem>>
      %dma_wait3A_172 = arith.constant 0 : i32
      %dma_wait3A_173 = tpu.memref_slice %arg6[%multiple_of3A_167, %dma_wait3A_172] : memref<320000x128xf32, #tpu.memory_space<hbm>> -> memref<128x128xf32, #tpu.memory_space<hbm>>
      %dma_wait3A_174 = arith.constant 0 : i32
      %dma_wait3A_175 = tpu.memref_slice %arg6[%multiple_of3A_167, %dma_wait3A_174] : memref<320000x128xf32, #tpu.memory_space<hbm>> -> memref<128x128xf32, #tpu.memory_space<hbm>>
      %dma_wait3A_176 = arith.constant 0 : i32
      %dma_wait3A_177 = arith.constant 0 : i32
      %dma_wait3A_178 = tpu.memref_slice %arg9[%select_n3A_161, %dma_wait3A_176, %dma_wait3A_177] : memref<2x128x128xf32, #tpu.memory_space<vmem>> -> memref<1x128x128xf32, #tpu.memory_space<vmem>>
      %dma_wait3A_179 = tpu.memref_squeeze %dma_wait3A_178 : memref<1x128x128xf32, #tpu.memory_space<vmem>> -> memref<128x128xf32, #tpu.memory_space<vmem>>
      tpu.wait_dma2 semaphore(%arg12 : memref<!tpu.dma_semaphore, #tpu.memory_space<semaphore_mem>>) src(%dma_wait3A_179 : memref<128x128xf32, #tpu.memory_space<vmem>>) dst(%dma_wait3A_175 : memref<128x128xf32, #tpu.memory_space<hbm>>)
    }
    %while3A_94 = arith.constant 1 : i32
    scf.for %while3A_101 = %while3A_92 to %while3A_88 step %while3A_94  : i32 {
      %mul3A_102 = arith.constant 40 : i32
      %mul3A_103 = arith.muli %while3A_101, %mul3A_102 : i32
      %add3A_104 = arith.addi %mul3A_26, %mul3A_103 : i32
      %sub3A_105 = arith.subi %mul3A_56, %add3A_104 : i32
      %min3A = arith.constant 40 : i32
      %min3A_106 = arith.minsi %min3A, %sub3A_105 : i32
      %min3A_107 = arith.constant 2456 : i32
      %min3A_108 = arith.minsi %add3A_104, %min3A_107 : i32
      %multiple_of3A = tpu.assume_multiple %min3A_108, 8 : i32
      %sub3A_109 = arith.subi %add3A_104, %multiple_of3A : i32
      %dma_start3A = arith.constant 0 : i32
      %dma_start3A_110 = tpu.memref_slice %arg4[%multiple_of3A, %dma_start3A] : memref<2500x128xi32, #tpu.memory_space<hbm>> -> memref<40x128xi32, #tpu.memory_space<hbm>>
      %dma_start3A_111 = arith.constant 0 : i32
      %dma_start3A_112 = tpu.memref_slice %arg4[%multiple_of3A, %dma_start3A_111] : memref<2500x128xi32, #tpu.memory_space<hbm>> -> memref<40x128xi32, #tpu.memory_space<hbm>>
      tpu.enqueue_dma source(%dma_start3A_112 : memref<40x128xi32, #tpu.memory_space<hbm>>) target(%arg7 : memref<40x128xi32, #tpu.memory_space<vmem>>) target_semaphore(%arg10 : memref<!tpu.dma_semaphore, #tpu.memory_space<semaphore_mem>>)
      %dma_wait3A = arith.constant 0 : i32
      %dma_wait3A_113 = tpu.memref_slice %arg4[%multiple_of3A, %dma_wait3A] : memref<2500x128xi32, #tpu.memory_space<hbm>> -> memref<40x128xi32, #tpu.memory_space<hbm>>
      %dma_wait3A_114 = arith.constant 0 : i32
      %dma_wait3A_115 = tpu.memref_slice %arg4[%multiple_of3A, %dma_wait3A_114] : memref<2500x128xi32, #tpu.memory_space<hbm>> -> memref<40x128xi32, #tpu.memory_space<hbm>>
      tpu.wait_dma2 semaphore(%arg10 : memref<!tpu.dma_semaphore, #tpu.memory_space<semaphore_mem>>) src(%dma_wait3A_115 : memref<40x128xi32, #tpu.memory_space<hbm>>) dst(%arg7 : memref<40x128xi32, #tpu.memory_space<vmem>>)
      %dma_start3A_116 = arith.constant 0 : i32
      %dma_start3A_117 = tpu.memref_slice %arg5[%multiple_of3A, %dma_start3A_116] : memref<2500x128xi32, #tpu.memory_space<hbm>> -> memref<40x128xi32, #tpu.memory_space<hbm>>
      %dma_start3A_118 = arith.constant 0 : i32
      %dma_start3A_119 = tpu.memref_slice %arg5[%multiple_of3A, %dma_start3A_118] : memref<2500x128xi32, #tpu.memory_space<hbm>> -> memref<40x128xi32, #tpu.memory_space<hbm>>
      tpu.enqueue_dma source(%dma_start3A_119 : memref<40x128xi32, #tpu.memory_space<hbm>>) target(%arg8 : memref<40x128xi32, #tpu.memory_space<vmem>>) target_semaphore(%arg10 : memref<!tpu.dma_semaphore, #tpu.memory_space<semaphore_mem>>)
      %dma_wait3A_120 = arith.constant 0 : i32
      %dma_wait3A_121 = tpu.memref_slice %arg5[%multiple_of3A, %dma_wait3A_120] : memref<2500x128xi32, #tpu.memory_space<hbm>> -> memref<40x128xi32, #tpu.memory_space<hbm>>
      %dma_wait3A_122 = arith.constant 0 : i32
      %dma_wait3A_123 = tpu.memref_slice %arg5[%multiple_of3A, %dma_wait3A_122] : memref<2500x128xi32, #tpu.memory_space<hbm>> -> memref<40x128xi32, #tpu.memory_space<hbm>>
      tpu.wait_dma2 semaphore(%arg10 : memref<!tpu.dma_semaphore, #tpu.memory_space<semaphore_mem>>) src(%dma_wait3A_123 : memref<40x128xi32, #tpu.memory_space<hbm>>) dst(%arg8 : memref<40x128xi32, #tpu.memory_space<vmem>>)
      %dma_start3A_124 = arith.constant 0 : i32
      %dma_start3A_125 = arith.constant 0 : i32
      %dma_start3A_126 = arith.constant 0 : i32
      %dma_start3A_127 = tpu.memref_slice %arg9[%dma_start3A_124, %dma_start3A_125, %dma_start3A_126] : memref<2x128x128xf32, #tpu.memory_space<vmem>> -> memref<1x128x128xf32, #tpu.memory_space<vmem>>
      %dma_start3A_128 = tpu.memref_squeeze %dma_start3A_127 : memref<1x128x128xf32, #tpu.memory_space<vmem>> -> memref<128x128xf32, #tpu.memory_space<vmem>>
      %dma_start3A_129 = arith.constant 0 : i32
      %dma_start3A_130 = tpu.memref_slice %arg7[%sub3A_109, %dma_start3A_129] : memref<40x128xi32, #tpu.memory_space<vmem>> -> memref<1x128xi32, #tpu.memory_space<vmem>>
      %dma_start3A_131 = tpu.memref_squeeze %dma_start3A_130 : memref<1x128xi32, #tpu.memory_space<vmem>> -> memref<128xi32, #tpu.memory_space<vmem>>
      %dma_start3A_132 = arith.constant 0 : i32
      %dma_start3A_133 = arith.constant 0 : i32
      %dma_start3A_134 = tpu.memref_slice %arg2[%dma_start3A_132, %dma_start3A_133] : memref<10240x128xf32, #tpu.memory_space<hbm>> -> memref<10240x128xf32, #tpu.memory_space<hbm>>
      tpu.enqueue_indirect_dma source(%dma_start3A_134 : memref<10240x128xf32, #tpu.memory_space<hbm>>) target(%dma_start3A_128 : memref<128x128xf32, #tpu.memory_space<vmem>>) offsets(%dma_start3A_131 : memref<128xi32, #tpu.memory_space<vmem>>) semaphore(%arg10 : memref<!tpu.dma_semaphore, #tpu.memory_space<semaphore_mem>>)
      %while3A_135 = arith.constant 0 : i32
      %while3A_136 = arith.constant 0 : i32
      %while3A_137 = arith.subi %min3A_106, %while3A_136 : i32
      %while3A_138 = arith.addi %while3A_136, %while3A_137 : i32
      %while3A_139 = arith.constant 1 : i32
      %while3A_140 = arith.divsi %while3A_137, %while3A_139 : i32
      %while3A_141 = arith.muli %while3A_140, %while3A_139 : i32
      %while3A_142 = arith.addi %while3A_136, %while3A_141 : i32
      %while3A_143 = arith.constant 1 : i32
      scf.for %while3A_180 = %while3A_136 to %while3A_142 step %while3A_143  : i32 {
        %jit3A_181 = arith.constant 2 : i32
        %eq3A_182 = arith.constant 0 : i32
        %eq3A_183 = arith.cmpi eq, %jit3A_181, %eq3A_182 : i32
        %jit3A_184 = arith.constant 1 : i32
        %select_n3A_185 = arith.select %eq3A_183, %jit3A_184, %jit3A_181 : i32
        %rem3A_186 = arith.remsi %while3A_180, %select_n3A_185 : i32
        %ne3A_187 = arith.constant 0 : i32
        %ne3A_188 = arith.cmpi ne, %rem3A_186, %ne3A_187 : i32
        %lt3A_189 = arith.constant 0 : i32
        %lt3A_190 = arith.cmpi slt, %rem3A_186, %lt3A_189 : i32
        %lt3A_191 = arith.constant 0 : i32
        %lt3A_192 = arith.cmpi slt, %select_n3A_185, %lt3A_191 : i32
        %ne3A_193 = arith.xori %lt3A_190, %lt3A_192 : i1
        %and3A_194 = arith.andi %ne3A_193, %ne3A_188 : i1
        %add3A_195 = arith.addi %rem3A_186, %select_n3A_185 : i32
        %select_n3A_196 = arith.select %and3A_194, %add3A_195, %rem3A_186 : i32
        %add3A_197 = arith.addi %sub3A_109, %while3A_180 : i32
        %dma_wait3A_198 = arith.constant 0 : i32
        %dma_wait3A_199 = arith.constant 0 : i32
        %dma_wait3A_200 = tpu.memref_slice %arg9[%select_n3A_196, %dma_wait3A_198, %dma_wait3A_199] : memref<2x128x128xf32, #tpu.memory_space<vmem>> -> memref<1x128x128xf32, #tpu.memory_space<vmem>>
        %dma_wait3A_201 = tpu.memref_squeeze %dma_wait3A_200 : memref<1x128x128xf32, #tpu.memory_space<vmem>> -> memref<128x128xf32, #tpu.memory_space<vmem>>
        %dma_wait3A_202 = arith.constant 0 : i32
        %dma_wait3A_203 = tpu.memref_slice %arg7[%add3A_197, %dma_wait3A_202] : memref<40x128xi32, #tpu.memory_space<vmem>> -> memref<1x128xi32, #tpu.memory_space<vmem>>
        %dma_wait3A_204 = tpu.memref_squeeze %dma_wait3A_203 : memref<1x128xi32, #tpu.memory_space<vmem>> -> memref<128xi32, #tpu.memory_space<vmem>>
        %dma_wait3A_205 = arith.constant 0 : i32
        %dma_wait3A_206 = arith.constant 0 : i32
        %dma_wait3A_207 = tpu.memref_slice %arg2[%dma_wait3A_205, %dma_wait3A_206] : memref<10240x128xf32, #tpu.memory_space<hbm>> -> memref<10240x128xf32, #tpu.memory_space<hbm>>
        tpu.wait_indirect_dma semaphore(%arg10 : memref<!tpu.dma_semaphore, #tpu.memory_space<semaphore_mem>>) src(%dma_wait3A_207 : memref<10240x128xf32, #tpu.memory_space<hbm>>) dst(%dma_wait3A_201 : memref<128x128xf32, #tpu.memory_space<vmem>>)
        %add3A_208 = arith.addi %sub3A_109, %while3A_180 : i32
        %dma_start3A_209 = arith.constant 0 : i32
        %dma_start3A_210 = arith.constant 0 : i32
        %dma_start3A_211 = tpu.memref_slice %arg9[%select_n3A_196, %dma_start3A_209, %dma_start3A_210] : memref<2x128x128xf32, #tpu.memory_space<vmem>> -> memref<1x128x128xf32, #tpu.memory_space<vmem>>
        %dma_start3A_212 = tpu.memref_squeeze %dma_start3A_211 : memref<1x128x128xf32, #tpu.memory_space<vmem>> -> memref<128x128xf32, #tpu.memory_space<vmem>>
        %dma_start3A_213 = arith.constant 0 : i32
        %dma_start3A_214 = tpu.memref_slice %arg8[%add3A_208, %dma_start3A_213] : memref<40x128xi32, #tpu.memory_space<vmem>> -> memref<1x128xi32, #tpu.memory_space<vmem>>
        %dma_start3A_215 = tpu.memref_squeeze %dma_start3A_214 : memref<1x128xi32, #tpu.memory_space<vmem>> -> memref<128xi32, #tpu.memory_space<vmem>>
        %dma_start3A_216 = arith.constant 0 : i32
        %dma_start3A_217 = arith.constant 0 : i32
        %dma_start3A_218 = tpu.memref_slice %arg3[%dma_start3A_216, %dma_start3A_217] : memref<10240x128xf32, #tpu.memory_space<hbm>> -> memref<10240x128xf32, #tpu.memory_space<hbm>>
        tpu.enqueue_indirect_dma source(%dma_start3A_218 : memref<10240x128xf32, #tpu.memory_space<hbm>>) target(%dma_start3A_212 : memref<128x128xf32, #tpu.memory_space<vmem>>) offsets(%dma_start3A_215 : memref<128xi32, #tpu.memory_space<vmem>>) semaphore(%arg11 : memref<!tpu.dma_semaphore, #tpu.memory_space<semaphore_mem>>) {add = true}
        %ge3A = arith.constant 1 : i32
        %ge3A_219 = arith.cmpi sge, %while3A_180, %ge3A : i32
        %convert_element_type3A_220 = arith.extui %ge3A_219 : i1 to i32
        %cond3A_221 = arith.constant 0 : i32
        %cond3A_222 = arith.cmpi ne, %convert_element_type3A_220, %cond3A_221 : i32
        scf.if %cond3A_222 {
          %sub3A_256 = arith.constant 1 : i32
          %sub3A_257 = arith.subi %sub3A_256, %select_n3A_196 : i32
          %add3A_258 = arith.addi %add3A_104, %while3A_180 : i32
          %sub3A_259 = arith.constant 1 : i32
          %sub3A_260 = arith.subi %add3A_258, %sub3A_259 : i32
          %mul3A_261 = arith.constant 128 : i32
          %mul3A_262 = arith.muli %sub3A_260, %mul3A_261 : i32
          %multiple_of3A_263 = tpu.assume_multiple %mul3A_262, 128 : i32
          %dma_wait3A_264 = arith.constant 0 : i32
          %dma_wait3A_265 = arith.constant 0 : i32
          %dma_wait3A_266 = tpu.memref_slice %arg9[%sub3A_257, %dma_wait3A_264, %dma_wait3A_265] : memref<2x128x128xf32, #tpu.memory_space<vmem>> -> memref<1x128x128xf32, #tpu.memory_space<vmem>>
          %dma_wait3A_267 = tpu.memref_squeeze %dma_wait3A_266 : memref<1x128x128xf32, #tpu.memory_space<vmem>> -> memref<128x128xf32, #tpu.memory_space<vmem>>
          %dma_wait3A_268 = arith.constant 0 : i32
          %dma_wait3A_269 = tpu.memref_slice %arg6[%multiple_of3A_263, %dma_wait3A_268] : memref<320000x128xf32, #tpu.memory_space<hbm>> -> memref<128x128xf32, #tpu.memory_space<hbm>>
          %dma_wait3A_270 = arith.constant 0 : i32
          %dma_wait3A_271 = tpu.memref_slice %arg6[%multiple_of3A_263, %dma_wait3A_270] : memref<320000x128xf32, #tpu.memory_space<hbm>> -> memref<128x128xf32, #tpu.memory_space<hbm>>
          %dma_wait3A_272 = arith.constant 0 : i32
          %dma_wait3A_273 = arith.constant 0 : i32
          %dma_wait3A_274 = tpu.memref_slice %arg9[%sub3A_257, %dma_wait3A_272, %dma_wait3A_273] : memref<2x128x128xf32, #tpu.memory_space<vmem>> -> memref<1x128x128xf32, #tpu.memory_space<vmem>>
          %dma_wait3A_275 = tpu.memref_squeeze %dma_wait3A_274 : memref<1x128x128xf32, #tpu.memory_space<vmem>> -> memref<128x128xf32, #tpu.memory_space<vmem>>
          tpu.wait_dma2 semaphore(%arg12 : memref<!tpu.dma_semaphore, #tpu.memory_space<semaphore_mem>>) src(%dma_wait3A_275 : memref<128x128xf32, #tpu.memory_space<vmem>>) dst(%dma_wait3A_271 : memref<128x128xf32, #tpu.memory_space<hbm>>)
        } else {
        }
        %add3A_223 = arith.constant 1 : i32
        %add3A_224 = arith.addi %while3A_180, %add3A_223 : i32
        %lt3A_225 = arith.cmpi slt, %add3A_224, %min3A_106 : i32
        %convert_element_type3A_226 = arith.extui %lt3A_225 : i1 to i32
        %cond3A_227 = arith.constant 0 : i32
        %cond3A_228 = arith.cmpi ne, %convert_element_type3A_226, %cond3A_227 : i32
        scf.if %cond3A_228 {
          %add3A_256 = arith.addi %sub3A_109, %while3A_180 : i32
          %add3A_257 = arith.constant 1 : i32
          %add3A_258 = arith.addi %add3A_256, %add3A_257 : i32
          %sub3A_259 = arith.constant 1 : i32
          %sub3A_260 = arith.subi %sub3A_259, %select_n3A_196 : i32
          %dma_start3A_261 = arith.constant 0 : i32
          %dma_start3A_262 = arith.constant 0 : i32
          %dma_start3A_263 = tpu.memref_slice %arg9[%sub3A_260, %dma_start3A_261, %dma_start3A_262] : memref<2x128x128xf32, #tpu.memory_space<vmem>> -> memref<1x128x128xf32, #tpu.memory_space<vmem>>
          %dma_start3A_264 = tpu.memref_squeeze %dma_start3A_263 : memref<1x128x128xf32, #tpu.memory_space<vmem>> -> memref<128x128xf32, #tpu.memory_space<vmem>>
          %dma_start3A_265 = arith.constant 0 : i32
          %dma_start3A_266 = tpu.memref_slice %arg7[%add3A_258, %dma_start3A_265] : memref<40x128xi32, #tpu.memory_space<vmem>> -> memref<1x128xi32, #tpu.memory_space<vmem>>
          %dma_start3A_267 = tpu.memref_squeeze %dma_start3A_266 : memref<1x128xi32, #tpu.memory_space<vmem>> -> memref<128xi32, #tpu.memory_space<vmem>>
          %dma_start3A_268 = arith.constant 0 : i32
          %dma_start3A_269 = arith.constant 0 : i32
          %dma_start3A_270 = tpu.memref_slice %arg2[%dma_start3A_268, %dma_start3A_269] : memref<10240x128xf32, #tpu.memory_space<hbm>> -> memref<10240x128xf32, #tpu.memory_space<hbm>>
          tpu.enqueue_indirect_dma source(%dma_start3A_270 : memref<10240x128xf32, #tpu.memory_space<hbm>>) target(%dma_start3A_264 : memref<128x128xf32, #tpu.memory_space<vmem>>) offsets(%dma_start3A_267 : memref<128xi32, #tpu.memory_space<vmem>>) semaphore(%arg10 : memref<!tpu.dma_semaphore, #tpu.memory_space<semaphore_mem>>)
        } else {
        }
        %add3A_229 = arith.addi %sub3A_109, %while3A_180 : i32
        %dma_wait3A_230 = arith.constant 0 : i32
        %dma_wait3A_231 = arith.constant 0 : i32
        %dma_wait3A_232 = tpu.memref_slice %arg9[%select_n3A_196, %dma_wait3A_230, %dma_wait3A_231] : memref<2x128x128xf32, #tpu.memory_space<vmem>> -> memref<1x128x128xf32, #tpu.memory_space<vmem>>
        %dma_wait3A_233 = tpu.memref_squeeze %dma_wait3A_232 : memref<1x128x128xf32, #tpu.memory_space<vmem>> -> memref<128x128xf32, #tpu.memory_space<vmem>>
        %dma_wait3A_234 = arith.constant 0 : i32
        %dma_wait3A_235 = tpu.memref_slice %arg8[%add3A_229, %dma_wait3A_234] : memref<40x128xi32, #tpu.memory_space<vmem>> -> memref<1x128xi32, #tpu.memory_space<vmem>>
        %dma_wait3A_236 = tpu.memref_squeeze %dma_wait3A_235 : memref<1x128xi32, #tpu.memory_space<vmem>> -> memref<128xi32, #tpu.memory_space<vmem>>
        %dma_wait3A_237 = arith.constant 0 : i32
        %dma_wait3A_238 = arith.constant 0 : i32
        %dma_wait3A_239 = tpu.memref_slice %arg3[%dma_wait3A_237, %dma_wait3A_238] : memref<10240x128xf32, #tpu.memory_space<hbm>> -> memref<10240x128xf32, #tpu.memory_space<hbm>>
        tpu.wait_indirect_dma semaphore(%arg11 : memref<!tpu.dma_semaphore, #tpu.memory_space<semaphore_mem>>) src(%dma_wait3A_239 : memref<10240x128xf32, #tpu.memory_space<hbm>>) dst(%dma_wait3A_233 : memref<128x128xf32, #tpu.memory_space<vmem>>)
        %add3A_240 = arith.addi %add3A_104, %while3A_180 : i32
        %mul3A_241 = arith.constant 128 : i32
        %mul3A_242 = arith.muli %add3A_240, %mul3A_241 : i32
        %multiple_of3A_243 = tpu.assume_multiple %mul3A_242, 128 : i32
        %dma_start3A_244 = arith.constant 0 : i32
        %dma_start3A_245 = arith.constant 0 : i32
        %dma_start3A_246 = tpu.memref_slice %arg9[%select_n3A_196, %dma_start3A_244, %dma_start3A_245] : memref<2x128x128xf32, #tpu.memory_space<vmem>> -> memref<1x128x128xf32, #tpu.memory_space<vmem>>
        %dma_start3A_247 = tpu.memref_squeeze %dma_start3A_246 : memref<1x128x128xf32, #tpu.memory_space<vmem>> -> memref<128x128xf32, #tpu.memory_space<vmem>>
        %dma_start3A_248 = arith.constant 0 : i32
        %dma_start3A_249 = tpu.memref_slice %arg6[%multiple_of3A_243, %dma_start3A_248] : memref<320000x128xf32, #tpu.memory_space<hbm>> -> memref<128x128xf32, #tpu.memory_space<hbm>>
        %dma_start3A_250 = arith.constant 0 : i32
        %dma_start3A_251 = tpu.memref_slice %arg6[%multiple_of3A_243, %dma_start3A_250] : memref<320000x128xf32, #tpu.memory_space<hbm>> -> memref<128x128xf32, #tpu.memory_space<hbm>>
        %dma_start3A_252 = arith.constant 0 : i32
        %dma_start3A_253 = arith.constant 0 : i32
        %dma_start3A_254 = tpu.memref_slice %arg9[%select_n3A_196, %dma_start3A_252, %dma_start3A_253] : memref<2x128x128xf32, #tpu.memory_space<vmem>> -> memref<1x128x128xf32, #tpu.memory_space<vmem>>
        %dma_start3A_255 = tpu.memref_squeeze %dma_start3A_254 : memref<1x128x128xf32, #tpu.memory_space<vmem>> -> memref<128x128xf32, #tpu.memory_space<vmem>>
        tpu.enqueue_dma source(%dma_start3A_255 : memref<128x128xf32, #tpu.memory_space<vmem>>) target(%dma_start3A_251 : memref<128x128xf32, #tpu.memory_space<hbm>>) target_semaphore(%arg12 : memref<!tpu.dma_semaphore, #tpu.memory_space<semaphore_mem>>)
      }
      %while3A_144 = arith.constant 1 : i32
      scf.for %while3A_180 = %while3A_142 to %while3A_138 step %while3A_144  : i32 {
        %jit3A_181 = arith.constant 2 : i32
        %eq3A_182 = arith.constant 0 : i32
        %eq3A_183 = arith.cmpi eq, %jit3A_181, %eq3A_182 : i32
        %jit3A_184 = arith.constant 1 : i32
        %select_n3A_185 = arith.select %eq3A_183, %jit3A_184, %jit3A_181 : i32
        %rem3A_186 = arith.remsi %while3A_180, %select_n3A_185 : i32
        %ne3A_187 = arith.constant 0 : i32
        %ne3A_188 = arith.cmpi ne, %rem3A_186, %ne3A_187 : i32
        %lt3A_189 = arith.constant 0 : i32
        %lt3A_190 = arith.cmpi slt, %rem3A_186, %lt3A_189 : i32
        %lt3A_191 = arith.constant 0 : i32
        %lt3A_192 = arith.cmpi slt, %select_n3A_185, %lt3A_191 : i32
        %ne3A_193 = arith.xori %lt3A_190, %lt3A_192 : i1
        %and3A_194 = arith.andi %ne3A_193, %ne3A_188 : i1
        %add3A_195 = arith.addi %rem3A_186, %select_n3A_185 : i32
        %select_n3A_196 = arith.select %and3A_194, %add3A_195, %rem3A_186 : i32
        %add3A_197 = arith.addi %sub3A_109, %while3A_180 : i32
        %dma_wait3A_198 = arith.constant 0 : i32
        %dma_wait3A_199 = arith.constant 0 : i32
        %dma_wait3A_200 = tpu.memref_slice %arg9[%select_n3A_196, %dma_wait3A_198, %dma_wait3A_199] : memref<2x128x128xf32, #tpu.memory_space<vmem>> -> memref<1x128x128xf32, #tpu.memory_space<vmem>>
        %dma_wait3A_201 = tpu.memref_squeeze %dma_wait3A_200 : memref<1x128x128xf32, #tpu.memory_space<vmem>> -> memref<128x128xf32, #tpu.memory_space<vmem>>
        %dma_wait3A_202 = arith.constant 0 : i32
        %dma_wait3A_203 = tpu.memref_slice %arg7[%add3A_197, %dma_wait3A_202] : memref<40x128xi32, #tpu.memory_space<vmem>> -> memref<1x128xi32, #tpu.memory_space<vmem>>
        %dma_wait3A_204 = tpu.memref_squeeze %dma_wait3A_203 : memref<1x128xi32, #tpu.memory_space<vmem>> -> memref<128xi32, #tpu.memory_space<vmem>>
        %dma_wait3A_205 = arith.constant 0 : i32
        %dma_wait3A_206 = arith.constant 0 : i32
        %dma_wait3A_207 = tpu.memref_slice %arg2[%dma_wait3A_205, %dma_wait3A_206] : memref<10240x128xf32, #tpu.memory_space<hbm>> -> memref<10240x128xf32, #tpu.memory_space<hbm>>
        tpu.wait_indirect_dma semaphore(%arg10 : memref<!tpu.dma_semaphore, #tpu.memory_space<semaphore_mem>>) src(%dma_wait3A_207 : memref<10240x128xf32, #tpu.memory_space<hbm>>) dst(%dma_wait3A_201 : memref<128x128xf32, #tpu.memory_space<vmem>>)
        %add3A_208 = arith.addi %sub3A_109, %while3A_180 : i32
        %dma_start3A_209 = arith.constant 0 : i32
        %dma_start3A_210 = arith.constant 0 : i32
        %dma_start3A_211 = tpu.memref_slice %arg9[%select_n3A_196, %dma_start3A_209, %dma_start3A_210] : memref<2x128x128xf32, #tpu.memory_space<vmem>> -> memref<1x128x128xf32, #tpu.memory_space<vmem>>
        %dma_start3A_212 = tpu.memref_squeeze %dma_start3A_211 : memref<1x128x128xf32, #tpu.memory_space<vmem>> -> memref<128x128xf32, #tpu.memory_space<vmem>>
        %dma_start3A_213 = arith.constant 0 : i32
        %dma_start3A_214 = tpu.memref_slice %arg8[%add3A_208, %dma_start3A_213] : memref<40x128xi32, #tpu.memory_space<vmem>> -> memref<1x128xi32, #tpu.memory_space<vmem>>
        %dma_start3A_215 = tpu.memref_squeeze %dma_start3A_214 : memref<1x128xi32, #tpu.memory_space<vmem>> -> memref<128xi32, #tpu.memory_space<vmem>>
        %dma_start3A_216 = arith.constant 0 : i32
        %dma_start3A_217 = arith.constant 0 : i32
        %dma_start3A_218 = tpu.memref_slice %arg3[%dma_start3A_216, %dma_start3A_217] : memref<10240x128xf32, #tpu.memory_space<hbm>> -> memref<10240x128xf32, #tpu.memory_space<hbm>>
        tpu.enqueue_indirect_dma source(%dma_start3A_218 : memref<10240x128xf32, #tpu.memory_space<hbm>>) target(%dma_start3A_212 : memref<128x128xf32, #tpu.memory_space<vmem>>) offsets(%dma_start3A_215 : memref<128xi32, #tpu.memory_space<vmem>>) semaphore(%arg11 : memref<!tpu.dma_semaphore, #tpu.memory_space<semaphore_mem>>) {add = true}
        %ge3A = arith.constant 1 : i32
        %ge3A_219 = arith.cmpi sge, %while3A_180, %ge3A : i32
        %convert_element_type3A_220 = arith.extui %ge3A_219 : i1 to i32
        %cond3A_221 = arith.constant 0 : i32
        %cond3A_222 = arith.cmpi ne, %convert_element_type3A_220, %cond3A_221 : i32
        scf.if %cond3A_222 {
          %sub3A_256 = arith.constant 1 : i32
          %sub3A_257 = arith.subi %sub3A_256, %select_n3A_196 : i32
          %add3A_258 = arith.addi %add3A_104, %while3A_180 : i32
          %sub3A_259 = arith.constant 1 : i32
          %sub3A_260 = arith.subi %add3A_258, %sub3A_259 : i32
          %mul3A_261 = arith.constant 128 : i32
          %mul3A_262 = arith.muli %sub3A_260, %mul3A_261 : i32
          %multiple_of3A_263 = tpu.assume_multiple %mul3A_262, 128 : i32
          %dma_wait3A_264 = arith.constant 0 : i32
          %dma_wait3A_265 = arith.constant 0 : i32
          %dma_wait3A_266 = tpu.memref_slice %arg9[%sub3A_257, %dma_wait3A_264, %dma_wait3A_265] : memref<2x128x128xf32, #tpu.memory_space<vmem>> -> memref<1x128x128xf32, #tpu.memory_space<vmem>>
          %dma_wait3A_267 = tpu.memref_squeeze %dma_wait3A_266 : memref<1x128x128xf32, #tpu.memory_space<vmem>> -> memref<128x128xf32, #tpu.memory_space<vmem>>
          %dma_wait3A_268 = arith.constant 0 : i32
          %dma_wait3A_269 = tpu.memref_slice %arg6[%multiple_of3A_263, %dma_wait3A_268] : memref<320000x128xf32, #tpu.memory_space<hbm>> -> memref<128x128xf32, #tpu.memory_space<hbm>>
          %dma_wait3A_270 = arith.constant 0 : i32
          %dma_wait3A_271 = tpu.memref_slice %arg6[%multiple_of3A_263, %dma_wait3A_270] : memref<320000x128xf32, #tpu.memory_space<hbm>> -> memref<128x128xf32, #tpu.memory_space<hbm>>
          %dma_wait3A_272 = arith.constant 0 : i32
          %dma_wait3A_273 = arith.constant 0 : i32
          %dma_wait3A_274 = tpu.memref_slice %arg9[%sub3A_257, %dma_wait3A_272, %dma_wait3A_273] : memref<2x128x128xf32, #tpu.memory_space<vmem>> -> memref<1x128x128xf32, #tpu.memory_space<vmem>>
          %dma_wait3A_275 = tpu.memref_squeeze %dma_wait3A_274 : memref<1x128x128xf32, #tpu.memory_space<vmem>> -> memref<128x128xf32, #tpu.memory_space<vmem>>
          tpu.wait_dma2 semaphore(%arg12 : memref<!tpu.dma_semaphore, #tpu.memory_space<semaphore_mem>>) src(%dma_wait3A_275 : memref<128x128xf32, #tpu.memory_space<vmem>>) dst(%dma_wait3A_271 : memref<128x128xf32, #tpu.memory_space<hbm>>)
        } else {
        }
        %add3A_223 = arith.constant 1 : i32
        %add3A_224 = arith.addi %while3A_180, %add3A_223 : i32
        %lt3A_225 = arith.cmpi slt, %add3A_224, %min3A_106 : i32
        %convert_element_type3A_226 = arith.extui %lt3A_225 : i1 to i32
        %cond3A_227 = arith.constant 0 : i32
        %cond3A_228 = arith.cmpi ne, %convert_element_type3A_226, %cond3A_227 : i32
        scf.if %cond3A_228 {
          %add3A_256 = arith.addi %sub3A_109, %while3A_180 : i32
          %add3A_257 = arith.constant 1 : i32
          %add3A_258 = arith.addi %add3A_256, %add3A_257 : i32
          %sub3A_259 = arith.constant 1 : i32
          %sub3A_260 = arith.subi %sub3A_259, %select_n3A_196 : i32
          %dma_start3A_261 = arith.constant 0 : i32
          %dma_start3A_262 = arith.constant 0 : i32
          %dma_start3A_263 = tpu.memref_slice %arg9[%sub3A_260, %dma_start3A_261, %dma_start3A_262] : memref<2x128x128xf32, #tpu.memory_space<vmem>> -> memref<1x128x128xf32, #tpu.memory_space<vmem>>
          %dma_start3A_264 = tpu.memref_squeeze %dma_start3A_263 : memref<1x128x128xf32, #tpu.memory_space<vmem>> -> memref<128x128xf32, #tpu.memory_space<vmem>>
          %dma_start3A_265 = arith.constant 0 : i32
          %dma_start3A_266 = tpu.memref_slice %arg7[%add3A_258, %dma_start3A_265] : memref<40x128xi32, #tpu.memory_space<vmem>> -> memref<1x128xi32, #tpu.memory_space<vmem>>
          %dma_start3A_267 = tpu.memref_squeeze %dma_start3A_266 : memref<1x128xi32, #tpu.memory_space<vmem>> -> memref<128xi32, #tpu.memory_space<vmem>>
          %dma_start3A_268 = arith.constant 0 : i32
          %dma_start3A_269 = arith.constant 0 : i32
          %dma_start3A_270 = tpu.memref_slice %arg2[%dma_start3A_268, %dma_start3A_269] : memref<10240x128xf32, #tpu.memory_space<hbm>> -> memref<10240x128xf32, #tpu.memory_space<hbm>>
          tpu.enqueue_indirect_dma source(%dma_start3A_270 : memref<10240x128xf32, #tpu.memory_space<hbm>>) target(%dma_start3A_264 : memref<128x128xf32, #tpu.memory_space<vmem>>) offsets(%dma_start3A_267 : memref<128xi32, #tpu.memory_space<vmem>>) semaphore(%arg10 : memref<!tpu.dma_semaphore, #tpu.memory_space<semaphore_mem>>)
        } else {
        }
        %add3A_229 = arith.addi %sub3A_109, %while3A_180 : i32
        %dma_wait3A_230 = arith.constant 0 : i32
        %dma_wait3A_231 = arith.constant 0 : i32
        %dma_wait3A_232 = tpu.memref_slice %arg9[%select_n3A_196, %dma_wait3A_230, %dma_wait3A_231] : memref<2x128x128xf32, #tpu.memory_space<vmem>> -> memref<1x128x128xf32, #tpu.memory_space<vmem>>
        %dma_wait3A_233 = tpu.memref_squeeze %dma_wait3A_232 : memref<1x128x128xf32, #tpu.memory_space<vmem>> -> memref<128x128xf32, #tpu.memory_space<vmem>>
        %dma_wait3A_234 = arith.constant 0 : i32
        %dma_wait3A_235 = tpu.memref_slice %arg8[%add3A_229, %dma_wait3A_234] : memref<40x128xi32, #tpu.memory_space<vmem>> -> memref<1x128xi32, #tpu.memory_space<vmem>>
        %dma_wait3A_236 = tpu.memref_squeeze %dma_wait3A_235 : memref<1x128xi32, #tpu.memory_space<vmem>> -> memref<128xi32, #tpu.memory_space<vmem>>
        %dma_wait3A_237 = arith.constant 0 : i32
        %dma_wait3A_238 = arith.constant 0 : i32
        %dma_wait3A_239 = tpu.memref_slice %arg3[%dma_wait3A_237, %dma_wait3A_238] : memref<10240x128xf32, #tpu.memory_space<hbm>> -> memref<10240x128xf32, #tpu.memory_space<hbm>>
        tpu.wait_indirect_dma semaphore(%arg11 : memref<!tpu.dma_semaphore, #tpu.memory_space<semaphore_mem>>) src(%dma_wait3A_239 : memref<10240x128xf32, #tpu.memory_space<hbm>>) dst(%dma_wait3A_233 : memref<128x128xf32, #tpu.memory_space<vmem>>)
        %add3A_240 = arith.addi %add3A_104, %while3A_180 : i32
        %mul3A_241 = arith.constant 128 : i32
        %mul3A_242 = arith.muli %add3A_240, %mul3A_241 : i32
        %multiple_of3A_243 = tpu.assume_multiple %mul3A_242, 128 : i32
        %dma_start3A_244 = arith.constant 0 : i32
        %dma_start3A_245 = arith.constant 0 : i32
        %dma_start3A_246 = tpu.memref_slice %arg9[%select_n3A_196, %dma_start3A_244, %dma_start3A_245] : memref<2x128x128xf32, #tpu.memory_space<vmem>> -> memref<1x128x128xf32, #tpu.memory_space<vmem>>
        %dma_start3A_247 = tpu.memref_squeeze %dma_start3A_246 : memref<1x128x128xf32, #tpu.memory_space<vmem>> -> memref<128x128xf32, #tpu.memory_space<vmem>>
        %dma_start3A_248 = arith.constant 0 : i32
        %dma_start3A_249 = tpu.memref_slice %arg6[%multiple_of3A_243, %dma_start3A_248] : memref<320000x128xf32, #tpu.memory_space<hbm>> -> memref<128x128xf32, #tpu.memory_space<hbm>>
        %dma_start3A_250 = arith.constant 0 : i32
        %dma_start3A_251 = tpu.memref_slice %arg6[%multiple_of3A_243, %dma_start3A_250] : memref<320000x128xf32, #tpu.memory_space<hbm>> -> memref<128x128xf32, #tpu.memory_space<hbm>>
        %dma_start3A_252 = arith.constant 0 : i32
        %dma_start3A_253 = arith.constant 0 : i32
        %dma_start3A_254 = tpu.memref_slice %arg9[%select_n3A_196, %dma_start3A_252, %dma_start3A_253] : memref<2x128x128xf32, #tpu.memory_space<vmem>> -> memref<1x128x128xf32, #tpu.memory_space<vmem>>
        %dma_start3A_255 = tpu.memref_squeeze %dma_start3A_254 : memref<1x128x128xf32, #tpu.memory_space<vmem>> -> memref<128x128xf32, #tpu.memory_space<vmem>>
        tpu.enqueue_dma source(%dma_start3A_255 : memref<128x128xf32, #tpu.memory_space<vmem>>) target(%dma_start3A_251 : memref<128x128xf32, #tpu.memory_space<hbm>>) target_semaphore(%arg12 : memref<!tpu.dma_semaphore, #tpu.memory_space<semaphore_mem>>)
      }
      %sub3A_145 = arith.constant 1 : i32
      %sub3A_146 = arith.subi %min3A_106, %sub3A_145 : i32
      %jit3A_147 = arith.constant 2 : i32
      %eq3A_148 = arith.constant 0 : i32
      %eq3A_149 = arith.cmpi eq, %jit3A_147, %eq3A_148 : i32
      %jit3A_150 = arith.constant 1 : i32
      %select_n3A_151 = arith.select %eq3A_149, %jit3A_150, %jit3A_147 : i32
      %rem3A_152 = arith.remsi %sub3A_146, %select_n3A_151 : i32
      %ne3A_153 = arith.constant 0 : i32
      %ne3A_154 = arith.cmpi ne, %rem3A_152, %ne3A_153 : i32
      %lt3A = arith.constant 0 : i32
      %lt3A_155 = arith.cmpi slt, %rem3A_152, %lt3A : i32
      %lt3A_156 = arith.constant 0 : i32
      %lt3A_157 = arith.cmpi slt, %select_n3A_151, %lt3A_156 : i32
      %ne3A_158 = arith.xori %lt3A_155, %lt3A_157 : i1
      %and3A_159 = arith.andi %ne3A_158, %ne3A_154 : i1
      %add3A_160 = arith.addi %rem3A_152, %select_n3A_151 : i32
      %select_n3A_161 = arith.select %and3A_159, %add3A_160, %rem3A_152 : i32
      %add3A_162 = arith.addi %add3A_104, %min3A_106 : i32
      %sub3A_163 = arith.constant 1 : i32
      %sub3A_164 = arith.subi %add3A_162, %sub3A_163 : i32
      %mul3A_165 = arith.constant 128 : i32
      %mul3A_166 = arith.muli %sub3A_164, %mul3A_165 : i32
      %multiple_of3A_167 = tpu.assume_multiple %mul3A_166, 128 : i32
      %dma_wait3A_168 = arith.constant 0 : i32
      %dma_wait3A_169 = arith.constant 0 : i32
      %dma_wait3A_170 = tpu.memref_slice %arg9[%select_n3A_161, %dma_wait3A_168, %dma_wait3A_169] : memref<2x128x128xf32, #tpu.memory_space<vmem>> -> memref<1x128x128xf32, #tpu.memory_space<vmem>>
      %dma_wait3A_171 = tpu.memref_squeeze %dma_wait3A_170 : memref<1x128x128xf32, #tpu.memory_space<vmem>> -> memref<128x128xf32, #tpu.memory_space<vmem>>
      %dma_wait3A_172 = arith.constant 0 : i32
      %dma_wait3A_173 = tpu.memref_slice %arg6[%multiple_of3A_167, %dma_wait3A_172] : memref<320000x128xf32, #tpu.memory_space<hbm>> -> memref<128x128xf32, #tpu.memory_space<hbm>>
      %dma_wait3A_174 = arith.constant 0 : i32
      %dma_wait3A_175 = tpu.memref_slice %arg6[%multiple_of3A_167, %dma_wait3A_174] : memref<320000x128xf32, #tpu.memory_space<hbm>> -> memref<128x128xf32, #tpu.memory_space<hbm>>
      %dma_wait3A_176 = arith.constant 0 : i32
      %dma_wait3A_177 = arith.constant 0 : i32
      %dma_wait3A_178 = tpu.memref_slice %arg9[%select_n3A_161, %dma_wait3A_176, %dma_wait3A_177] : memref<2x128x128xf32, #tpu.memory_space<vmem>> -> memref<1x128x128xf32, #tpu.memory_space<vmem>>
      %dma_wait3A_179 = tpu.memref_squeeze %dma_wait3A_178 : memref<1x128x128xf32, #tpu.memory_space<vmem>> -> memref<128x128xf32, #tpu.memory_space<vmem>>
      tpu.wait_dma2 semaphore(%arg12 : memref<!tpu.dma_semaphore, #tpu.memory_space<semaphore_mem>>) src(%dma_wait3A_179 : memref<128x128xf32, #tpu.memory_space<vmem>>) dst(%dma_wait3A_175 : memref<128x128xf32, #tpu.memory_space<hbm>>)
    }
    %eq3A_95 = arith.constant 1 : i32
    %eq3A_96 = arith.cmpi eq, %arg0, %eq3A_95 : i32
    %eq3A_97 = arith.constant 15 : i32
    %eq3A_98 = arith.cmpi eq, %arg1, %eq3A_97 : i32
    %and3A_99 = arith.andi %eq3A_96, %eq3A_98 : i1
    %convert_element_type3A = arith.extui %and3A_99 : i1 to i32
    %cond3A = arith.constant 0 : i32
    %cond3A_100 = arith.cmpi ne, %convert_element_type3A, %cond3A : i32
    scf.if %cond3A_100 {
      %dma_start3A = arith.constant 0 : i32
      %dma_start3A_101 = arith.constant 0 : i32
      %dma_start3A_102 = tpu.memref_slice %arg7[%dma_start3A, %dma_start3A_101] : memref<40x128xi32, #tpu.memory_space<vmem>> -> memref<4x128xi32, #tpu.memory_space<vmem>>
      %dma_start3A_103 = arith.constant 2496 : i32
      %dma_start3A_104 = arith.constant 0 : i32
      %dma_start3A_105 = tpu.memref_slice %arg4[%dma_start3A_103, %dma_start3A_104] : memref<2500x128xi32, #tpu.memory_space<hbm>> -> memref<4x128xi32, #tpu.memory_space<hbm>>
      %dma_start3A_106 = arith.constant 0 : i32
      %dma_start3A_107 = arith.constant 0 : i32
      %dma_start3A_108 = tpu.memref_slice %arg7[%dma_start3A_106, %dma_start3A_107] : memref<40x128xi32, #tpu.memory_space<vmem>> -> memref<4x128xi32, #tpu.memory_space<vmem>>
      %dma_start3A_109 = arith.constant 2496 : i32
      %dma_start3A_110 = arith.constant 0 : i32
      %dma_start3A_111 = tpu.memref_slice %arg4[%dma_start3A_109, %dma_start3A_110] : memref<2500x128xi32, #tpu.memory_space<hbm>> -> memref<4x128xi32, #tpu.memory_space<hbm>>
      tpu.enqueue_dma source(%dma_start3A_111 : memref<4x128xi32, #tpu.memory_space<hbm>>) target(%dma_start3A_108 : memref<4x128xi32, #tpu.memory_space<vmem>>) target_semaphore(%arg10 : memref<!tpu.dma_semaphore, #tpu.memory_space<semaphore_mem>>)
      %dma_wait3A = arith.constant 0 : i32
      %dma_wait3A_112 = arith.constant 0 : i32
      %dma_wait3A_113 = tpu.memref_slice %arg7[%dma_wait3A, %dma_wait3A_112] : memref<40x128xi32, #tpu.memory_space<vmem>> -> memref<4x128xi32, #tpu.memory_space<vmem>>
      %dma_wait3A_114 = arith.constant 2496 : i32
      %dma_wait3A_115 = arith.constant 0 : i32
      %dma_wait3A_116 = tpu.memref_slice %arg4[%dma_wait3A_114, %dma_wait3A_115] : memref<2500x128xi32, #tpu.memory_space<hbm>> -> memref<4x128xi32, #tpu.memory_space<hbm>>
      %dma_wait3A_117 = arith.constant 0 : i32
      %dma_wait3A_118 = arith.constant 0 : i32
      %dma_wait3A_119 = tpu.memref_slice %arg7[%dma_wait3A_117, %dma_wait3A_118] : memref<40x128xi32, #tpu.memory_space<vmem>> -> memref<4x128xi32, #tpu.memory_space<vmem>>
      %dma_wait3A_120 = arith.constant 2496 : i32
      %dma_wait3A_121 = arith.constant 0 : i32
      %dma_wait3A_122 = tpu.memref_slice %arg4[%dma_wait3A_120, %dma_wait3A_121] : memref<2500x128xi32, #tpu.memory_space<hbm>> -> memref<4x128xi32, #tpu.memory_space<hbm>>
      tpu.wait_dma2 semaphore(%arg10 : memref<!tpu.dma_semaphore, #tpu.memory_space<semaphore_mem>>) src(%dma_wait3A_122 : memref<4x128xi32, #tpu.memory_space<hbm>>) dst(%dma_wait3A_119 : memref<4x128xi32, #tpu.memory_space<vmem>>)
      %dma_start3A_123 = arith.constant 0 : i32
      %dma_start3A_124 = arith.constant 0 : i32
      %dma_start3A_125 = tpu.memref_slice %arg8[%dma_start3A_123, %dma_start3A_124] : memref<40x128xi32, #tpu.memory_space<vmem>> -> memref<4x128xi32, #tpu.memory_space<vmem>>
      %dma_start3A_126 = arith.constant 2496 : i32
      %dma_start3A_127 = arith.constant 0 : i32
      %dma_start3A_128 = tpu.memref_slice %arg5[%dma_start3A_126, %dma_start3A_127] : memref<2500x128xi32, #tpu.memory_space<hbm>> -> memref<4x128xi32, #tpu.memory_space<hbm>>
      %dma_start3A_129 = arith.constant 0 : i32
      %dma_start3A_130 = arith.constant 0 : i32
      %dma_start3A_131 = tpu.memref_slice %arg8[%dma_start3A_129, %dma_start3A_130] : memref<40x128xi32, #tpu.memory_space<vmem>> -> memref<4x128xi32, #tpu.memory_space<vmem>>
      %dma_start3A_132 = arith.constant 2496 : i32
      %dma_start3A_133 = arith.constant 0 : i32
      %dma_start3A_134 = tpu.memref_slice %arg5[%dma_start3A_132, %dma_start3A_133] : memref<2500x128xi32, #tpu.memory_space<hbm>> -> memref<4x128xi32, #tpu.memory_space<hbm>>
      tpu.enqueue_dma source(%dma_start3A_134 : memref<4x128xi32, #tpu.memory_space<hbm>>) target(%dma_start3A_131 : memref<4x128xi32, #tpu.memory_space<vmem>>) target_semaphore(%arg10 : memref<!tpu.dma_semaphore, #tpu.memory_space<semaphore_mem>>)
      %dma_wait3A_135 = arith.constant 0 : i32
      %dma_wait3A_136 = arith.constant 0 : i32
      %dma_wait3A_137 = tpu.memref_slice %arg8[%dma_wait3A_135, %dma_wait3A_136] : memref<40x128xi32, #tpu.memory_space<vmem>> -> memref<4x128xi32, #tpu.memory_space<vmem>>
      %dma_wait3A_138 = arith.constant 2496 : i32
      %dma_wait3A_139 = arith.constant 0 : i32
      %dma_wait3A_140 = tpu.memref_slice %arg5[%dma_wait3A_138, %dma_wait3A_139] : memref<2500x128xi32, #tpu.memory_space<hbm>> -> memref<4x128xi32, #tpu.memory_space<hbm>>
      %dma_wait3A_141 = arith.constant 0 : i32
      %dma_wait3A_142 = arith.constant 0 : i32
      %dma_wait3A_143 = tpu.memref_slice %arg8[%dma_wait3A_141, %dma_wait3A_142] : memref<40x128xi32, #tpu.memory_space<vmem>> -> memref<4x128xi32, #tpu.memory_space<vmem>>
      %dma_wait3A_144 = arith.constant 2496 : i32
      %dma_wait3A_145 = arith.constant 0 : i32
      %dma_wait3A_146 = tpu.memref_slice %arg5[%dma_wait3A_144, %dma_wait3A_145] : memref<2500x128xi32, #tpu.memory_space<hbm>> -> memref<4x128xi32, #tpu.memory_space<hbm>>
      tpu.wait_dma2 semaphore(%arg10 : memref<!tpu.dma_semaphore, #tpu.memory_space<semaphore_mem>>) src(%dma_wait3A_146 : memref<4x128xi32, #tpu.memory_space<hbm>>) dst(%dma_wait3A_143 : memref<4x128xi32, #tpu.memory_space<vmem>>)
      %scan3A = arith.constant 0 : i32
      %scan3A_147 = arith.constant 0 : i32
      %scan3A_148 = arith.constant 4 : i32
      %scan3A_149 = arith.addi %scan3A_147, %scan3A_148 : i32
      %scan3A_150 = arith.constant 1 : i32
      scf.for %scan3A_152 = %scan3A_147 to %scan3A_149 step %scan3A_150  : i32 {
        %dma_start3A_153 = arith.constant 0 : i32
        %dma_start3A_154 = arith.constant 0 : i32
        %dma_start3A_155 = arith.constant 0 : i32
        %dma_start3A_156 = tpu.memref_slice %arg9[%dma_start3A_153, %dma_start3A_154, %dma_start3A_155] : memref<2x128x128xf32, #tpu.memory_space<vmem>> -> memref<1x128x128xf32, #tpu.memory_space<vmem>>
        %dma_start3A_157 = tpu.memref_squeeze %dma_start3A_156 : memref<1x128x128xf32, #tpu.memory_space<vmem>> -> memref<128x128xf32, #tpu.memory_space<vmem>>
        %dma_start3A_158 = arith.constant 0 : i32
        %dma_start3A_159 = tpu.memref_slice %arg7[%scan3A_152, %dma_start3A_158] : memref<40x128xi32, #tpu.memory_space<vmem>> -> memref<1x128xi32, #tpu.memory_space<vmem>>
        %dma_start3A_160 = tpu.memref_squeeze %dma_start3A_159 : memref<1x128xi32, #tpu.memory_space<vmem>> -> memref<128xi32, #tpu.memory_space<vmem>>
        %dma_start3A_161 = arith.constant 0 : i32
        %dma_start3A_162 = arith.constant 0 : i32
        %dma_start3A_163 = tpu.memref_slice %arg2[%dma_start3A_161, %dma_start3A_162] : memref<10240x128xf32, #tpu.memory_space<hbm>> -> memref<10240x128xf32, #tpu.memory_space<hbm>>
        tpu.enqueue_indirect_dma source(%dma_start3A_163 : memref<10240x128xf32, #tpu.memory_space<hbm>>) target(%dma_start3A_157 : memref<128x128xf32, #tpu.memory_space<vmem>>) offsets(%dma_start3A_160 : memref<128xi32, #tpu.memory_space<vmem>>) semaphore(%arg10 : memref<!tpu.dma_semaphore, #tpu.memory_space<semaphore_mem>>)
        %dma_wait3A_164 = arith.constant 0 : i32
        %dma_wait3A_165 = arith.constant 0 : i32
        %dma_wait3A_166 = arith.constant 0 : i32
        %dma_wait3A_167 = tpu.memref_slice %arg9[%dma_wait3A_164, %dma_wait3A_165, %dma_wait3A_166] : memref<2x128x128xf32, #tpu.memory_space<vmem>> -> memref<1x128x128xf32, #tpu.memory_space<vmem>>
        %dma_wait3A_168 = tpu.memref_squeeze %dma_wait3A_167 : memref<1x128x128xf32, #tpu.memory_space<vmem>> -> memref<128x128xf32, #tpu.memory_space<vmem>>
        %dma_wait3A_169 = arith.constant 0 : i32
        %dma_wait3A_170 = tpu.memref_slice %arg7[%scan3A_152, %dma_wait3A_169] : memref<40x128xi32, #tpu.memory_space<vmem>> -> memref<1x128xi32, #tpu.memory_space<vmem>>
        %dma_wait3A_171 = tpu.memref_squeeze %dma_wait3A_170 : memref<1x128xi32, #tpu.memory_space<vmem>> -> memref<128xi32, #tpu.memory_space<vmem>>
        %dma_wait3A_172 = arith.constant 0 : i32
        %dma_wait3A_173 = arith.constant 0 : i32
        %dma_wait3A_174 = tpu.memref_slice %arg2[%dma_wait3A_172, %dma_wait3A_173] : memref<10240x128xf32, #tpu.memory_space<hbm>> -> memref<10240x128xf32, #tpu.memory_space<hbm>>
        tpu.wait_indirect_dma semaphore(%arg10 : memref<!tpu.dma_semaphore, #tpu.memory_space<semaphore_mem>>) src(%dma_wait3A_174 : memref<10240x128xf32, #tpu.memory_space<hbm>>) dst(%dma_wait3A_168 : memref<128x128xf32, #tpu.memory_space<vmem>>)
        %dma_start3A_175 = arith.constant 0 : i32
        %dma_start3A_176 = arith.constant 0 : i32
        %dma_start3A_177 = arith.constant 0 : i32
        %dma_start3A_178 = tpu.memref_slice %arg9[%dma_start3A_175, %dma_start3A_176, %dma_start3A_177] : memref<2x128x128xf32, #tpu.memory_space<vmem>> -> memref<1x128x128xf32, #tpu.memory_space<vmem>>
        %dma_start3A_179 = tpu.memref_squeeze %dma_start3A_178 : memref<1x128x128xf32, #tpu.memory_space<vmem>> -> memref<128x128xf32, #tpu.memory_space<vmem>>
        %dma_start3A_180 = arith.constant 0 : i32
        %dma_start3A_181 = tpu.memref_slice %arg8[%scan3A_152, %dma_start3A_180] : memref<40x128xi32, #tpu.memory_space<vmem>> -> memref<1x128xi32, #tpu.memory_space<vmem>>
        %dma_start3A_182 = tpu.memref_squeeze %dma_start3A_181 : memref<1x128xi32, #tpu.memory_space<vmem>> -> memref<128xi32, #tpu.memory_space<vmem>>
        %dma_start3A_183 = arith.constant 0 : i32
        %dma_start3A_184 = arith.constant 0 : i32
        %dma_start3A_185 = tpu.memref_slice %arg3[%dma_start3A_183, %dma_start3A_184] : memref<10240x128xf32, #tpu.memory_space<hbm>> -> memref<10240x128xf32, #tpu.memory_space<hbm>>
        tpu.enqueue_indirect_dma source(%dma_start3A_185 : memref<10240x128xf32, #tpu.memory_space<hbm>>) target(%dma_start3A_179 : memref<128x128xf32, #tpu.memory_space<vmem>>) offsets(%dma_start3A_182 : memref<128xi32, #tpu.memory_space<vmem>>) semaphore(%arg11 : memref<!tpu.dma_semaphore, #tpu.memory_space<semaphore_mem>>) {add = true}
        %dma_wait3A_186 = arith.constant 0 : i32
        %dma_wait3A_187 = arith.constant 0 : i32
        %dma_wait3A_188 = arith.constant 0 : i32
        %dma_wait3A_189 = tpu.memref_slice %arg9[%dma_wait3A_186, %dma_wait3A_187, %dma_wait3A_188] : memref<2x128x128xf32, #tpu.memory_space<vmem>> -> memref<1x128x128xf32, #tpu.memory_space<vmem>>
        %dma_wait3A_190 = tpu.memref_squeeze %dma_wait3A_189 : memref<1x128x128xf32, #tpu.memory_space<vmem>> -> memref<128x128xf32, #tpu.memory_space<vmem>>
        %dma_wait3A_191 = arith.constant 0 : i32
        %dma_wait3A_192 = tpu.memref_slice %arg8[%scan3A_152, %dma_wait3A_191] : memref<40x128xi32, #tpu.memory_space<vmem>> -> memref<1x128xi32, #tpu.memory_space<vmem>>
        %dma_wait3A_193 = tpu.memref_squeeze %dma_wait3A_192 : memref<1x128xi32, #tpu.memory_space<vmem>> -> memref<128xi32, #tpu.memory_space<vmem>>
        %dma_wait3A_194 = arith.constant 0 : i32
        %dma_wait3A_195 = arith.constant 0 : i32
        %dma_wait3A_196 = tpu.memref_slice %arg3[%dma_wait3A_194, %dma_wait3A_195] : memref<10240x128xf32, #tpu.memory_space<hbm>> -> memref<10240x128xf32, #tpu.memory_space<hbm>>
        tpu.wait_indirect_dma semaphore(%arg11 : memref<!tpu.dma_semaphore, #tpu.memory_space<semaphore_mem>>) src(%dma_wait3A_196 : memref<10240x128xf32, #tpu.memory_space<hbm>>) dst(%dma_wait3A_190 : memref<128x128xf32, #tpu.memory_space<vmem>>)
        %add3A_197 = arith.constant 2496 : i32
        %add3A_198 = arith.addi %add3A_197, %scan3A_152 : i32
        %mul3A_199 = arith.constant 128 : i32
        %mul3A_200 = arith.muli %add3A_198, %mul3A_199 : i32
        %multiple_of3A = tpu.assume_multiple %mul3A_200, 128 : i32
        %run_scoped3A = arith.constant 0 : i32
        "tpu.region"() ({
          %run_scoped3A_201 = tpu.sem_alloc : memref<!tpu.dma_semaphore, #tpu.memory_space<semaphore_mem>>
          %dma_start3A_202 = arith.constant 0 : i32
          %dma_start3A_203 = arith.constant 0 : i32
          %dma_start3A_204 = tpu.memref_slice %arg9[%run_scoped3A, %dma_start3A_202, %dma_start3A_203] : memref<2x128x128xf32, #tpu.memory_space<vmem>> -> memref<1x128x128xf32, #tpu.memory_space<vmem>>
          %dma_start3A_205 = tpu.memref_squeeze %dma_start3A_204 : memref<1x128x128xf32, #tpu.memory_space<vmem>> -> memref<128x128xf32, #tpu.memory_space<vmem>>
          %dma_start3A_206 = arith.constant 0 : i32
          %dma_start3A_207 = tpu.memref_slice %arg6[%multiple_of3A, %dma_start3A_206] : memref<320000x128xf32, #tpu.memory_space<hbm>> -> memref<128x128xf32, #tpu.memory_space<hbm>>
          %dma_start3A_208 = arith.constant 0 : i32
          %dma_start3A_209 = tpu.memref_slice %arg6[%multiple_of3A, %dma_start3A_208] : memref<320000x128xf32, #tpu.memory_space<hbm>> -> memref<128x128xf32, #tpu.memory_space<hbm>>
          %dma_start3A_210 = arith.constant 0 : i32
          %dma_start3A_211 = arith.constant 0 : i32
          %dma_start3A_212 = tpu.memref_slice %arg9[%run_scoped3A, %dma_start3A_210, %dma_start3A_211] : memref<2x128x128xf32, #tpu.memory_space<vmem>> -> memref<1x128x128xf32, #tpu.memory_space<vmem>>
          %dma_start3A_213 = tpu.memref_squeeze %dma_start3A_212 : memref<1x128x128xf32, #tpu.memory_space<vmem>> -> memref<128x128xf32, #tpu.memory_space<vmem>>
          tpu.enqueue_dma source(%dma_start3A_213 : memref<128x128xf32, #tpu.memory_space<vmem>>) target(%dma_start3A_209 : memref<128x128xf32, #tpu.memory_space<hbm>>) target_semaphore(%run_scoped3A_201 : memref<!tpu.dma_semaphore, #tpu.memory_space<semaphore_mem>>)
          %dma_wait3A_214 = arith.constant 0 : i32
          %dma_wait3A_215 = arith.constant 0 : i32
          %dma_wait3A_216 = tpu.memref_slice %arg9[%run_scoped3A, %dma_wait3A_214, %dma_wait3A_215] : memref<2x128x128xf32, #tpu.memory_space<vmem>> -> memref<1x128x128xf32, #tpu.memory_space<vmem>>
          %dma_wait3A_217 = tpu.memref_squeeze %dma_wait3A_216 : memref<1x128x128xf32, #tpu.memory_space<vmem>> -> memref<128x128xf32, #tpu.memory_space<vmem>>
          %dma_wait3A_218 = arith.constant 0 : i32
          %dma_wait3A_219 = tpu.memref_slice %arg6[%multiple_of3A, %dma_wait3A_218] : memref<320000x128xf32, #tpu.memory_space<hbm>> -> memref<128x128xf32, #tpu.memory_space<hbm>>
          %dma_wait3A_220 = arith.constant 0 : i32
          %dma_wait3A_221 = tpu.memref_slice %arg6[%multiple_of3A, %dma_wait3A_220] : memref<320000x128xf32, #tpu.memory_space<hbm>> -> memref<128x128xf32, #tpu.memory_space<hbm>>
          %dma_wait3A_222 = arith.constant 0 : i32
          %dma_wait3A_223 = arith.constant 0 : i32
          %dma_wait3A_224 = tpu.memref_slice %arg9[%run_scoped3A, %dma_wait3A_222, %dma_wait3A_223] : memref<2x128x128xf32, #tpu.memory_space<vmem>> -> memref<1x128x128xf32, #tpu.memory_space<vmem>>
          %dma_wait3A_225 = tpu.memref_squeeze %dma_wait3A_224 : memref<1x128x128xf32, #tpu.memory_space<vmem>> -> memref<128x128xf32, #tpu.memory_space<vmem>>
          tpu.wait_dma2 semaphore(%run_scoped3A_201 : memref<!tpu.dma_semaphore, #tpu.memory_space<semaphore_mem>>) src(%dma_wait3A_225 : memref<128x128xf32, #tpu.memory_space<vmem>>) dst(%dma_wait3A_221 : memref<128x128xf32, #tpu.memory_space<hbm>>)
          tpu.yield
        }) : () -> ()
      }
      %scan3A_151 = arith.constant 4 : i32
    } else {
    }
    return
  }
}

#map = affine_map<(d0, d1) -> (0, 0)>
#map1 = affine_map<(d0, d1) -> (0, 0, 0)>
module attributes {stable_mosaic.version = 14 : i64} {
  func.func @_agg_body(%arg0: i32, %arg1: i32, %arg2: memref<10240x128xf32, #tpu.memory_space<hbm>>, %arg3: memref<2500x128xi32, #tpu.memory_space<hbm>>, %arg4: memref<2500x128xi32, #tpu.memory_space<hbm>>, %arg5: memref<2x10240x128xf32, #tpu.memory_space<hbm>>, %arg6: memref<40x128xi32, #tpu.memory_space<vmem>>, %arg7: memref<40x128xi32, #tpu.memory_space<vmem>>, %arg8: memref<2x128x128xf32, #tpu.memory_space<vmem>>, %arg9: memref<10240x128xf32, #tpu.memory_space<vmem_shared>>, %arg10: memref<!tpu.dma_semaphore, #tpu.memory_space<semaphore_mem>>) attributes {dimension_semantics = [#tpu.dimension_semantics<core_parallel>, #tpu.dimension_semantics<subcore_parallel>], iteration_bounds = array<i64: 2, 16>, scalar_prefetch = 0 : i64, scratch_operands = 5 : i64, tpu.core_type = #tpu.core_type<sc_vector_subcore>, window_params = [{transform_indices = #map}, {transform_indices = #map}, {transform_indices = #map}, {transform_indices = #map1}]} {
    %eq3A = arith.constant 0 : i32
    %eq3A_0 = arith.cmpi eq, %arg0, %eq3A : i32
    %jit3A = arith.constant 0 : i32
    %jit3A_1 = arith.constant 156 : i32
    %select_n3A = arith.select %eq3A_0, %jit3A, %jit3A_1 : i32
    %eq3A_2 = arith.constant 0 : i32
    %eq3A_3 = arith.cmpi eq, %arg0, %eq3A_2 : i32
    %jit3A_4 = arith.constant 156 : i32
    %jit3A_5 = arith.constant 156 : i32
    %select_n3A_6 = arith.select %eq3A_3, %jit3A_4, %jit3A_5 : i32
    %mul3A = arith.muli %arg1, %select_n3A_6 : i32
    %jit3A_7 = arith.constant 16 : i32
    %div3A = arith.divsi %mul3A, %jit3A_7 : i32
    %sign3A = arith.constant 0 : i32
    %sign3A_8 = arith.cmpi sgt, %mul3A, %sign3A : i32
    %sign3A_9 = arith.extui %sign3A_8 : i1 to i32
    %sign3A_10 = arith.constant 0 : i32
    %sign3A_11 = arith.cmpi slt, %mul3A, %sign3A_10 : i32
    %sign3A_12 = arith.extui %sign3A_11 : i1 to i32
    %sign3A_13 = arith.subi %sign3A_9, %sign3A_12 : i32
    %sign3A_14 = arith.constant 0 : i32
    %sign3A_15 = arith.cmpi sgt, %jit3A_7, %sign3A_14 : i32
    %sign3A_16 = arith.extui %sign3A_15 : i1 to i32
    %sign3A_17 = arith.constant 0 : i32
    %sign3A_18 = arith.cmpi slt, %jit3A_7, %sign3A_17 : i32
    %sign3A_19 = arith.extui %sign3A_18 : i1 to i32
    %sign3A_20 = arith.subi %sign3A_16, %sign3A_19 : i32
    %ne3A = arith.cmpi ne, %sign3A_13, %sign3A_20 : i32
    %rem3A = arith.remsi %mul3A, %jit3A_7 : i32
    %ne3A_21 = arith.constant 0 : i32
    %ne3A_22 = arith.cmpi ne, %rem3A, %ne3A_21 : i32
    %and3A = arith.andi %ne3A, %ne3A_22 : i1
    %sub3A = arith.constant 1 : i32
    %sub3A_23 = arith.subi %div3A, %sub3A : i32
    %select_n3A_24 = arith.select %and3A, %sub3A_23, %div3A : i32
    %add3A = arith.addi %select_n3A, %select_n3A_24 : i32
    %mul3A_25 = arith.constant 8 : i32
    %mul3A_26 = arith.muli %mul3A_25, %add3A : i32
    %add3A_27 = arith.constant 1 : i32
    %add3A_28 = arith.addi %arg1, %add3A_27 : i32
    %mul3A_29 = arith.muli %add3A_28, %select_n3A_6 : i32
    %jit3A_30 = arith.constant 16 : i32
    %div3A_31 = arith.divsi %mul3A_29, %jit3A_30 : i32
    %sign3A_32 = arith.constant 0 : i32
    %sign3A_33 = arith.cmpi sgt, %mul3A_29, %sign3A_32 : i32
    %sign3A_34 = arith.extui %sign3A_33 : i1 to i32
    %sign3A_35 = arith.constant 0 : i32
    %sign3A_36 = arith.cmpi slt, %mul3A_29, %sign3A_35 : i32
    %sign3A_37 = arith.extui %sign3A_36 : i1 to i32
    %sign3A_38 = arith.subi %sign3A_34, %sign3A_37 : i32
    %sign3A_39 = arith.constant 0 : i32
    %sign3A_40 = arith.cmpi sgt, %jit3A_30, %sign3A_39 : i32
    %sign3A_41 = arith.extui %sign3A_40 : i1 to i32
    %sign3A_42 = arith.constant 0 : i32
    %sign3A_43 = arith.cmpi slt, %jit3A_30, %sign3A_42 : i32
    %sign3A_44 = arith.extui %sign3A_43 : i1 to i32
    %sign3A_45 = arith.subi %sign3A_41, %sign3A_44 : i32
    %ne3A_46 = arith.cmpi ne, %sign3A_38, %sign3A_45 : i32
    %rem3A_47 = arith.remsi %mul3A_29, %jit3A_30 : i32
    %ne3A_48 = arith.constant 0 : i32
    %ne3A_49 = arith.cmpi ne, %rem3A_47, %ne3A_48 : i32
    %and3A_50 = arith.andi %ne3A_46, %ne3A_49 : i1
    %sub3A_51 = arith.constant 1 : i32
    %sub3A_52 = arith.subi %div3A_31, %sub3A_51 : i32
    %select_n3A_53 = arith.select %and3A_50, %sub3A_52, %div3A_31 : i32
    %add3A_54 = arith.addi %select_n3A, %select_n3A_53 : i32
    %mul3A_55 = arith.constant 8 : i32
    %mul3A_56 = arith.muli %mul3A_55, %add3A_54 : i32
    %scan3A = arith.constant 0 : i32
    %scan3A_57 = arith.constant 0 : i32
    %scan3A_58 = arith.constant 1024 : i32
    %scan3A_59 = arith.addi %scan3A_57, %scan3A_58 : i32
    %scan3A_60 = arith.constant 1 : i32
    scf.for %scan3A_135 = %scan3A_57 to %scan3A_59 step %scan3A_60  : i32 {
      %jit3A_136 = arith.constant 8 : i32
      %div3A_137 = arith.divsi %scan3A_135, %jit3A_136 : i32
      %sign3A_138 = arith.constant 0 : i32
      %sign3A_139 = arith.cmpi sgt, %scan3A_135, %sign3A_138 : i32
      %sign3A_140 = arith.extui %sign3A_139 : i1 to i32
      %sign3A_141 = arith.constant 0 : i32
      %sign3A_142 = arith.cmpi slt, %scan3A_135, %sign3A_141 : i32
      %sign3A_143 = arith.extui %sign3A_142 : i1 to i32
      %sign3A_144 = arith.subi %sign3A_140, %sign3A_143 : i32
      %sign3A_145 = arith.constant 0 : i32
      %sign3A_146 = arith.cmpi sgt, %jit3A_136, %sign3A_145 : i32
      %sign3A_147 = arith.extui %sign3A_146 : i1 to i32
      %sign3A_148 = arith.constant 0 : i32
      %sign3A_149 = arith.cmpi slt, %jit3A_136, %sign3A_148 : i32
      %sign3A_150 = arith.extui %sign3A_149 : i1 to i32
      %sign3A_151 = arith.subi %sign3A_147, %sign3A_150 : i32
      %ne3A_152 = arith.cmpi ne, %sign3A_144, %sign3A_151 : i32
      %rem3A_153 = arith.remsi %scan3A_135, %jit3A_136 : i32
      %ne3A_154 = arith.constant 0 : i32
      %ne3A_155 = arith.cmpi ne, %rem3A_153, %ne3A_154 : i32
      %and3A_156 = arith.andi %ne3A_152, %ne3A_155 : i1
      %sub3A_157 = arith.constant 1 : i32
      %sub3A_158 = arith.subi %div3A_137, %sub3A_157 : i32
      %select_n3A_159 = arith.select %and3A_156, %sub3A_158, %div3A_137 : i32
      %jit3A_160 = arith.constant 8 : i32
      %eq3A_161 = arith.constant 0 : i32
      %eq3A_162 = arith.cmpi eq, %jit3A_160, %eq3A_161 : i32
      %jit3A_163 = arith.constant 1 : i32
      %select_n3A_164 = arith.select %eq3A_162, %jit3A_163, %jit3A_160 : i32
      %rem3A_165 = arith.remsi %scan3A_135, %select_n3A_164 : i32
      %ne3A_166 = arith.constant 0 : i32
      %ne3A_167 = arith.cmpi ne, %rem3A_165, %ne3A_166 : i32
      %lt3A = arith.constant 0 : i32
      %lt3A_168 = arith.cmpi slt, %rem3A_165, %lt3A : i32
      %lt3A_169 = arith.constant 0 : i32
      %lt3A_170 = arith.cmpi slt, %select_n3A_164, %lt3A_169 : i32
      %ne3A_171 = arith.xori %lt3A_168, %lt3A_170 : i1
      %and3A_172 = arith.andi %ne3A_171, %ne3A_167 : i1
      %add3A_173 = arith.addi %rem3A_165, %select_n3A_164 : i32
      %select_n3A_174 = arith.select %and3A_172, %add3A_173, %rem3A_165 : i32
      %broadcast_in_dim3A = arith.constant 0.000000e+00 : f32
      %broadcast_in_dim3A_175 = vector.broadcast %broadcast_in_dim3A : f32 to vector<16xf32>
      %mul3A_176 = arith.constant 16 : i32
      %mul3A_177 = arith.muli %select_n3A_174, %mul3A_176 : i32
      %swap3A = arith.constant 0 : i32
      %swap3A_178 = arith.index_cast %swap3A : i32 to index
      %swap3A_179 = arith.index_cast %select_n3A_159 : i32 to index
      %swap3A_180 = arith.index_cast %mul3A_177 : i32 to index
      %swap3A_181 = tpu.vector_load %arg8[%swap3A_178, %swap3A_179, %swap3A_180] {strides = array<i32>} : memref<2x128x128xf32, #tpu.memory_space<vmem>>, vector<1x1x16xf32>,
      %swap3A_182 = vector.shape_cast %swap3A_181 : vector<1x1x16xf32> to vector<16xf32>
      %swap3A_183 = vector.shape_cast %broadcast_in_dim3A_175 : vector<16xf32> to vector<1x1x16xf32>
      tpu.vector_store %arg8[%swap3A_178, %swap3A_179, %swap3A_180], %swap3A_183 {strides = array<i32>} : memref<2x128x128xf32, #tpu.memory_space<vmem>>, vector<1x1x16xf32>,
    }
    %scan3A_61 = arith.constant 1024 : i32
    %mul3A_62 = arith.constant 640 : i32
    %mul3A_63 = arith.muli %arg1, %mul3A_62 : i32
    %add3A_64 = arith.constant 0 : i32
    %add3A_65 = arith.addi %mul3A_63, %add3A_64 : i32
    %run_scoped3A = arith.constant 0 : i32
    "tpu.region"() ({
      %run_scoped3A_135 = tpu.sem_alloc : memref<!tpu.dma_semaphore, #tpu.memory_space<semaphore_mem>>
      %dma_start3A = arith.constant 0 : i32
      %dma_start3A_136 = arith.constant 0 : i32
      %dma_start3A_137 = tpu.memref_slice %arg8[%run_scoped3A, %dma_start3A, %dma_start3A_136] : memref<2x128x128xf32, #tpu.memory_space<vmem>> -> memref<1x128x128xf32, #tpu.memory_space<vmem>>
      %dma_start3A_138 = tpu.memref_squeeze %dma_start3A_137 : memref<1x128x128xf32, #tpu.memory_space<vmem>> -> memref<128x128xf32, #tpu.memory_space<vmem>>
      %dma_start3A_139 = arith.constant 0 : i32
      %dma_start3A_140 = tpu.memref_slice %arg9[%add3A_65, %dma_start3A_139] : memref<10240x128xf32, #tpu.memory_space<vmem_shared>> -> memref<128x128xf32, #tpu.memory_space<vmem_shared>>
      %dma_start3A_141 = arith.constant 0 : i32
      %dma_start3A_142 = tpu.memref_slice %arg9[%add3A_65, %dma_start3A_141] : memref<10240x128xf32, #tpu.memory_space<vmem_shared>> -> memref<128x128xf32, #tpu.memory_space<vmem_shared>>
      %dma_start3A_143 = arith.constant 0 : i32
      %dma_start3A_144 = arith.constant 0 : i32
      %dma_start3A_145 = tpu.memref_slice %arg8[%run_scoped3A, %dma_start3A_143, %dma_start3A_144] : memref<2x128x128xf32, #tpu.memory_space<vmem>> -> memref<1x128x128xf32, #tpu.memory_space<vmem>>
      %dma_start3A_146 = tpu.memref_squeeze %dma_start3A_145 : memref<1x128x128xf32, #tpu.memory_space<vmem>> -> memref<128x128xf32, #tpu.memory_space<vmem>>
      tpu.enqueue_dma source(%dma_start3A_146 : memref<128x128xf32, #tpu.memory_space<vmem>>) target(%dma_start3A_142 : memref<128x128xf32, #tpu.memory_space<vmem_shared>>) target_semaphore(%run_scoped3A_135 : memref<!tpu.dma_semaphore, #tpu.memory_space<semaphore_mem>>)
      %dma_wait3A = arith.constant 0 : i32
      %dma_wait3A_147 = arith.constant 0 : i32
      %dma_wait3A_148 = tpu.memref_slice %arg8[%run_scoped3A, %dma_wait3A, %dma_wait3A_147] : memref<2x128x128xf32, #tpu.memory_space<vmem>> -> memref<1x128x128xf32, #tpu.memory_space<vmem>>
      %dma_wait3A_149 = tpu.memref_squeeze %dma_wait3A_148 : memref<1x128x128xf32, #tpu.memory_space<vmem>> -> memref<128x128xf32, #tpu.memory_space<vmem>>
      %dma_wait3A_150 = arith.constant 0 : i32
      %dma_wait3A_151 = tpu.memref_slice %arg9[%add3A_65, %dma_wait3A_150] : memref<10240x128xf32, #tpu.memory_space<vmem_shared>> -> memref<128x128xf32, #tpu.memory_space<vmem_shared>>
      %dma_wait3A_152 = arith.constant 0 : i32
      %dma_wait3A_153 = tpu.memref_slice %arg9[%add3A_65, %dma_wait3A_152] : memref<10240x128xf32, #tpu.memory_space<vmem_shared>> -> memref<128x128xf32, #tpu.memory_space<vmem_shared>>
      %dma_wait3A_154 = arith.constant 0 : i32
      %dma_wait3A_155 = arith.constant 0 : i32
      %dma_wait3A_156 = tpu.memref_slice %arg8[%run_scoped3A, %dma_wait3A_154, %dma_wait3A_155] : memref<2x128x128xf32, #tpu.memory_space<vmem>> -> memref<1x128x128xf32, #tpu.memory_space<vmem>>
      %dma_wait3A_157 = tpu.memref_squeeze %dma_wait3A_156 : memref<1x128x128xf32, #tpu.memory_space<vmem>> -> memref<128x128xf32, #tpu.memory_space<vmem>>
      tpu.wait_dma2 semaphore(%run_scoped3A_135 : memref<!tpu.dma_semaphore, #tpu.memory_space<semaphore_mem>>) src(%dma_wait3A_157 : memref<128x128xf32, #tpu.memory_space<vmem>>) dst(%dma_wait3A_153 : memref<128x128xf32, #tpu.memory_space<vmem_shared>>)
      tpu.yield
    }) : () -> ()
    %mul3A_66 = arith.constant 640 : i32
    %mul3A_67 = arith.muli %arg1, %mul3A_66 : i32
    %add3A_68 = arith.constant 128 : i32
    %add3A_69 = arith.addi %mul3A_67, %add3A_68 : i32
    %run_scoped3A_70 = arith.constant 0 : i32
    "tpu.region"() ({
      %run_scoped3A_135 = tpu.sem_alloc : memref<!tpu.dma_semaphore, #tpu.memory_space<semaphore_mem>>
      %dma_start3A = arith.constant 0 : i32
      %dma_start3A_136 = arith.constant 0 : i32
      %dma_start3A_137 = tpu.memref_slice %arg8[%run_scoped3A_70, %dma_start3A, %dma_start3A_136] : memref<2x128x128xf32, #tpu.memory_space<vmem>> -> memref<1x128x128xf32, #tpu.memory_space<vmem>>
      %dma_start3A_138 = tpu.memref_squeeze %dma_start3A_137 : memref<1x128x128xf32, #tpu.memory_space<vmem>> -> memref<128x128xf32, #tpu.memory_space<vmem>>
      %dma_start3A_139 = arith.constant 0 : i32
      %dma_start3A_140 = tpu.memref_slice %arg9[%add3A_69, %dma_start3A_139] : memref<10240x128xf32, #tpu.memory_space<vmem_shared>> -> memref<128x128xf32, #tpu.memory_space<vmem_shared>>
      %dma_start3A_141 = arith.constant 0 : i32
      %dma_start3A_142 = tpu.memref_slice %arg9[%add3A_69, %dma_start3A_141] : memref<10240x128xf32, #tpu.memory_space<vmem_shared>> -> memref<128x128xf32, #tpu.memory_space<vmem_shared>>
      %dma_start3A_143 = arith.constant 0 : i32
      %dma_start3A_144 = arith.constant 0 : i32
      %dma_start3A_145 = tpu.memref_slice %arg8[%run_scoped3A_70, %dma_start3A_143, %dma_start3A_144] : memref<2x128x128xf32, #tpu.memory_space<vmem>> -> memref<1x128x128xf32, #tpu.memory_space<vmem>>
      %dma_start3A_146 = tpu.memref_squeeze %dma_start3A_145 : memref<1x128x128xf32, #tpu.memory_space<vmem>> -> memref<128x128xf32, #tpu.memory_space<vmem>>
      tpu.enqueue_dma source(%dma_start3A_146 : memref<128x128xf32, #tpu.memory_space<vmem>>) target(%dma_start3A_142 : memref<128x128xf32, #tpu.memory_space<vmem_shared>>) target_semaphore(%run_scoped3A_135 : memref<!tpu.dma_semaphore, #tpu.memory_space<semaphore_mem>>)
      %dma_wait3A = arith.constant 0 : i32
      %dma_wait3A_147 = arith.constant 0 : i32
      %dma_wait3A_148 = tpu.memref_slice %arg8[%run_scoped3A_70, %dma_wait3A, %dma_wait3A_147] : memref<2x128x128xf32, #tpu.memory_space<vmem>> -> memref<1x128x128xf32, #tpu.memory_space<vmem>>
      %dma_wait3A_149 = tpu.memref_squeeze %dma_wait3A_148 : memref<1x128x128xf32, #tpu.memory_space<vmem>> -> memref<128x128xf32, #tpu.memory_space<vmem>>
      %dma_wait3A_150 = arith.constant 0 : i32
      %dma_wait3A_151 = tpu.memref_slice %arg9[%add3A_69, %dma_wait3A_150] : memref<10240x128xf32, #tpu.memory_space<vmem_shared>> -> memref<128x128xf32, #tpu.memory_space<vmem_shared>>
      %dma_wait3A_152 = arith.constant 0 : i32
      %dma_wait3A_153 = tpu.memref_slice %arg9[%add3A_69, %dma_wait3A_152] : memref<10240x128xf32, #tpu.memory_space<vmem_shared>> -> memref<128x128xf32, #tpu.memory_space<vmem_shared>>
      %dma_wait3A_154 = arith.constant 0 : i32
      %dma_wait3A_155 = arith.constant 0 : i32
      %dma_wait3A_156 = tpu.memref_slice %arg8[%run_scoped3A_70, %dma_wait3A_154, %dma_wait3A_155] : memref<2x128x128xf32, #tpu.memory_space<vmem>> -> memref<1x128x128xf32, #tpu.memory_space<vmem>>
      %dma_wait3A_157 = tpu.memref_squeeze %dma_wait3A_156 : memref<1x128x128xf32, #tpu.memory_space<vmem>> -> memref<128x128xf32, #tpu.memory_space<vmem>>
      tpu.wait_dma2 semaphore(%run_scoped3A_135 : memref<!tpu.dma_semaphore, #tpu.memory_space<semaphore_mem>>) src(%dma_wait3A_157 : memref<128x128xf32, #tpu.memory_space<vmem>>) dst(%dma_wait3A_153 : memref<128x128xf32, #tpu.memory_space<vmem_shared>>)
      tpu.yield
    }) : () -> ()
    %mul3A_71 = arith.constant 640 : i32
    %mul3A_72 = arith.muli %arg1, %mul3A_71 : i32
    %add3A_73 = arith.constant 256 : i32
    %add3A_74 = arith.addi %mul3A_72, %add3A_73 : i32
    %run_scoped3A_75 = arith.constant 0 : i32
    "tpu.region"() ({
      %run_scoped3A_135 = tpu.sem_alloc : memref<!tpu.dma_semaphore, #tpu.memory_space<semaphore_mem>>
      %dma_start3A = arith.constant 0 : i32
      %dma_start3A_136 = arith.constant 0 : i32
      %dma_start3A_137 = tpu.memref_slice %arg8[%run_scoped3A_75, %dma_start3A, %dma_start3A_136] : memref<2x128x128xf32, #tpu.memory_space<vmem>> -> memref<1x128x128xf32, #tpu.memory_space<vmem>>
      %dma_start3A_138 = tpu.memref_squeeze %dma_start3A_137 : memref<1x128x128xf32, #tpu.memory_space<vmem>> -> memref<128x128xf32, #tpu.memory_space<vmem>>
      %dma_start3A_139 = arith.constant 0 : i32
      %dma_start3A_140 = tpu.memref_slice %arg9[%add3A_74, %dma_start3A_139] : memref<10240x128xf32, #tpu.memory_space<vmem_shared>> -> memref<128x128xf32, #tpu.memory_space<vmem_shared>>
      %dma_start3A_141 = arith.constant 0 : i32
      %dma_start3A_142 = tpu.memref_slice %arg9[%add3A_74, %dma_start3A_141] : memref<10240x128xf32, #tpu.memory_space<vmem_shared>> -> memref<128x128xf32, #tpu.memory_space<vmem_shared>>
      %dma_start3A_143 = arith.constant 0 : i32
      %dma_start3A_144 = arith.constant 0 : i32
      %dma_start3A_145 = tpu.memref_slice %arg8[%run_scoped3A_75, %dma_start3A_143, %dma_start3A_144] : memref<2x128x128xf32, #tpu.memory_space<vmem>> -> memref<1x128x128xf32, #tpu.memory_space<vmem>>
      %dma_start3A_146 = tpu.memref_squeeze %dma_start3A_145 : memref<1x128x128xf32, #tpu.memory_space<vmem>> -> memref<128x128xf32, #tpu.memory_space<vmem>>
      tpu.enqueue_dma source(%dma_start3A_146 : memref<128x128xf32, #tpu.memory_space<vmem>>) target(%dma_start3A_142 : memref<128x128xf32, #tpu.memory_space<vmem_shared>>) target_semaphore(%run_scoped3A_135 : memref<!tpu.dma_semaphore, #tpu.memory_space<semaphore_mem>>)
      %dma_wait3A = arith.constant 0 : i32
      %dma_wait3A_147 = arith.constant 0 : i32
      %dma_wait3A_148 = tpu.memref_slice %arg8[%run_scoped3A_75, %dma_wait3A, %dma_wait3A_147] : memref<2x128x128xf32, #tpu.memory_space<vmem>> -> memref<1x128x128xf32, #tpu.memory_space<vmem>>
      %dma_wait3A_149 = tpu.memref_squeeze %dma_wait3A_148 : memref<1x128x128xf32, #tpu.memory_space<vmem>> -> memref<128x128xf32, #tpu.memory_space<vmem>>
      %dma_wait3A_150 = arith.constant 0 : i32
      %dma_wait3A_151 = tpu.memref_slice %arg9[%add3A_74, %dma_wait3A_150] : memref<10240x128xf32, #tpu.memory_space<vmem_shared>> -> memref<128x128xf32, #tpu.memory_space<vmem_shared>>
      %dma_wait3A_152 = arith.constant 0 : i32
      %dma_wait3A_153 = tpu.memref_slice %arg9[%add3A_74, %dma_wait3A_152] : memref<10240x128xf32, #tpu.memory_space<vmem_shared>> -> memref<128x128xf32, #tpu.memory_space<vmem_shared>>
      %dma_wait3A_154 = arith.constant 0 : i32
      %dma_wait3A_155 = arith.constant 0 : i32
      %dma_wait3A_156 = tpu.memref_slice %arg8[%run_scoped3A_75, %dma_wait3A_154, %dma_wait3A_155] : memref<2x128x128xf32, #tpu.memory_space<vmem>> -> memref<1x128x128xf32, #tpu.memory_space<vmem>>
      %dma_wait3A_157 = tpu.memref_squeeze %dma_wait3A_156 : memref<1x128x128xf32, #tpu.memory_space<vmem>> -> memref<128x128xf32, #tpu.memory_space<vmem>>
      tpu.wait_dma2 semaphore(%run_scoped3A_135 : memref<!tpu.dma_semaphore, #tpu.memory_space<semaphore_mem>>) src(%dma_wait3A_157 : memref<128x128xf32, #tpu.memory_space<vmem>>) dst(%dma_wait3A_153 : memref<128x128xf32, #tpu.memory_space<vmem_shared>>)
      tpu.yield
    }) : () -> ()
    %mul3A_76 = arith.constant 640 : i32
    %mul3A_77 = arith.muli %arg1, %mul3A_76 : i32
    %add3A_78 = arith.constant 384 : i32
    %add3A_79 = arith.addi %mul3A_77, %add3A_78 : i32
    %run_scoped3A_80 = arith.constant 0 : i32
    "tpu.region"() ({
      %run_scoped3A_135 = tpu.sem_alloc : memref<!tpu.dma_semaphore, #tpu.memory_space<semaphore_mem>>
      %dma_start3A = arith.constant 0 : i32
      %dma_start3A_136 = arith.constant 0 : i32
      %dma_start3A_137 = tpu.memref_slice %arg8[%run_scoped3A_80, %dma_start3A, %dma_start3A_136] : memref<2x128x128xf32, #tpu.memory_space<vmem>> -> memref<1x128x128xf32, #tpu.memory_space<vmem>>
      %dma_start3A_138 = tpu.memref_squeeze %dma_start3A_137 : memref<1x128x128xf32, #tpu.memory_space<vmem>> -> memref<128x128xf32, #tpu.memory_space<vmem>>
      %dma_start3A_139 = arith.constant 0 : i32
      %dma_start3A_140 = tpu.memref_slice %arg9[%add3A_79, %dma_start3A_139] : memref<10240x128xf32, #tpu.memory_space<vmem_shared>> -> memref<128x128xf32, #tpu.memory_space<vmem_shared>>
      %dma_start3A_141 = arith.constant 0 : i32
      %dma_start3A_142 = tpu.memref_slice %arg9[%add3A_79, %dma_start3A_141] : memref<10240x128xf32, #tpu.memory_space<vmem_shared>> -> memref<128x128xf32, #tpu.memory_space<vmem_shared>>
      %dma_start3A_143 = arith.constant 0 : i32
      %dma_start3A_144 = arith.constant 0 : i32
      %dma_start3A_145 = tpu.memref_slice %arg8[%run_scoped3A_80, %dma_start3A_143, %dma_start3A_144] : memref<2x128x128xf32, #tpu.memory_space<vmem>> -> memref<1x128x128xf32, #tpu.memory_space<vmem>>
      %dma_start3A_146 = tpu.memref_squeeze %dma_start3A_145 : memref<1x128x128xf32, #tpu.memory_space<vmem>> -> memref<128x128xf32, #tpu.memory_space<vmem>>
      tpu.enqueue_dma source(%dma_start3A_146 : memref<128x128xf32, #tpu.memory_space<vmem>>) target(%dma_start3A_142 : memref<128x128xf32, #tpu.memory_space<vmem_shared>>) target_semaphore(%run_scoped3A_135 : memref<!tpu.dma_semaphore, #tpu.memory_space<semaphore_mem>>)
      %dma_wait3A = arith.constant 0 : i32
      %dma_wait3A_147 = arith.constant 0 : i32
      %dma_wait3A_148 = tpu.memref_slice %arg8[%run_scoped3A_80, %dma_wait3A, %dma_wait3A_147] : memref<2x128x128xf32, #tpu.memory_space<vmem>> -> memref<1x128x128xf32, #tpu.memory_space<vmem>>
      %dma_wait3A_149 = tpu.memref_squeeze %dma_wait3A_148 : memref<1x128x128xf32, #tpu.memory_space<vmem>> -> memref<128x128xf32, #tpu.memory_space<vmem>>
      %dma_wait3A_150 = arith.constant 0 : i32
      %dma_wait3A_151 = tpu.memref_slice %arg9[%add3A_79, %dma_wait3A_150] : memref<10240x128xf32, #tpu.memory_space<vmem_shared>> -> memref<128x128xf32, #tpu.memory_space<vmem_shared>>
      %dma_wait3A_152 = arith.constant 0 : i32
      %dma_wait3A_153 = tpu.memref_slice %arg9[%add3A_79, %dma_wait3A_152] : memref<10240x128xf32, #tpu.memory_space<vmem_shared>> -> memref<128x128xf32, #tpu.memory_space<vmem_shared>>
      %dma_wait3A_154 = arith.constant 0 : i32
      %dma_wait3A_155 = arith.constant 0 : i32
      %dma_wait3A_156 = tpu.memref_slice %arg8[%run_scoped3A_80, %dma_wait3A_154, %dma_wait3A_155] : memref<2x128x128xf32, #tpu.memory_space<vmem>> -> memref<1x128x128xf32, #tpu.memory_space<vmem>>
      %dma_wait3A_157 = tpu.memref_squeeze %dma_wait3A_156 : memref<1x128x128xf32, #tpu.memory_space<vmem>> -> memref<128x128xf32, #tpu.memory_space<vmem>>
      tpu.wait_dma2 semaphore(%run_scoped3A_135 : memref<!tpu.dma_semaphore, #tpu.memory_space<semaphore_mem>>) src(%dma_wait3A_157 : memref<128x128xf32, #tpu.memory_space<vmem>>) dst(%dma_wait3A_153 : memref<128x128xf32, #tpu.memory_space<vmem_shared>>)
      tpu.yield
    }) : () -> ()
    %mul3A_81 = arith.constant 640 : i32
    %mul3A_82 = arith.muli %arg1, %mul3A_81 : i32
    %add3A_83 = arith.constant 512 : i32
    %add3A_84 = arith.addi %mul3A_82, %add3A_83 : i32
    %run_scoped3A_85 = arith.constant 0 : i32
    "tpu.region"() ({
      %run_scoped3A_135 = tpu.sem_alloc : memref<!tpu.dma_semaphore, #tpu.memory_space<semaphore_mem>>
      %dma_start3A = arith.constant 0 : i32
      %dma_start3A_136 = arith.constant 0 : i32
      %dma_start3A_137 = tpu.memref_slice %arg8[%run_scoped3A_85, %dma_start3A, %dma_start3A_136] : memref<2x128x128xf32, #tpu.memory_space<vmem>> -> memref<1x128x128xf32, #tpu.memory_space<vmem>>
      %dma_start3A_138 = tpu.memref_squeeze %dma_start3A_137 : memref<1x128x128xf32, #tpu.memory_space<vmem>> -> memref<128x128xf32, #tpu.memory_space<vmem>>
      %dma_start3A_139 = arith.constant 0 : i32
      %dma_start3A_140 = tpu.memref_slice %arg9[%add3A_84, %dma_start3A_139] : memref<10240x128xf32, #tpu.memory_space<vmem_shared>> -> memref<128x128xf32, #tpu.memory_space<vmem_shared>>
      %dma_start3A_141 = arith.constant 0 : i32
      %dma_start3A_142 = tpu.memref_slice %arg9[%add3A_84, %dma_start3A_141] : memref<10240x128xf32, #tpu.memory_space<vmem_shared>> -> memref<128x128xf32, #tpu.memory_space<vmem_shared>>
      %dma_start3A_143 = arith.constant 0 : i32
      %dma_start3A_144 = arith.constant 0 : i32
      %dma_start3A_145 = tpu.memref_slice %arg8[%run_scoped3A_85, %dma_start3A_143, %dma_start3A_144] : memref<2x128x128xf32, #tpu.memory_space<vmem>> -> memref<1x128x128xf32, #tpu.memory_space<vmem>>
      %dma_start3A_146 = tpu.memref_squeeze %dma_start3A_145 : memref<1x128x128xf32, #tpu.memory_space<vmem>> -> memref<128x128xf32, #tpu.memory_space<vmem>>
      tpu.enqueue_dma source(%dma_start3A_146 : memref<128x128xf32, #tpu.memory_space<vmem>>) target(%dma_start3A_142 : memref<128x128xf32, #tpu.memory_space<vmem_shared>>) target_semaphore(%run_scoped3A_135 : memref<!tpu.dma_semaphore, #tpu.memory_space<semaphore_mem>>)
      %dma_wait3A = arith.constant 0 : i32
      %dma_wait3A_147 = arith.constant 0 : i32
      %dma_wait3A_148 = tpu.memref_slice %arg8[%run_scoped3A_85, %dma_wait3A, %dma_wait3A_147] : memref<2x128x128xf32, #tpu.memory_space<vmem>> -> memref<1x128x128xf32, #tpu.memory_space<vmem>>
      %dma_wait3A_149 = tpu.memref_squeeze %dma_wait3A_148 : memref<1x128x128xf32, #tpu.memory_space<vmem>> -> memref<128x128xf32, #tpu.memory_space<vmem>>
      %dma_wait3A_150 = arith.constant 0 : i32
      %dma_wait3A_151 = tpu.memref_slice %arg9[%add3A_84, %dma_wait3A_150] : memref<10240x128xf32, #tpu.memory_space<vmem_shared>> -> memref<128x128xf32, #tpu.memory_space<vmem_shared>>
      %dma_wait3A_152 = arith.constant 0 : i32
      %dma_wait3A_153 = tpu.memref_slice %arg9[%add3A_84, %dma_wait3A_152] : memref<10240x128xf32, #tpu.memory_space<vmem_shared>> -> memref<128x128xf32, #tpu.memory_space<vmem_shared>>
      %dma_wait3A_154 = arith.constant 0 : i32
      %dma_wait3A_155 = arith.constant 0 : i32
      %dma_wait3A_156 = tpu.memref_slice %arg8[%run_scoped3A_85, %dma_wait3A_154, %dma_wait3A_155] : memref<2x128x128xf32, #tpu.memory_space<vmem>> -> memref<1x128x128xf32, #tpu.memory_space<vmem>>
      %dma_wait3A_157 = tpu.memref_squeeze %dma_wait3A_156 : memref<1x128x128xf32, #tpu.memory_space<vmem>> -> memref<128x128xf32, #tpu.memory_space<vmem>>
      tpu.wait_dma2 semaphore(%run_scoped3A_135 : memref<!tpu.dma_semaphore, #tpu.memory_space<semaphore_mem>>) src(%dma_wait3A_157 : memref<128x128xf32, #tpu.memory_space<vmem>>) dst(%dma_wait3A_153 : memref<128x128xf32, #tpu.memory_space<vmem_shared>>)
      tpu.yield
    }) : () -> ()
    %barrier3A = arith.constant 0 : index
    tpu.barrier barrier_id(%barrier3A)
    %sub3A_86 = arith.subi %mul3A_56, %mul3A_26 : i32
    %add3A_87 = arith.constant 40 : i32
    %add3A_88 = arith.addi %sub3A_86, %add3A_87 : i32
    %sub3A_89 = arith.constant 1 : i32
    %sub3A_90 = arith.subi %add3A_88, %sub3A_89 : i32
    %jit3A_91 = arith.constant 40 : i32
    %div3A_92 = arith.divsi %sub3A_90, %jit3A_91 : i32
    %sign3A_93 = arith.constant 0 : i32
    %sign3A_94 = arith.cmpi sgt, %sub3A_90, %sign3A_93 : i32
    %sign3A_95 = arith.extui %sign3A_94 : i1 to i32
    %sign3A_96 = arith.constant 0 : i32
    %sign3A_97 = arith.cmpi slt, %sub3A_90, %sign3A_96 : i32
    %sign3A_98 = arith.extui %sign3A_97 : i1 to i32
    %sign3A_99 = arith.subi %sign3A_95, %sign3A_98 : i32
    %sign3A_100 = arith.constant 0 : i32
    %sign3A_101 = arith.cmpi sgt, %jit3A_91, %sign3A_100 : i32
    %sign3A_102 = arith.extui %sign3A_101 : i1 to i32
    %sign3A_103 = arith.constant 0 : i32
    %sign3A_104 = arith.cmpi slt, %jit3A_91, %sign3A_103 : i32
    %sign3A_105 = arith.extui %sign3A_104 : i1 to i32
    %sign3A_106 = arith.subi %sign3A_102, %sign3A_105 : i32
    %ne3A_107 = arith.cmpi ne, %sign3A_99, %sign3A_106 : i32
    %rem3A_108 = arith.remsi %sub3A_90, %jit3A_91 : i32
    %ne3A_109 = arith.constant 0 : i32
    %ne3A_110 = arith.cmpi ne, %rem3A_108, %ne3A_109 : i32
    %and3A_111 = arith.andi %ne3A_107, %ne3A_110 : i1
    %sub3A_112 = arith.constant 1 : i32
    %sub3A_113 = arith.subi %div3A_92, %sub3A_112 : i32
    %select_n3A_114 = arith.select %and3A_111, %sub3A_113, %div3A_92 : i32
    %while3A = arith.constant 0 : i32
    %while3A_115 = arith.constant 0 : i32
    %while3A_116 = arith.subi %select_n3A_114, %while3A_115 : i32
    %while3A_117 = arith.addi %while3A_115, %while3A_116 : i32
    %while3A_118 = arith.constant 1 : i32
    %while3A_119 = arith.divsi %while3A_116, %while3A_118 : i32
    %while3A_120 = arith.muli %while3A_119, %while3A_118 : i32
    %while3A_121 = arith.addi %while3A_115, %while3A_120 : i32
    %while3A_122 = arith.constant 1 : i32
    scf.for %while3A_135 = %while3A_115 to %while3A_121 step %while3A_122  : i32 {
      %mul3A_136 = arith.constant 40 : i32
      %mul3A_137 = arith.muli %while3A_135, %mul3A_136 : i32
      %add3A_138 = arith.addi %mul3A_26, %mul3A_137 : i32
      %sub3A_139 = arith.subi %mul3A_56, %add3A_138 : i32
      %min3A = arith.constant 40 : i32
      %min3A_140 = arith.minsi %min3A, %sub3A_139 : i32
      %min3A_141 = arith.constant 2456 : i32
      %min3A_142 = arith.minsi %add3A_138, %min3A_141 : i32
      %multiple_of3A = tpu.assume_multiple %min3A_142, 8 : i32
      %sub3A_143 = arith.subi %add3A_138, %multiple_of3A : i32
      %dma_start3A = arith.constant 0 : i32
      %dma_start3A_144 = tpu.memref_slice %arg3[%multiple_of3A, %dma_start3A] : memref<2500x128xi32, #tpu.memory_space<hbm>> -> memref<40x128xi32, #tpu.memory_space<hbm>>
      %dma_start3A_145 = arith.constant 0 : i32
      %dma_start3A_146 = tpu.memref_slice %arg3[%multiple_of3A, %dma_start3A_145] : memref<2500x128xi32, #tpu.memory_space<hbm>> -> memref<40x128xi32, #tpu.memory_space<hbm>>
      tpu.enqueue_dma source(%dma_start3A_146 : memref<40x128xi32, #tpu.memory_space<hbm>>) target(%arg6 : memref<40x128xi32, #tpu.memory_space<vmem>>) target_semaphore(%arg10 : memref<!tpu.dma_semaphore, #tpu.memory_space<semaphore_mem>>)
      %dma_wait3A = arith.constant 0 : i32
      %dma_wait3A_147 = tpu.memref_slice %arg3[%multiple_of3A, %dma_wait3A] : memref<2500x128xi32, #tpu.memory_space<hbm>> -> memref<40x128xi32, #tpu.memory_space<hbm>>
      %dma_wait3A_148 = arith.constant 0 : i32
      %dma_wait3A_149 = tpu.memref_slice %arg3[%multiple_of3A, %dma_wait3A_148] : memref<2500x128xi32, #tpu.memory_space<hbm>> -> memref<40x128xi32, #tpu.memory_space<hbm>>
      tpu.wait_dma2 semaphore(%arg10 : memref<!tpu.dma_semaphore, #tpu.memory_space<semaphore_mem>>) src(%dma_wait3A_149 : memref<40x128xi32, #tpu.memory_space<hbm>>) dst(%arg6 : memref<40x128xi32, #tpu.memory_space<vmem>>)
      %dma_start3A_150 = arith.constant 0 : i32
      %dma_start3A_151 = tpu.memref_slice %arg4[%multiple_of3A, %dma_start3A_150] : memref<2500x128xi32, #tpu.memory_space<hbm>> -> memref<40x128xi32, #tpu.memory_space<hbm>>
      %dma_start3A_152 = arith.constant 0 : i32
      %dma_start3A_153 = tpu.memref_slice %arg4[%multiple_of3A, %dma_start3A_152] : memref<2500x128xi32, #tpu.memory_space<hbm>> -> memref<40x128xi32, #tpu.memory_space<hbm>>
      tpu.enqueue_dma source(%dma_start3A_153 : memref<40x128xi32, #tpu.memory_space<hbm>>) target(%arg7 : memref<40x128xi32, #tpu.memory_space<vmem>>) target_semaphore(%arg10 : memref<!tpu.dma_semaphore, #tpu.memory_space<semaphore_mem>>)
      %dma_wait3A_154 = arith.constant 0 : i32
      %dma_wait3A_155 = tpu.memref_slice %arg4[%multiple_of3A, %dma_wait3A_154] : memref<2500x128xi32, #tpu.memory_space<hbm>> -> memref<40x128xi32, #tpu.memory_space<hbm>>
      %dma_wait3A_156 = arith.constant 0 : i32
      %dma_wait3A_157 = tpu.memref_slice %arg4[%multiple_of3A, %dma_wait3A_156] : memref<2500x128xi32, #tpu.memory_space<hbm>> -> memref<40x128xi32, #tpu.memory_space<hbm>>
      tpu.wait_dma2 semaphore(%arg10 : memref<!tpu.dma_semaphore, #tpu.memory_space<semaphore_mem>>) src(%dma_wait3A_157 : memref<40x128xi32, #tpu.memory_space<hbm>>) dst(%arg7 : memref<40x128xi32, #tpu.memory_space<vmem>>)
      %dma_start3A_158 = arith.constant 0 : i32
      %dma_start3A_159 = arith.constant 0 : i32
      %dma_start3A_160 = arith.constant 0 : i32
      %dma_start3A_161 = tpu.memref_slice %arg8[%dma_start3A_158, %dma_start3A_159, %dma_start3A_160] : memref<2x128x128xf32, #tpu.memory_space<vmem>> -> memref<1x128x128xf32, #tpu.memory_space<vmem>>
      %dma_start3A_162 = tpu.memref_squeeze %dma_start3A_161 : memref<1x128x128xf32, #tpu.memory_space<vmem>> -> memref<128x128xf32, #tpu.memory_space<vmem>>
      %dma_start3A_163 = arith.constant 0 : i32
      %dma_start3A_164 = tpu.memref_slice %arg6[%sub3A_143, %dma_start3A_163] : memref<40x128xi32, #tpu.memory_space<vmem>> -> memref<1x128xi32, #tpu.memory_space<vmem>>
      %dma_start3A_165 = tpu.memref_squeeze %dma_start3A_164 : memref<1x128xi32, #tpu.memory_space<vmem>> -> memref<128xi32, #tpu.memory_space<vmem>>
      %dma_start3A_166 = arith.constant 0 : i32
      %dma_start3A_167 = arith.constant 0 : i32
      %dma_start3A_168 = tpu.memref_slice %arg2[%dma_start3A_166, %dma_start3A_167] : memref<10240x128xf32, #tpu.memory_space<hbm>> -> memref<10240x128xf32, #tpu.memory_space<hbm>>
      tpu.enqueue_indirect_dma source(%dma_start3A_168 : memref<10240x128xf32, #tpu.memory_space<hbm>>) target(%dma_start3A_162 : memref<128x128xf32, #tpu.memory_space<vmem>>) offsets(%dma_start3A_165 : memref<128xi32, #tpu.memory_space<vmem>>) semaphore(%arg10 : memref<!tpu.dma_semaphore, #tpu.memory_space<semaphore_mem>>)
      %while3A_169 = arith.constant 0 : i32
      %while3A_170 = arith.constant 0 : i32
      %while3A_171 = arith.subi %min3A_140, %while3A_170 : i32
      %while3A_172 = arith.addi %while3A_170, %while3A_171 : i32
      %while3A_173 = arith.constant 1 : i32
      %while3A_174 = arith.divsi %while3A_171, %while3A_173 : i32
      %while3A_175 = arith.muli %while3A_174, %while3A_173 : i32
      %while3A_176 = arith.addi %while3A_170, %while3A_175 : i32
      %while3A_177 = arith.constant 1 : i32
      scf.for %while3A_179 = %while3A_170 to %while3A_176 step %while3A_177  : i32 {
        %jit3A_180 = arith.constant 2 : i32
        %eq3A_181 = arith.constant 0 : i32
        %eq3A_182 = arith.cmpi eq, %jit3A_180, %eq3A_181 : i32
        %jit3A_183 = arith.constant 1 : i32
        %select_n3A_184 = arith.select %eq3A_182, %jit3A_183, %jit3A_180 : i32
        %rem3A_185 = arith.remsi %while3A_179, %select_n3A_184 : i32
        %ne3A_186 = arith.constant 0 : i32
        %ne3A_187 = arith.cmpi ne, %rem3A_185, %ne3A_186 : i32
        %lt3A = arith.constant 0 : i32
        %lt3A_188 = arith.cmpi slt, %rem3A_185, %lt3A : i32
        %lt3A_189 = arith.constant 0 : i32
        %lt3A_190 = arith.cmpi slt, %select_n3A_184, %lt3A_189 : i32
        %ne3A_191 = arith.xori %lt3A_188, %lt3A_190 : i1
        %and3A_192 = arith.andi %ne3A_191, %ne3A_187 : i1
        %add3A_193 = arith.addi %rem3A_185, %select_n3A_184 : i32
        %select_n3A_194 = arith.select %and3A_192, %add3A_193, %rem3A_185 : i32
        %add3A_195 = arith.addi %sub3A_143, %while3A_179 : i32
        %dma_wait3A_196 = arith.constant 0 : i32
        %dma_wait3A_197 = arith.constant 0 : i32
        %dma_wait3A_198 = tpu.memref_slice %arg8[%select_n3A_194, %dma_wait3A_196, %dma_wait3A_197] : memref<2x128x128xf32, #tpu.memory_space<vmem>> -> memref<1x128x128xf32, #tpu.memory_space<vmem>>
        %dma_wait3A_199 = tpu.memref_squeeze %dma_wait3A_198 : memref<1x128x128xf32, #tpu.memory_space<vmem>> -> memref<128x128xf32, #tpu.memory_space<vmem>>
        %dma_wait3A_200 = arith.constant 0 : i32
        %dma_wait3A_201 = tpu.memref_slice %arg6[%add3A_195, %dma_wait3A_200] : memref<40x128xi32, #tpu.memory_space<vmem>> -> memref<1x128xi32, #tpu.memory_space<vmem>>
        %dma_wait3A_202 = tpu.memref_squeeze %dma_wait3A_201 : memref<1x128xi32, #tpu.memory_space<vmem>> -> memref<128xi32, #tpu.memory_space<vmem>>
        %dma_wait3A_203 = arith.constant 0 : i32
        %dma_wait3A_204 = arith.constant 0 : i32
        %dma_wait3A_205 = tpu.memref_slice %arg2[%dma_wait3A_203, %dma_wait3A_204] : memref<10240x128xf32, #tpu.memory_space<hbm>> -> memref<10240x128xf32, #tpu.memory_space<hbm>>
        tpu.wait_indirect_dma semaphore(%arg10 : memref<!tpu.dma_semaphore, #tpu.memory_space<semaphore_mem>>) src(%dma_wait3A_205 : memref<10240x128xf32, #tpu.memory_space<hbm>>) dst(%dma_wait3A_199 : memref<128x128xf32, #tpu.memory_space<vmem>>)
        %add3A_206 = arith.constant 1 : i32
        %add3A_207 = arith.addi %while3A_179, %add3A_206 : i32
        %lt3A_208 = arith.cmpi slt, %add3A_207, %min3A_140 : i32
        %convert_element_type3A_209 = arith.extui %lt3A_208 : i1 to i32
        %cond3A_210 = arith.constant 0 : i32
        %cond3A_211 = arith.cmpi ne, %convert_element_type3A_209, %cond3A_210 : i32
        scf.if %cond3A_211 {
          %add3A_213 = arith.addi %sub3A_143, %while3A_179 : i32
          %add3A_214 = arith.constant 1 : i32
          %add3A_215 = arith.addi %add3A_213, %add3A_214 : i32
          %add3A_216 = arith.constant 1 : i32
          %add3A_217 = arith.addi %while3A_179, %add3A_216 : i32
          %jit3A_218 = arith.constant 2 : i32
          %eq3A_219 = arith.constant 0 : i32
          %eq3A_220 = arith.cmpi eq, %jit3A_218, %eq3A_219 : i32
          %jit3A_221 = arith.constant 1 : i32
          %select_n3A_222 = arith.select %eq3A_220, %jit3A_221, %jit3A_218 : i32
          %rem3A_223 = arith.remsi %add3A_217, %select_n3A_222 : i32
          %ne3A_224 = arith.constant 0 : i32
          %ne3A_225 = arith.cmpi ne, %rem3A_223, %ne3A_224 : i32
          %lt3A_226 = arith.constant 0 : i32
          %lt3A_227 = arith.cmpi slt, %rem3A_223, %lt3A_226 : i32
          %lt3A_228 = arith.constant 0 : i32
          %lt3A_229 = arith.cmpi slt, %select_n3A_222, %lt3A_228 : i32
          %ne3A_230 = arith.xori %lt3A_227, %lt3A_229 : i1
          %and3A_231 = arith.andi %ne3A_230, %ne3A_225 : i1
          %add3A_232 = arith.addi %rem3A_223, %select_n3A_222 : i32
          %select_n3A_233 = arith.select %and3A_231, %add3A_232, %rem3A_223 : i32
          %dma_start3A_234 = arith.constant 0 : i32
          %dma_start3A_235 = arith.constant 0 : i32
          %dma_start3A_236 = tpu.memref_slice %arg8[%select_n3A_233, %dma_start3A_234, %dma_start3A_235] : memref<2x128x128xf32, #tpu.memory_space<vmem>> -> memref<1x128x128xf32, #tpu.memory_space<vmem>>
          %dma_start3A_237 = tpu.memref_squeeze %dma_start3A_236 : memref<1x128x128xf32, #tpu.memory_space<vmem>> -> memref<128x128xf32, #tpu.memory_space<vmem>>
          %dma_start3A_238 = arith.constant 0 : i32
          %dma_start3A_239 = tpu.memref_slice %arg6[%add3A_215, %dma_start3A_238] : memref<40x128xi32, #tpu.memory_space<vmem>> -> memref<1x128xi32, #tpu.memory_space<vmem>>
          %dma_start3A_240 = tpu.memref_squeeze %dma_start3A_239 : memref<1x128xi32, #tpu.memory_space<vmem>> -> memref<128xi32, #tpu.memory_space<vmem>>
          %dma_start3A_241 = arith.constant 0 : i32
          %dma_start3A_242 = arith.constant 0 : i32
          %dma_start3A_243 = tpu.memref_slice %arg2[%dma_start3A_241, %dma_start3A_242] : memref<10240x128xf32, #tpu.memory_space<hbm>> -> memref<10240x128xf32, #tpu.memory_space<hbm>>
          tpu.enqueue_indirect_dma source(%dma_start3A_243 : memref<10240x128xf32, #tpu.memory_space<hbm>>) target(%dma_start3A_237 : memref<128x128xf32, #tpu.memory_space<vmem>>) offsets(%dma_start3A_240 : memref<128xi32, #tpu.memory_space<vmem>>) semaphore(%arg10 : memref<!tpu.dma_semaphore, #tpu.memory_space<semaphore_mem>>)
        } else {
        }
        %add3A_212 = arith.addi %sub3A_143, %while3A_179 : i32
        "tpu.region"() ({
          %run_scoped3A_213 = tpu.sem_alloc : memref<!tpu.dma_semaphore, #tpu.memory_space<semaphore_mem>>
          %dma_start3A_214 = arith.constant 0 : i32
          %dma_start3A_215 = arith.constant 0 : i32
          %dma_start3A_216 = tpu.memref_slice %arg8[%select_n3A_194, %dma_start3A_214, %dma_start3A_215] : memref<2x128x128xf32, #tpu.memory_space<vmem>> -> memref<1x128x128xf32, #tpu.memory_space<vmem>>
          %dma_start3A_217 = tpu.memref_squeeze %dma_start3A_216 : memref<1x128x128xf32, #tpu.memory_space<vmem>> -> memref<128x128xf32, #tpu.memory_space<vmem>>
          %dma_start3A_218 = arith.constant 0 : i32
          %dma_start3A_219 = tpu.memref_slice %arg7[%add3A_212, %dma_start3A_218] : memref<40x128xi32, #tpu.memory_space<vmem>> -> memref<1x128xi32, #tpu.memory_space<vmem>>
          %dma_start3A_220 = tpu.memref_squeeze %dma_start3A_219 : memref<1x128xi32, #tpu.memory_space<vmem>> -> memref<128xi32, #tpu.memory_space<vmem>>
          %dma_start3A_221 = arith.constant 0 : i32
          %dma_start3A_222 = arith.constant 0 : i32
          %dma_start3A_223 = tpu.memref_slice %arg9[%dma_start3A_221, %dma_start3A_222] : memref<10240x128xf32, #tpu.memory_space<vmem_shared>> -> memref<10240x128xf32, #tpu.memory_space<vmem_shared>>
          tpu.enqueue_indirect_dma source(%dma_start3A_217 : memref<128x128xf32, #tpu.memory_space<vmem>>) target(%dma_start3A_223 : memref<10240x128xf32, #tpu.memory_space<vmem_shared>>) offsets(%dma_start3A_220 : memref<128xi32, #tpu.memory_space<vmem>>) semaphore(%run_scoped3A_213 : memref<!tpu.dma_semaphore, #tpu.memory_space<semaphore_mem>>) {add = true}
          %dma_wait3A_224 = arith.constant 0 : i32
          %dma_wait3A_225 = arith.constant 0 : i32
          %dma_wait3A_226 = tpu.memref_slice %arg8[%select_n3A_194, %dma_wait3A_224, %dma_wait3A_225] : memref<2x128x128xf32, #tpu.memory_space<vmem>> -> memref<1x128x128xf32, #tpu.memory_space<vmem>>
          %dma_wait3A_227 = tpu.memref_squeeze %dma_wait3A_226 : memref<1x128x128xf32, #tpu.memory_space<vmem>> -> memref<128x128xf32, #tpu.memory_space<vmem>>
          %dma_wait3A_228 = arith.constant 0 : i32
          %dma_wait3A_229 = tpu.memref_slice %arg7[%add3A_212, %dma_wait3A_228] : memref<40x128xi32, #tpu.memory_space<vmem>> -> memref<1x128xi32, #tpu.memory_space<vmem>>
          %dma_wait3A_230 = tpu.memref_squeeze %dma_wait3A_229 : memref<1x128xi32, #tpu.memory_space<vmem>> -> memref<128xi32, #tpu.memory_space<vmem>>
          %dma_wait3A_231 = arith.constant 0 : i32
          %dma_wait3A_232 = arith.constant 0 : i32
          %dma_wait3A_233 = tpu.memref_slice %arg9[%dma_wait3A_231, %dma_wait3A_232] : memref<10240x128xf32, #tpu.memory_space<vmem_shared>> -> memref<10240x128xf32, #tpu.memory_space<vmem_shared>>
          tpu.wait_indirect_dma semaphore(%run_scoped3A_213 : memref<!tpu.dma_semaphore, #tpu.memory_space<semaphore_mem>>) src(%dma_wait3A_227 : memref<128x128xf32, #tpu.memory_space<vmem>>) dst(%dma_wait3A_233 : memref<10240x128xf32, #tpu.memory_space<vmem_shared>>)
          tpu.yield
        }) : () -> ()
      }
      %while3A_178 = arith.constant 1 : i32
      scf.for %while3A_179 = %while3A_176 to %while3A_172 step %while3A_178  : i32 {
        %jit3A_180 = arith.constant 2 : i32
        %eq3A_181 = arith.constant 0 : i32
        %eq3A_182 = arith.cmpi eq, %jit3A_180, %eq3A_181 : i32
        %jit3A_183 = arith.constant 1 : i32
        %select_n3A_184 = arith.select %eq3A_182, %jit3A_183, %jit3A_180 : i32
        %rem3A_185 = arith.remsi %while3A_179, %select_n3A_184 : i32
        %ne3A_186 = arith.constant 0 : i32
        %ne3A_187 = arith.cmpi ne, %rem3A_185, %ne3A_186 : i32
        %lt3A = arith.constant 0 : i32
        %lt3A_188 = arith.cmpi slt, %rem3A_185, %lt3A : i32
        %lt3A_189 = arith.constant 0 : i32
        %lt3A_190 = arith.cmpi slt, %select_n3A_184, %lt3A_189 : i32
        %ne3A_191 = arith.xori %lt3A_188, %lt3A_190 : i1
        %and3A_192 = arith.andi %ne3A_191, %ne3A_187 : i1
        %add3A_193 = arith.addi %rem3A_185, %select_n3A_184 : i32
        %select_n3A_194 = arith.select %and3A_192, %add3A_193, %rem3A_185 : i32
        %add3A_195 = arith.addi %sub3A_143, %while3A_179 : i32
        %dma_wait3A_196 = arith.constant 0 : i32
        %dma_wait3A_197 = arith.constant 0 : i32
        %dma_wait3A_198 = tpu.memref_slice %arg8[%select_n3A_194, %dma_wait3A_196, %dma_wait3A_197] : memref<2x128x128xf32, #tpu.memory_space<vmem>> -> memref<1x128x128xf32, #tpu.memory_space<vmem>>
        %dma_wait3A_199 = tpu.memref_squeeze %dma_wait3A_198 : memref<1x128x128xf32, #tpu.memory_space<vmem>> -> memref<128x128xf32, #tpu.memory_space<vmem>>
        %dma_wait3A_200 = arith.constant 0 : i32
        %dma_wait3A_201 = tpu.memref_slice %arg6[%add3A_195, %dma_wait3A_200] : memref<40x128xi32, #tpu.memory_space<vmem>> -> memref<1x128xi32, #tpu.memory_space<vmem>>
        %dma_wait3A_202 = tpu.memref_squeeze %dma_wait3A_201 : memref<1x128xi32, #tpu.memory_space<vmem>> -> memref<128xi32, #tpu.memory_space<vmem>>
        %dma_wait3A_203 = arith.constant 0 : i32
        %dma_wait3A_204 = arith.constant 0 : i32
        %dma_wait3A_205 = tpu.memref_slice %arg2[%dma_wait3A_203, %dma_wait3A_204] : memref<10240x128xf32, #tpu.memory_space<hbm>> -> memref<10240x128xf32, #tpu.memory_space<hbm>>
        tpu.wait_indirect_dma semaphore(%arg10 : memref<!tpu.dma_semaphore, #tpu.memory_space<semaphore_mem>>) src(%dma_wait3A_205 : memref<10240x128xf32, #tpu.memory_space<hbm>>) dst(%dma_wait3A_199 : memref<128x128xf32, #tpu.memory_space<vmem>>)
        %add3A_206 = arith.constant 1 : i32
        %add3A_207 = arith.addi %while3A_179, %add3A_206 : i32
        %lt3A_208 = arith.cmpi slt, %add3A_207, %min3A_140 : i32
        %convert_element_type3A_209 = arith.extui %lt3A_208 : i1 to i32
        %cond3A_210 = arith.constant 0 : i32
        %cond3A_211 = arith.cmpi ne, %convert_element_type3A_209, %cond3A_210 : i32
        scf.if %cond3A_211 {
          %add3A_213 = arith.addi %sub3A_143, %while3A_179 : i32
          %add3A_214 = arith.constant 1 : i32
          %add3A_215 = arith.addi %add3A_213, %add3A_214 : i32
          %add3A_216 = arith.constant 1 : i32
          %add3A_217 = arith.addi %while3A_179, %add3A_216 : i32
          %jit3A_218 = arith.constant 2 : i32
          %eq3A_219 = arith.constant 0 : i32
          %eq3A_220 = arith.cmpi eq, %jit3A_218, %eq3A_219 : i32
          %jit3A_221 = arith.constant 1 : i32
          %select_n3A_222 = arith.select %eq3A_220, %jit3A_221, %jit3A_218 : i32
          %rem3A_223 = arith.remsi %add3A_217, %select_n3A_222 : i32
          %ne3A_224 = arith.constant 0 : i32
          %ne3A_225 = arith.cmpi ne, %rem3A_223, %ne3A_224 : i32
          %lt3A_226 = arith.constant 0 : i32
          %lt3A_227 = arith.cmpi slt, %rem3A_223, %lt3A_226 : i32
          %lt3A_228 = arith.constant 0 : i32
          %lt3A_229 = arith.cmpi slt, %select_n3A_222, %lt3A_228 : i32
          %ne3A_230 = arith.xori %lt3A_227, %lt3A_229 : i1
          %and3A_231 = arith.andi %ne3A_230, %ne3A_225 : i1
          %add3A_232 = arith.addi %rem3A_223, %select_n3A_222 : i32
          %select_n3A_233 = arith.select %and3A_231, %add3A_232, %rem3A_223 : i32
          %dma_start3A_234 = arith.constant 0 : i32
          %dma_start3A_235 = arith.constant 0 : i32
          %dma_start3A_236 = tpu.memref_slice %arg8[%select_n3A_233, %dma_start3A_234, %dma_start3A_235] : memref<2x128x128xf32, #tpu.memory_space<vmem>> -> memref<1x128x128xf32, #tpu.memory_space<vmem>>
          %dma_start3A_237 = tpu.memref_squeeze %dma_start3A_236 : memref<1x128x128xf32, #tpu.memory_space<vmem>> -> memref<128x128xf32, #tpu.memory_space<vmem>>
          %dma_start3A_238 = arith.constant 0 : i32
          %dma_start3A_239 = tpu.memref_slice %arg6[%add3A_215, %dma_start3A_238] : memref<40x128xi32, #tpu.memory_space<vmem>> -> memref<1x128xi32, #tpu.memory_space<vmem>>
          %dma_start3A_240 = tpu.memref_squeeze %dma_start3A_239 : memref<1x128xi32, #tpu.memory_space<vmem>> -> memref<128xi32, #tpu.memory_space<vmem>>
          %dma_start3A_241 = arith.constant 0 : i32
          %dma_start3A_242 = arith.constant 0 : i32
          %dma_start3A_243 = tpu.memref_slice %arg2[%dma_start3A_241, %dma_start3A_242] : memref<10240x128xf32, #tpu.memory_space<hbm>> -> memref<10240x128xf32, #tpu.memory_space<hbm>>
          tpu.enqueue_indirect_dma source(%dma_start3A_243 : memref<10240x128xf32, #tpu.memory_space<hbm>>) target(%dma_start3A_237 : memref<128x128xf32, #tpu.memory_space<vmem>>) offsets(%dma_start3A_240 : memref<128xi32, #tpu.memory_space<vmem>>) semaphore(%arg10 : memref<!tpu.dma_semaphore, #tpu.memory_space<semaphore_mem>>)
        } else {
        }
        %add3A_212 = arith.addi %sub3A_143, %while3A_179 : i32
        "tpu.region"() ({
          %run_scoped3A_213 = tpu.sem_alloc : memref<!tpu.dma_semaphore, #tpu.memory_space<semaphore_mem>>
          %dma_start3A_214 = arith.constant 0 : i32
          %dma_start3A_215 = arith.constant 0 : i32
          %dma_start3A_216 = tpu.memref_slice %arg8[%select_n3A_194, %dma_start3A_214, %dma_start3A_215] : memref<2x128x128xf32, #tpu.memory_space<vmem>> -> memref<1x128x128xf32, #tpu.memory_space<vmem>>
          %dma_start3A_217 = tpu.memref_squeeze %dma_start3A_216 : memref<1x128x128xf32, #tpu.memory_space<vmem>> -> memref<128x128xf32, #tpu.memory_space<vmem>>
          %dma_start3A_218 = arith.constant 0 : i32
          %dma_start3A_219 = tpu.memref_slice %arg7[%add3A_212, %dma_start3A_218] : memref<40x128xi32, #tpu.memory_space<vmem>> -> memref<1x128xi32, #tpu.memory_space<vmem>>
          %dma_start3A_220 = tpu.memref_squeeze %dma_start3A_219 : memref<1x128xi32, #tpu.memory_space<vmem>> -> memref<128xi32, #tpu.memory_space<vmem>>
          %dma_start3A_221 = arith.constant 0 : i32
          %dma_start3A_222 = arith.constant 0 : i32
          %dma_start3A_223 = tpu.memref_slice %arg9[%dma_start3A_221, %dma_start3A_222] : memref<10240x128xf32, #tpu.memory_space<vmem_shared>> -> memref<10240x128xf32, #tpu.memory_space<vmem_shared>>
          tpu.enqueue_indirect_dma source(%dma_start3A_217 : memref<128x128xf32, #tpu.memory_space<vmem>>) target(%dma_start3A_223 : memref<10240x128xf32, #tpu.memory_space<vmem_shared>>) offsets(%dma_start3A_220 : memref<128xi32, #tpu.memory_space<vmem>>) semaphore(%run_scoped3A_213 : memref<!tpu.dma_semaphore, #tpu.memory_space<semaphore_mem>>) {add = true}
          %dma_wait3A_224 = arith.constant 0 : i32
          %dma_wait3A_225 = arith.constant 0 : i32
          %dma_wait3A_226 = tpu.memref_slice %arg8[%select_n3A_194, %dma_wait3A_224, %dma_wait3A_225] : memref<2x128x128xf32, #tpu.memory_space<vmem>> -> memref<1x128x128xf32, #tpu.memory_space<vmem>>
          %dma_wait3A_227 = tpu.memref_squeeze %dma_wait3A_226 : memref<1x128x128xf32, #tpu.memory_space<vmem>> -> memref<128x128xf32, #tpu.memory_space<vmem>>
          %dma_wait3A_228 = arith.constant 0 : i32
          %dma_wait3A_229 = tpu.memref_slice %arg7[%add3A_212, %dma_wait3A_228] : memref<40x128xi32, #tpu.memory_space<vmem>> -> memref<1x128xi32, #tpu.memory_space<vmem>>
          %dma_wait3A_230 = tpu.memref_squeeze %dma_wait3A_229 : memref<1x128xi32, #tpu.memory_space<vmem>> -> memref<128xi32, #tpu.memory_space<vmem>>
          %dma_wait3A_231 = arith.constant 0 : i32
          %dma_wait3A_232 = arith.constant 0 : i32
          %dma_wait3A_233 = tpu.memref_slice %arg9[%dma_wait3A_231, %dma_wait3A_232] : memref<10240x128xf32, #tpu.memory_space<vmem_shared>> -> memref<10240x128xf32, #tpu.memory_space<vmem_shared>>
          tpu.wait_indirect_dma semaphore(%run_scoped3A_213 : memref<!tpu.dma_semaphore, #tpu.memory_space<semaphore_mem>>) src(%dma_wait3A_227 : memref<128x128xf32, #tpu.memory_space<vmem>>) dst(%dma_wait3A_233 : memref<10240x128xf32, #tpu.memory_space<vmem_shared>>)
          tpu.yield
        }) : () -> ()
      }
    }
    %while3A_123 = arith.constant 1 : i32
    scf.for %while3A_135 = %while3A_121 to %while3A_117 step %while3A_123  : i32 {
      %mul3A_136 = arith.constant 40 : i32
      %mul3A_137 = arith.muli %while3A_135, %mul3A_136 : i32
      %add3A_138 = arith.addi %mul3A_26, %mul3A_137 : i32
      %sub3A_139 = arith.subi %mul3A_56, %add3A_138 : i32
      %min3A = arith.constant 40 : i32
      %min3A_140 = arith.minsi %min3A, %sub3A_139 : i32
      %min3A_141 = arith.constant 2456 : i32
      %min3A_142 = arith.minsi %add3A_138, %min3A_141 : i32
      %multiple_of3A = tpu.assume_multiple %min3A_142, 8 : i32
      %sub3A_143 = arith.subi %add3A_138, %multiple_of3A : i32
      %dma_start3A = arith.constant 0 : i32
      %dma_start3A_144 = tpu.memref_slice %arg3[%multiple_of3A, %dma_start3A] : memref<2500x128xi32, #tpu.memory_space<hbm>> -> memref<40x128xi32, #tpu.memory_space<hbm>>
      %dma_start3A_145 = arith.constant 0 : i32
      %dma_start3A_146 = tpu.memref_slice %arg3[%multiple_of3A, %dma_start3A_145] : memref<2500x128xi32, #tpu.memory_space<hbm>> -> memref<40x128xi32, #tpu.memory_space<hbm>>
      tpu.enqueue_dma source(%dma_start3A_146 : memref<40x128xi32, #tpu.memory_space<hbm>>) target(%arg6 : memref<40x128xi32, #tpu.memory_space<vmem>>) target_semaphore(%arg10 : memref<!tpu.dma_semaphore, #tpu.memory_space<semaphore_mem>>)
      %dma_wait3A = arith.constant 0 : i32
      %dma_wait3A_147 = tpu.memref_slice %arg3[%multiple_of3A, %dma_wait3A] : memref<2500x128xi32, #tpu.memory_space<hbm>> -> memref<40x128xi32, #tpu.memory_space<hbm>>
      %dma_wait3A_148 = arith.constant 0 : i32
      %dma_wait3A_149 = tpu.memref_slice %arg3[%multiple_of3A, %dma_wait3A_148] : memref<2500x128xi32, #tpu.memory_space<hbm>> -> memref<40x128xi32, #tpu.memory_space<hbm>>
      tpu.wait_dma2 semaphore(%arg10 : memref<!tpu.dma_semaphore, #tpu.memory_space<semaphore_mem>>) src(%dma_wait3A_149 : memref<40x128xi32, #tpu.memory_space<hbm>>) dst(%arg6 : memref<40x128xi32, #tpu.memory_space<vmem>>)
      %dma_start3A_150 = arith.constant 0 : i32
      %dma_start3A_151 = tpu.memref_slice %arg4[%multiple_of3A, %dma_start3A_150] : memref<2500x128xi32, #tpu.memory_space<hbm>> -> memref<40x128xi32, #tpu.memory_space<hbm>>
      %dma_start3A_152 = arith.constant 0 : i32
      %dma_start3A_153 = tpu.memref_slice %arg4[%multiple_of3A, %dma_start3A_152] : memref<2500x128xi32, #tpu.memory_space<hbm>> -> memref<40x128xi32, #tpu.memory_space<hbm>>
      tpu.enqueue_dma source(%dma_start3A_153 : memref<40x128xi32, #tpu.memory_space<hbm>>) target(%arg7 : memref<40x128xi32, #tpu.memory_space<vmem>>) target_semaphore(%arg10 : memref<!tpu.dma_semaphore, #tpu.memory_space<semaphore_mem>>)
      %dma_wait3A_154 = arith.constant 0 : i32
      %dma_wait3A_155 = tpu.memref_slice %arg4[%multiple_of3A, %dma_wait3A_154] : memref<2500x128xi32, #tpu.memory_space<hbm>> -> memref<40x128xi32, #tpu.memory_space<hbm>>
      %dma_wait3A_156 = arith.constant 0 : i32
      %dma_wait3A_157 = tpu.memref_slice %arg4[%multiple_of3A, %dma_wait3A_156] : memref<2500x128xi32, #tpu.memory_space<hbm>> -> memref<40x128xi32, #tpu.memory_space<hbm>>
      tpu.wait_dma2 semaphore(%arg10 : memref<!tpu.dma_semaphore, #tpu.memory_space<semaphore_mem>>) src(%dma_wait3A_157 : memref<40x128xi32, #tpu.memory_space<hbm>>) dst(%arg7 : memref<40x128xi32, #tpu.memory_space<vmem>>)
      %dma_start3A_158 = arith.constant 0 : i32
      %dma_start3A_159 = arith.constant 0 : i32
      %dma_start3A_160 = arith.constant 0 : i32
      %dma_start3A_161 = tpu.memref_slice %arg8[%dma_start3A_158, %dma_start3A_159, %dma_start3A_160] : memref<2x128x128xf32, #tpu.memory_space<vmem>> -> memref<1x128x128xf32, #tpu.memory_space<vmem>>
      %dma_start3A_162 = tpu.memref_squeeze %dma_start3A_161 : memref<1x128x128xf32, #tpu.memory_space<vmem>> -> memref<128x128xf32, #tpu.memory_space<vmem>>
      %dma_start3A_163 = arith.constant 0 : i32
      %dma_start3A_164 = tpu.memref_slice %arg6[%sub3A_143, %dma_start3A_163] : memref<40x128xi32, #tpu.memory_space<vmem>> -> memref<1x128xi32, #tpu.memory_space<vmem>>
      %dma_start3A_165 = tpu.memref_squeeze %dma_start3A_164 : memref<1x128xi32, #tpu.memory_space<vmem>> -> memref<128xi32, #tpu.memory_space<vmem>>
      %dma_start3A_166 = arith.constant 0 : i32
      %dma_start3A_167 = arith.constant 0 : i32
      %dma_start3A_168 = tpu.memref_slice %arg2[%dma_start3A_166, %dma_start3A_167] : memref<10240x128xf32, #tpu.memory_space<hbm>> -> memref<10240x128xf32, #tpu.memory_space<hbm>>
      tpu.enqueue_indirect_dma source(%dma_start3A_168 : memref<10240x128xf32, #tpu.memory_space<hbm>>) target(%dma_start3A_162 : memref<128x128xf32, #tpu.memory_space<vmem>>) offsets(%dma_start3A_165 : memref<128xi32, #tpu.memory_space<vmem>>) semaphore(%arg10 : memref<!tpu.dma_semaphore, #tpu.memory_space<semaphore_mem>>)
      %while3A_169 = arith.constant 0 : i32
      %while3A_170 = arith.constant 0 : i32
      %while3A_171 = arith.subi %min3A_140, %while3A_170 : i32
      %while3A_172 = arith.addi %while3A_170, %while3A_171 : i32
      %while3A_173 = arith.constant 1 : i32
      %while3A_174 = arith.divsi %while3A_171, %while3A_173 : i32
      %while3A_175 = arith.muli %while3A_174, %while3A_173 : i32
      %while3A_176 = arith.addi %while3A_170, %while3A_175 : i32
      %while3A_177 = arith.constant 1 : i32
      scf.for %while3A_179 = %while3A_170 to %while3A_176 step %while3A_177  : i32 {
        %jit3A_180 = arith.constant 2 : i32
        %eq3A_181 = arith.constant 0 : i32
        %eq3A_182 = arith.cmpi eq, %jit3A_180, %eq3A_181 : i32
        %jit3A_183 = arith.constant 1 : i32
        %select_n3A_184 = arith.select %eq3A_182, %jit3A_183, %jit3A_180 : i32
        %rem3A_185 = arith.remsi %while3A_179, %select_n3A_184 : i32
        %ne3A_186 = arith.constant 0 : i32
        %ne3A_187 = arith.cmpi ne, %rem3A_185, %ne3A_186 : i32
        %lt3A = arith.constant 0 : i32
        %lt3A_188 = arith.cmpi slt, %rem3A_185, %lt3A : i32
        %lt3A_189 = arith.constant 0 : i32
        %lt3A_190 = arith.cmpi slt, %select_n3A_184, %lt3A_189 : i32
        %ne3A_191 = arith.xori %lt3A_188, %lt3A_190 : i1
        %and3A_192 = arith.andi %ne3A_191, %ne3A_187 : i1
        %add3A_193 = arith.addi %rem3A_185, %select_n3A_184 : i32
        %select_n3A_194 = arith.select %and3A_192, %add3A_193, %rem3A_185 : i32
        %add3A_195 = arith.addi %sub3A_143, %while3A_179 : i32
        %dma_wait3A_196 = arith.constant 0 : i32
        %dma_wait3A_197 = arith.constant 0 : i32
        %dma_wait3A_198 = tpu.memref_slice %arg8[%select_n3A_194, %dma_wait3A_196, %dma_wait3A_197] : memref<2x128x128xf32, #tpu.memory_space<vmem>> -> memref<1x128x128xf32, #tpu.memory_space<vmem>>
        %dma_wait3A_199 = tpu.memref_squeeze %dma_wait3A_198 : memref<1x128x128xf32, #tpu.memory_space<vmem>> -> memref<128x128xf32, #tpu.memory_space<vmem>>
        %dma_wait3A_200 = arith.constant 0 : i32
        %dma_wait3A_201 = tpu.memref_slice %arg6[%add3A_195, %dma_wait3A_200] : memref<40x128xi32, #tpu.memory_space<vmem>> -> memref<1x128xi32, #tpu.memory_space<vmem>>
        %dma_wait3A_202 = tpu.memref_squeeze %dma_wait3A_201 : memref<1x128xi32, #tpu.memory_space<vmem>> -> memref<128xi32, #tpu.memory_space<vmem>>
        %dma_wait3A_203 = arith.constant 0 : i32
        %dma_wait3A_204 = arith.constant 0 : i32
        %dma_wait3A_205 = tpu.memref_slice %arg2[%dma_wait3A_203, %dma_wait3A_204] : memref<10240x128xf32, #tpu.memory_space<hbm>> -> memref<10240x128xf32, #tpu.memory_space<hbm>>
        tpu.wait_indirect_dma semaphore(%arg10 : memref<!tpu.dma_semaphore, #tpu.memory_space<semaphore_mem>>) src(%dma_wait3A_205 : memref<10240x128xf32, #tpu.memory_space<hbm>>) dst(%dma_wait3A_199 : memref<128x128xf32, #tpu.memory_space<vmem>>)
        %add3A_206 = arith.constant 1 : i32
        %add3A_207 = arith.addi %while3A_179, %add3A_206 : i32
        %lt3A_208 = arith.cmpi slt, %add3A_207, %min3A_140 : i32
        %convert_element_type3A_209 = arith.extui %lt3A_208 : i1 to i32
        %cond3A_210 = arith.constant 0 : i32
        %cond3A_211 = arith.cmpi ne, %convert_element_type3A_209, %cond3A_210 : i32
        scf.if %cond3A_211 {
          %add3A_213 = arith.addi %sub3A_143, %while3A_179 : i32
          %add3A_214 = arith.constant 1 : i32
          %add3A_215 = arith.addi %add3A_213, %add3A_214 : i32
          %add3A_216 = arith.constant 1 : i32
          %add3A_217 = arith.addi %while3A_179, %add3A_216 : i32
          %jit3A_218 = arith.constant 2 : i32
          %eq3A_219 = arith.constant 0 : i32
          %eq3A_220 = arith.cmpi eq, %jit3A_218, %eq3A_219 : i32
          %jit3A_221 = arith.constant 1 : i32
          %select_n3A_222 = arith.select %eq3A_220, %jit3A_221, %jit3A_218 : i32
          %rem3A_223 = arith.remsi %add3A_217, %select_n3A_222 : i32
          %ne3A_224 = arith.constant 0 : i32
          %ne3A_225 = arith.cmpi ne, %rem3A_223, %ne3A_224 : i32
          %lt3A_226 = arith.constant 0 : i32
          %lt3A_227 = arith.cmpi slt, %rem3A_223, %lt3A_226 : i32
          %lt3A_228 = arith.constant 0 : i32
          %lt3A_229 = arith.cmpi slt, %select_n3A_222, %lt3A_228 : i32
          %ne3A_230 = arith.xori %lt3A_227, %lt3A_229 : i1
          %and3A_231 = arith.andi %ne3A_230, %ne3A_225 : i1
          %add3A_232 = arith.addi %rem3A_223, %select_n3A_222 : i32
          %select_n3A_233 = arith.select %and3A_231, %add3A_232, %rem3A_223 : i32
          %dma_start3A_234 = arith.constant 0 : i32
          %dma_start3A_235 = arith.constant 0 : i32
          %dma_start3A_236 = tpu.memref_slice %arg8[%select_n3A_233, %dma_start3A_234, %dma_start3A_235] : memref<2x128x128xf32, #tpu.memory_space<vmem>> -> memref<1x128x128xf32, #tpu.memory_space<vmem>>
          %dma_start3A_237 = tpu.memref_squeeze %dma_start3A_236 : memref<1x128x128xf32, #tpu.memory_space<vmem>> -> memref<128x128xf32, #tpu.memory_space<vmem>>
          %dma_start3A_238 = arith.constant 0 : i32
          %dma_start3A_239 = tpu.memref_slice %arg6[%add3A_215, %dma_start3A_238] : memref<40x128xi32, #tpu.memory_space<vmem>> -> memref<1x128xi32, #tpu.memory_space<vmem>>
          %dma_start3A_240 = tpu.memref_squeeze %dma_start3A_239 : memref<1x128xi32, #tpu.memory_space<vmem>> -> memref<128xi32, #tpu.memory_space<vmem>>
          %dma_start3A_241 = arith.constant 0 : i32
          %dma_start3A_242 = arith.constant 0 : i32
          %dma_start3A_243 = tpu.memref_slice %arg2[%dma_start3A_241, %dma_start3A_242] : memref<10240x128xf32, #tpu.memory_space<hbm>> -> memref<10240x128xf32, #tpu.memory_space<hbm>>
          tpu.enqueue_indirect_dma source(%dma_start3A_243 : memref<10240x128xf32, #tpu.memory_space<hbm>>) target(%dma_start3A_237 : memref<128x128xf32, #tpu.memory_space<vmem>>) offsets(%dma_start3A_240 : memref<128xi32, #tpu.memory_space<vmem>>) semaphore(%arg10 : memref<!tpu.dma_semaphore, #tpu.memory_space<semaphore_mem>>)
        } else {
        }
        %add3A_212 = arith.addi %sub3A_143, %while3A_179 : i32
        "tpu.region"() ({
          %run_scoped3A_213 = tpu.sem_alloc : memref<!tpu.dma_semaphore, #tpu.memory_space<semaphore_mem>>
          %dma_start3A_214 = arith.constant 0 : i32
          %dma_start3A_215 = arith.constant 0 : i32
          %dma_start3A_216 = tpu.memref_slice %arg8[%select_n3A_194, %dma_start3A_214, %dma_start3A_215] : memref<2x128x128xf32, #tpu.memory_space<vmem>> -> memref<1x128x128xf32, #tpu.memory_space<vmem>>
          %dma_start3A_217 = tpu.memref_squeeze %dma_start3A_216 : memref<1x128x128xf32, #tpu.memory_space<vmem>> -> memref<128x128xf32, #tpu.memory_space<vmem>>
          %dma_start3A_218 = arith.constant 0 : i32
          %dma_start3A_219 = tpu.memref_slice %arg7[%add3A_212, %dma_start3A_218] : memref<40x128xi32, #tpu.memory_space<vmem>> -> memref<1x128xi32, #tpu.memory_space<vmem>>
          %dma_start3A_220 = tpu.memref_squeeze %dma_start3A_219 : memref<1x128xi32, #tpu.memory_space<vmem>> -> memref<128xi32, #tpu.memory_space<vmem>>
          %dma_start3A_221 = arith.constant 0 : i32
          %dma_start3A_222 = arith.constant 0 : i32
          %dma_start3A_223 = tpu.memref_slice %arg9[%dma_start3A_221, %dma_start3A_222] : memref<10240x128xf32, #tpu.memory_space<vmem_shared>> -> memref<10240x128xf32, #tpu.memory_space<vmem_shared>>
          tpu.enqueue_indirect_dma source(%dma_start3A_217 : memref<128x128xf32, #tpu.memory_space<vmem>>) target(%dma_start3A_223 : memref<10240x128xf32, #tpu.memory_space<vmem_shared>>) offsets(%dma_start3A_220 : memref<128xi32, #tpu.memory_space<vmem>>) semaphore(%run_scoped3A_213 : memref<!tpu.dma_semaphore, #tpu.memory_space<semaphore_mem>>) {add = true}
          %dma_wait3A_224 = arith.constant 0 : i32
          %dma_wait3A_225 = arith.constant 0 : i32
          %dma_wait3A_226 = tpu.memref_slice %arg8[%select_n3A_194, %dma_wait3A_224, %dma_wait3A_225] : memref<2x128x128xf32, #tpu.memory_space<vmem>> -> memref<1x128x128xf32, #tpu.memory_space<vmem>>
          %dma_wait3A_227 = tpu.memref_squeeze %dma_wait3A_226 : memref<1x128x128xf32, #tpu.memory_space<vmem>> -> memref<128x128xf32, #tpu.memory_space<vmem>>
          %dma_wait3A_228 = arith.constant 0 : i32
          %dma_wait3A_229 = tpu.memref_slice %arg7[%add3A_212, %dma_wait3A_228] : memref<40x128xi32, #tpu.memory_space<vmem>> -> memref<1x128xi32, #tpu.memory_space<vmem>>
          %dma_wait3A_230 = tpu.memref_squeeze %dma_wait3A_229 : memref<1x128xi32, #tpu.memory_space<vmem>> -> memref<128xi32, #tpu.memory_space<vmem>>
          %dma_wait3A_231 = arith.constant 0 : i32
          %dma_wait3A_232 = arith.constant 0 : i32
          %dma_wait3A_233 = tpu.memref_slice %arg9[%dma_wait3A_231, %dma_wait3A_232] : memref<10240x128xf32, #tpu.memory_space<vmem_shared>> -> memref<10240x128xf32, #tpu.memory_space<vmem_shared>>
          tpu.wait_indirect_dma semaphore(%run_scoped3A_213 : memref<!tpu.dma_semaphore, #tpu.memory_space<semaphore_mem>>) src(%dma_wait3A_227 : memref<128x128xf32, #tpu.memory_space<vmem>>) dst(%dma_wait3A_233 : memref<10240x128xf32, #tpu.memory_space<vmem_shared>>)
          tpu.yield
        }) : () -> ()
      }
      %while3A_178 = arith.constant 1 : i32
      scf.for %while3A_179 = %while3A_176 to %while3A_172 step %while3A_178  : i32 {
        %jit3A_180 = arith.constant 2 : i32
        %eq3A_181 = arith.constant 0 : i32
        %eq3A_182 = arith.cmpi eq, %jit3A_180, %eq3A_181 : i32
        %jit3A_183 = arith.constant 1 : i32
        %select_n3A_184 = arith.select %eq3A_182, %jit3A_183, %jit3A_180 : i32
        %rem3A_185 = arith.remsi %while3A_179, %select_n3A_184 : i32
        %ne3A_186 = arith.constant 0 : i32
        %ne3A_187 = arith.cmpi ne, %rem3A_185, %ne3A_186 : i32
        %lt3A = arith.constant 0 : i32
        %lt3A_188 = arith.cmpi slt, %rem3A_185, %lt3A : i32
        %lt3A_189 = arith.constant 0 : i32
        %lt3A_190 = arith.cmpi slt, %select_n3A_184, %lt3A_189 : i32
        %ne3A_191 = arith.xori %lt3A_188, %lt3A_190 : i1
        %and3A_192 = arith.andi %ne3A_191, %ne3A_187 : i1
        %add3A_193 = arith.addi %rem3A_185, %select_n3A_184 : i32
        %select_n3A_194 = arith.select %and3A_192, %add3A_193, %rem3A_185 : i32
        %add3A_195 = arith.addi %sub3A_143, %while3A_179 : i32
        %dma_wait3A_196 = arith.constant 0 : i32
        %dma_wait3A_197 = arith.constant 0 : i32
        %dma_wait3A_198 = tpu.memref_slice %arg8[%select_n3A_194, %dma_wait3A_196, %dma_wait3A_197] : memref<2x128x128xf32, #tpu.memory_space<vmem>> -> memref<1x128x128xf32, #tpu.memory_space<vmem>>
        %dma_wait3A_199 = tpu.memref_squeeze %dma_wait3A_198 : memref<1x128x128xf32, #tpu.memory_space<vmem>> -> memref<128x128xf32, #tpu.memory_space<vmem>>
        %dma_wait3A_200 = arith.constant 0 : i32
        %dma_wait3A_201 = tpu.memref_slice %arg6[%add3A_195, %dma_wait3A_200] : memref<40x128xi32, #tpu.memory_space<vmem>> -> memref<1x128xi32, #tpu.memory_space<vmem>>
        %dma_wait3A_202 = tpu.memref_squeeze %dma_wait3A_201 : memref<1x128xi32, #tpu.memory_space<vmem>> -> memref<128xi32, #tpu.memory_space<vmem>>
        %dma_wait3A_203 = arith.constant 0 : i32
        %dma_wait3A_204 = arith.constant 0 : i32
        %dma_wait3A_205 = tpu.memref_slice %arg2[%dma_wait3A_203, %dma_wait3A_204] : memref<10240x128xf32, #tpu.memory_space<hbm>> -> memref<10240x128xf32, #tpu.memory_space<hbm>>
        tpu.wait_indirect_dma semaphore(%arg10 : memref<!tpu.dma_semaphore, #tpu.memory_space<semaphore_mem>>) src(%dma_wait3A_205 : memref<10240x128xf32, #tpu.memory_space<hbm>>) dst(%dma_wait3A_199 : memref<128x128xf32, #tpu.memory_space<vmem>>)
        %add3A_206 = arith.constant 1 : i32
        %add3A_207 = arith.addi %while3A_179, %add3A_206 : i32
        %lt3A_208 = arith.cmpi slt, %add3A_207, %min3A_140 : i32
        %convert_element_type3A_209 = arith.extui %lt3A_208 : i1 to i32
        %cond3A_210 = arith.constant 0 : i32
        %cond3A_211 = arith.cmpi ne, %convert_element_type3A_209, %cond3A_210 : i32
        scf.if %cond3A_211 {
          %add3A_213 = arith.addi %sub3A_143, %while3A_179 : i32
          %add3A_214 = arith.constant 1 : i32
          %add3A_215 = arith.addi %add3A_213, %add3A_214 : i32
          %add3A_216 = arith.constant 1 : i32
          %add3A_217 = arith.addi %while3A_179, %add3A_216 : i32
          %jit3A_218 = arith.constant 2 : i32
          %eq3A_219 = arith.constant 0 : i32
          %eq3A_220 = arith.cmpi eq, %jit3A_218, %eq3A_219 : i32
          %jit3A_221 = arith.constant 1 : i32
          %select_n3A_222 = arith.select %eq3A_220, %jit3A_221, %jit3A_218 : i32
          %rem3A_223 = arith.remsi %add3A_217, %select_n3A_222 : i32
          %ne3A_224 = arith.constant 0 : i32
          %ne3A_225 = arith.cmpi ne, %rem3A_223, %ne3A_224 : i32
          %lt3A_226 = arith.constant 0 : i32
          %lt3A_227 = arith.cmpi slt, %rem3A_223, %lt3A_226 : i32
          %lt3A_228 = arith.constant 0 : i32
          %lt3A_229 = arith.cmpi slt, %select_n3A_222, %lt3A_228 : i32
          %ne3A_230 = arith.xori %lt3A_227, %lt3A_229 : i1
          %and3A_231 = arith.andi %ne3A_230, %ne3A_225 : i1
          %add3A_232 = arith.addi %rem3A_223, %select_n3A_222 : i32
          %select_n3A_233 = arith.select %and3A_231, %add3A_232, %rem3A_223 : i32
          %dma_start3A_234 = arith.constant 0 : i32
          %dma_start3A_235 = arith.constant 0 : i32
          %dma_start3A_236 = tpu.memref_slice %arg8[%select_n3A_233, %dma_start3A_234, %dma_start3A_235] : memref<2x128x128xf32, #tpu.memory_space<vmem>> -> memref<1x128x128xf32, #tpu.memory_space<vmem>>
          %dma_start3A_237 = tpu.memref_squeeze %dma_start3A_236 : memref<1x128x128xf32, #tpu.memory_space<vmem>> -> memref<128x128xf32, #tpu.memory_space<vmem>>
          %dma_start3A_238 = arith.constant 0 : i32
          %dma_start3A_239 = tpu.memref_slice %arg6[%add3A_215, %dma_start3A_238] : memref<40x128xi32, #tpu.memory_space<vmem>> -> memref<1x128xi32, #tpu.memory_space<vmem>>
          %dma_start3A_240 = tpu.memref_squeeze %dma_start3A_239 : memref<1x128xi32, #tpu.memory_space<vmem>> -> memref<128xi32, #tpu.memory_space<vmem>>
          %dma_start3A_241 = arith.constant 0 : i32
          %dma_start3A_242 = arith.constant 0 : i32
          %dma_start3A_243 = tpu.memref_slice %arg2[%dma_start3A_241, %dma_start3A_242] : memref<10240x128xf32, #tpu.memory_space<hbm>> -> memref<10240x128xf32, #tpu.memory_space<hbm>>
          tpu.enqueue_indirect_dma source(%dma_start3A_243 : memref<10240x128xf32, #tpu.memory_space<hbm>>) target(%dma_start3A_237 : memref<128x128xf32, #tpu.memory_space<vmem>>) offsets(%dma_start3A_240 : memref<128xi32, #tpu.memory_space<vmem>>) semaphore(%arg10 : memref<!tpu.dma_semaphore, #tpu.memory_space<semaphore_mem>>)
        } else {
        }
        %add3A_212 = arith.addi %sub3A_143, %while3A_179 : i32
        "tpu.region"() ({
          %run_scoped3A_213 = tpu.sem_alloc : memref<!tpu.dma_semaphore, #tpu.memory_space<semaphore_mem>>
          %dma_start3A_214 = arith.constant 0 : i32
          %dma_start3A_215 = arith.constant 0 : i32
          %dma_start3A_216 = tpu.memref_slice %arg8[%select_n3A_194, %dma_start3A_214, %dma_start3A_215] : memref<2x128x128xf32, #tpu.memory_space<vmem>> -> memref<1x128x128xf32, #tpu.memory_space<vmem>>
          %dma_start3A_217 = tpu.memref_squeeze %dma_start3A_216 : memref<1x128x128xf32, #tpu.memory_space<vmem>> -> memref<128x128xf32, #tpu.memory_space<vmem>>
          %dma_start3A_218 = arith.constant 0 : i32
          %dma_start3A_219 = tpu.memref_slice %arg7[%add3A_212, %dma_start3A_218] : memref<40x128xi32, #tpu.memory_space<vmem>> -> memref<1x128xi32, #tpu.memory_space<vmem>>
          %dma_start3A_220 = tpu.memref_squeeze %dma_start3A_219 : memref<1x128xi32, #tpu.memory_space<vmem>> -> memref<128xi32, #tpu.memory_space<vmem>>
          %dma_start3A_221 = arith.constant 0 : i32
          %dma_start3A_222 = arith.constant 0 : i32
          %dma_start3A_223 = tpu.memref_slice %arg9[%dma_start3A_221, %dma_start3A_222] : memref<10240x128xf32, #tpu.memory_space<vmem_shared>> -> memref<10240x128xf32, #tpu.memory_space<vmem_shared>>
          tpu.enqueue_indirect_dma source(%dma_start3A_217 : memref<128x128xf32, #tpu.memory_space<vmem>>) target(%dma_start3A_223 : memref<10240x128xf32, #tpu.memory_space<vmem_shared>>) offsets(%dma_start3A_220 : memref<128xi32, #tpu.memory_space<vmem>>) semaphore(%run_scoped3A_213 : memref<!tpu.dma_semaphore, #tpu.memory_space<semaphore_mem>>) {add = true}
          %dma_wait3A_224 = arith.constant 0 : i32
          %dma_wait3A_225 = arith.constant 0 : i32
          %dma_wait3A_226 = tpu.memref_slice %arg8[%select_n3A_194, %dma_wait3A_224, %dma_wait3A_225] : memref<2x128x128xf32, #tpu.memory_space<vmem>> -> memref<1x128x128xf32, #tpu.memory_space<vmem>>
          %dma_wait3A_227 = tpu.memref_squeeze %dma_wait3A_226 : memref<1x128x128xf32, #tpu.memory_space<vmem>> -> memref<128x128xf32, #tpu.memory_space<vmem>>
          %dma_wait3A_228 = arith.constant 0 : i32
          %dma_wait3A_229 = tpu.memref_slice %arg7[%add3A_212, %dma_wait3A_228] : memref<40x128xi32, #tpu.memory_space<vmem>> -> memref<1x128xi32, #tpu.memory_space<vmem>>
          %dma_wait3A_230 = tpu.memref_squeeze %dma_wait3A_229 : memref<1x128xi32, #tpu.memory_space<vmem>> -> memref<128xi32, #tpu.memory_space<vmem>>
          %dma_wait3A_231 = arith.constant 0 : i32
          %dma_wait3A_232 = arith.constant 0 : i32
          %dma_wait3A_233 = tpu.memref_slice %arg9[%dma_wait3A_231, %dma_wait3A_232] : memref<10240x128xf32, #tpu.memory_space<vmem_shared>> -> memref<10240x128xf32, #tpu.memory_space<vmem_shared>>
          tpu.wait_indirect_dma semaphore(%run_scoped3A_213 : memref<!tpu.dma_semaphore, #tpu.memory_space<semaphore_mem>>) src(%dma_wait3A_227 : memref<128x128xf32, #tpu.memory_space<vmem>>) dst(%dma_wait3A_233 : memref<10240x128xf32, #tpu.memory_space<vmem_shared>>)
          tpu.yield
        }) : () -> ()
      }
    }
    %eq3A_124 = arith.constant 1 : i32
    %eq3A_125 = arith.cmpi eq, %arg0, %eq3A_124 : i32
    %eq3A_126 = arith.constant 15 : i32
    %eq3A_127 = arith.cmpi eq, %arg1, %eq3A_126 : i32
    %and3A_128 = arith.andi %eq3A_125, %eq3A_127 : i1
    %convert_element_type3A = arith.extui %and3A_128 : i1 to i32
    %cond3A = arith.constant 0 : i32
    %cond3A_129 = arith.cmpi ne, %convert_element_type3A, %cond3A : i32
    scf.if %cond3A_129 {
      %dma_start3A = arith.constant 0 : i32
      %dma_start3A_135 = arith.constant 0 : i32
      %dma_start3A_136 = tpu.memref_slice %arg6[%dma_start3A, %dma_start3A_135] : memref<40x128xi32, #tpu.memory_space<vmem>> -> memref<4x128xi32, #tpu.memory_space<vmem>>
      %dma_start3A_137 = arith.constant 2496 : i32
      %dma_start3A_138 = arith.constant 0 : i32
      %dma_start3A_139 = tpu.memref_slice %arg3[%dma_start3A_137, %dma_start3A_138] : memref<2500x128xi32, #tpu.memory_space<hbm>> -> memref<4x128xi32, #tpu.memory_space<hbm>>
      %dma_start3A_140 = arith.constant 0 : i32
      %dma_start3A_141 = arith.constant 0 : i32
      %dma_start3A_142 = tpu.memref_slice %arg6[%dma_start3A_140, %dma_start3A_141] : memref<40x128xi32, #tpu.memory_space<vmem>> -> memref<4x128xi32, #tpu.memory_space<vmem>>
      %dma_start3A_143 = arith.constant 2496 : i32
      %dma_start3A_144 = arith.constant 0 : i32
      %dma_start3A_145 = tpu.memref_slice %arg3[%dma_start3A_143, %dma_start3A_144] : memref<2500x128xi32, #tpu.memory_space<hbm>> -> memref<4x128xi32, #tpu.memory_space<hbm>>
      tpu.enqueue_dma source(%dma_start3A_145 : memref<4x128xi32, #tpu.memory_space<hbm>>) target(%dma_start3A_142 : memref<4x128xi32, #tpu.memory_space<vmem>>) target_semaphore(%arg10 : memref<!tpu.dma_semaphore, #tpu.memory_space<semaphore_mem>>)
      %dma_wait3A = arith.constant 0 : i32
      %dma_wait3A_146 = arith.constant 0 : i32
      %dma_wait3A_147 = tpu.memref_slice %arg6[%dma_wait3A, %dma_wait3A_146] : memref<40x128xi32, #tpu.memory_space<vmem>> -> memref<4x128xi32, #tpu.memory_space<vmem>>
      %dma_wait3A_148 = arith.constant 2496 : i32
      %dma_wait3A_149 = arith.constant 0 : i32
      %dma_wait3A_150 = tpu.memref_slice %arg3[%dma_wait3A_148, %dma_wait3A_149] : memref<2500x128xi32, #tpu.memory_space<hbm>> -> memref<4x128xi32, #tpu.memory_space<hbm>>
      %dma_wait3A_151 = arith.constant 0 : i32
      %dma_wait3A_152 = arith.constant 0 : i32
      %dma_wait3A_153 = tpu.memref_slice %arg6[%dma_wait3A_151, %dma_wait3A_152] : memref<40x128xi32, #tpu.memory_space<vmem>> -> memref<4x128xi32, #tpu.memory_space<vmem>>
      %dma_wait3A_154 = arith.constant 2496 : i32
      %dma_wait3A_155 = arith.constant 0 : i32
      %dma_wait3A_156 = tpu.memref_slice %arg3[%dma_wait3A_154, %dma_wait3A_155] : memref<2500x128xi32, #tpu.memory_space<hbm>> -> memref<4x128xi32, #tpu.memory_space<hbm>>
      tpu.wait_dma2 semaphore(%arg10 : memref<!tpu.dma_semaphore, #tpu.memory_space<semaphore_mem>>) src(%dma_wait3A_156 : memref<4x128xi32, #tpu.memory_space<hbm>>) dst(%dma_wait3A_153 : memref<4x128xi32, #tpu.memory_space<vmem>>)
      %dma_start3A_157 = arith.constant 0 : i32
      %dma_start3A_158 = arith.constant 0 : i32
      %dma_start3A_159 = tpu.memref_slice %arg7[%dma_start3A_157, %dma_start3A_158] : memref<40x128xi32, #tpu.memory_space<vmem>> -> memref<4x128xi32, #tpu.memory_space<vmem>>
      %dma_start3A_160 = arith.constant 2496 : i32
      %dma_start3A_161 = arith.constant 0 : i32
      %dma_start3A_162 = tpu.memref_slice %arg4[%dma_start3A_160, %dma_start3A_161] : memref<2500x128xi32, #tpu.memory_space<hbm>> -> memref<4x128xi32, #tpu.memory_space<hbm>>
      %dma_start3A_163 = arith.constant 0 : i32
      %dma_start3A_164 = arith.constant 0 : i32
      %dma_start3A_165 = tpu.memref_slice %arg7[%dma_start3A_163, %dma_start3A_164] : memref<40x128xi32, #tpu.memory_space<vmem>> -> memref<4x128xi32, #tpu.memory_space<vmem>>
      %dma_start3A_166 = arith.constant 2496 : i32
      %dma_start3A_167 = arith.constant 0 : i32
      %dma_start3A_168 = tpu.memref_slice %arg4[%dma_start3A_166, %dma_start3A_167] : memref<2500x128xi32, #tpu.memory_space<hbm>> -> memref<4x128xi32, #tpu.memory_space<hbm>>
      tpu.enqueue_dma source(%dma_start3A_168 : memref<4x128xi32, #tpu.memory_space<hbm>>) target(%dma_start3A_165 : memref<4x128xi32, #tpu.memory_space<vmem>>) target_semaphore(%arg10 : memref<!tpu.dma_semaphore, #tpu.memory_space<semaphore_mem>>)
      %dma_wait3A_169 = arith.constant 0 : i32
      %dma_wait3A_170 = arith.constant 0 : i32
      %dma_wait3A_171 = tpu.memref_slice %arg7[%dma_wait3A_169, %dma_wait3A_170] : memref<40x128xi32, #tpu.memory_space<vmem>> -> memref<4x128xi32, #tpu.memory_space<vmem>>
      %dma_wait3A_172 = arith.constant 2496 : i32
      %dma_wait3A_173 = arith.constant 0 : i32
      %dma_wait3A_174 = tpu.memref_slice %arg4[%dma_wait3A_172, %dma_wait3A_173] : memref<2500x128xi32, #tpu.memory_space<hbm>> -> memref<4x128xi32, #tpu.memory_space<hbm>>
      %dma_wait3A_175 = arith.constant 0 : i32
      %dma_wait3A_176 = arith.constant 0 : i32
      %dma_wait3A_177 = tpu.memref_slice %arg7[%dma_wait3A_175, %dma_wait3A_176] : memref<40x128xi32, #tpu.memory_space<vmem>> -> memref<4x128xi32, #tpu.memory_space<vmem>>
      %dma_wait3A_178 = arith.constant 2496 : i32
      %dma_wait3A_179 = arith.constant 0 : i32
      %dma_wait3A_180 = tpu.memref_slice %arg4[%dma_wait3A_178, %dma_wait3A_179] : memref<2500x128xi32, #tpu.memory_space<hbm>> -> memref<4x128xi32, #tpu.memory_space<hbm>>
      tpu.wait_dma2 semaphore(%arg10 : memref<!tpu.dma_semaphore, #tpu.memory_space<semaphore_mem>>) src(%dma_wait3A_180 : memref<4x128xi32, #tpu.memory_space<hbm>>) dst(%dma_wait3A_177 : memref<4x128xi32, #tpu.memory_space<vmem>>)
      %scan3A_181 = arith.constant 0 : i32
      %scan3A_182 = arith.constant 0 : i32
      %scan3A_183 = arith.constant 4 : i32
      %scan3A_184 = arith.addi %scan3A_182, %scan3A_183 : i32
      %scan3A_185 = arith.constant 1 : i32
      scf.for %scan3A_187 = %scan3A_182 to %scan3A_184 step %scan3A_185  : i32 {
        %dma_start3A_188 = arith.constant 0 : i32
        %dma_start3A_189 = arith.constant 0 : i32
        %dma_start3A_190 = arith.constant 0 : i32
        %dma_start3A_191 = tpu.memref_slice %arg8[%dma_start3A_188, %dma_start3A_189, %dma_start3A_190] : memref<2x128x128xf32, #tpu.memory_space<vmem>> -> memref<1x128x128xf32, #tpu.memory_space<vmem>>
        %dma_start3A_192 = tpu.memref_squeeze %dma_start3A_191 : memref<1x128x128xf32, #tpu.memory_space<vmem>> -> memref<128x128xf32, #tpu.memory_space<vmem>>
        %dma_start3A_193 = arith.constant 0 : i32
        %dma_start3A_194 = tpu.memref_slice %arg6[%scan3A_187, %dma_start3A_193] : memref<40x128xi32, #tpu.memory_space<vmem>> -> memref<1x128xi32, #tpu.memory_space<vmem>>
        %dma_start3A_195 = tpu.memref_squeeze %dma_start3A_194 : memref<1x128xi32, #tpu.memory_space<vmem>> -> memref<128xi32, #tpu.memory_space<vmem>>
        %dma_start3A_196 = arith.constant 0 : i32
        %dma_start3A_197 = arith.constant 0 : i32
        %dma_start3A_198 = tpu.memref_slice %arg2[%dma_start3A_196, %dma_start3A_197] : memref<10240x128xf32, #tpu.memory_space<hbm>> -> memref<10240x128xf32, #tpu.memory_space<hbm>>
        tpu.enqueue_indirect_dma source(%dma_start3A_198 : memref<10240x128xf32, #tpu.memory_space<hbm>>) target(%dma_start3A_192 : memref<128x128xf32, #tpu.memory_space<vmem>>) offsets(%dma_start3A_195 : memref<128xi32, #tpu.memory_space<vmem>>) semaphore(%arg10 : memref<!tpu.dma_semaphore, #tpu.memory_space<semaphore_mem>>)
        %dma_wait3A_199 = arith.constant 0 : i32
        %dma_wait3A_200 = arith.constant 0 : i32
        %dma_wait3A_201 = arith.constant 0 : i32
        %dma_wait3A_202 = tpu.memref_slice %arg8[%dma_wait3A_199, %dma_wait3A_200, %dma_wait3A_201] : memref<2x128x128xf32, #tpu.memory_space<vmem>> -> memref<1x128x128xf32, #tpu.memory_space<vmem>>
        %dma_wait3A_203 = tpu.memref_squeeze %dma_wait3A_202 : memref<1x128x128xf32, #tpu.memory_space<vmem>> -> memref<128x128xf32, #tpu.memory_space<vmem>>
        %dma_wait3A_204 = arith.constant 0 : i32
        %dma_wait3A_205 = tpu.memref_slice %arg6[%scan3A_187, %dma_wait3A_204] : memref<40x128xi32, #tpu.memory_space<vmem>> -> memref<1x128xi32, #tpu.memory_space<vmem>>
        %dma_wait3A_206 = tpu.memref_squeeze %dma_wait3A_205 : memref<1x128xi32, #tpu.memory_space<vmem>> -> memref<128xi32, #tpu.memory_space<vmem>>
        %dma_wait3A_207 = arith.constant 0 : i32
        %dma_wait3A_208 = arith.constant 0 : i32
        %dma_wait3A_209 = tpu.memref_slice %arg2[%dma_wait3A_207, %dma_wait3A_208] : memref<10240x128xf32, #tpu.memory_space<hbm>> -> memref<10240x128xf32, #tpu.memory_space<hbm>>
        tpu.wait_indirect_dma semaphore(%arg10 : memref<!tpu.dma_semaphore, #tpu.memory_space<semaphore_mem>>) src(%dma_wait3A_209 : memref<10240x128xf32, #tpu.memory_space<hbm>>) dst(%dma_wait3A_203 : memref<128x128xf32, #tpu.memory_space<vmem>>)
        %run_scoped3A_210 = arith.constant 0 : i32
        "tpu.region"() ({
          %run_scoped3A_211 = tpu.sem_alloc : memref<!tpu.dma_semaphore, #tpu.memory_space<semaphore_mem>>
          %dma_start3A_212 = arith.constant 0 : i32
          %dma_start3A_213 = arith.constant 0 : i32
          %dma_start3A_214 = tpu.memref_slice %arg8[%run_scoped3A_210, %dma_start3A_212, %dma_start3A_213] : memref<2x128x128xf32, #tpu.memory_space<vmem>> -> memref<1x128x128xf32, #tpu.memory_space<vmem>>
          %dma_start3A_215 = tpu.memref_squeeze %dma_start3A_214 : memref<1x128x128xf32, #tpu.memory_space<vmem>> -> memref<128x128xf32, #tpu.memory_space<vmem>>
          %dma_start3A_216 = arith.constant 0 : i32
          %dma_start3A_217 = tpu.memref_slice %arg7[%scan3A_187, %dma_start3A_216] : memref<40x128xi32, #tpu.memory_space<vmem>> -> memref<1x128xi32, #tpu.memory_space<vmem>>
          %dma_start3A_218 = tpu.memref_squeeze %dma_start3A_217 : memref<1x128xi32, #tpu.memory_space<vmem>> -> memref<128xi32, #tpu.memory_space<vmem>>
          %dma_start3A_219 = arith.constant 0 : i32
          %dma_start3A_220 = arith.constant 0 : i32
          %dma_start3A_221 = tpu.memref_slice %arg9[%dma_start3A_219, %dma_start3A_220] : memref<10240x128xf32, #tpu.memory_space<vmem_shared>> -> memref<10240x128xf32, #tpu.memory_space<vmem_shared>>
          tpu.enqueue_indirect_dma source(%dma_start3A_215 : memref<128x128xf32, #tpu.memory_space<vmem>>) target(%dma_start3A_221 : memref<10240x128xf32, #tpu.memory_space<vmem_shared>>) offsets(%dma_start3A_218 : memref<128xi32, #tpu.memory_space<vmem>>) semaphore(%run_scoped3A_211 : memref<!tpu.dma_semaphore, #tpu.memory_space<semaphore_mem>>) {add = true}
          %dma_wait3A_222 = arith.constant 0 : i32
          %dma_wait3A_223 = arith.constant 0 : i32
          %dma_wait3A_224 = tpu.memref_slice %arg8[%run_scoped3A_210, %dma_wait3A_222, %dma_wait3A_223] : memref<2x128x128xf32, #tpu.memory_space<vmem>> -> memref<1x128x128xf32, #tpu.memory_space<vmem>>
          %dma_wait3A_225 = tpu.memref_squeeze %dma_wait3A_224 : memref<1x128x128xf32, #tpu.memory_space<vmem>> -> memref<128x128xf32, #tpu.memory_space<vmem>>
          %dma_wait3A_226 = arith.constant 0 : i32
          %dma_wait3A_227 = tpu.memref_slice %arg7[%scan3A_187, %dma_wait3A_226] : memref<40x128xi32, #tpu.memory_space<vmem>> -> memref<1x128xi32, #tpu.memory_space<vmem>>
          %dma_wait3A_228 = tpu.memref_squeeze %dma_wait3A_227 : memref<1x128xi32, #tpu.memory_space<vmem>> -> memref<128xi32, #tpu.memory_space<vmem>>
          %dma_wait3A_229 = arith.constant 0 : i32
          %dma_wait3A_230 = arith.constant 0 : i32
          %dma_wait3A_231 = tpu.memref_slice %arg9[%dma_wait3A_229, %dma_wait3A_230] : memref<10240x128xf32, #tpu.memory_space<vmem_shared>> -> memref<10240x128xf32, #tpu.memory_space<vmem_shared>>
          tpu.wait_indirect_dma semaphore(%run_scoped3A_211 : memref<!tpu.dma_semaphore, #tpu.memory_space<semaphore_mem>>) src(%dma_wait3A_225 : memref<128x128xf32, #tpu.memory_space<vmem>>) dst(%dma_wait3A_231 : memref<10240x128xf32, #tpu.memory_space<vmem_shared>>)
          tpu.yield
        }) : () -> ()
      }
      %scan3A_186 = arith.constant 4 : i32
    } else {
    }
    %barrier3A_130 = arith.constant 0 : index
    tpu.barrier barrier_id(%barrier3A_130)
    %mul3A_131 = arith.constant 640 : i32
    %mul3A_132 = arith.muli %arg1, %mul3A_131 : i32
    %mul3A_133 = arith.constant 640 : i32
    %mul3A_134 = arith.muli %arg1, %mul3A_133 : i32
    "tpu.region"() ({
      %run_scoped3A_135 = tpu.sem_alloc : memref<!tpu.dma_semaphore, #tpu.memory_space<semaphore_mem>>
      %dma_start3A = arith.constant 0 : i32
      %dma_start3A_136 = tpu.memref_slice %arg5[%arg0, %mul3A_134, %dma_start3A] : memref<2x10240x128xf32, #tpu.memory_space<hbm>> -> memref<1x640x128xf32, #tpu.memory_space<hbm>>
      %dma_start3A_137 = tpu.memref_squeeze %dma_start3A_136 : memref<1x640x128xf32, #tpu.memory_space<hbm>> -> memref<640x128xf32, #tpu.memory_space<hbm>>
      %dma_start3A_138 = arith.constant 0 : i32
      %dma_start3A_139 = tpu.memref_slice %arg9[%mul3A_132, %dma_start3A_138] : memref<10240x128xf32, #tpu.memory_space<vmem_shared>> -> memref<640x128xf32, #tpu.memory_space<vmem_shared>>
      tpu.enqueue_dma source(%dma_start3A_139 : memref<640x128xf32, #tpu.memory_space<vmem_shared>>) target(%dma_start3A_137 : memref<640x128xf32, #tpu.memory_space<hbm>>) target_semaphore(%run_scoped3A_135 : memref<!tpu.dma_semaphore, #tpu.memory_space<semaphore_mem>>)
      %dma_wait3A = arith.constant 0 : i32
      %dma_wait3A_140 = tpu.memref_slice %arg5[%arg0, %mul3A_134, %dma_wait3A] : memref<2x10240x128xf32, #tpu.memory_space<hbm>> -> memref<1x640x128xf32, #tpu.memory_space<hbm>>
      %dma_wait3A_141 = tpu.memref_squeeze %dma_wait3A_140 : memref<1x640x128xf32, #tpu.memory_space<hbm>> -> memref<640x128xf32, #tpu.memory_space<hbm>>
      %dma_wait3A_142 = arith.constant 0 : i32
      %dma_wait3A_143 = tpu.memref_slice %arg9[%mul3A_132, %dma_wait3A_142] : memref<10240x128xf32, #tpu.memory_space<vmem_shared>> -> memref<640x128xf32, #tpu.memory_space<vmem_shared>>
      tpu.wait_dma2 semaphore(%run_scoped3A_135 : memref<!tpu.dma_semaphore, #tpu.memory_space<semaphore_mem>>) src(%dma_wait3A_143 : memref<640x128xf32, #tpu.memory_space<vmem_shared>>) dst(%dma_wait3A_141 : memref<640x128xf32, #tpu.memory_space<hbm>>)
      tpu.yield
    }) : () -> ()
    return
  }
}

#map = affine_map<(d0, d1) -> (0, 0)>
module attributes {stable_mosaic.version = 14 : i64} {
  func.func @_deg_body(%arg0: i32, %arg1: i32, %arg2: memref<2500x128xi32, #tpu.memory_space<hbm>>, %arg3: memref<2x10240xf32, #tpu.memory_space<hbm>>, %arg4: memref<40x128xi32, #tpu.memory_space<vmem>>, %arg5: memref<128xf32, #tpu.memory_space<vmem>>, %arg6: memref<640xf32, #tpu.memory_space<vmem>>, %arg7: memref<10240xf32, #tpu.memory_space<vmem_shared>>, %arg8: memref<!tpu.dma_semaphore, #tpu.memory_space<semaphore_mem>>) attributes {dimension_semantics = [#tpu.dimension_semantics<core_parallel>, #tpu.dimension_semantics<subcore_parallel>], iteration_bounds = array<i64: 2, 16>, scalar_prefetch = 0 : i64, scratch_operands = 5 : i64, tpu.core_type = #tpu.core_type<sc_vector_subcore>, window_params = [{transform_indices = #map}, {transform_indices = #map}]} {
    %eq3A = arith.constant 0 : i32
    %eq3A_0 = arith.cmpi eq, %arg0, %eq3A : i32
    %jit3A = arith.constant 0 : i32
    %jit3A_1 = arith.constant 156 : i32
    %select_n3A = arith.select %eq3A_0, %jit3A, %jit3A_1 : i32
    %eq3A_2 = arith.constant 0 : i32
    %eq3A_3 = arith.cmpi eq, %arg0, %eq3A_2 : i32
    %jit3A_4 = arith.constant 156 : i32
    %jit3A_5 = arith.constant 156 : i32
    %select_n3A_6 = arith.select %eq3A_3, %jit3A_4, %jit3A_5 : i32
    %mul3A = arith.muli %arg1, %select_n3A_6 : i32
    %jit3A_7 = arith.constant 16 : i32
    %div3A = arith.divsi %mul3A, %jit3A_7 : i32
    %sign3A = arith.constant 0 : i32
    %sign3A_8 = arith.cmpi sgt, %mul3A, %sign3A : i32
    %sign3A_9 = arith.extui %sign3A_8 : i1 to i32
    %sign3A_10 = arith.constant 0 : i32
    %sign3A_11 = arith.cmpi slt, %mul3A, %sign3A_10 : i32
    %sign3A_12 = arith.extui %sign3A_11 : i1 to i32
    %sign3A_13 = arith.subi %sign3A_9, %sign3A_12 : i32
    %sign3A_14 = arith.constant 0 : i32
    %sign3A_15 = arith.cmpi sgt, %jit3A_7, %sign3A_14 : i32
    %sign3A_16 = arith.extui %sign3A_15 : i1 to i32
    %sign3A_17 = arith.constant 0 : i32
    %sign3A_18 = arith.cmpi slt, %jit3A_7, %sign3A_17 : i32
    %sign3A_19 = arith.extui %sign3A_18 : i1 to i32
    %sign3A_20 = arith.subi %sign3A_16, %sign3A_19 : i32
    %ne3A = arith.cmpi ne, %sign3A_13, %sign3A_20 : i32
    %rem3A = arith.remsi %mul3A, %jit3A_7 : i32
    %ne3A_21 = arith.constant 0 : i32
    %ne3A_22 = arith.cmpi ne, %rem3A, %ne3A_21 : i32
    %and3A = arith.andi %ne3A, %ne3A_22 : i1
    %sub3A = arith.constant 1 : i32
    %sub3A_23 = arith.subi %div3A, %sub3A : i32
    %select_n3A_24 = arith.select %and3A, %sub3A_23, %div3A : i32
    %add3A = arith.addi %select_n3A, %select_n3A_24 : i32
    %mul3A_25 = arith.constant 8 : i32
    %mul3A_26 = arith.muli %mul3A_25, %add3A : i32
    %add3A_27 = arith.constant 1 : i32
    %add3A_28 = arith.addi %arg1, %add3A_27 : i32
    %mul3A_29 = arith.muli %add3A_28, %select_n3A_6 : i32
    %jit3A_30 = arith.constant 16 : i32
    %div3A_31 = arith.divsi %mul3A_29, %jit3A_30 : i32
    %sign3A_32 = arith.constant 0 : i32
    %sign3A_33 = arith.cmpi sgt, %mul3A_29, %sign3A_32 : i32
    %sign3A_34 = arith.extui %sign3A_33 : i1 to i32
    %sign3A_35 = arith.constant 0 : i32
    %sign3A_36 = arith.cmpi slt, %mul3A_29, %sign3A_35 : i32
    %sign3A_37 = arith.extui %sign3A_36 : i1 to i32
    %sign3A_38 = arith.subi %sign3A_34, %sign3A_37 : i32
    %sign3A_39 = arith.constant 0 : i32
    %sign3A_40 = arith.cmpi sgt, %jit3A_30, %sign3A_39 : i32
    %sign3A_41 = arith.extui %sign3A_40 : i1 to i32
    %sign3A_42 = arith.constant 0 : i32
    %sign3A_43 = arith.cmpi slt, %jit3A_30, %sign3A_42 : i32
    %sign3A_44 = arith.extui %sign3A_43 : i1 to i32
    %sign3A_45 = arith.subi %sign3A_41, %sign3A_44 : i32
    %ne3A_46 = arith.cmpi ne, %sign3A_38, %sign3A_45 : i32
    %rem3A_47 = arith.remsi %mul3A_29, %jit3A_30 : i32
    %ne3A_48 = arith.constant 0 : i32
    %ne3A_49 = arith.cmpi ne, %rem3A_47, %ne3A_48 : i32
    %and3A_50 = arith.andi %ne3A_46, %ne3A_49 : i1
    %sub3A_51 = arith.constant 1 : i32
    %sub3A_52 = arith.subi %div3A_31, %sub3A_51 : i32
    %select_n3A_53 = arith.select %and3A_50, %sub3A_52, %div3A_31 : i32
    %add3A_54 = arith.addi %select_n3A, %select_n3A_53 : i32
    %mul3A_55 = arith.constant 8 : i32
    %mul3A_56 = arith.muli %mul3A_55, %add3A_54 : i32
    %scan3A = arith.constant 0 : i32
    %scan3A_57 = arith.constant 0 : i32
    %scan3A_58 = arith.constant 8 : i32
    %scan3A_59 = arith.addi %scan3A_57, %scan3A_58 : i32
    %scan3A_60 = arith.constant 1 : i32
    scf.for %scan3A_119 = %scan3A_57 to %scan3A_59 step %scan3A_60  : i32 {
      %broadcast_in_dim3A = arith.constant 1.000000e+00 : f32
      %broadcast_in_dim3A_120 = vector.broadcast %broadcast_in_dim3A : f32 to vector<16xf32>
      %mul3A_121 = arith.constant 16 : i32
      %mul3A_122 = arith.muli %scan3A_119, %mul3A_121 : i32
      %swap3A = arith.index_cast %mul3A_122 : i32 to index
      %swap3A_123 = tpu.vector_load %arg5[%swap3A] {strides = array<i32>} : memref<128xf32, #tpu.memory_space<vmem>>, vector<16xf32>,
      %swap3A_124 = vector.shape_cast %swap3A_123 : vector<16xf32> to vector<16xf32>
      %swap3A_125 = vector.shape_cast %broadcast_in_dim3A_120 : vector<16xf32> to vector<16xf32>
      tpu.vector_store %arg5[%swap3A], %swap3A_125 {strides = array<i32>} : memref<128xf32, #tpu.memory_space<vmem>>, vector<16xf32>,
    }
    %scan3A_61 = arith.constant 8 : i32
    %scan3A_62 = arith.constant 0 : i32
    %scan3A_63 = arith.constant 0 : i32
    %scan3A_64 = arith.constant 40 : i32
    %scan3A_65 = arith.addi %scan3A_63, %scan3A_64 : i32
    %scan3A_66 = arith.constant 1 : i32
    scf.for %scan3A_119 = %scan3A_63 to %scan3A_65 step %scan3A_66  : i32 {
      %broadcast_in_dim3A = arith.constant 0.000000e+00 : f32
      %broadcast_in_dim3A_120 = vector.broadcast %broadcast_in_dim3A : f32 to vector<16xf32>
      %mul3A_121 = arith.constant 16 : i32
      %mul3A_122 = arith.muli %scan3A_119, %mul3A_121 : i32
      %swap3A = arith.index_cast %mul3A_122 : i32 to index
      %swap3A_123 = tpu.vector_load %arg6[%swap3A] {strides = array<i32>} : memref<640xf32, #tpu.memory_space<vmem>>, vector<16xf32>,
      %swap3A_124 = vector.shape_cast %swap3A_123 : vector<16xf32> to vector<16xf32>
      %swap3A_125 = vector.shape_cast %broadcast_in_dim3A_120 : vector<16xf32> to vector<16xf32>
      tpu.vector_store %arg6[%swap3A], %swap3A_125 {strides = array<i32>} : memref<640xf32, #tpu.memory_space<vmem>>, vector<16xf32>,
    }
    %scan3A_67 = arith.constant 40 : i32
    %mul3A_68 = arith.constant 640 : i32
    %mul3A_69 = arith.muli %arg1, %mul3A_68 : i32
    "tpu.region"() ({
      %run_scoped3A = tpu.sem_alloc : memref<!tpu.dma_semaphore, #tpu.memory_space<semaphore_mem>>
      %dma_start3A = tpu.memref_slice %arg7[%mul3A_69] : memref<10240xf32, #tpu.memory_space<vmem_shared>> -> memref<640xf32, #tpu.memory_space<vmem_shared>>
      %dma_start3A_119 = tpu.memref_slice %arg7[%mul3A_69] : memref<10240xf32, #tpu.memory_space<vmem_shared>> -> memref<640xf32, #tpu.memory_space<vmem_shared>>
      tpu.enqueue_dma source(%arg6 : memref<640xf32, #tpu.memory_space<vmem>>) target(%dma_start3A_119 : memref<640xf32, #tpu.memory_space<vmem_shared>>) target_semaphore(%run_scoped3A : memref<!tpu.dma_semaphore, #tpu.memory_space<semaphore_mem>>)
      %dma_wait3A = tpu.memref_slice %arg7[%mul3A_69] : memref<10240xf32, #tpu.memory_space<vmem_shared>> -> memref<640xf32, #tpu.memory_space<vmem_shared>>
      %dma_wait3A_120 = tpu.memref_slice %arg7[%mul3A_69] : memref<10240xf32, #tpu.memory_space<vmem_shared>> -> memref<640xf32, #tpu.memory_space<vmem_shared>>
      tpu.wait_dma2 semaphore(%run_scoped3A : memref<!tpu.dma_semaphore, #tpu.memory_space<semaphore_mem>>) src(%arg6 : memref<640xf32, #tpu.memory_space<vmem>>) dst(%dma_wait3A_120 : memref<640xf32, #tpu.memory_space<vmem_shared>>)
      tpu.yield
    }) : () -> ()
    %barrier3A = arith.constant 0 : index
    tpu.barrier barrier_id(%barrier3A)
    %sub3A_70 = arith.subi %mul3A_56, %mul3A_26 : i32
    %add3A_71 = arith.constant 40 : i32
    %add3A_72 = arith.addi %sub3A_70, %add3A_71 : i32
    %sub3A_73 = arith.constant 1 : i32
    %sub3A_74 = arith.subi %add3A_72, %sub3A_73 : i32
    %jit3A_75 = arith.constant 40 : i32
    %div3A_76 = arith.divsi %sub3A_74, %jit3A_75 : i32
    %sign3A_77 = arith.constant 0 : i32
    %sign3A_78 = arith.cmpi sgt, %sub3A_74, %sign3A_77 : i32
    %sign3A_79 = arith.extui %sign3A_78 : i1 to i32
    %sign3A_80 = arith.constant 0 : i32
    %sign3A_81 = arith.cmpi slt, %sub3A_74, %sign3A_80 : i32
    %sign3A_82 = arith.extui %sign3A_81 : i1 to i32
    %sign3A_83 = arith.subi %sign3A_79, %sign3A_82 : i32
    %sign3A_84 = arith.constant 0 : i32
    %sign3A_85 = arith.cmpi sgt, %jit3A_75, %sign3A_84 : i32
    %sign3A_86 = arith.extui %sign3A_85 : i1 to i32
    %sign3A_87 = arith.constant 0 : i32
    %sign3A_88 = arith.cmpi slt, %jit3A_75, %sign3A_87 : i32
    %sign3A_89 = arith.extui %sign3A_88 : i1 to i32
    %sign3A_90 = arith.subi %sign3A_86, %sign3A_89 : i32
    %ne3A_91 = arith.cmpi ne, %sign3A_83, %sign3A_90 : i32
    %rem3A_92 = arith.remsi %sub3A_74, %jit3A_75 : i32
    %ne3A_93 = arith.constant 0 : i32
    %ne3A_94 = arith.cmpi ne, %rem3A_92, %ne3A_93 : i32
    %and3A_95 = arith.andi %ne3A_91, %ne3A_94 : i1
    %sub3A_96 = arith.constant 1 : i32
    %sub3A_97 = arith.subi %div3A_76, %sub3A_96 : i32
    %select_n3A_98 = arith.select %and3A_95, %sub3A_97, %div3A_76 : i32
    %while3A = arith.constant 0 : i32
    %while3A_99 = arith.constant 0 : i32
    %while3A_100 = arith.subi %select_n3A_98, %while3A_99 : i32
    %while3A_101 = arith.addi %while3A_99, %while3A_100 : i32
    %while3A_102 = arith.constant 1 : i32
    %while3A_103 = arith.divsi %while3A_100, %while3A_102 : i32
    %while3A_104 = arith.muli %while3A_103, %while3A_102 : i32
    %while3A_105 = arith.addi %while3A_99, %while3A_104 : i32
    %while3A_106 = arith.constant 1 : i32
    scf.for %while3A_119 = %while3A_99 to %while3A_105 step %while3A_106  : i32 {
      %mul3A_120 = arith.constant 40 : i32
      %mul3A_121 = arith.muli %while3A_119, %mul3A_120 : i32
      %add3A_122 = arith.addi %mul3A_26, %mul3A_121 : i32
      %sub3A_123 = arith.subi %mul3A_56, %add3A_122 : i32
      %min3A = arith.constant 40 : i32
      %min3A_124 = arith.minsi %min3A, %sub3A_123 : i32
      %min3A_125 = arith.constant 2456 : i32
      %min3A_126 = arith.minsi %add3A_122, %min3A_125 : i32
      %multiple_of3A = tpu.assume_multiple %min3A_126, 8 : i32
      %sub3A_127 = arith.subi %add3A_122, %multiple_of3A : i32
      %dma_start3A = arith.constant 0 : i32
      %dma_start3A_128 = tpu.memref_slice %arg2[%multiple_of3A, %dma_start3A] : memref<2500x128xi32, #tpu.memory_space<hbm>> -> memref<40x128xi32, #tpu.memory_space<hbm>>
      %dma_start3A_129 = arith.constant 0 : i32
      %dma_start3A_130 = tpu.memref_slice %arg2[%multiple_of3A, %dma_start3A_129] : memref<2500x128xi32, #tpu.memory_space<hbm>> -> memref<40x128xi32, #tpu.memory_space<hbm>>
      tpu.enqueue_dma source(%dma_start3A_130 : memref<40x128xi32, #tpu.memory_space<hbm>>) target(%arg4 : memref<40x128xi32, #tpu.memory_space<vmem>>) target_semaphore(%arg8 : memref<!tpu.dma_semaphore, #tpu.memory_space<semaphore_mem>>)
      %dma_wait3A = arith.constant 0 : i32
      %dma_wait3A_131 = tpu.memref_slice %arg2[%multiple_of3A, %dma_wait3A] : memref<2500x128xi32, #tpu.memory_space<hbm>> -> memref<40x128xi32, #tpu.memory_space<hbm>>
      %dma_wait3A_132 = arith.constant 0 : i32
      %dma_wait3A_133 = tpu.memref_slice %arg2[%multiple_of3A, %dma_wait3A_132] : memref<2500x128xi32, #tpu.memory_space<hbm>> -> memref<40x128xi32, #tpu.memory_space<hbm>>
      tpu.wait_dma2 semaphore(%arg8 : memref<!tpu.dma_semaphore, #tpu.memory_space<semaphore_mem>>) src(%dma_wait3A_133 : memref<40x128xi32, #tpu.memory_space<hbm>>) dst(%arg4 : memref<40x128xi32, #tpu.memory_space<vmem>>)
      %while3A_134 = arith.constant 0 : i32
      %while3A_135 = arith.constant 0 : i32
      %while3A_136 = arith.subi %min3A_124, %while3A_135 : i32
      %while3A_137 = arith.addi %while3A_135, %while3A_136 : i32
      %while3A_138 = arith.constant 1 : i32
      %while3A_139 = arith.divsi %while3A_136, %while3A_138 : i32
      %while3A_140 = arith.muli %while3A_139, %while3A_138 : i32
      %while3A_141 = arith.addi %while3A_135, %while3A_140 : i32
      %while3A_142 = arith.constant 1 : i32
      scf.for %while3A_144 = %while3A_135 to %while3A_141 step %while3A_142  : i32 {
        %add3A_145 = arith.addi %sub3A_127, %while3A_144 : i32
        "tpu.region"() ({
          %run_scoped3A = tpu.sem_alloc : memref<!tpu.dma_semaphore, #tpu.memory_space<semaphore_mem>>
          %dma_start3A_146 = arith.constant 0 : i32
          %dma_start3A_147 = tpu.memref_slice %arg4[%add3A_145, %dma_start3A_146] : memref<40x128xi32, #tpu.memory_space<vmem>> -> memref<1x128xi32, #tpu.memory_space<vmem>>
          %dma_start3A_148 = tpu.memref_squeeze %dma_start3A_147 : memref<1x128xi32, #tpu.memory_space<vmem>> -> memref<128xi32, #tpu.memory_space<vmem>>
          %dma_start3A_149 = arith.constant 0 : i32
          %dma_start3A_150 = tpu.memref_slice %arg7[%dma_start3A_149] : memref<10240xf32, #tpu.memory_space<vmem_shared>> -> memref<10240xf32, #tpu.memory_space<vmem_shared>>
          tpu.enqueue_indirect_dma source(%arg5 : memref<128xf32, #tpu.memory_space<vmem>>) target(%dma_start3A_150 : memref<10240xf32, #tpu.memory_space<vmem_shared>>) offsets(%dma_start3A_148 : memref<128xi32, #tpu.memory_space<vmem>>) semaphore(%run_scoped3A : memref<!tpu.dma_semaphore, #tpu.memory_space<semaphore_mem>>) {add = true}
          %dma_wait3A_151 = arith.constant 0 : i32
          %dma_wait3A_152 = tpu.memref_slice %arg4[%add3A_145, %dma_wait3A_151] : memref<40x128xi32, #tpu.memory_space<vmem>> -> memref<1x128xi32, #tpu.memory_space<vmem>>
          %dma_wait3A_153 = tpu.memref_squeeze %dma_wait3A_152 : memref<1x128xi32, #tpu.memory_space<vmem>> -> memref<128xi32, #tpu.memory_space<vmem>>
          %dma_wait3A_154 = arith.constant 0 : i32
          %dma_wait3A_155 = tpu.memref_slice %arg7[%dma_wait3A_154] : memref<10240xf32, #tpu.memory_space<vmem_shared>> -> memref<10240xf32, #tpu.memory_space<vmem_shared>>
          tpu.wait_indirect_dma semaphore(%run_scoped3A : memref<!tpu.dma_semaphore, #tpu.memory_space<semaphore_mem>>) src(%arg5 : memref<128xf32, #tpu.memory_space<vmem>>) dst(%dma_wait3A_155 : memref<10240xf32, #tpu.memory_space<vmem_shared>>)
          tpu.yield
        }) : () -> ()
      }
      %while3A_143 = arith.constant 1 : i32
      scf.for %while3A_144 = %while3A_141 to %while3A_137 step %while3A_143  : i32 {
        %add3A_145 = arith.addi %sub3A_127, %while3A_144 : i32
        "tpu.region"() ({
          %run_scoped3A = tpu.sem_alloc : memref<!tpu.dma_semaphore, #tpu.memory_space<semaphore_mem>>
          %dma_start3A_146 = arith.constant 0 : i32
          %dma_start3A_147 = tpu.memref_slice %arg4[%add3A_145, %dma_start3A_146] : memref<40x128xi32, #tpu.memory_space<vmem>> -> memref<1x128xi32, #tpu.memory_space<vmem>>
          %dma_start3A_148 = tpu.memref_squeeze %dma_start3A_147 : memref<1x128xi32, #tpu.memory_space<vmem>> -> memref<128xi32, #tpu.memory_space<vmem>>
          %dma_start3A_149 = arith.constant 0 : i32
          %dma_start3A_150 = tpu.memref_slice %arg7[%dma_start3A_149] : memref<10240xf32, #tpu.memory_space<vmem_shared>> -> memref<10240xf32, #tpu.memory_space<vmem_shared>>
          tpu.enqueue_indirect_dma source(%arg5 : memref<128xf32, #tpu.memory_space<vmem>>) target(%dma_start3A_150 : memref<10240xf32, #tpu.memory_space<vmem_shared>>) offsets(%dma_start3A_148 : memref<128xi32, #tpu.memory_space<vmem>>) semaphore(%run_scoped3A : memref<!tpu.dma_semaphore, #tpu.memory_space<semaphore_mem>>) {add = true}
          %dma_wait3A_151 = arith.constant 0 : i32
          %dma_wait3A_152 = tpu.memref_slice %arg4[%add3A_145, %dma_wait3A_151] : memref<40x128xi32, #tpu.memory_space<vmem>> -> memref<1x128xi32, #tpu.memory_space<vmem>>
          %dma_wait3A_153 = tpu.memref_squeeze %dma_wait3A_152 : memref<1x128xi32, #tpu.memory_space<vmem>> -> memref<128xi32, #tpu.memory_space<vmem>>
          %dma_wait3A_154 = arith.constant 0 : i32
          %dma_wait3A_155 = tpu.memref_slice %arg7[%dma_wait3A_154] : memref<10240xf32, #tpu.memory_space<vmem_shared>> -> memref<10240xf32, #tpu.memory_space<vmem_shared>>
          tpu.wait_indirect_dma semaphore(%run_scoped3A : memref<!tpu.dma_semaphore, #tpu.memory_space<semaphore_mem>>) src(%arg5 : memref<128xf32, #tpu.memory_space<vmem>>) dst(%dma_wait3A_155 : memref<10240xf32, #tpu.memory_space<vmem_shared>>)
          tpu.yield
        }) : () -> ()
      }
    }
    %while3A_107 = arith.constant 1 : i32
    scf.for %while3A_119 = %while3A_105 to %while3A_101 step %while3A_107  : i32 {
      %mul3A_120 = arith.constant 40 : i32
      %mul3A_121 = arith.muli %while3A_119, %mul3A_120 : i32
      %add3A_122 = arith.addi %mul3A_26, %mul3A_121 : i32
      %sub3A_123 = arith.subi %mul3A_56, %add3A_122 : i32
      %min3A = arith.constant 40 : i32
      %min3A_124 = arith.minsi %min3A, %sub3A_123 : i32
      %min3A_125 = arith.constant 2456 : i32
      %min3A_126 = arith.minsi %add3A_122, %min3A_125 : i32
      %multiple_of3A = tpu.assume_multiple %min3A_126, 8 : i32
      %sub3A_127 = arith.subi %add3A_122, %multiple_of3A : i32
      %dma_start3A = arith.constant 0 : i32
      %dma_start3A_128 = tpu.memref_slice %arg2[%multiple_of3A, %dma_start3A] : memref<2500x128xi32, #tpu.memory_space<hbm>> -> memref<40x128xi32, #tpu.memory_space<hbm>>
      %dma_start3A_129 = arith.constant 0 : i32
      %dma_start3A_130 = tpu.memref_slice %arg2[%multiple_of3A, %dma_start3A_129] : memref<2500x128xi32, #tpu.memory_space<hbm>> -> memref<40x128xi32, #tpu.memory_space<hbm>>
      tpu.enqueue_dma source(%dma_start3A_130 : memref<40x128xi32, #tpu.memory_space<hbm>>) target(%arg4 : memref<40x128xi32, #tpu.memory_space<vmem>>) target_semaphore(%arg8 : memref<!tpu.dma_semaphore, #tpu.memory_space<semaphore_mem>>)
      %dma_wait3A = arith.constant 0 : i32
      %dma_wait3A_131 = tpu.memref_slice %arg2[%multiple_of3A, %dma_wait3A] : memref<2500x128xi32, #tpu.memory_space<hbm>> -> memref<40x128xi32, #tpu.memory_space<hbm>>
      %dma_wait3A_132 = arith.constant 0 : i32
      %dma_wait3A_133 = tpu.memref_slice %arg2[%multiple_of3A, %dma_wait3A_132] : memref<2500x128xi32, #tpu.memory_space<hbm>> -> memref<40x128xi32, #tpu.memory_space<hbm>>
      tpu.wait_dma2 semaphore(%arg8 : memref<!tpu.dma_semaphore, #tpu.memory_space<semaphore_mem>>) src(%dma_wait3A_133 : memref<40x128xi32, #tpu.memory_space<hbm>>) dst(%arg4 : memref<40x128xi32, #tpu.memory_space<vmem>>)
      %while3A_134 = arith.constant 0 : i32
      %while3A_135 = arith.constant 0 : i32
      %while3A_136 = arith.subi %min3A_124, %while3A_135 : i32
      %while3A_137 = arith.addi %while3A_135, %while3A_136 : i32
      %while3A_138 = arith.constant 1 : i32
      %while3A_139 = arith.divsi %while3A_136, %while3A_138 : i32
      %while3A_140 = arith.muli %while3A_139, %while3A_138 : i32
      %while3A_141 = arith.addi %while3A_135, %while3A_140 : i32
      %while3A_142 = arith.constant 1 : i32
      scf.for %while3A_144 = %while3A_135 to %while3A_141 step %while3A_142  : i32 {
        %add3A_145 = arith.addi %sub3A_127, %while3A_144 : i32
        "tpu.region"() ({
          %run_scoped3A = tpu.sem_alloc : memref<!tpu.dma_semaphore, #tpu.memory_space<semaphore_mem>>
          %dma_start3A_146 = arith.constant 0 : i32
          %dma_start3A_147 = tpu.memref_slice %arg4[%add3A_145, %dma_start3A_146] : memref<40x128xi32, #tpu.memory_space<vmem>> -> memref<1x128xi32, #tpu.memory_space<vmem>>
          %dma_start3A_148 = tpu.memref_squeeze %dma_start3A_147 : memref<1x128xi32, #tpu.memory_space<vmem>> -> memref<128xi32, #tpu.memory_space<vmem>>
          %dma_start3A_149 = arith.constant 0 : i32
          %dma_start3A_150 = tpu.memref_slice %arg7[%dma_start3A_149] : memref<10240xf32, #tpu.memory_space<vmem_shared>> -> memref<10240xf32, #tpu.memory_space<vmem_shared>>
          tpu.enqueue_indirect_dma source(%arg5 : memref<128xf32, #tpu.memory_space<vmem>>) target(%dma_start3A_150 : memref<10240xf32, #tpu.memory_space<vmem_shared>>) offsets(%dma_start3A_148 : memref<128xi32, #tpu.memory_space<vmem>>) semaphore(%run_scoped3A : memref<!tpu.dma_semaphore, #tpu.memory_space<semaphore_mem>>) {add = true}
          %dma_wait3A_151 = arith.constant 0 : i32
          %dma_wait3A_152 = tpu.memref_slice %arg4[%add3A_145, %dma_wait3A_151] : memref<40x128xi32, #tpu.memory_space<vmem>> -> memref<1x128xi32, #tpu.memory_space<vmem>>
          %dma_wait3A_153 = tpu.memref_squeeze %dma_wait3A_152 : memref<1x128xi32, #tpu.memory_space<vmem>> -> memref<128xi32, #tpu.memory_space<vmem>>
          %dma_wait3A_154 = arith.constant 0 : i32
          %dma_wait3A_155 = tpu.memref_slice %arg7[%dma_wait3A_154] : memref<10240xf32, #tpu.memory_space<vmem_shared>> -> memref<10240xf32, #tpu.memory_space<vmem_shared>>
          tpu.wait_indirect_dma semaphore(%run_scoped3A : memref<!tpu.dma_semaphore, #tpu.memory_space<semaphore_mem>>) src(%arg5 : memref<128xf32, #tpu.memory_space<vmem>>) dst(%dma_wait3A_155 : memref<10240xf32, #tpu.memory_space<vmem_shared>>)
          tpu.yield
        }) : () -> ()
      }
      %while3A_143 = arith.constant 1 : i32
      scf.for %while3A_144 = %while3A_141 to %while3A_137 step %while3A_143  : i32 {
        %add3A_145 = arith.addi %sub3A_127, %while3A_144 : i32
        "tpu.region"() ({
          %run_scoped3A = tpu.sem_alloc : memref<!tpu.dma_semaphore, #tpu.memory_space<semaphore_mem>>
          %dma_start3A_146 = arith.constant 0 : i32
          %dma_start3A_147 = tpu.memref_slice %arg4[%add3A_145, %dma_start3A_146] : memref<40x128xi32, #tpu.memory_space<vmem>> -> memref<1x128xi32, #tpu.memory_space<vmem>>
          %dma_start3A_148 = tpu.memref_squeeze %dma_start3A_147 : memref<1x128xi32, #tpu.memory_space<vmem>> -> memref<128xi32, #tpu.memory_space<vmem>>
          %dma_start3A_149 = arith.constant 0 : i32
          %dma_start3A_150 = tpu.memref_slice %arg7[%dma_start3A_149] : memref<10240xf32, #tpu.memory_space<vmem_shared>> -> memref<10240xf32, #tpu.memory_space<vmem_shared>>
          tpu.enqueue_indirect_dma source(%arg5 : memref<128xf32, #tpu.memory_space<vmem>>) target(%dma_start3A_150 : memref<10240xf32, #tpu.memory_space<vmem_shared>>) offsets(%dma_start3A_148 : memref<128xi32, #tpu.memory_space<vmem>>) semaphore(%run_scoped3A : memref<!tpu.dma_semaphore, #tpu.memory_space<semaphore_mem>>) {add = true}
          %dma_wait3A_151 = arith.constant 0 : i32
          %dma_wait3A_152 = tpu.memref_slice %arg4[%add3A_145, %dma_wait3A_151] : memref<40x128xi32, #tpu.memory_space<vmem>> -> memref<1x128xi32, #tpu.memory_space<vmem>>
          %dma_wait3A_153 = tpu.memref_squeeze %dma_wait3A_152 : memref<1x128xi32, #tpu.memory_space<vmem>> -> memref<128xi32, #tpu.memory_space<vmem>>
          %dma_wait3A_154 = arith.constant 0 : i32
          %dma_wait3A_155 = tpu.memref_slice %arg7[%dma_wait3A_154] : memref<10240xf32, #tpu.memory_space<vmem_shared>> -> memref<10240xf32, #tpu.memory_space<vmem_shared>>
          tpu.wait_indirect_dma semaphore(%run_scoped3A : memref<!tpu.dma_semaphore, #tpu.memory_space<semaphore_mem>>) src(%arg5 : memref<128xf32, #tpu.memory_space<vmem>>) dst(%dma_wait3A_155 : memref<10240xf32, #tpu.memory_space<vmem_shared>>)
          tpu.yield
        }) : () -> ()
      }
    }
    %eq3A_108 = arith.constant 1 : i32
    %eq3A_109 = arith.cmpi eq, %arg0, %eq3A_108 : i32
    %eq3A_110 = arith.constant 15 : i32
    %eq3A_111 = arith.cmpi eq, %arg1, %eq3A_110 : i32
    %and3A_112 = arith.andi %eq3A_109, %eq3A_111 : i1
    %convert_element_type3A = arith.extui %and3A_112 : i1 to i32
    %cond3A = arith.constant 0 : i32
    %cond3A_113 = arith.cmpi ne, %convert_element_type3A, %cond3A : i32
    scf.if %cond3A_113 {
      %dma_start3A = arith.constant 0 : i32
      %dma_start3A_119 = arith.constant 0 : i32
      %dma_start3A_120 = tpu.memref_slice %arg4[%dma_start3A, %dma_start3A_119] : memref<40x128xi32, #tpu.memory_space<vmem>> -> memref<4x128xi32, #tpu.memory_space<vmem>>
      %dma_start3A_121 = arith.constant 2496 : i32
      %dma_start3A_122 = arith.constant 0 : i32
      %dma_start3A_123 = tpu.memref_slice %arg2[%dma_start3A_121, %dma_start3A_122] : memref<2500x128xi32, #tpu.memory_space<hbm>> -> memref<4x128xi32, #tpu.memory_space<hbm>>
      %dma_start3A_124 = arith.constant 0 : i32
      %dma_start3A_125 = arith.constant 0 : i32
      %dma_start3A_126 = tpu.memref_slice %arg4[%dma_start3A_124, %dma_start3A_125] : memref<40x128xi32, #tpu.memory_space<vmem>> -> memref<4x128xi32, #tpu.memory_space<vmem>>
      %dma_start3A_127 = arith.constant 2496 : i32
      %dma_start3A_128 = arith.constant 0 : i32
      %dma_start3A_129 = tpu.memref_slice %arg2[%dma_start3A_127, %dma_start3A_128] : memref<2500x128xi32, #tpu.memory_space<hbm>> -> memref<4x128xi32, #tpu.memory_space<hbm>>
      tpu.enqueue_dma source(%dma_start3A_129 : memref<4x128xi32, #tpu.memory_space<hbm>>) target(%dma_start3A_126 : memref<4x128xi32, #tpu.memory_space<vmem>>) target_semaphore(%arg8 : memref<!tpu.dma_semaphore, #tpu.memory_space<semaphore_mem>>)
      %dma_wait3A = arith.constant 0 : i32
      %dma_wait3A_130 = arith.constant 0 : i32
      %dma_wait3A_131 = tpu.memref_slice %arg4[%dma_wait3A, %dma_wait3A_130] : memref<40x128xi32, #tpu.memory_space<vmem>> -> memref<4x128xi32, #tpu.memory_space<vmem>>
      %dma_wait3A_132 = arith.constant 2496 : i32
      %dma_wait3A_133 = arith.constant 0 : i32
      %dma_wait3A_134 = tpu.memref_slice %arg2[%dma_wait3A_132, %dma_wait3A_133] : memref<2500x128xi32, #tpu.memory_space<hbm>> -> memref<4x128xi32, #tpu.memory_space<hbm>>
      %dma_wait3A_135 = arith.constant 0 : i32
      %dma_wait3A_136 = arith.constant 0 : i32
      %dma_wait3A_137 = tpu.memref_slice %arg4[%dma_wait3A_135, %dma_wait3A_136] : memref<40x128xi32, #tpu.memory_space<vmem>> -> memref<4x128xi32, #tpu.memory_space<vmem>>
      %dma_wait3A_138 = arith.constant 2496 : i32
      %dma_wait3A_139 = arith.constant 0 : i32
      %dma_wait3A_140 = tpu.memref_slice %arg2[%dma_wait3A_138, %dma_wait3A_139] : memref<2500x128xi32, #tpu.memory_space<hbm>> -> memref<4x128xi32, #tpu.memory_space<hbm>>
      tpu.wait_dma2 semaphore(%arg8 : memref<!tpu.dma_semaphore, #tpu.memory_space<semaphore_mem>>) src(%dma_wait3A_140 : memref<4x128xi32, #tpu.memory_space<hbm>>) dst(%dma_wait3A_137 : memref<4x128xi32, #tpu.memory_space<vmem>>)
      %scan3A_141 = arith.constant 0 : i32
      %scan3A_142 = arith.constant 0 : i32
      %scan3A_143 = arith.constant 4 : i32
      %scan3A_144 = arith.addi %scan3A_142, %scan3A_143 : i32
      %scan3A_145 = arith.constant 1 : i32
      scf.for %scan3A_147 = %scan3A_142 to %scan3A_144 step %scan3A_145  : i32 {
        "tpu.region"() ({
          %run_scoped3A = tpu.sem_alloc : memref<!tpu.dma_semaphore, #tpu.memory_space<semaphore_mem>>
          %dma_start3A_148 = arith.constant 0 : i32
          %dma_start3A_149 = tpu.memref_slice %arg4[%scan3A_147, %dma_start3A_148] : memref<40x128xi32, #tpu.memory_space<vmem>> -> memref<1x128xi32, #tpu.memory_space<vmem>>
          %dma_start3A_150 = tpu.memref_squeeze %dma_start3A_149 : memref<1x128xi32, #tpu.memory_space<vmem>> -> memref<128xi32, #tpu.memory_space<vmem>>
          %dma_start3A_151 = arith.constant 0 : i32
          %dma_start3A_152 = tpu.memref_slice %arg7[%dma_start3A_151] : memref<10240xf32, #tpu.memory_space<vmem_shared>> -> memref<10240xf32, #tpu.memory_space<vmem_shared>>
          tpu.enqueue_indirect_dma source(%arg5 : memref<128xf32, #tpu.memory_space<vmem>>) target(%dma_start3A_152 : memref<10240xf32, #tpu.memory_space<vmem_shared>>) offsets(%dma_start3A_150 : memref<128xi32, #tpu.memory_space<vmem>>) semaphore(%run_scoped3A : memref<!tpu.dma_semaphore, #tpu.memory_space<semaphore_mem>>) {add = true}
          %dma_wait3A_153 = arith.constant 0 : i32
          %dma_wait3A_154 = tpu.memref_slice %arg4[%scan3A_147, %dma_wait3A_153] : memref<40x128xi32, #tpu.memory_space<vmem>> -> memref<1x128xi32, #tpu.memory_space<vmem>>
          %dma_wait3A_155 = tpu.memref_squeeze %dma_wait3A_154 : memref<1x128xi32, #tpu.memory_space<vmem>> -> memref<128xi32, #tpu.memory_space<vmem>>
          %dma_wait3A_156 = arith.constant 0 : i32
          %dma_wait3A_157 = tpu.memref_slice %arg7[%dma_wait3A_156] : memref<10240xf32, #tpu.memory_space<vmem_shared>> -> memref<10240xf32, #tpu.memory_space<vmem_shared>>
          tpu.wait_indirect_dma semaphore(%run_scoped3A : memref<!tpu.dma_semaphore, #tpu.memory_space<semaphore_mem>>) src(%arg5 : memref<128xf32, #tpu.memory_space<vmem>>) dst(%dma_wait3A_157 : memref<10240xf32, #tpu.memory_space<vmem_shared>>)
          tpu.yield
        }) : () -> ()
      }
      %scan3A_146 = arith.constant 4 : i32
    } else {
    }
    %barrier3A_114 = arith.constant 0 : index
    tpu.barrier barrier_id(%barrier3A_114)
    %mul3A_115 = arith.constant 640 : i32
    %mul3A_116 = arith.muli %arg1, %mul3A_115 : i32
    %mul3A_117 = arith.constant 640 : i32
    %mul3A_118 = arith.muli %arg1, %mul3A_117 : i32
    "tpu.region"() ({
      %run_scoped3A = tpu.sem_alloc : memref<!tpu.dma_semaphore, #tpu.memory_space<semaphore_mem>>
      %dma_start3A = tpu.memref_slice %arg3[%arg0, %mul3A_118] : memref<2x10240xf32, #tpu.memory_space<hbm>> -> memref<1x640xf32, #tpu.memory_space<hbm>>
      %dma_start3A_119 = tpu.memref_squeeze %dma_start3A : memref<1x640xf32, #tpu.memory_space<hbm>> -> memref<640xf32, #tpu.memory_space<hbm>>
      %dma_start3A_120 = tpu.memref_slice %arg7[%mul3A_116] : memref<10240xf32, #tpu.memory_space<vmem_shared>> -> memref<640xf32, #tpu.memory_space<vmem_shared>>
      tpu.enqueue_dma source(%dma_start3A_120 : memref<640xf32, #tpu.memory_space<vmem_shared>>) target(%dma_start3A_119 : memref<640xf32, #tpu.memory_space<hbm>>) target_semaphore(%run_scoped3A : memref<!tpu.dma_semaphore, #tpu.memory_space<semaphore_mem>>)
      %dma_wait3A = tpu.memref_slice %arg3[%arg0, %mul3A_118] : memref<2x10240xf32, #tpu.memory_space<hbm>> -> memref<1x640xf32, #tpu.memory_space<hbm>>
      %dma_wait3A_121 = tpu.memref_squeeze %dma_wait3A : memref<1x640xf32, #tpu.memory_space<hbm>> -> memref<640xf32, #tpu.memory_space<hbm>>
      %dma_wait3A_122 = tpu.memref_slice %arg7[%mul3A_116] : memref<10240xf32, #tpu.memory_space<vmem_shared>> -> memref<640xf32, #tpu.memory_space<vmem_shared>>
      tpu.wait_dma2 semaphore(%run_scoped3A : memref<!tpu.dma_semaphore, #tpu.memory_space<semaphore_mem>>) src(%dma_wait3A_122 : memref<640xf32, #tpu.memory_space<vmem_shared>>) dst(%dma_wait3A_121 : memref<640xf32, #tpu.memory_space<hbm>>)
      tpu.yield
    }) : () -> ()
    return
  }
}

#map = affine_map<(d0, d1) -> (0, 0)>
#map1 = affine_map<(d0, d1) -> (0, 0, 0)>
module attributes {stable_mosaic.version = 14 : i64} {
  func.func @_agg_body(%arg0: i32, %arg1: i32, %arg2: memref<10240x128xf32, #tpu.memory_space<hbm>>, %arg3: memref<2500x128xi32, #tpu.memory_space<hbm>>, %arg4: memref<2500x128xi32, #tpu.memory_space<hbm>>, %arg5: memref<2x10240x128xf32, #tpu.memory_space<hbm>>, %arg6: memref<40x128xi32, #tpu.memory_space<vmem>>, %arg7: memref<40x128xi32, #tpu.memory_space<vmem>>, %arg8: memref<2x128x128xf32, #tpu.memory_space<vmem>>, %arg9: memref<10240x128xf32, #tpu.memory_space<vmem_shared>>, %arg10: memref<!tpu.dma_semaphore, #tpu.memory_space<semaphore_mem>>) attributes {dimension_semantics = [#tpu.dimension_semantics<core_parallel>, #tpu.dimension_semantics<subcore_parallel>], iteration_bounds = array<i64: 2, 16>, scalar_prefetch = 0 : i64, scratch_operands = 5 : i64, tpu.core_type = #tpu.core_type<sc_vector_subcore>, window_params = [{transform_indices = #map}, {transform_indices = #map}, {transform_indices = #map}, {transform_indices = #map1}]} {
    %eq3A = arith.constant 0 : i32
    %eq3A_0 = arith.cmpi eq, %arg0, %eq3A : i32
    %jit3A = arith.constant 0 : i32
    %jit3A_1 = arith.constant 156 : i32
    %select_n3A = arith.select %eq3A_0, %jit3A, %jit3A_1 : i32
    %eq3A_2 = arith.constant 0 : i32
    %eq3A_3 = arith.cmpi eq, %arg0, %eq3A_2 : i32
    %jit3A_4 = arith.constant 156 : i32
    %jit3A_5 = arith.constant 156 : i32
    %select_n3A_6 = arith.select %eq3A_3, %jit3A_4, %jit3A_5 : i32
    %mul3A = arith.muli %arg1, %select_n3A_6 : i32
    %jit3A_7 = arith.constant 16 : i32
    %div3A = arith.divsi %mul3A, %jit3A_7 : i32
    %sign3A = arith.constant 0 : i32
    %sign3A_8 = arith.cmpi sgt, %mul3A, %sign3A : i32
    %sign3A_9 = arith.extui %sign3A_8 : i1 to i32
    %sign3A_10 = arith.constant 0 : i32
    %sign3A_11 = arith.cmpi slt, %mul3A, %sign3A_10 : i32
    %sign3A_12 = arith.extui %sign3A_11 : i1 to i32
    %sign3A_13 = arith.subi %sign3A_9, %sign3A_12 : i32
    %sign3A_14 = arith.constant 0 : i32
    %sign3A_15 = arith.cmpi sgt, %jit3A_7, %sign3A_14 : i32
    %sign3A_16 = arith.extui %sign3A_15 : i1 to i32
    %sign3A_17 = arith.constant 0 : i32
    %sign3A_18 = arith.cmpi slt, %jit3A_7, %sign3A_17 : i32
    %sign3A_19 = arith.extui %sign3A_18 : i1 to i32
    %sign3A_20 = arith.subi %sign3A_16, %sign3A_19 : i32
    %ne3A = arith.cmpi ne, %sign3A_13, %sign3A_20 : i32
    %rem3A = arith.remsi %mul3A, %jit3A_7 : i32
    %ne3A_21 = arith.constant 0 : i32
    %ne3A_22 = arith.cmpi ne, %rem3A, %ne3A_21 : i32
    %and3A = arith.andi %ne3A, %ne3A_22 : i1
    %sub3A = arith.constant 1 : i32
    %sub3A_23 = arith.subi %div3A, %sub3A : i32
    %select_n3A_24 = arith.select %and3A, %sub3A_23, %div3A : i32
    %add3A = arith.addi %select_n3A, %select_n3A_24 : i32
    %mul3A_25 = arith.constant 8 : i32
    %mul3A_26 = arith.muli %mul3A_25, %add3A : i32
    %add3A_27 = arith.constant 1 : i32
    %add3A_28 = arith.addi %arg1, %add3A_27 : i32
    %mul3A_29 = arith.muli %add3A_28, %select_n3A_6 : i32
    %jit3A_30 = arith.constant 16 : i32
    %div3A_31 = arith.divsi %mul3A_29, %jit3A_30 : i32
    %sign3A_32 = arith.constant 0 : i32
    %sign3A_33 = arith.cmpi sgt, %mul3A_29, %sign3A_32 : i32
    %sign3A_34 = arith.extui %sign3A_33 : i1 to i32
    %sign3A_35 = arith.constant 0 : i32
    %sign3A_36 = arith.cmpi slt, %mul3A_29, %sign3A_35 : i32
    %sign3A_37 = arith.extui %sign3A_36 : i1 to i32
    %sign3A_38 = arith.subi %sign3A_34, %sign3A_37 : i32
    %sign3A_39 = arith.constant 0 : i32
    %sign3A_40 = arith.cmpi sgt, %jit3A_30, %sign3A_39 : i32
    %sign3A_41 = arith.extui %sign3A_40 : i1 to i32
    %sign3A_42 = arith.constant 0 : i32
    %sign3A_43 = arith.cmpi slt, %jit3A_30, %sign3A_42 : i32
    %sign3A_44 = arith.extui %sign3A_43 : i1 to i32
    %sign3A_45 = arith.subi %sign3A_41, %sign3A_44 : i32
    %ne3A_46 = arith.cmpi ne, %sign3A_38, %sign3A_45 : i32
    %rem3A_47 = arith.remsi %mul3A_29, %jit3A_30 : i32
    %ne3A_48 = arith.constant 0 : i32
    %ne3A_49 = arith.cmpi ne, %rem3A_47, %ne3A_48 : i32
    %and3A_50 = arith.andi %ne3A_46, %ne3A_49 : i1
    %sub3A_51 = arith.constant 1 : i32
    %sub3A_52 = arith.subi %div3A_31, %sub3A_51 : i32
    %select_n3A_53 = arith.select %and3A_50, %sub3A_52, %div3A_31 : i32
    %add3A_54 = arith.addi %select_n3A, %select_n3A_53 : i32
    %mul3A_55 = arith.constant 8 : i32
    %mul3A_56 = arith.muli %mul3A_55, %add3A_54 : i32
    %scan3A = arith.constant 0 : i32
    %scan3A_57 = arith.constant 0 : i32
    %scan3A_58 = arith.constant 1024 : i32
    %scan3A_59 = arith.addi %scan3A_57, %scan3A_58 : i32
    %scan3A_60 = arith.constant 1 : i32
    scf.for %scan3A_135 = %scan3A_57 to %scan3A_59 step %scan3A_60  : i32 {
      %jit3A_136 = arith.constant 8 : i32
      %div3A_137 = arith.divsi %scan3A_135, %jit3A_136 : i32
      %sign3A_138 = arith.constant 0 : i32
      %sign3A_139 = arith.cmpi sgt, %scan3A_135, %sign3A_138 : i32
      %sign3A_140 = arith.extui %sign3A_139 : i1 to i32
      %sign3A_141 = arith.constant 0 : i32
      %sign3A_142 = arith.cmpi slt, %scan3A_135, %sign3A_141 : i32
      %sign3A_143 = arith.extui %sign3A_142 : i1 to i32
      %sign3A_144 = arith.subi %sign3A_140, %sign3A_143 : i32
      %sign3A_145 = arith.constant 0 : i32
      %sign3A_146 = arith.cmpi sgt, %jit3A_136, %sign3A_145 : i32
      %sign3A_147 = arith.extui %sign3A_146 : i1 to i32
      %sign3A_148 = arith.constant 0 : i32
      %sign3A_149 = arith.cmpi slt, %jit3A_136, %sign3A_148 : i32
      %sign3A_150 = arith.extui %sign3A_149 : i1 to i32
      %sign3A_151 = arith.subi %sign3A_147, %sign3A_150 : i32
      %ne3A_152 = arith.cmpi ne, %sign3A_144, %sign3A_151 : i32
      %rem3A_153 = arith.remsi %scan3A_135, %jit3A_136 : i32
      %ne3A_154 = arith.constant 0 : i32
      %ne3A_155 = arith.cmpi ne, %rem3A_153, %ne3A_154 : i32
      %and3A_156 = arith.andi %ne3A_152, %ne3A_155 : i1
      %sub3A_157 = arith.constant 1 : i32
      %sub3A_158 = arith.subi %div3A_137, %sub3A_157 : i32
      %select_n3A_159 = arith.select %and3A_156, %sub3A_158, %div3A_137 : i32
      %jit3A_160 = arith.constant 8 : i32
      %eq3A_161 = arith.constant 0 : i32
      %eq3A_162 = arith.cmpi eq, %jit3A_160, %eq3A_161 : i32
      %jit3A_163 = arith.constant 1 : i32
      %select_n3A_164 = arith.select %eq3A_162, %jit3A_163, %jit3A_160 : i32
      %rem3A_165 = arith.remsi %scan3A_135, %select_n3A_164 : i32
      %ne3A_166 = arith.constant 0 : i32
      %ne3A_167 = arith.cmpi ne, %rem3A_165, %ne3A_166 : i32
      %lt3A = arith.constant 0 : i32
      %lt3A_168 = arith.cmpi slt, %rem3A_165, %lt3A : i32
      %lt3A_169 = arith.constant 0 : i32
      %lt3A_170 = arith.cmpi slt, %select_n3A_164, %lt3A_169 : i32
      %ne3A_171 = arith.xori %lt3A_168, %lt3A_170 : i1
      %and3A_172 = arith.andi %ne3A_171, %ne3A_167 : i1
      %add3A_173 = arith.addi %rem3A_165, %select_n3A_164 : i32
      %select_n3A_174 = arith.select %and3A_172, %add3A_173, %rem3A_165 : i32
      %broadcast_in_dim3A = arith.constant 0.000000e+00 : f32
      %broadcast_in_dim3A_175 = vector.broadcast %broadcast_in_dim3A : f32 to vector<16xf32>
      %mul3A_176 = arith.constant 16 : i32
      %mul3A_177 = arith.muli %select_n3A_174, %mul3A_176 : i32
      %swap3A = arith.constant 0 : i32
      %swap3A_178 = arith.index_cast %swap3A : i32 to index
      %swap3A_179 = arith.index_cast %select_n3A_159 : i32 to index
      %swap3A_180 = arith.index_cast %mul3A_177 : i32 to index
      %swap3A_181 = tpu.vector_load %arg8[%swap3A_178, %swap3A_179, %swap3A_180] {strides = array<i32>} : memref<2x128x128xf32, #tpu.memory_space<vmem>>, vector<1x1x16xf32>,
      %swap3A_182 = vector.shape_cast %swap3A_181 : vector<1x1x16xf32> to vector<16xf32>
      %swap3A_183 = vector.shape_cast %broadcast_in_dim3A_175 : vector<16xf32> to vector<1x1x16xf32>
      tpu.vector_store %arg8[%swap3A_178, %swap3A_179, %swap3A_180], %swap3A_183 {strides = array<i32>} : memref<2x128x128xf32, #tpu.memory_space<vmem>>, vector<1x1x16xf32>,
    }
    %scan3A_61 = arith.constant 1024 : i32
    %mul3A_62 = arith.constant 640 : i32
    %mul3A_63 = arith.muli %arg1, %mul3A_62 : i32
    %add3A_64 = arith.constant 0 : i32
    %add3A_65 = arith.addi %mul3A_63, %add3A_64 : i32
    %run_scoped3A = arith.constant 0 : i32
    "tpu.region"() ({
      %run_scoped3A_135 = tpu.sem_alloc : memref<!tpu.dma_semaphore, #tpu.memory_space<semaphore_mem>>
      %dma_start3A = arith.constant 0 : i32
      %dma_start3A_136 = arith.constant 0 : i32
      %dma_start3A_137 = tpu.memref_slice %arg8[%run_scoped3A, %dma_start3A, %dma_start3A_136] : memref<2x128x128xf32, #tpu.memory_space<vmem>> -> memref<1x128x128xf32, #tpu.memory_space<vmem>>
      %dma_start3A_138 = tpu.memref_squeeze %dma_start3A_137 : memref<1x128x128xf32, #tpu.memory_space<vmem>> -> memref<128x128xf32, #tpu.memory_space<vmem>>
      %dma_start3A_139 = arith.constant 0 : i32
      %dma_start3A_140 = tpu.memref_slice %arg9[%add3A_65, %dma_start3A_139] : memref<10240x128xf32, #tpu.memory_space<vmem_shared>> -> memref<128x128xf32, #tpu.memory_space<vmem_shared>>
      %dma_start3A_141 = arith.constant 0 : i32
      %dma_start3A_142 = tpu.memref_slice %arg9[%add3A_65, %dma_start3A_141] : memref<10240x128xf32, #tpu.memory_space<vmem_shared>> -> memref<128x128xf32, #tpu.memory_space<vmem_shared>>
      %dma_start3A_143 = arith.constant 0 : i32
      %dma_start3A_144 = arith.constant 0 : i32
      %dma_start3A_145 = tpu.memref_slice %arg8[%run_scoped3A, %dma_start3A_143, %dma_start3A_144] : memref<2x128x128xf32, #tpu.memory_space<vmem>> -> memref<1x128x128xf32, #tpu.memory_space<vmem>>
      %dma_start3A_146 = tpu.memref_squeeze %dma_start3A_145 : memref<1x128x128xf32, #tpu.memory_space<vmem>> -> memref<128x128xf32, #tpu.memory_space<vmem>>
      tpu.enqueue_dma source(%dma_start3A_146 : memref<128x128xf32, #tpu.memory_space<vmem>>) target(%dma_start3A_142 : memref<128x128xf32, #tpu.memory_space<vmem_shared>>) target_semaphore(%run_scoped3A_135 : memref<!tpu.dma_semaphore, #tpu.memory_space<semaphore_mem>>)
      %dma_wait3A = arith.constant 0 : i32
      %dma_wait3A_147 = arith.constant 0 : i32
      %dma_wait3A_148 = tpu.memref_slice %arg8[%run_scoped3A, %dma_wait3A, %dma_wait3A_147] : memref<2x128x128xf32, #tpu.memory_space<vmem>> -> memref<1x128x128xf32, #tpu.memory_space<vmem>>
      %dma_wait3A_149 = tpu.memref_squeeze %dma_wait3A_148 : memref<1x128x128xf32, #tpu.memory_space<vmem>> -> memref<128x128xf32, #tpu.memory_space<vmem>>
      %dma_wait3A_150 = arith.constant 0 : i32
      %dma_wait3A_151 = tpu.memref_slice %arg9[%add3A_65, %dma_wait3A_150] : memref<10240x128xf32, #tpu.memory_space<vmem_shared>> -> memref<128x128xf32, #tpu.memory_space<vmem_shared>>
      %dma_wait3A_152 = arith.constant 0 : i32
      %dma_wait3A_153 = tpu.memref_slice %arg9[%add3A_65, %dma_wait3A_152] : memref<10240x128xf32, #tpu.memory_space<vmem_shared>> -> memref<128x128xf32, #tpu.memory_space<vmem_shared>>
      %dma_wait3A_154 = arith.constant 0 : i32
      %dma_wait3A_155 = arith.constant 0 : i32
      %dma_wait3A_156 = tpu.memref_slice %arg8[%run_scoped3A, %dma_wait3A_154, %dma_wait3A_155] : memref<2x128x128xf32, #tpu.memory_space<vmem>> -> memref<1x128x128xf32, #tpu.memory_space<vmem>>
      %dma_wait3A_157 = tpu.memref_squeeze %dma_wait3A_156 : memref<1x128x128xf32, #tpu.memory_space<vmem>> -> memref<128x128xf32, #tpu.memory_space<vmem>>
      tpu.wait_dma2 semaphore(%run_scoped3A_135 : memref<!tpu.dma_semaphore, #tpu.memory_space<semaphore_mem>>) src(%dma_wait3A_157 : memref<128x128xf32, #tpu.memory_space<vmem>>) dst(%dma_wait3A_153 : memref<128x128xf32, #tpu.memory_space<vmem_shared>>)
      tpu.yield
    }) : () -> ()
    %mul3A_66 = arith.constant 640 : i32
    %mul3A_67 = arith.muli %arg1, %mul3A_66 : i32
    %add3A_68 = arith.constant 128 : i32
    %add3A_69 = arith.addi %mul3A_67, %add3A_68 : i32
    %run_scoped3A_70 = arith.constant 0 : i32
    "tpu.region"() ({
      %run_scoped3A_135 = tpu.sem_alloc : memref<!tpu.dma_semaphore, #tpu.memory_space<semaphore_mem>>
      %dma_start3A = arith.constant 0 : i32
      %dma_start3A_136 = arith.constant 0 : i32
      %dma_start3A_137 = tpu.memref_slice %arg8[%run_scoped3A_70, %dma_start3A, %dma_start3A_136] : memref<2x128x128xf32, #tpu.memory_space<vmem>> -> memref<1x128x128xf32, #tpu.memory_space<vmem>>
      %dma_start3A_138 = tpu.memref_squeeze %dma_start3A_137 : memref<1x128x128xf32, #tpu.memory_space<vmem>> -> memref<128x128xf32, #tpu.memory_space<vmem>>
      %dma_start3A_139 = arith.constant 0 : i32
      %dma_start3A_140 = tpu.memref_slice %arg9[%add3A_69, %dma_start3A_139] : memref<10240x128xf32, #tpu.memory_space<vmem_shared>> -> memref<128x128xf32, #tpu.memory_space<vmem_shared>>
      %dma_start3A_141 = arith.constant 0 : i32
      %dma_start3A_142 = tpu.memref_slice %arg9[%add3A_69, %dma_start3A_141] : memref<10240x128xf32, #tpu.memory_space<vmem_shared>> -> memref<128x128xf32, #tpu.memory_space<vmem_shared>>
      %dma_start3A_143 = arith.constant 0 : i32
      %dma_start3A_144 = arith.constant 0 : i32
      %dma_start3A_145 = tpu.memref_slice %arg8[%run_scoped3A_70, %dma_start3A_143, %dma_start3A_144] : memref<2x128x128xf32, #tpu.memory_space<vmem>> -> memref<1x128x128xf32, #tpu.memory_space<vmem>>
      %dma_start3A_146 = tpu.memref_squeeze %dma_start3A_145 : memref<1x128x128xf32, #tpu.memory_space<vmem>> -> memref<128x128xf32, #tpu.memory_space<vmem>>
      tpu.enqueue_dma source(%dma_start3A_146 : memref<128x128xf32, #tpu.memory_space<vmem>>) target(%dma_start3A_142 : memref<128x128xf32, #tpu.memory_space<vmem_shared>>) target_semaphore(%run_scoped3A_135 : memref<!tpu.dma_semaphore, #tpu.memory_space<semaphore_mem>>)
      %dma_wait3A = arith.constant 0 : i32
      %dma_wait3A_147 = arith.constant 0 : i32
      %dma_wait3A_148 = tpu.memref_slice %arg8[%run_scoped3A_70, %dma_wait3A, %dma_wait3A_147] : memref<2x128x128xf32, #tpu.memory_space<vmem>> -> memref<1x128x128xf32, #tpu.memory_space<vmem>>
      %dma_wait3A_149 = tpu.memref_squeeze %dma_wait3A_148 : memref<1x128x128xf32, #tpu.memory_space<vmem>> -> memref<128x128xf32, #tpu.memory_space<vmem>>
      %dma_wait3A_150 = arith.constant 0 : i32
      %dma_wait3A_151 = tpu.memref_slice %arg9[%add3A_69, %dma_wait3A_150] : memref<10240x128xf32, #tpu.memory_space<vmem_shared>> -> memref<128x128xf32, #tpu.memory_space<vmem_shared>>
      %dma_wait3A_152 = arith.constant 0 : i32
      %dma_wait3A_153 = tpu.memref_slice %arg9[%add3A_69, %dma_wait3A_152] : memref<10240x128xf32, #tpu.memory_space<vmem_shared>> -> memref<128x128xf32, #tpu.memory_space<vmem_shared>>
      %dma_wait3A_154 = arith.constant 0 : i32
      %dma_wait3A_155 = arith.constant 0 : i32
      %dma_wait3A_156 = tpu.memref_slice %arg8[%run_scoped3A_70, %dma_wait3A_154, %dma_wait3A_155] : memref<2x128x128xf32, #tpu.memory_space<vmem>> -> memref<1x128x128xf32, #tpu.memory_space<vmem>>
      %dma_wait3A_157 = tpu.memref_squeeze %dma_wait3A_156 : memref<1x128x128xf32, #tpu.memory_space<vmem>> -> memref<128x128xf32, #tpu.memory_space<vmem>>
      tpu.wait_dma2 semaphore(%run_scoped3A_135 : memref<!tpu.dma_semaphore, #tpu.memory_space<semaphore_mem>>) src(%dma_wait3A_157 : memref<128x128xf32, #tpu.memory_space<vmem>>) dst(%dma_wait3A_153 : memref<128x128xf32, #tpu.memory_space<vmem_shared>>)
      tpu.yield
    }) : () -> ()
    %mul3A_71 = arith.constant 640 : i32
    %mul3A_72 = arith.muli %arg1, %mul3A_71 : i32
    %add3A_73 = arith.constant 256 : i32
    %add3A_74 = arith.addi %mul3A_72, %add3A_73 : i32
    %run_scoped3A_75 = arith.constant 0 : i32
    "tpu.region"() ({
      %run_scoped3A_135 = tpu.sem_alloc : memref<!tpu.dma_semaphore, #tpu.memory_space<semaphore_mem>>
      %dma_start3A = arith.constant 0 : i32
      %dma_start3A_136 = arith.constant 0 : i32
      %dma_start3A_137 = tpu.memref_slice %arg8[%run_scoped3A_75, %dma_start3A, %dma_start3A_136] : memref<2x128x128xf32, #tpu.memory_space<vmem>> -> memref<1x128x128xf32, #tpu.memory_space<vmem>>
      %dma_start3A_138 = tpu.memref_squeeze %dma_start3A_137 : memref<1x128x128xf32, #tpu.memory_space<vmem>> -> memref<128x128xf32, #tpu.memory_space<vmem>>
      %dma_start3A_139 = arith.constant 0 : i32
      %dma_start3A_140 = tpu.memref_slice %arg9[%add3A_74, %dma_start3A_139] : memref<10240x128xf32, #tpu.memory_space<vmem_shared>> -> memref<128x128xf32, #tpu.memory_space<vmem_shared>>
      %dma_start3A_141 = arith.constant 0 : i32
      %dma_start3A_142 = tpu.memref_slice %arg9[%add3A_74, %dma_start3A_141] : memref<10240x128xf32, #tpu.memory_space<vmem_shared>> -> memref<128x128xf32, #tpu.memory_space<vmem_shared>>
      %dma_start3A_143 = arith.constant 0 : i32
      %dma_start3A_144 = arith.constant 0 : i32
      %dma_start3A_145 = tpu.memref_slice %arg8[%run_scoped3A_75, %dma_start3A_143, %dma_start3A_144] : memref<2x128x128xf32, #tpu.memory_space<vmem>> -> memref<1x128x128xf32, #tpu.memory_space<vmem>>
      %dma_start3A_146 = tpu.memref_squeeze %dma_start3A_145 : memref<1x128x128xf32, #tpu.memory_space<vmem>> -> memref<128x128xf32, #tpu.memory_space<vmem>>
      tpu.enqueue_dma source(%dma_start3A_146 : memref<128x128xf32, #tpu.memory_space<vmem>>) target(%dma_start3A_142 : memref<128x128xf32, #tpu.memory_space<vmem_shared>>) target_semaphore(%run_scoped3A_135 : memref<!tpu.dma_semaphore, #tpu.memory_space<semaphore_mem>>)
      %dma_wait3A = arith.constant 0 : i32
      %dma_wait3A_147 = arith.constant 0 : i32
      %dma_wait3A_148 = tpu.memref_slice %arg8[%run_scoped3A_75, %dma_wait3A, %dma_wait3A_147] : memref<2x128x128xf32, #tpu.memory_space<vmem>> -> memref<1x128x128xf32, #tpu.memory_space<vmem>>
      %dma_wait3A_149 = tpu.memref_squeeze %dma_wait3A_148 : memref<1x128x128xf32, #tpu.memory_space<vmem>> -> memref<128x128xf32, #tpu.memory_space<vmem>>
      %dma_wait3A_150 = arith.constant 0 : i32
      %dma_wait3A_151 = tpu.memref_slice %arg9[%add3A_74, %dma_wait3A_150] : memref<10240x128xf32, #tpu.memory_space<vmem_shared>> -> memref<128x128xf32, #tpu.memory_space<vmem_shared>>
      %dma_wait3A_152 = arith.constant 0 : i32
      %dma_wait3A_153 = tpu.memref_slice %arg9[%add3A_74, %dma_wait3A_152] : memref<10240x128xf32, #tpu.memory_space<vmem_shared>> -> memref<128x128xf32, #tpu.memory_space<vmem_shared>>
      %dma_wait3A_154 = arith.constant 0 : i32
      %dma_wait3A_155 = arith.constant 0 : i32
      %dma_wait3A_156 = tpu.memref_slice %arg8[%run_scoped3A_75, %dma_wait3A_154, %dma_wait3A_155] : memref<2x128x128xf32, #tpu.memory_space<vmem>> -> memref<1x128x128xf32, #tpu.memory_space<vmem>>
      %dma_wait3A_157 = tpu.memref_squeeze %dma_wait3A_156 : memref<1x128x128xf32, #tpu.memory_space<vmem>> -> memref<128x128xf32, #tpu.memory_space<vmem>>
      tpu.wait_dma2 semaphore(%run_scoped3A_135 : memref<!tpu.dma_semaphore, #tpu.memory_space<semaphore_mem>>) src(%dma_wait3A_157 : memref<128x128xf32, #tpu.memory_space<vmem>>) dst(%dma_wait3A_153 : memref<128x128xf32, #tpu.memory_space<vmem_shared>>)
      tpu.yield
    }) : () -> ()
    %mul3A_76 = arith.constant 640 : i32
    %mul3A_77 = arith.muli %arg1, %mul3A_76 : i32
    %add3A_78 = arith.constant 384 : i32
    %add3A_79 = arith.addi %mul3A_77, %add3A_78 : i32
    %run_scoped3A_80 = arith.constant 0 : i32
    "tpu.region"() ({
      %run_scoped3A_135 = tpu.sem_alloc : memref<!tpu.dma_semaphore, #tpu.memory_space<semaphore_mem>>
      %dma_start3A = arith.constant 0 : i32
      %dma_start3A_136 = arith.constant 0 : i32
      %dma_start3A_137 = tpu.memref_slice %arg8[%run_scoped3A_80, %dma_start3A, %dma_start3A_136] : memref<2x128x128xf32, #tpu.memory_space<vmem>> -> memref<1x128x128xf32, #tpu.memory_space<vmem>>
      %dma_start3A_138 = tpu.memref_squeeze %dma_start3A_137 : memref<1x128x128xf32, #tpu.memory_space<vmem>> -> memref<128x128xf32, #tpu.memory_space<vmem>>
      %dma_start3A_139 = arith.constant 0 : i32
      %dma_start3A_140 = tpu.memref_slice %arg9[%add3A_79, %dma_start3A_139] : memref<10240x128xf32, #tpu.memory_space<vmem_shared>> -> memref<128x128xf32, #tpu.memory_space<vmem_shared>>
      %dma_start3A_141 = arith.constant 0 : i32
      %dma_start3A_142 = tpu.memref_slice %arg9[%add3A_79, %dma_start3A_141] : memref<10240x128xf32, #tpu.memory_space<vmem_shared>> -> memref<128x128xf32, #tpu.memory_space<vmem_shared>>
      %dma_start3A_143 = arith.constant 0 : i32
      %dma_start3A_144 = arith.constant 0 : i32
      %dma_start3A_145 = tpu.memref_slice %arg8[%run_scoped3A_80, %dma_start3A_143, %dma_start3A_144] : memref<2x128x128xf32, #tpu.memory_space<vmem>> -> memref<1x128x128xf32, #tpu.memory_space<vmem>>
      %dma_start3A_146 = tpu.memref_squeeze %dma_start3A_145 : memref<1x128x128xf32, #tpu.memory_space<vmem>> -> memref<128x128xf32, #tpu.memory_space<vmem>>
      tpu.enqueue_dma source(%dma_start3A_146 : memref<128x128xf32, #tpu.memory_space<vmem>>) target(%dma_start3A_142 : memref<128x128xf32, #tpu.memory_space<vmem_shared>>) target_semaphore(%run_scoped3A_135 : memref<!tpu.dma_semaphore, #tpu.memory_space<semaphore_mem>>)
      %dma_wait3A = arith.constant 0 : i32
      %dma_wait3A_147 = arith.constant 0 : i32
      %dma_wait3A_148 = tpu.memref_slice %arg8[%run_scoped3A_80, %dma_wait3A, %dma_wait3A_147] : memref<2x128x128xf32, #tpu.memory_space<vmem>> -> memref<1x128x128xf32, #tpu.memory_space<vmem>>
      %dma_wait3A_149 = tpu.memref_squeeze %dma_wait3A_148 : memref<1x128x128xf32, #tpu.memory_space<vmem>> -> memref<128x128xf32, #tpu.memory_space<vmem>>
      %dma_wait3A_150 = arith.constant 0 : i32
      %dma_wait3A_151 = tpu.memref_slice %arg9[%add3A_79, %dma_wait3A_150] : memref<10240x128xf32, #tpu.memory_space<vmem_shared>> -> memref<128x128xf32, #tpu.memory_space<vmem_shared>>
      %dma_wait3A_152 = arith.constant 0 : i32
      %dma_wait3A_153 = tpu.memref_slice %arg9[%add3A_79, %dma_wait3A_152] : memref<10240x128xf32, #tpu.memory_space<vmem_shared>> -> memref<128x128xf32, #tpu.memory_space<vmem_shared>>
      %dma_wait3A_154 = arith.constant 0 : i32
      %dma_wait3A_155 = arith.constant 0 : i32
      %dma_wait3A_156 = tpu.memref_slice %arg8[%run_scoped3A_80, %dma_wait3A_154, %dma_wait3A_155] : memref<2x128x128xf32, #tpu.memory_space<vmem>> -> memref<1x128x128xf32, #tpu.memory_space<vmem>>
      %dma_wait3A_157 = tpu.memref_squeeze %dma_wait3A_156 : memref<1x128x128xf32, #tpu.memory_space<vmem>> -> memref<128x128xf32, #tpu.memory_space<vmem>>
      tpu.wait_dma2 semaphore(%run_scoped3A_135 : memref<!tpu.dma_semaphore, #tpu.memory_space<semaphore_mem>>) src(%dma_wait3A_157 : memref<128x128xf32, #tpu.memory_space<vmem>>) dst(%dma_wait3A_153 : memref<128x128xf32, #tpu.memory_space<vmem_shared>>)
      tpu.yield
    }) : () -> ()
    %mul3A_81 = arith.constant 640 : i32
    %mul3A_82 = arith.muli %arg1, %mul3A_81 : i32
    %add3A_83 = arith.constant 512 : i32
    %add3A_84 = arith.addi %mul3A_82, %add3A_83 : i32
    %run_scoped3A_85 = arith.constant 0 : i32
    "tpu.region"() ({
      %run_scoped3A_135 = tpu.sem_alloc : memref<!tpu.dma_semaphore, #tpu.memory_space<semaphore_mem>>
      %dma_start3A = arith.constant 0 : i32
      %dma_start3A_136 = arith.constant 0 : i32
      %dma_start3A_137 = tpu.memref_slice %arg8[%run_scoped3A_85, %dma_start3A, %dma_start3A_136] : memref<2x128x128xf32, #tpu.memory_space<vmem>> -> memref<1x128x128xf32, #tpu.memory_space<vmem>>
      %dma_start3A_138 = tpu.memref_squeeze %dma_start3A_137 : memref<1x128x128xf32, #tpu.memory_space<vmem>> -> memref<128x128xf32, #tpu.memory_space<vmem>>
      %dma_start3A_139 = arith.constant 0 : i32
      %dma_start3A_140 = tpu.memref_slice %arg9[%add3A_84, %dma_start3A_139] : memref<10240x128xf32, #tpu.memory_space<vmem_shared>> -> memref<128x128xf32, #tpu.memory_space<vmem_shared>>
      %dma_start3A_141 = arith.constant 0 : i32
      %dma_start3A_142 = tpu.memref_slice %arg9[%add3A_84, %dma_start3A_141] : memref<10240x128xf32, #tpu.memory_space<vmem_shared>> -> memref<128x128xf32, #tpu.memory_space<vmem_shared>>
      %dma_start3A_143 = arith.constant 0 : i32
      %dma_start3A_144 = arith.constant 0 : i32
      %dma_start3A_145 = tpu.memref_slice %arg8[%run_scoped3A_85, %dma_start3A_143, %dma_start3A_144] : memref<2x128x128xf32, #tpu.memory_space<vmem>> -> memref<1x128x128xf32, #tpu.memory_space<vmem>>
      %dma_start3A_146 = tpu.memref_squeeze %dma_start3A_145 : memref<1x128x128xf32, #tpu.memory_space<vmem>> -> memref<128x128xf32, #tpu.memory_space<vmem>>
      tpu.enqueue_dma source(%dma_start3A_146 : memref<128x128xf32, #tpu.memory_space<vmem>>) target(%dma_start3A_142 : memref<128x128xf32, #tpu.memory_space<vmem_shared>>) target_semaphore(%run_scoped3A_135 : memref<!tpu.dma_semaphore, #tpu.memory_space<semaphore_mem>>)
      %dma_wait3A = arith.constant 0 : i32
      %dma_wait3A_147 = arith.constant 0 : i32
      %dma_wait3A_148 = tpu.memref_slice %arg8[%run_scoped3A_85, %dma_wait3A, %dma_wait3A_147] : memref<2x128x128xf32, #tpu.memory_space<vmem>> -> memref<1x128x128xf32, #tpu.memory_space<vmem>>
      %dma_wait3A_149 = tpu.memref_squeeze %dma_wait3A_148 : memref<1x128x128xf32, #tpu.memory_space<vmem>> -> memref<128x128xf32, #tpu.memory_space<vmem>>
      %dma_wait3A_150 = arith.constant 0 : i32
      %dma_wait3A_151 = tpu.memref_slice %arg9[%add3A_84, %dma_wait3A_150] : memref<10240x128xf32, #tpu.memory_space<vmem_shared>> -> memref<128x128xf32, #tpu.memory_space<vmem_shared>>
      %dma_wait3A_152 = arith.constant 0 : i32
      %dma_wait3A_153 = tpu.memref_slice %arg9[%add3A_84, %dma_wait3A_152] : memref<10240x128xf32, #tpu.memory_space<vmem_shared>> -> memref<128x128xf32, #tpu.memory_space<vmem_shared>>
      %dma_wait3A_154 = arith.constant 0 : i32
      %dma_wait3A_155 = arith.constant 0 : i32
      %dma_wait3A_156 = tpu.memref_slice %arg8[%run_scoped3A_85, %dma_wait3A_154, %dma_wait3A_155] : memref<2x128x128xf32, #tpu.memory_space<vmem>> -> memref<1x128x128xf32, #tpu.memory_space<vmem>>
      %dma_wait3A_157 = tpu.memref_squeeze %dma_wait3A_156 : memref<1x128x128xf32, #tpu.memory_space<vmem>> -> memref<128x128xf32, #tpu.memory_space<vmem>>
      tpu.wait_dma2 semaphore(%run_scoped3A_135 : memref<!tpu.dma_semaphore, #tpu.memory_space<semaphore_mem>>) src(%dma_wait3A_157 : memref<128x128xf32, #tpu.memory_space<vmem>>) dst(%dma_wait3A_153 : memref<128x128xf32, #tpu.memory_space<vmem_shared>>)
      tpu.yield
    }) : () -> ()
    %barrier3A = arith.constant 0 : index
    tpu.barrier barrier_id(%barrier3A)
    %sub3A_86 = arith.subi %mul3A_56, %mul3A_26 : i32
    %add3A_87 = arith.constant 40 : i32
    %add3A_88 = arith.addi %sub3A_86, %add3A_87 : i32
    %sub3A_89 = arith.constant 1 : i32
    %sub3A_90 = arith.subi %add3A_88, %sub3A_89 : i32
    %jit3A_91 = arith.constant 40 : i32
    %div3A_92 = arith.divsi %sub3A_90, %jit3A_91 : i32
    %sign3A_93 = arith.constant 0 : i32
    %sign3A_94 = arith.cmpi sgt, %sub3A_90, %sign3A_93 : i32
    %sign3A_95 = arith.extui %sign3A_94 : i1 to i32
    %sign3A_96 = arith.constant 0 : i32
    %sign3A_97 = arith.cmpi slt, %sub3A_90, %sign3A_96 : i32
    %sign3A_98 = arith.extui %sign3A_97 : i1 to i32
    %sign3A_99 = arith.subi %sign3A_95, %sign3A_98 : i32
    %sign3A_100 = arith.constant 0 : i32
    %sign3A_101 = arith.cmpi sgt, %jit3A_91, %sign3A_100 : i32
    %sign3A_102 = arith.extui %sign3A_101 : i1 to i32
    %sign3A_103 = arith.constant 0 : i32
    %sign3A_104 = arith.cmpi slt, %jit3A_91, %sign3A_103 : i32
    %sign3A_105 = arith.extui %sign3A_104 : i1 to i32
    %sign3A_106 = arith.subi %sign3A_102, %sign3A_105 : i32
    %ne3A_107 = arith.cmpi ne, %sign3A_99, %sign3A_106 : i32
    %rem3A_108 = arith.remsi %sub3A_90, %jit3A_91 : i32
    %ne3A_109 = arith.constant 0 : i32
    %ne3A_110 = arith.cmpi ne, %rem3A_108, %ne3A_109 : i32
    %and3A_111 = arith.andi %ne3A_107, %ne3A_110 : i1
    %sub3A_112 = arith.constant 1 : i32
    %sub3A_113 = arith.subi %div3A_92, %sub3A_112 : i32
    %select_n3A_114 = arith.select %and3A_111, %sub3A_113, %div3A_92 : i32
    %while3A = arith.constant 0 : i32
    %while3A_115 = arith.constant 0 : i32
    %while3A_116 = arith.subi %select_n3A_114, %while3A_115 : i32
    %while3A_117 = arith.addi %while3A_115, %while3A_116 : i32
    %while3A_118 = arith.constant 1 : i32
    %while3A_119 = arith.divsi %while3A_116, %while3A_118 : i32
    %while3A_120 = arith.muli %while3A_119, %while3A_118 : i32
    %while3A_121 = arith.addi %while3A_115, %while3A_120 : i32
    %while3A_122 = arith.constant 1 : i32
    scf.for %while3A_135 = %while3A_115 to %while3A_121 step %while3A_122  : i32 {
      %mul3A_136 = arith.constant 40 : i32
      %mul3A_137 = arith.muli %while3A_135, %mul3A_136 : i32
      %add3A_138 = arith.addi %mul3A_26, %mul3A_137 : i32
      %sub3A_139 = arith.subi %mul3A_56, %add3A_138 : i32
      %min3A = arith.constant 40 : i32
      %min3A_140 = arith.minsi %min3A, %sub3A_139 : i32
      %min3A_141 = arith.constant 2456 : i32
      %min3A_142 = arith.minsi %add3A_138, %min3A_141 : i32
      %multiple_of3A = tpu.assume_multiple %min3A_142, 8 : i32
      %sub3A_143 = arith.subi %add3A_138, %multiple_of3A : i32
      %dma_start3A = arith.constant 0 : i32
      %dma_start3A_144 = tpu.memref_slice %arg3[%multiple_of3A, %dma_start3A] : memref<2500x128xi32, #tpu.memory_space<hbm>> -> memref<40x128xi32, #tpu.memory_space<hbm>>
      %dma_start3A_145 = arith.constant 0 : i32
      %dma_start3A_146 = tpu.memref_slice %arg3[%multiple_of3A, %dma_start3A_145] : memref<2500x128xi32, #tpu.memory_space<hbm>> -> memref<40x128xi32, #tpu.memory_space<hbm>>
      tpu.enqueue_dma source(%dma_start3A_146 : memref<40x128xi32, #tpu.memory_space<hbm>>) target(%arg6 : memref<40x128xi32, #tpu.memory_space<vmem>>) target_semaphore(%arg10 : memref<!tpu.dma_semaphore, #tpu.memory_space<semaphore_mem>>)
      %dma_wait3A = arith.constant 0 : i32
      %dma_wait3A_147 = tpu.memref_slice %arg3[%multiple_of3A, %dma_wait3A] : memref<2500x128xi32, #tpu.memory_space<hbm>> -> memref<40x128xi32, #tpu.memory_space<hbm>>
      %dma_wait3A_148 = arith.constant 0 : i32
      %dma_wait3A_149 = tpu.memref_slice %arg3[%multiple_of3A, %dma_wait3A_148] : memref<2500x128xi32, #tpu.memory_space<hbm>> -> memref<40x128xi32, #tpu.memory_space<hbm>>
      tpu.wait_dma2 semaphore(%arg10 : memref<!tpu.dma_semaphore, #tpu.memory_space<semaphore_mem>>) src(%dma_wait3A_149 : memref<40x128xi32, #tpu.memory_space<hbm>>) dst(%arg6 : memref<40x128xi32, #tpu.memory_space<vmem>>)
      %dma_start3A_150 = arith.constant 0 : i32
      %dma_start3A_151 = tpu.memref_slice %arg4[%multiple_of3A, %dma_start3A_150] : memref<2500x128xi32, #tpu.memory_space<hbm>> -> memref<40x128xi32, #tpu.memory_space<hbm>>
      %dma_start3A_152 = arith.constant 0 : i32
      %dma_start3A_153 = tpu.memref_slice %arg4[%multiple_of3A, %dma_start3A_152] : memref<2500x128xi32, #tpu.memory_space<hbm>> -> memref<40x128xi32, #tpu.memory_space<hbm>>
      tpu.enqueue_dma source(%dma_start3A_153 : memref<40x128xi32, #tpu.memory_space<hbm>>) target(%arg7 : memref<40x128xi32, #tpu.memory_space<vmem>>) target_semaphore(%arg10 : memref<!tpu.dma_semaphore, #tpu.memory_space<semaphore_mem>>)
      %dma_wait3A_154 = arith.constant 0 : i32
      %dma_wait3A_155 = tpu.memref_slice %arg4[%multiple_of3A, %dma_wait3A_154] : memref<2500x128xi32, #tpu.memory_space<hbm>> -> memref<40x128xi32, #tpu.memory_space<hbm>>
      %dma_wait3A_156 = arith.constant 0 : i32
      %dma_wait3A_157 = tpu.memref_slice %arg4[%multiple_of3A, %dma_wait3A_156] : memref<2500x128xi32, #tpu.memory_space<hbm>> -> memref<40x128xi32, #tpu.memory_space<hbm>>
      tpu.wait_dma2 semaphore(%arg10 : memref<!tpu.dma_semaphore, #tpu.memory_space<semaphore_mem>>) src(%dma_wait3A_157 : memref<40x128xi32, #tpu.memory_space<hbm>>) dst(%arg7 : memref<40x128xi32, #tpu.memory_space<vmem>>)
      %dma_start3A_158 = arith.constant 0 : i32
      %dma_start3A_159 = arith.constant 0 : i32
      %dma_start3A_160 = arith.constant 0 : i32
      %dma_start3A_161 = tpu.memref_slice %arg8[%dma_start3A_158, %dma_start3A_159, %dma_start3A_160] : memref<2x128x128xf32, #tpu.memory_space<vmem>> -> memref<1x128x128xf32, #tpu.memory_space<vmem>>
      %dma_start3A_162 = tpu.memref_squeeze %dma_start3A_161 : memref<1x128x128xf32, #tpu.memory_space<vmem>> -> memref<128x128xf32, #tpu.memory_space<vmem>>
      %dma_start3A_163 = arith.constant 0 : i32
      %dma_start3A_164 = tpu.memref_slice %arg6[%sub3A_143, %dma_start3A_163] : memref<40x128xi32, #tpu.memory_space<vmem>> -> memref<1x128xi32, #tpu.memory_space<vmem>>
      %dma_start3A_165 = tpu.memref_squeeze %dma_start3A_164 : memref<1x128xi32, #tpu.memory_space<vmem>> -> memref<128xi32, #tpu.memory_space<vmem>>
      %dma_start3A_166 = arith.constant 0 : i32
      %dma_start3A_167 = arith.constant 0 : i32
      %dma_start3A_168 = tpu.memref_slice %arg2[%dma_start3A_166, %dma_start3A_167] : memref<10240x128xf32, #tpu.memory_space<hbm>> -> memref<10240x128xf32, #tpu.memory_space<hbm>>
      tpu.enqueue_indirect_dma source(%dma_start3A_168 : memref<10240x128xf32, #tpu.memory_space<hbm>>) target(%dma_start3A_162 : memref<128x128xf32, #tpu.memory_space<vmem>>) offsets(%dma_start3A_165 : memref<128xi32, #tpu.memory_space<vmem>>) semaphore(%arg10 : memref<!tpu.dma_semaphore, #tpu.memory_space<semaphore_mem>>)
      %while3A_169 = arith.constant 0 : i32
      %while3A_170 = arith.constant 0 : i32
      %while3A_171 = arith.subi %min3A_140, %while3A_170 : i32
      %while3A_172 = arith.addi %while3A_170, %while3A_171 : i32
      %while3A_173 = arith.constant 1 : i32
      %while3A_174 = arith.divsi %while3A_171, %while3A_173 : i32
      %while3A_175 = arith.muli %while3A_174, %while3A_173 : i32
      %while3A_176 = arith.addi %while3A_170, %while3A_175 : i32
      %while3A_177 = arith.constant 1 : i32
      scf.for %while3A_179 = %while3A_170 to %while3A_176 step %while3A_177  : i32 {
        %jit3A_180 = arith.constant 2 : i32
        %eq3A_181 = arith.constant 0 : i32
        %eq3A_182 = arith.cmpi eq, %jit3A_180, %eq3A_181 : i32
        %jit3A_183 = arith.constant 1 : i32
        %select_n3A_184 = arith.select %eq3A_182, %jit3A_183, %jit3A_180 : i32
        %rem3A_185 = arith.remsi %while3A_179, %select_n3A_184 : i32
        %ne3A_186 = arith.constant 0 : i32
        %ne3A_187 = arith.cmpi ne, %rem3A_185, %ne3A_186 : i32
        %lt3A = arith.constant 0 : i32
        %lt3A_188 = arith.cmpi slt, %rem3A_185, %lt3A : i32
        %lt3A_189 = arith.constant 0 : i32
        %lt3A_190 = arith.cmpi slt, %select_n3A_184, %lt3A_189 : i32
        %ne3A_191 = arith.xori %lt3A_188, %lt3A_190 : i1
        %and3A_192 = arith.andi %ne3A_191, %ne3A_187 : i1
        %add3A_193 = arith.addi %rem3A_185, %select_n3A_184 : i32
        %select_n3A_194 = arith.select %and3A_192, %add3A_193, %rem3A_185 : i32
        %add3A_195 = arith.addi %sub3A_143, %while3A_179 : i32
        %dma_wait3A_196 = arith.constant 0 : i32
        %dma_wait3A_197 = arith.constant 0 : i32
        %dma_wait3A_198 = tpu.memref_slice %arg8[%select_n3A_194, %dma_wait3A_196, %dma_wait3A_197] : memref<2x128x128xf32, #tpu.memory_space<vmem>> -> memref<1x128x128xf32, #tpu.memory_space<vmem>>
        %dma_wait3A_199 = tpu.memref_squeeze %dma_wait3A_198 : memref<1x128x128xf32, #tpu.memory_space<vmem>> -> memref<128x128xf32, #tpu.memory_space<vmem>>
        %dma_wait3A_200 = arith.constant 0 : i32
        %dma_wait3A_201 = tpu.memref_slice %arg6[%add3A_195, %dma_wait3A_200] : memref<40x128xi32, #tpu.memory_space<vmem>> -> memref<1x128xi32, #tpu.memory_space<vmem>>
        %dma_wait3A_202 = tpu.memref_squeeze %dma_wait3A_201 : memref<1x128xi32, #tpu.memory_space<vmem>> -> memref<128xi32, #tpu.memory_space<vmem>>
        %dma_wait3A_203 = arith.constant 0 : i32
        %dma_wait3A_204 = arith.constant 0 : i32
        %dma_wait3A_205 = tpu.memref_slice %arg2[%dma_wait3A_203, %dma_wait3A_204] : memref<10240x128xf32, #tpu.memory_space<hbm>> -> memref<10240x128xf32, #tpu.memory_space<hbm>>
        tpu.wait_indirect_dma semaphore(%arg10 : memref<!tpu.dma_semaphore, #tpu.memory_space<semaphore_mem>>) src(%dma_wait3A_205 : memref<10240x128xf32, #tpu.memory_space<hbm>>) dst(%dma_wait3A_199 : memref<128x128xf32, #tpu.memory_space<vmem>>)
        %add3A_206 = arith.constant 1 : i32
        %add3A_207 = arith.addi %while3A_179, %add3A_206 : i32
        %lt3A_208 = arith.cmpi slt, %add3A_207, %min3A_140 : i32
        %convert_element_type3A_209 = arith.extui %lt3A_208 : i1 to i32
        %cond3A_210 = arith.constant 0 : i32
        %cond3A_211 = arith.cmpi ne, %convert_element_type3A_209, %cond3A_210 : i32
        scf.if %cond3A_211 {
          %add3A_213 = arith.addi %sub3A_143, %while3A_179 : i32
          %add3A_214 = arith.constant 1 : i32
          %add3A_215 = arith.addi %add3A_213, %add3A_214 : i32
          %add3A_216 = arith.constant 1 : i32
          %add3A_217 = arith.addi %while3A_179, %add3A_216 : i32
          %jit3A_218 = arith.constant 2 : i32
          %eq3A_219 = arith.constant 0 : i32
          %eq3A_220 = arith.cmpi eq, %jit3A_218, %eq3A_219 : i32
          %jit3A_221 = arith.constant 1 : i32
          %select_n3A_222 = arith.select %eq3A_220, %jit3A_221, %jit3A_218 : i32
          %rem3A_223 = arith.remsi %add3A_217, %select_n3A_222 : i32
          %ne3A_224 = arith.constant 0 : i32
          %ne3A_225 = arith.cmpi ne, %rem3A_223, %ne3A_224 : i32
          %lt3A_226 = arith.constant 0 : i32
          %lt3A_227 = arith.cmpi slt, %rem3A_223, %lt3A_226 : i32
          %lt3A_228 = arith.constant 0 : i32
          %lt3A_229 = arith.cmpi slt, %select_n3A_222, %lt3A_228 : i32
          %ne3A_230 = arith.xori %lt3A_227, %lt3A_229 : i1
          %and3A_231 = arith.andi %ne3A_230, %ne3A_225 : i1
          %add3A_232 = arith.addi %rem3A_223, %select_n3A_222 : i32
          %select_n3A_233 = arith.select %and3A_231, %add3A_232, %rem3A_223 : i32
          %dma_start3A_234 = arith.constant 0 : i32
          %dma_start3A_235 = arith.constant 0 : i32
          %dma_start3A_236 = tpu.memref_slice %arg8[%select_n3A_233, %dma_start3A_234, %dma_start3A_235] : memref<2x128x128xf32, #tpu.memory_space<vmem>> -> memref<1x128x128xf32, #tpu.memory_space<vmem>>
          %dma_start3A_237 = tpu.memref_squeeze %dma_start3A_236 : memref<1x128x128xf32, #tpu.memory_space<vmem>> -> memref<128x128xf32, #tpu.memory_space<vmem>>
          %dma_start3A_238 = arith.constant 0 : i32
          %dma_start3A_239 = tpu.memref_slice %arg6[%add3A_215, %dma_start3A_238] : memref<40x128xi32, #tpu.memory_space<vmem>> -> memref<1x128xi32, #tpu.memory_space<vmem>>
          %dma_start3A_240 = tpu.memref_squeeze %dma_start3A_239 : memref<1x128xi32, #tpu.memory_space<vmem>> -> memref<128xi32, #tpu.memory_space<vmem>>
          %dma_start3A_241 = arith.constant 0 : i32
          %dma_start3A_242 = arith.constant 0 : i32
          %dma_start3A_243 = tpu.memref_slice %arg2[%dma_start3A_241, %dma_start3A_242] : memref<10240x128xf32, #tpu.memory_space<hbm>> -> memref<10240x128xf32, #tpu.memory_space<hbm>>
          tpu.enqueue_indirect_dma source(%dma_start3A_243 : memref<10240x128xf32, #tpu.memory_space<hbm>>) target(%dma_start3A_237 : memref<128x128xf32, #tpu.memory_space<vmem>>) offsets(%dma_start3A_240 : memref<128xi32, #tpu.memory_space<vmem>>) semaphore(%arg10 : memref<!tpu.dma_semaphore, #tpu.memory_space<semaphore_mem>>)
        } else {
        }
        %add3A_212 = arith.addi %sub3A_143, %while3A_179 : i32
        "tpu.region"() ({
          %run_scoped3A_213 = tpu.sem_alloc : memref<!tpu.dma_semaphore, #tpu.memory_space<semaphore_mem>>
          %dma_start3A_214 = arith.constant 0 : i32
          %dma_start3A_215 = arith.constant 0 : i32
          %dma_start3A_216 = tpu.memref_slice %arg8[%select_n3A_194, %dma_start3A_214, %dma_start3A_215] : memref<2x128x128xf32, #tpu.memory_space<vmem>> -> memref<1x128x128xf32, #tpu.memory_space<vmem>>
          %dma_start3A_217 = tpu.memref_squeeze %dma_start3A_216 : memref<1x128x128xf32, #tpu.memory_space<vmem>> -> memref<128x128xf32, #tpu.memory_space<vmem>>
          %dma_start3A_218 = arith.constant 0 : i32
          %dma_start3A_219 = tpu.memref_slice %arg7[%add3A_212, %dma_start3A_218] : memref<40x128xi32, #tpu.memory_space<vmem>> -> memref<1x128xi32, #tpu.memory_space<vmem>>
          %dma_start3A_220 = tpu.memref_squeeze %dma_start3A_219 : memref<1x128xi32, #tpu.memory_space<vmem>> -> memref<128xi32, #tpu.memory_space<vmem>>
          %dma_start3A_221 = arith.constant 0 : i32
          %dma_start3A_222 = arith.constant 0 : i32
          %dma_start3A_223 = tpu.memref_slice %arg9[%dma_start3A_221, %dma_start3A_222] : memref<10240x128xf32, #tpu.memory_space<vmem_shared>> -> memref<10240x128xf32, #tpu.memory_space<vmem_shared>>
          tpu.enqueue_indirect_dma source(%dma_start3A_217 : memref<128x128xf32, #tpu.memory_space<vmem>>) target(%dma_start3A_223 : memref<10240x128xf32, #tpu.memory_space<vmem_shared>>) offsets(%dma_start3A_220 : memref<128xi32, #tpu.memory_space<vmem>>) semaphore(%run_scoped3A_213 : memref<!tpu.dma_semaphore, #tpu.memory_space<semaphore_mem>>) {add = true}
          %dma_wait3A_224 = arith.constant 0 : i32
          %dma_wait3A_225 = arith.constant 0 : i32
          %dma_wait3A_226 = tpu.memref_slice %arg8[%select_n3A_194, %dma_wait3A_224, %dma_wait3A_225] : memref<2x128x128xf32, #tpu.memory_space<vmem>> -> memref<1x128x128xf32, #tpu.memory_space<vmem>>
          %dma_wait3A_227 = tpu.memref_squeeze %dma_wait3A_226 : memref<1x128x128xf32, #tpu.memory_space<vmem>> -> memref<128x128xf32, #tpu.memory_space<vmem>>
          %dma_wait3A_228 = arith.constant 0 : i32
          %dma_wait3A_229 = tpu.memref_slice %arg7[%add3A_212, %dma_wait3A_228] : memref<40x128xi32, #tpu.memory_space<vmem>> -> memref<1x128xi32, #tpu.memory_space<vmem>>
          %dma_wait3A_230 = tpu.memref_squeeze %dma_wait3A_229 : memref<1x128xi32, #tpu.memory_space<vmem>> -> memref<128xi32, #tpu.memory_space<vmem>>
          %dma_wait3A_231 = arith.constant 0 : i32
          %dma_wait3A_232 = arith.constant 0 : i32
          %dma_wait3A_233 = tpu.memref_slice %arg9[%dma_wait3A_231, %dma_wait3A_232] : memref<10240x128xf32, #tpu.memory_space<vmem_shared>> -> memref<10240x128xf32, #tpu.memory_space<vmem_shared>>
          tpu.wait_indirect_dma semaphore(%run_scoped3A_213 : memref<!tpu.dma_semaphore, #tpu.memory_space<semaphore_mem>>) src(%dma_wait3A_227 : memref<128x128xf32, #tpu.memory_space<vmem>>) dst(%dma_wait3A_233 : memref<10240x128xf32, #tpu.memory_space<vmem_shared>>)
          tpu.yield
        }) : () -> ()
      }
      %while3A_178 = arith.constant 1 : i32
      scf.for %while3A_179 = %while3A_176 to %while3A_172 step %while3A_178  : i32 {
        %jit3A_180 = arith.constant 2 : i32
        %eq3A_181 = arith.constant 0 : i32
        %eq3A_182 = arith.cmpi eq, %jit3A_180, %eq3A_181 : i32
        %jit3A_183 = arith.constant 1 : i32
        %select_n3A_184 = arith.select %eq3A_182, %jit3A_183, %jit3A_180 : i32
        %rem3A_185 = arith.remsi %while3A_179, %select_n3A_184 : i32
        %ne3A_186 = arith.constant 0 : i32
        %ne3A_187 = arith.cmpi ne, %rem3A_185, %ne3A_186 : i32
        %lt3A = arith.constant 0 : i32
        %lt3A_188 = arith.cmpi slt, %rem3A_185, %lt3A : i32
        %lt3A_189 = arith.constant 0 : i32
        %lt3A_190 = arith.cmpi slt, %select_n3A_184, %lt3A_189 : i32
        %ne3A_191 = arith.xori %lt3A_188, %lt3A_190 : i1
        %and3A_192 = arith.andi %ne3A_191, %ne3A_187 : i1
        %add3A_193 = arith.addi %rem3A_185, %select_n3A_184 : i32
        %select_n3A_194 = arith.select %and3A_192, %add3A_193, %rem3A_185 : i32
        %add3A_195 = arith.addi %sub3A_143, %while3A_179 : i32
        %dma_wait3A_196 = arith.constant 0 : i32
        %dma_wait3A_197 = arith.constant 0 : i32
        %dma_wait3A_198 = tpu.memref_slice %arg8[%select_n3A_194, %dma_wait3A_196, %dma_wait3A_197] : memref<2x128x128xf32, #tpu.memory_space<vmem>> -> memref<1x128x128xf32, #tpu.memory_space<vmem>>
        %dma_wait3A_199 = tpu.memref_squeeze %dma_wait3A_198 : memref<1x128x128xf32, #tpu.memory_space<vmem>> -> memref<128x128xf32, #tpu.memory_space<vmem>>
        %dma_wait3A_200 = arith.constant 0 : i32
        %dma_wait3A_201 = tpu.memref_slice %arg6[%add3A_195, %dma_wait3A_200] : memref<40x128xi32, #tpu.memory_space<vmem>> -> memref<1x128xi32, #tpu.memory_space<vmem>>
        %dma_wait3A_202 = tpu.memref_squeeze %dma_wait3A_201 : memref<1x128xi32, #tpu.memory_space<vmem>> -> memref<128xi32, #tpu.memory_space<vmem>>
        %dma_wait3A_203 = arith.constant 0 : i32
        %dma_wait3A_204 = arith.constant 0 : i32
        %dma_wait3A_205 = tpu.memref_slice %arg2[%dma_wait3A_203, %dma_wait3A_204] : memref<10240x128xf32, #tpu.memory_space<hbm>> -> memref<10240x128xf32, #tpu.memory_space<hbm>>
        tpu.wait_indirect_dma semaphore(%arg10 : memref<!tpu.dma_semaphore, #tpu.memory_space<semaphore_mem>>) src(%dma_wait3A_205 : memref<10240x128xf32, #tpu.memory_space<hbm>>) dst(%dma_wait3A_199 : memref<128x128xf32, #tpu.memory_space<vmem>>)
        %add3A_206 = arith.constant 1 : i32
        %add3A_207 = arith.addi %while3A_179, %add3A_206 : i32
        %lt3A_208 = arith.cmpi slt, %add3A_207, %min3A_140 : i32
        %convert_element_type3A_209 = arith.extui %lt3A_208 : i1 to i32
        %cond3A_210 = arith.constant 0 : i32
        %cond3A_211 = arith.cmpi ne, %convert_element_type3A_209, %cond3A_210 : i32
        scf.if %cond3A_211 {
          %add3A_213 = arith.addi %sub3A_143, %while3A_179 : i32
          %add3A_214 = arith.constant 1 : i32
          %add3A_215 = arith.addi %add3A_213, %add3A_214 : i32
          %add3A_216 = arith.constant 1 : i32
          %add3A_217 = arith.addi %while3A_179, %add3A_216 : i32
          %jit3A_218 = arith.constant 2 : i32
          %eq3A_219 = arith.constant 0 : i32
          %eq3A_220 = arith.cmpi eq, %jit3A_218, %eq3A_219 : i32
          %jit3A_221 = arith.constant 1 : i32
          %select_n3A_222 = arith.select %eq3A_220, %jit3A_221, %jit3A_218 : i32
          %rem3A_223 = arith.remsi %add3A_217, %select_n3A_222 : i32
          %ne3A_224 = arith.constant 0 : i32
          %ne3A_225 = arith.cmpi ne, %rem3A_223, %ne3A_224 : i32
          %lt3A_226 = arith.constant 0 : i32
          %lt3A_227 = arith.cmpi slt, %rem3A_223, %lt3A_226 : i32
          %lt3A_228 = arith.constant 0 : i32
          %lt3A_229 = arith.cmpi slt, %select_n3A_222, %lt3A_228 : i32
          %ne3A_230 = arith.xori %lt3A_227, %lt3A_229 : i1
          %and3A_231 = arith.andi %ne3A_230, %ne3A_225 : i1
          %add3A_232 = arith.addi %rem3A_223, %select_n3A_222 : i32
          %select_n3A_233 = arith.select %and3A_231, %add3A_232, %rem3A_223 : i32
          %dma_start3A_234 = arith.constant 0 : i32
          %dma_start3A_235 = arith.constant 0 : i32
          %dma_start3A_236 = tpu.memref_slice %arg8[%select_n3A_233, %dma_start3A_234, %dma_start3A_235] : memref<2x128x128xf32, #tpu.memory_space<vmem>> -> memref<1x128x128xf32, #tpu.memory_space<vmem>>
          %dma_start3A_237 = tpu.memref_squeeze %dma_start3A_236 : memref<1x128x128xf32, #tpu.memory_space<vmem>> -> memref<128x128xf32, #tpu.memory_space<vmem>>
          %dma_start3A_238 = arith.constant 0 : i32
          %dma_start3A_239 = tpu.memref_slice %arg6[%add3A_215, %dma_start3A_238] : memref<40x128xi32, #tpu.memory_space<vmem>> -> memref<1x128xi32, #tpu.memory_space<vmem>>
          %dma_start3A_240 = tpu.memref_squeeze %dma_start3A_239 : memref<1x128xi32, #tpu.memory_space<vmem>> -> memref<128xi32, #tpu.memory_space<vmem>>
          %dma_start3A_241 = arith.constant 0 : i32
          %dma_start3A_242 = arith.constant 0 : i32
          %dma_start3A_243 = tpu.memref_slice %arg2[%dma_start3A_241, %dma_start3A_242] : memref<10240x128xf32, #tpu.memory_space<hbm>> -> memref<10240x128xf32, #tpu.memory_space<hbm>>
          tpu.enqueue_indirect_dma source(%dma_start3A_243 : memref<10240x128xf32, #tpu.memory_space<hbm>>) target(%dma_start3A_237 : memref<128x128xf32, #tpu.memory_space<vmem>>) offsets(%dma_start3A_240 : memref<128xi32, #tpu.memory_space<vmem>>) semaphore(%arg10 : memref<!tpu.dma_semaphore, #tpu.memory_space<semaphore_mem>>)
        } else {
        }
        %add3A_212 = arith.addi %sub3A_143, %while3A_179 : i32
        "tpu.region"() ({
          %run_scoped3A_213 = tpu.sem_alloc : memref<!tpu.dma_semaphore, #tpu.memory_space<semaphore_mem>>
          %dma_start3A_214 = arith.constant 0 : i32
          %dma_start3A_215 = arith.constant 0 : i32
          %dma_start3A_216 = tpu.memref_slice %arg8[%select_n3A_194, %dma_start3A_214, %dma_start3A_215] : memref<2x128x128xf32, #tpu.memory_space<vmem>> -> memref<1x128x128xf32, #tpu.memory_space<vmem>>
          %dma_start3A_217 = tpu.memref_squeeze %dma_start3A_216 : memref<1x128x128xf32, #tpu.memory_space<vmem>> -> memref<128x128xf32, #tpu.memory_space<vmem>>
          %dma_start3A_218 = arith.constant 0 : i32
          %dma_start3A_219 = tpu.memref_slice %arg7[%add3A_212, %dma_start3A_218] : memref<40x128xi32, #tpu.memory_space<vmem>> -> memref<1x128xi32, #tpu.memory_space<vmem>>
          %dma_start3A_220 = tpu.memref_squeeze %dma_start3A_219 : memref<1x128xi32, #tpu.memory_space<vmem>> -> memref<128xi32, #tpu.memory_space<vmem>>
          %dma_start3A_221 = arith.constant 0 : i32
          %dma_start3A_222 = arith.constant 0 : i32
          %dma_start3A_223 = tpu.memref_slice %arg9[%dma_start3A_221, %dma_start3A_222] : memref<10240x128xf32, #tpu.memory_space<vmem_shared>> -> memref<10240x128xf32, #tpu.memory_space<vmem_shared>>
          tpu.enqueue_indirect_dma source(%dma_start3A_217 : memref<128x128xf32, #tpu.memory_space<vmem>>) target(%dma_start3A_223 : memref<10240x128xf32, #tpu.memory_space<vmem_shared>>) offsets(%dma_start3A_220 : memref<128xi32, #tpu.memory_space<vmem>>) semaphore(%run_scoped3A_213 : memref<!tpu.dma_semaphore, #tpu.memory_space<semaphore_mem>>) {add = true}
          %dma_wait3A_224 = arith.constant 0 : i32
          %dma_wait3A_225 = arith.constant 0 : i32
          %dma_wait3A_226 = tpu.memref_slice %arg8[%select_n3A_194, %dma_wait3A_224, %dma_wait3A_225] : memref<2x128x128xf32, #tpu.memory_space<vmem>> -> memref<1x128x128xf32, #tpu.memory_space<vmem>>
          %dma_wait3A_227 = tpu.memref_squeeze %dma_wait3A_226 : memref<1x128x128xf32, #tpu.memory_space<vmem>> -> memref<128x128xf32, #tpu.memory_space<vmem>>
          %dma_wait3A_228 = arith.constant 0 : i32
          %dma_wait3A_229 = tpu.memref_slice %arg7[%add3A_212, %dma_wait3A_228] : memref<40x128xi32, #tpu.memory_space<vmem>> -> memref<1x128xi32, #tpu.memory_space<vmem>>
          %dma_wait3A_230 = tpu.memref_squeeze %dma_wait3A_229 : memref<1x128xi32, #tpu.memory_space<vmem>> -> memref<128xi32, #tpu.memory_space<vmem>>
          %dma_wait3A_231 = arith.constant 0 : i32
          %dma_wait3A_232 = arith.constant 0 : i32
          %dma_wait3A_233 = tpu.memref_slice %arg9[%dma_wait3A_231, %dma_wait3A_232] : memref<10240x128xf32, #tpu.memory_space<vmem_shared>> -> memref<10240x128xf32, #tpu.memory_space<vmem_shared>>
          tpu.wait_indirect_dma semaphore(%run_scoped3A_213 : memref<!tpu.dma_semaphore, #tpu.memory_space<semaphore_mem>>) src(%dma_wait3A_227 : memref<128x128xf32, #tpu.memory_space<vmem>>) dst(%dma_wait3A_233 : memref<10240x128xf32, #tpu.memory_space<vmem_shared>>)
          tpu.yield
        }) : () -> ()
      }
    }
    %while3A_123 = arith.constant 1 : i32
    scf.for %while3A_135 = %while3A_121 to %while3A_117 step %while3A_123  : i32 {
      %mul3A_136 = arith.constant 40 : i32
      %mul3A_137 = arith.muli %while3A_135, %mul3A_136 : i32
      %add3A_138 = arith.addi %mul3A_26, %mul3A_137 : i32
      %sub3A_139 = arith.subi %mul3A_56, %add3A_138 : i32
      %min3A = arith.constant 40 : i32
      %min3A_140 = arith.minsi %min3A, %sub3A_139 : i32
      %min3A_141 = arith.constant 2456 : i32
      %min3A_142 = arith.minsi %add3A_138, %min3A_141 : i32
      %multiple_of3A = tpu.assume_multiple %min3A_142, 8 : i32
      %sub3A_143 = arith.subi %add3A_138, %multiple_of3A : i32
      %dma_start3A = arith.constant 0 : i32
      %dma_start3A_144 = tpu.memref_slice %arg3[%multiple_of3A, %dma_start3A] : memref<2500x128xi32, #tpu.memory_space<hbm>> -> memref<40x128xi32, #tpu.memory_space<hbm>>
      %dma_start3A_145 = arith.constant 0 : i32
      %dma_start3A_146 = tpu.memref_slice %arg3[%multiple_of3A, %dma_start3A_145] : memref<2500x128xi32, #tpu.memory_space<hbm>> -> memref<40x128xi32, #tpu.memory_space<hbm>>
      tpu.enqueue_dma source(%dma_start3A_146 : memref<40x128xi32, #tpu.memory_space<hbm>>) target(%arg6 : memref<40x128xi32, #tpu.memory_space<vmem>>) target_semaphore(%arg10 : memref<!tpu.dma_semaphore, #tpu.memory_space<semaphore_mem>>)
      %dma_wait3A = arith.constant 0 : i32
      %dma_wait3A_147 = tpu.memref_slice %arg3[%multiple_of3A, %dma_wait3A] : memref<2500x128xi32, #tpu.memory_space<hbm>> -> memref<40x128xi32, #tpu.memory_space<hbm>>
      %dma_wait3A_148 = arith.constant 0 : i32
      %dma_wait3A_149 = tpu.memref_slice %arg3[%multiple_of3A, %dma_wait3A_148] : memref<2500x128xi32, #tpu.memory_space<hbm>> -> memref<40x128xi32, #tpu.memory_space<hbm>>
      tpu.wait_dma2 semaphore(%arg10 : memref<!tpu.dma_semaphore, #tpu.memory_space<semaphore_mem>>) src(%dma_wait3A_149 : memref<40x128xi32, #tpu.memory_space<hbm>>) dst(%arg6 : memref<40x128xi32, #tpu.memory_space<vmem>>)
      %dma_start3A_150 = arith.constant 0 : i32
      %dma_start3A_151 = tpu.memref_slice %arg4[%multiple_of3A, %dma_start3A_150] : memref<2500x128xi32, #tpu.memory_space<hbm>> -> memref<40x128xi32, #tpu.memory_space<hbm>>
      %dma_start3A_152 = arith.constant 0 : i32
      %dma_start3A_153 = tpu.memref_slice %arg4[%multiple_of3A, %dma_start3A_152] : memref<2500x128xi32, #tpu.memory_space<hbm>> -> memref<40x128xi32, #tpu.memory_space<hbm>>
      tpu.enqueue_dma source(%dma_start3A_153 : memref<40x128xi32, #tpu.memory_space<hbm>>) target(%arg7 : memref<40x128xi32, #tpu.memory_space<vmem>>) target_semaphore(%arg10 : memref<!tpu.dma_semaphore, #tpu.memory_space<semaphore_mem>>)
      %dma_wait3A_154 = arith.constant 0 : i32
      %dma_wait3A_155 = tpu.memref_slice %arg4[%multiple_of3A, %dma_wait3A_154] : memref<2500x128xi32, #tpu.memory_space<hbm>> -> memref<40x128xi32, #tpu.memory_space<hbm>>
      %dma_wait3A_156 = arith.constant 0 : i32
      %dma_wait3A_157 = tpu.memref_slice %arg4[%multiple_of3A, %dma_wait3A_156] : memref<2500x128xi32, #tpu.memory_space<hbm>> -> memref<40x128xi32, #tpu.memory_space<hbm>>
      tpu.wait_dma2 semaphore(%arg10 : memref<!tpu.dma_semaphore, #tpu.memory_space<semaphore_mem>>) src(%dma_wait3A_157 : memref<40x128xi32, #tpu.memory_space<hbm>>) dst(%arg7 : memref<40x128xi32, #tpu.memory_space<vmem>>)
      %dma_start3A_158 = arith.constant 0 : i32
      %dma_start3A_159 = arith.constant 0 : i32
      %dma_start3A_160 = arith.constant 0 : i32
      %dma_start3A_161 = tpu.memref_slice %arg8[%dma_start3A_158, %dma_start3A_159, %dma_start3A_160] : memref<2x128x128xf32, #tpu.memory_space<vmem>> -> memref<1x128x128xf32, #tpu.memory_space<vmem>>
      %dma_start3A_162 = tpu.memref_squeeze %dma_start3A_161 : memref<1x128x128xf32, #tpu.memory_space<vmem>> -> memref<128x128xf32, #tpu.memory_space<vmem>>
      %dma_start3A_163 = arith.constant 0 : i32
      %dma_start3A_164 = tpu.memref_slice %arg6[%sub3A_143, %dma_start3A_163] : memref<40x128xi32, #tpu.memory_space<vmem>> -> memref<1x128xi32, #tpu.memory_space<vmem>>
      %dma_start3A_165 = tpu.memref_squeeze %dma_start3A_164 : memref<1x128xi32, #tpu.memory_space<vmem>> -> memref<128xi32, #tpu.memory_space<vmem>>
      %dma_start3A_166 = arith.constant 0 : i32
      %dma_start3A_167 = arith.constant 0 : i32
      %dma_start3A_168 = tpu.memref_slice %arg2[%dma_start3A_166, %dma_start3A_167] : memref<10240x128xf32, #tpu.memory_space<hbm>> -> memref<10240x128xf32, #tpu.memory_space<hbm>>
      tpu.enqueue_indirect_dma source(%dma_start3A_168 : memref<10240x128xf32, #tpu.memory_space<hbm>>) target(%dma_start3A_162 : memref<128x128xf32, #tpu.memory_space<vmem>>) offsets(%dma_start3A_165 : memref<128xi32, #tpu.memory_space<vmem>>) semaphore(%arg10 : memref<!tpu.dma_semaphore, #tpu.memory_space<semaphore_mem>>)
      %while3A_169 = arith.constant 0 : i32
      %while3A_170 = arith.constant 0 : i32
      %while3A_171 = arith.subi %min3A_140, %while3A_170 : i32
      %while3A_172 = arith.addi %while3A_170, %while3A_171 : i32
      %while3A_173 = arith.constant 1 : i32
      %while3A_174 = arith.divsi %while3A_171, %while3A_173 : i32
      %while3A_175 = arith.muli %while3A_174, %while3A_173 : i32
      %while3A_176 = arith.addi %while3A_170, %while3A_175 : i32
      %while3A_177 = arith.constant 1 : i32
      scf.for %while3A_179 = %while3A_170 to %while3A_176 step %while3A_177  : i32 {
        %jit3A_180 = arith.constant 2 : i32
        %eq3A_181 = arith.constant 0 : i32
        %eq3A_182 = arith.cmpi eq, %jit3A_180, %eq3A_181 : i32
        %jit3A_183 = arith.constant 1 : i32
        %select_n3A_184 = arith.select %eq3A_182, %jit3A_183, %jit3A_180 : i32
        %rem3A_185 = arith.remsi %while3A_179, %select_n3A_184 : i32
        %ne3A_186 = arith.constant 0 : i32
        %ne3A_187 = arith.cmpi ne, %rem3A_185, %ne3A_186 : i32
        %lt3A = arith.constant 0 : i32
        %lt3A_188 = arith.cmpi slt, %rem3A_185, %lt3A : i32
        %lt3A_189 = arith.constant 0 : i32
        %lt3A_190 = arith.cmpi slt, %select_n3A_184, %lt3A_189 : i32
        %ne3A_191 = arith.xori %lt3A_188, %lt3A_190 : i1
        %and3A_192 = arith.andi %ne3A_191, %ne3A_187 : i1
        %add3A_193 = arith.addi %rem3A_185, %select_n3A_184 : i32
        %select_n3A_194 = arith.select %and3A_192, %add3A_193, %rem3A_185 : i32
        %add3A_195 = arith.addi %sub3A_143, %while3A_179 : i32
        %dma_wait3A_196 = arith.constant 0 : i32
        %dma_wait3A_197 = arith.constant 0 : i32
        %dma_wait3A_198 = tpu.memref_slice %arg8[%select_n3A_194, %dma_wait3A_196, %dma_wait3A_197] : memref<2x128x128xf32, #tpu.memory_space<vmem>> -> memref<1x128x128xf32, #tpu.memory_space<vmem>>
        %dma_wait3A_199 = tpu.memref_squeeze %dma_wait3A_198 : memref<1x128x128xf32, #tpu.memory_space<vmem>> -> memref<128x128xf32, #tpu.memory_space<vmem>>
        %dma_wait3A_200 = arith.constant 0 : i32
        %dma_wait3A_201 = tpu.memref_slice %arg6[%add3A_195, %dma_wait3A_200] : memref<40x128xi32, #tpu.memory_space<vmem>> -> memref<1x128xi32, #tpu.memory_space<vmem>>
        %dma_wait3A_202 = tpu.memref_squeeze %dma_wait3A_201 : memref<1x128xi32, #tpu.memory_space<vmem>> -> memref<128xi32, #tpu.memory_space<vmem>>
        %dma_wait3A_203 = arith.constant 0 : i32
        %dma_wait3A_204 = arith.constant 0 : i32
        %dma_wait3A_205 = tpu.memref_slice %arg2[%dma_wait3A_203, %dma_wait3A_204] : memref<10240x128xf32, #tpu.memory_space<hbm>> -> memref<10240x128xf32, #tpu.memory_space<hbm>>
        tpu.wait_indirect_dma semaphore(%arg10 : memref<!tpu.dma_semaphore, #tpu.memory_space<semaphore_mem>>) src(%dma_wait3A_205 : memref<10240x128xf32, #tpu.memory_space<hbm>>) dst(%dma_wait3A_199 : memref<128x128xf32, #tpu.memory_space<vmem>>)
        %add3A_206 = arith.constant 1 : i32
        %add3A_207 = arith.addi %while3A_179, %add3A_206 : i32
        %lt3A_208 = arith.cmpi slt, %add3A_207, %min3A_140 : i32
        %convert_element_type3A_209 = arith.extui %lt3A_208 : i1 to i32
        %cond3A_210 = arith.constant 0 : i32
        %cond3A_211 = arith.cmpi ne, %convert_element_type3A_209, %cond3A_210 : i32
        scf.if %cond3A_211 {
          %add3A_213 = arith.addi %sub3A_143, %while3A_179 : i32
          %add3A_214 = arith.constant 1 : i32
          %add3A_215 = arith.addi %add3A_213, %add3A_214 : i32
          %add3A_216 = arith.constant 1 : i32
          %add3A_217 = arith.addi %while3A_179, %add3A_216 : i32
          %jit3A_218 = arith.constant 2 : i32
          %eq3A_219 = arith.constant 0 : i32
          %eq3A_220 = arith.cmpi eq, %jit3A_218, %eq3A_219 : i32
          %jit3A_221 = arith.constant 1 : i32
          %select_n3A_222 = arith.select %eq3A_220, %jit3A_221, %jit3A_218 : i32
          %rem3A_223 = arith.remsi %add3A_217, %select_n3A_222 : i32
          %ne3A_224 = arith.constant 0 : i32
          %ne3A_225 = arith.cmpi ne, %rem3A_223, %ne3A_224 : i32
          %lt3A_226 = arith.constant 0 : i32
          %lt3A_227 = arith.cmpi slt, %rem3A_223, %lt3A_226 : i32
          %lt3A_228 = arith.constant 0 : i32
          %lt3A_229 = arith.cmpi slt, %select_n3A_222, %lt3A_228 : i32
          %ne3A_230 = arith.xori %lt3A_227, %lt3A_229 : i1
          %and3A_231 = arith.andi %ne3A_230, %ne3A_225 : i1
          %add3A_232 = arith.addi %rem3A_223, %select_n3A_222 : i32
          %select_n3A_233 = arith.select %and3A_231, %add3A_232, %rem3A_223 : i32
          %dma_start3A_234 = arith.constant 0 : i32
          %dma_start3A_235 = arith.constant 0 : i32
          %dma_start3A_236 = tpu.memref_slice %arg8[%select_n3A_233, %dma_start3A_234, %dma_start3A_235] : memref<2x128x128xf32, #tpu.memory_space<vmem>> -> memref<1x128x128xf32, #tpu.memory_space<vmem>>
          %dma_start3A_237 = tpu.memref_squeeze %dma_start3A_236 : memref<1x128x128xf32, #tpu.memory_space<vmem>> -> memref<128x128xf32, #tpu.memory_space<vmem>>
          %dma_start3A_238 = arith.constant 0 : i32
          %dma_start3A_239 = tpu.memref_slice %arg6[%add3A_215, %dma_start3A_238] : memref<40x128xi32, #tpu.memory_space<vmem>> -> memref<1x128xi32, #tpu.memory_space<vmem>>
          %dma_start3A_240 = tpu.memref_squeeze %dma_start3A_239 : memref<1x128xi32, #tpu.memory_space<vmem>> -> memref<128xi32, #tpu.memory_space<vmem>>
          %dma_start3A_241 = arith.constant 0 : i32
          %dma_start3A_242 = arith.constant 0 : i32
          %dma_start3A_243 = tpu.memref_slice %arg2[%dma_start3A_241, %dma_start3A_242] : memref<10240x128xf32, #tpu.memory_space<hbm>> -> memref<10240x128xf32, #tpu.memory_space<hbm>>
          tpu.enqueue_indirect_dma source(%dma_start3A_243 : memref<10240x128xf32, #tpu.memory_space<hbm>>) target(%dma_start3A_237 : memref<128x128xf32, #tpu.memory_space<vmem>>) offsets(%dma_start3A_240 : memref<128xi32, #tpu.memory_space<vmem>>) semaphore(%arg10 : memref<!tpu.dma_semaphore, #tpu.memory_space<semaphore_mem>>)
        } else {
        }
        %add3A_212 = arith.addi %sub3A_143, %while3A_179 : i32
        "tpu.region"() ({
          %run_scoped3A_213 = tpu.sem_alloc : memref<!tpu.dma_semaphore, #tpu.memory_space<semaphore_mem>>
          %dma_start3A_214 = arith.constant 0 : i32
          %dma_start3A_215 = arith.constant 0 : i32
          %dma_start3A_216 = tpu.memref_slice %arg8[%select_n3A_194, %dma_start3A_214, %dma_start3A_215] : memref<2x128x128xf32, #tpu.memory_space<vmem>> -> memref<1x128x128xf32, #tpu.memory_space<vmem>>
          %dma_start3A_217 = tpu.memref_squeeze %dma_start3A_216 : memref<1x128x128xf32, #tpu.memory_space<vmem>> -> memref<128x128xf32, #tpu.memory_space<vmem>>
          %dma_start3A_218 = arith.constant 0 : i32
          %dma_start3A_219 = tpu.memref_slice %arg7[%add3A_212, %dma_start3A_218] : memref<40x128xi32, #tpu.memory_space<vmem>> -> memref<1x128xi32, #tpu.memory_space<vmem>>
          %dma_start3A_220 = tpu.memref_squeeze %dma_start3A_219 : memref<1x128xi32, #tpu.memory_space<vmem>> -> memref<128xi32, #tpu.memory_space<vmem>>
          %dma_start3A_221 = arith.constant 0 : i32
          %dma_start3A_222 = arith.constant 0 : i32
          %dma_start3A_223 = tpu.memref_slice %arg9[%dma_start3A_221, %dma_start3A_222] : memref<10240x128xf32, #tpu.memory_space<vmem_shared>> -> memref<10240x128xf32, #tpu.memory_space<vmem_shared>>
          tpu.enqueue_indirect_dma source(%dma_start3A_217 : memref<128x128xf32, #tpu.memory_space<vmem>>) target(%dma_start3A_223 : memref<10240x128xf32, #tpu.memory_space<vmem_shared>>) offsets(%dma_start3A_220 : memref<128xi32, #tpu.memory_space<vmem>>) semaphore(%run_scoped3A_213 : memref<!tpu.dma_semaphore, #tpu.memory_space<semaphore_mem>>) {add = true}
          %dma_wait3A_224 = arith.constant 0 : i32
          %dma_wait3A_225 = arith.constant 0 : i32
          %dma_wait3A_226 = tpu.memref_slice %arg8[%select_n3A_194, %dma_wait3A_224, %dma_wait3A_225] : memref<2x128x128xf32, #tpu.memory_space<vmem>> -> memref<1x128x128xf32, #tpu.memory_space<vmem>>
          %dma_wait3A_227 = tpu.memref_squeeze %dma_wait3A_226 : memref<1x128x128xf32, #tpu.memory_space<vmem>> -> memref<128x128xf32, #tpu.memory_space<vmem>>
          %dma_wait3A_228 = arith.constant 0 : i32
          %dma_wait3A_229 = tpu.memref_slice %arg7[%add3A_212, %dma_wait3A_228] : memref<40x128xi32, #tpu.memory_space<vmem>> -> memref<1x128xi32, #tpu.memory_space<vmem>>
          %dma_wait3A_230 = tpu.memref_squeeze %dma_wait3A_229 : memref<1x128xi32, #tpu.memory_space<vmem>> -> memref<128xi32, #tpu.memory_space<vmem>>
          %dma_wait3A_231 = arith.constant 0 : i32
          %dma_wait3A_232 = arith.constant 0 : i32
          %dma_wait3A_233 = tpu.memref_slice %arg9[%dma_wait3A_231, %dma_wait3A_232] : memref<10240x128xf32, #tpu.memory_space<vmem_shared>> -> memref<10240x128xf32, #tpu.memory_space<vmem_shared>>
          tpu.wait_indirect_dma semaphore(%run_scoped3A_213 : memref<!tpu.dma_semaphore, #tpu.memory_space<semaphore_mem>>) src(%dma_wait3A_227 : memref<128x128xf32, #tpu.memory_space<vmem>>) dst(%dma_wait3A_233 : memref<10240x128xf32, #tpu.memory_space<vmem_shared>>)
          tpu.yield
        }) : () -> ()
      }
      %while3A_178 = arith.constant 1 : i32
      scf.for %while3A_179 = %while3A_176 to %while3A_172 step %while3A_178  : i32 {
        %jit3A_180 = arith.constant 2 : i32
        %eq3A_181 = arith.constant 0 : i32
        %eq3A_182 = arith.cmpi eq, %jit3A_180, %eq3A_181 : i32
        %jit3A_183 = arith.constant 1 : i32
        %select_n3A_184 = arith.select %eq3A_182, %jit3A_183, %jit3A_180 : i32
        %rem3A_185 = arith.remsi %while3A_179, %select_n3A_184 : i32
        %ne3A_186 = arith.constant 0 : i32
        %ne3A_187 = arith.cmpi ne, %rem3A_185, %ne3A_186 : i32
        %lt3A = arith.constant 0 : i32
        %lt3A_188 = arith.cmpi slt, %rem3A_185, %lt3A : i32
        %lt3A_189 = arith.constant 0 : i32
        %lt3A_190 = arith.cmpi slt, %select_n3A_184, %lt3A_189 : i32
        %ne3A_191 = arith.xori %lt3A_188, %lt3A_190 : i1
        %and3A_192 = arith.andi %ne3A_191, %ne3A_187 : i1
        %add3A_193 = arith.addi %rem3A_185, %select_n3A_184 : i32
        %select_n3A_194 = arith.select %and3A_192, %add3A_193, %rem3A_185 : i32
        %add3A_195 = arith.addi %sub3A_143, %while3A_179 : i32
        %dma_wait3A_196 = arith.constant 0 : i32
        %dma_wait3A_197 = arith.constant 0 : i32
        %dma_wait3A_198 = tpu.memref_slice %arg8[%select_n3A_194, %dma_wait3A_196, %dma_wait3A_197] : memref<2x128x128xf32, #tpu.memory_space<vmem>> -> memref<1x128x128xf32, #tpu.memory_space<vmem>>
        %dma_wait3A_199 = tpu.memref_squeeze %dma_wait3A_198 : memref<1x128x128xf32, #tpu.memory_space<vmem>> -> memref<128x128xf32, #tpu.memory_space<vmem>>
        %dma_wait3A_200 = arith.constant 0 : i32
        %dma_wait3A_201 = tpu.memref_slice %arg6[%add3A_195, %dma_wait3A_200] : memref<40x128xi32, #tpu.memory_space<vmem>> -> memref<1x128xi32, #tpu.memory_space<vmem>>
        %dma_wait3A_202 = tpu.memref_squeeze %dma_wait3A_201 : memref<1x128xi32, #tpu.memory_space<vmem>> -> memref<128xi32, #tpu.memory_space<vmem>>
        %dma_wait3A_203 = arith.constant 0 : i32
        %dma_wait3A_204 = arith.constant 0 : i32
        %dma_wait3A_205 = tpu.memref_slice %arg2[%dma_wait3A_203, %dma_wait3A_204] : memref<10240x128xf32, #tpu.memory_space<hbm>> -> memref<10240x128xf32, #tpu.memory_space<hbm>>
        tpu.wait_indirect_dma semaphore(%arg10 : memref<!tpu.dma_semaphore, #tpu.memory_space<semaphore_mem>>) src(%dma_wait3A_205 : memref<10240x128xf32, #tpu.memory_space<hbm>>) dst(%dma_wait3A_199 : memref<128x128xf32, #tpu.memory_space<vmem>>)
        %add3A_206 = arith.constant 1 : i32
        %add3A_207 = arith.addi %while3A_179, %add3A_206 : i32
        %lt3A_208 = arith.cmpi slt, %add3A_207, %min3A_140 : i32
        %convert_element_type3A_209 = arith.extui %lt3A_208 : i1 to i32
        %cond3A_210 = arith.constant 0 : i32
        %cond3A_211 = arith.cmpi ne, %convert_element_type3A_209, %cond3A_210 : i32
        scf.if %cond3A_211 {
          %add3A_213 = arith.addi %sub3A_143, %while3A_179 : i32
          %add3A_214 = arith.constant 1 : i32
          %add3A_215 = arith.addi %add3A_213, %add3A_214 : i32
          %add3A_216 = arith.constant 1 : i32
          %add3A_217 = arith.addi %while3A_179, %add3A_216 : i32
          %jit3A_218 = arith.constant 2 : i32
          %eq3A_219 = arith.constant 0 : i32
          %eq3A_220 = arith.cmpi eq, %jit3A_218, %eq3A_219 : i32
          %jit3A_221 = arith.constant 1 : i32
          %select_n3A_222 = arith.select %eq3A_220, %jit3A_221, %jit3A_218 : i32
          %rem3A_223 = arith.remsi %add3A_217, %select_n3A_222 : i32
          %ne3A_224 = arith.constant 0 : i32
          %ne3A_225 = arith.cmpi ne, %rem3A_223, %ne3A_224 : i32
          %lt3A_226 = arith.constant 0 : i32
          %lt3A_227 = arith.cmpi slt, %rem3A_223, %lt3A_226 : i32
          %lt3A_228 = arith.constant 0 : i32
          %lt3A_229 = arith.cmpi slt, %select_n3A_222, %lt3A_228 : i32
          %ne3A_230 = arith.xori %lt3A_227, %lt3A_229 : i1
          %and3A_231 = arith.andi %ne3A_230, %ne3A_225 : i1
          %add3A_232 = arith.addi %rem3A_223, %select_n3A_222 : i32
          %select_n3A_233 = arith.select %and3A_231, %add3A_232, %rem3A_223 : i32
          %dma_start3A_234 = arith.constant 0 : i32
          %dma_start3A_235 = arith.constant 0 : i32
          %dma_start3A_236 = tpu.memref_slice %arg8[%select_n3A_233, %dma_start3A_234, %dma_start3A_235] : memref<2x128x128xf32, #tpu.memory_space<vmem>> -> memref<1x128x128xf32, #tpu.memory_space<vmem>>
          %dma_start3A_237 = tpu.memref_squeeze %dma_start3A_236 : memref<1x128x128xf32, #tpu.memory_space<vmem>> -> memref<128x128xf32, #tpu.memory_space<vmem>>
          %dma_start3A_238 = arith.constant 0 : i32
          %dma_start3A_239 = tpu.memref_slice %arg6[%add3A_215, %dma_start3A_238] : memref<40x128xi32, #tpu.memory_space<vmem>> -> memref<1x128xi32, #tpu.memory_space<vmem>>
          %dma_start3A_240 = tpu.memref_squeeze %dma_start3A_239 : memref<1x128xi32, #tpu.memory_space<vmem>> -> memref<128xi32, #tpu.memory_space<vmem>>
          %dma_start3A_241 = arith.constant 0 : i32
          %dma_start3A_242 = arith.constant 0 : i32
          %dma_start3A_243 = tpu.memref_slice %arg2[%dma_start3A_241, %dma_start3A_242] : memref<10240x128xf32, #tpu.memory_space<hbm>> -> memref<10240x128xf32, #tpu.memory_space<hbm>>
          tpu.enqueue_indirect_dma source(%dma_start3A_243 : memref<10240x128xf32, #tpu.memory_space<hbm>>) target(%dma_start3A_237 : memref<128x128xf32, #tpu.memory_space<vmem>>) offsets(%dma_start3A_240 : memref<128xi32, #tpu.memory_space<vmem>>) semaphore(%arg10 : memref<!tpu.dma_semaphore, #tpu.memory_space<semaphore_mem>>)
        } else {
        }
        %add3A_212 = arith.addi %sub3A_143, %while3A_179 : i32
        "tpu.region"() ({
          %run_scoped3A_213 = tpu.sem_alloc : memref<!tpu.dma_semaphore, #tpu.memory_space<semaphore_mem>>
          %dma_start3A_214 = arith.constant 0 : i32
          %dma_start3A_215 = arith.constant 0 : i32
          %dma_start3A_216 = tpu.memref_slice %arg8[%select_n3A_194, %dma_start3A_214, %dma_start3A_215] : memref<2x128x128xf32, #tpu.memory_space<vmem>> -> memref<1x128x128xf32, #tpu.memory_space<vmem>>
          %dma_start3A_217 = tpu.memref_squeeze %dma_start3A_216 : memref<1x128x128xf32, #tpu.memory_space<vmem>> -> memref<128x128xf32, #tpu.memory_space<vmem>>
          %dma_start3A_218 = arith.constant 0 : i32
          %dma_start3A_219 = tpu.memref_slice %arg7[%add3A_212, %dma_start3A_218] : memref<40x128xi32, #tpu.memory_space<vmem>> -> memref<1x128xi32, #tpu.memory_space<vmem>>
          %dma_start3A_220 = tpu.memref_squeeze %dma_start3A_219 : memref<1x128xi32, #tpu.memory_space<vmem>> -> memref<128xi32, #tpu.memory_space<vmem>>
          %dma_start3A_221 = arith.constant 0 : i32
          %dma_start3A_222 = arith.constant 0 : i32
          %dma_start3A_223 = tpu.memref_slice %arg9[%dma_start3A_221, %dma_start3A_222] : memref<10240x128xf32, #tpu.memory_space<vmem_shared>> -> memref<10240x128xf32, #tpu.memory_space<vmem_shared>>
          tpu.enqueue_indirect_dma source(%dma_start3A_217 : memref<128x128xf32, #tpu.memory_space<vmem>>) target(%dma_start3A_223 : memref<10240x128xf32, #tpu.memory_space<vmem_shared>>) offsets(%dma_start3A_220 : memref<128xi32, #tpu.memory_space<vmem>>) semaphore(%run_scoped3A_213 : memref<!tpu.dma_semaphore, #tpu.memory_space<semaphore_mem>>) {add = true}
          %dma_wait3A_224 = arith.constant 0 : i32
          %dma_wait3A_225 = arith.constant 0 : i32
          %dma_wait3A_226 = tpu.memref_slice %arg8[%select_n3A_194, %dma_wait3A_224, %dma_wait3A_225] : memref<2x128x128xf32, #tpu.memory_space<vmem>> -> memref<1x128x128xf32, #tpu.memory_space<vmem>>
          %dma_wait3A_227 = tpu.memref_squeeze %dma_wait3A_226 : memref<1x128x128xf32, #tpu.memory_space<vmem>> -> memref<128x128xf32, #tpu.memory_space<vmem>>
          %dma_wait3A_228 = arith.constant 0 : i32
          %dma_wait3A_229 = tpu.memref_slice %arg7[%add3A_212, %dma_wait3A_228] : memref<40x128xi32, #tpu.memory_space<vmem>> -> memref<1x128xi32, #tpu.memory_space<vmem>>
          %dma_wait3A_230 = tpu.memref_squeeze %dma_wait3A_229 : memref<1x128xi32, #tpu.memory_space<vmem>> -> memref<128xi32, #tpu.memory_space<vmem>>
          %dma_wait3A_231 = arith.constant 0 : i32
          %dma_wait3A_232 = arith.constant 0 : i32
          %dma_wait3A_233 = tpu.memref_slice %arg9[%dma_wait3A_231, %dma_wait3A_232] : memref<10240x128xf32, #tpu.memory_space<vmem_shared>> -> memref<10240x128xf32, #tpu.memory_space<vmem_shared>>
          tpu.wait_indirect_dma semaphore(%run_scoped3A_213 : memref<!tpu.dma_semaphore, #tpu.memory_space<semaphore_mem>>) src(%dma_wait3A_227 : memref<128x128xf32, #tpu.memory_space<vmem>>) dst(%dma_wait3A_233 : memref<10240x128xf32, #tpu.memory_space<vmem_shared>>)
          tpu.yield
        }) : () -> ()
      }
    }
    %eq3A_124 = arith.constant 1 : i32
    %eq3A_125 = arith.cmpi eq, %arg0, %eq3A_124 : i32
    %eq3A_126 = arith.constant 15 : i32
    %eq3A_127 = arith.cmpi eq, %arg1, %eq3A_126 : i32
    %and3A_128 = arith.andi %eq3A_125, %eq3A_127 : i1
    %convert_element_type3A = arith.extui %and3A_128 : i1 to i32
    %cond3A = arith.constant 0 : i32
    %cond3A_129 = arith.cmpi ne, %convert_element_type3A, %cond3A : i32
    scf.if %cond3A_129 {
      %dma_start3A = arith.constant 0 : i32
      %dma_start3A_135 = arith.constant 0 : i32
      %dma_start3A_136 = tpu.memref_slice %arg6[%dma_start3A, %dma_start3A_135] : memref<40x128xi32, #tpu.memory_space<vmem>> -> memref<4x128xi32, #tpu.memory_space<vmem>>
      %dma_start3A_137 = arith.constant 2496 : i32
      %dma_start3A_138 = arith.constant 0 : i32
      %dma_start3A_139 = tpu.memref_slice %arg3[%dma_start3A_137, %dma_start3A_138] : memref<2500x128xi32, #tpu.memory_space<hbm>> -> memref<4x128xi32, #tpu.memory_space<hbm>>
      %dma_start3A_140 = arith.constant 0 : i32
      %dma_start3A_141 = arith.constant 0 : i32
      %dma_start3A_142 = tpu.memref_slice %arg6[%dma_start3A_140, %dma_start3A_141] : memref<40x128xi32, #tpu.memory_space<vmem>> -> memref<4x128xi32, #tpu.memory_space<vmem>>
      %dma_start3A_143 = arith.constant 2496 : i32
      %dma_start3A_144 = arith.constant 0 : i32
      %dma_start3A_145 = tpu.memref_slice %arg3[%dma_start3A_143, %dma_start3A_144] : memref<2500x128xi32, #tpu.memory_space<hbm>> -> memref<4x128xi32, #tpu.memory_space<hbm>>
      tpu.enqueue_dma source(%dma_start3A_145 : memref<4x128xi32, #tpu.memory_space<hbm>>) target(%dma_start3A_142 : memref<4x128xi32, #tpu.memory_space<vmem>>) target_semaphore(%arg10 : memref<!tpu.dma_semaphore, #tpu.memory_space<semaphore_mem>>)
      %dma_wait3A = arith.constant 0 : i32
      %dma_wait3A_146 = arith.constant 0 : i32
      %dma_wait3A_147 = tpu.memref_slice %arg6[%dma_wait3A, %dma_wait3A_146] : memref<40x128xi32, #tpu.memory_space<vmem>> -> memref<4x128xi32, #tpu.memory_space<vmem>>
      %dma_wait3A_148 = arith.constant 2496 : i32
      %dma_wait3A_149 = arith.constant 0 : i32
      %dma_wait3A_150 = tpu.memref_slice %arg3[%dma_wait3A_148, %dma_wait3A_149] : memref<2500x128xi32, #tpu.memory_space<hbm>> -> memref<4x128xi32, #tpu.memory_space<hbm>>
      %dma_wait3A_151 = arith.constant 0 : i32
      %dma_wait3A_152 = arith.constant 0 : i32
      %dma_wait3A_153 = tpu.memref_slice %arg6[%dma_wait3A_151, %dma_wait3A_152] : memref<40x128xi32, #tpu.memory_space<vmem>> -> memref<4x128xi32, #tpu.memory_space<vmem>>
      %dma_wait3A_154 = arith.constant 2496 : i32
      %dma_wait3A_155 = arith.constant 0 : i32
      %dma_wait3A_156 = tpu.memref_slice %arg3[%dma_wait3A_154, %dma_wait3A_155] : memref<2500x128xi32, #tpu.memory_space<hbm>> -> memref<4x128xi32, #tpu.memory_space<hbm>>
      tpu.wait_dma2 semaphore(%arg10 : memref<!tpu.dma_semaphore, #tpu.memory_space<semaphore_mem>>) src(%dma_wait3A_156 : memref<4x128xi32, #tpu.memory_space<hbm>>) dst(%dma_wait3A_153 : memref<4x128xi32, #tpu.memory_space<vmem>>)
      %dma_start3A_157 = arith.constant 0 : i32
      %dma_start3A_158 = arith.constant 0 : i32
      %dma_start3A_159 = tpu.memref_slice %arg7[%dma_start3A_157, %dma_start3A_158] : memref<40x128xi32, #tpu.memory_space<vmem>> -> memref<4x128xi32, #tpu.memory_space<vmem>>
      %dma_start3A_160 = arith.constant 2496 : i32
      %dma_start3A_161 = arith.constant 0 : i32
      %dma_start3A_162 = tpu.memref_slice %arg4[%dma_start3A_160, %dma_start3A_161] : memref<2500x128xi32, #tpu.memory_space<hbm>> -> memref<4x128xi32, #tpu.memory_space<hbm>>
      %dma_start3A_163 = arith.constant 0 : i32
      %dma_start3A_164 = arith.constant 0 : i32
      %dma_start3A_165 = tpu.memref_slice %arg7[%dma_start3A_163, %dma_start3A_164] : memref<40x128xi32, #tpu.memory_space<vmem>> -> memref<4x128xi32, #tpu.memory_space<vmem>>
      %dma_start3A_166 = arith.constant 2496 : i32
      %dma_start3A_167 = arith.constant 0 : i32
      %dma_start3A_168 = tpu.memref_slice %arg4[%dma_start3A_166, %dma_start3A_167] : memref<2500x128xi32, #tpu.memory_space<hbm>> -> memref<4x128xi32, #tpu.memory_space<hbm>>
      tpu.enqueue_dma source(%dma_start3A_168 : memref<4x128xi32, #tpu.memory_space<hbm>>) target(%dma_start3A_165 : memref<4x128xi32, #tpu.memory_space<vmem>>) target_semaphore(%arg10 : memref<!tpu.dma_semaphore, #tpu.memory_space<semaphore_mem>>)
      %dma_wait3A_169 = arith.constant 0 : i32
      %dma_wait3A_170 = arith.constant 0 : i32
      %dma_wait3A_171 = tpu.memref_slice %arg7[%dma_wait3A_169, %dma_wait3A_170] : memref<40x128xi32, #tpu.memory_space<vmem>> -> memref<4x128xi32, #tpu.memory_space<vmem>>
      %dma_wait3A_172 = arith.constant 2496 : i32
      %dma_wait3A_173 = arith.constant 0 : i32
      %dma_wait3A_174 = tpu.memref_slice %arg4[%dma_wait3A_172, %dma_wait3A_173] : memref<2500x128xi32, #tpu.memory_space<hbm>> -> memref<4x128xi32, #tpu.memory_space<hbm>>
      %dma_wait3A_175 = arith.constant 0 : i32
      %dma_wait3A_176 = arith.constant 0 : i32
      %dma_wait3A_177 = tpu.memref_slice %arg7[%dma_wait3A_175, %dma_wait3A_176] : memref<40x128xi32, #tpu.memory_space<vmem>> -> memref<4x128xi32, #tpu.memory_space<vmem>>
      %dma_wait3A_178 = arith.constant 2496 : i32
      %dma_wait3A_179 = arith.constant 0 : i32
      %dma_wait3A_180 = tpu.memref_slice %arg4[%dma_wait3A_178, %dma_wait3A_179] : memref<2500x128xi32, #tpu.memory_space<hbm>> -> memref<4x128xi32, #tpu.memory_space<hbm>>
      tpu.wait_dma2 semaphore(%arg10 : memref<!tpu.dma_semaphore, #tpu.memory_space<semaphore_mem>>) src(%dma_wait3A_180 : memref<4x128xi32, #tpu.memory_space<hbm>>) dst(%dma_wait3A_177 : memref<4x128xi32, #tpu.memory_space<vmem>>)
      %scan3A_181 = arith.constant 0 : i32
      %scan3A_182 = arith.constant 0 : i32
      %scan3A_183 = arith.constant 4 : i32
      %scan3A_184 = arith.addi %scan3A_182, %scan3A_183 : i32
      %scan3A_185 = arith.constant 1 : i32
      scf.for %scan3A_187 = %scan3A_182 to %scan3A_184 step %scan3A_185  : i32 {
        %dma_start3A_188 = arith.constant 0 : i32
        %dma_start3A_189 = arith.constant 0 : i32
        %dma_start3A_190 = arith.constant 0 : i32
        %dma_start3A_191 = tpu.memref_slice %arg8[%dma_start3A_188, %dma_start3A_189, %dma_start3A_190] : memref<2x128x128xf32, #tpu.memory_space<vmem>> -> memref<1x128x128xf32, #tpu.memory_space<vmem>>
        %dma_start3A_192 = tpu.memref_squeeze %dma_start3A_191 : memref<1x128x128xf32, #tpu.memory_space<vmem>> -> memref<128x128xf32, #tpu.memory_space<vmem>>
        %dma_start3A_193 = arith.constant 0 : i32
        %dma_start3A_194 = tpu.memref_slice %arg6[%scan3A_187, %dma_start3A_193] : memref<40x128xi32, #tpu.memory_space<vmem>> -> memref<1x128xi32, #tpu.memory_space<vmem>>
        %dma_start3A_195 = tpu.memref_squeeze %dma_start3A_194 : memref<1x128xi32, #tpu.memory_space<vmem>> -> memref<128xi32, #tpu.memory_space<vmem>>
        %dma_start3A_196 = arith.constant 0 : i32
        %dma_start3A_197 = arith.constant 0 : i32
        %dma_start3A_198 = tpu.memref_slice %arg2[%dma_start3A_196, %dma_start3A_197] : memref<10240x128xf32, #tpu.memory_space<hbm>> -> memref<10240x128xf32, #tpu.memory_space<hbm>>
        tpu.enqueue_indirect_dma source(%dma_start3A_198 : memref<10240x128xf32, #tpu.memory_space<hbm>>) target(%dma_start3A_192 : memref<128x128xf32, #tpu.memory_space<vmem>>) offsets(%dma_start3A_195 : memref<128xi32, #tpu.memory_space<vmem>>) semaphore(%arg10 : memref<!tpu.dma_semaphore, #tpu.memory_space<semaphore_mem>>)
        %dma_wait3A_199 = arith.constant 0 : i32
        %dma_wait3A_200 = arith.constant 0 : i32
        %dma_wait3A_201 = arith.constant 0 : i32
        %dma_wait3A_202 = tpu.memref_slice %arg8[%dma_wait3A_199, %dma_wait3A_200, %dma_wait3A_201] : memref<2x128x128xf32, #tpu.memory_space<vmem>> -> memref<1x128x128xf32, #tpu.memory_space<vmem>>
        %dma_wait3A_203 = tpu.memref_squeeze %dma_wait3A_202 : memref<1x128x128xf32, #tpu.memory_space<vmem>> -> memref<128x128xf32, #tpu.memory_space<vmem>>
        %dma_wait3A_204 = arith.constant 0 : i32
        %dma_wait3A_205 = tpu.memref_slice %arg6[%scan3A_187, %dma_wait3A_204] : memref<40x128xi32, #tpu.memory_space<vmem>> -> memref<1x128xi32, #tpu.memory_space<vmem>>
        %dma_wait3A_206 = tpu.memref_squeeze %dma_wait3A_205 : memref<1x128xi32, #tpu.memory_space<vmem>> -> memref<128xi32, #tpu.memory_space<vmem>>
        %dma_wait3A_207 = arith.constant 0 : i32
        %dma_wait3A_208 = arith.constant 0 : i32
        %dma_wait3A_209 = tpu.memref_slice %arg2[%dma_wait3A_207, %dma_wait3A_208] : memref<10240x128xf32, #tpu.memory_space<hbm>> -> memref<10240x128xf32, #tpu.memory_space<hbm>>
        tpu.wait_indirect_dma semaphore(%arg10 : memref<!tpu.dma_semaphore, #tpu.memory_space<semaphore_mem>>) src(%dma_wait3A_209 : memref<10240x128xf32, #tpu.memory_space<hbm>>) dst(%dma_wait3A_203 : memref<128x128xf32, #tpu.memory_space<vmem>>)
        %run_scoped3A_210 = arith.constant 0 : i32
        "tpu.region"() ({
          %run_scoped3A_211 = tpu.sem_alloc : memref<!tpu.dma_semaphore, #tpu.memory_space<semaphore_mem>>
          %dma_start3A_212 = arith.constant 0 : i32
          %dma_start3A_213 = arith.constant 0 : i32
          %dma_start3A_214 = tpu.memref_slice %arg8[%run_scoped3A_210, %dma_start3A_212, %dma_start3A_213] : memref<2x128x128xf32, #tpu.memory_space<vmem>> -> memref<1x128x128xf32, #tpu.memory_space<vmem>>
          %dma_start3A_215 = tpu.memref_squeeze %dma_start3A_214 : memref<1x128x128xf32, #tpu.memory_space<vmem>> -> memref<128x128xf32, #tpu.memory_space<vmem>>
          %dma_start3A_216 = arith.constant 0 : i32
          %dma_start3A_217 = tpu.memref_slice %arg7[%scan3A_187, %dma_start3A_216] : memref<40x128xi32, #tpu.memory_space<vmem>> -> memref<1x128xi32, #tpu.memory_space<vmem>>
          %dma_start3A_218 = tpu.memref_squeeze %dma_start3A_217 : memref<1x128xi32, #tpu.memory_space<vmem>> -> memref<128xi32, #tpu.memory_space<vmem>>
          %dma_start3A_219 = arith.constant 0 : i32
          %dma_start3A_220 = arith.constant 0 : i32
          %dma_start3A_221 = tpu.memref_slice %arg9[%dma_start3A_219, %dma_start3A_220] : memref<10240x128xf32, #tpu.memory_space<vmem_shared>> -> memref<10240x128xf32, #tpu.memory_space<vmem_shared>>
          tpu.enqueue_indirect_dma source(%dma_start3A_215 : memref<128x128xf32, #tpu.memory_space<vmem>>) target(%dma_start3A_221 : memref<10240x128xf32, #tpu.memory_space<vmem_shared>>) offsets(%dma_start3A_218 : memref<128xi32, #tpu.memory_space<vmem>>) semaphore(%run_scoped3A_211 : memref<!tpu.dma_semaphore, #tpu.memory_space<semaphore_mem>>) {add = true}
          %dma_wait3A_222 = arith.constant 0 : i32
          %dma_wait3A_223 = arith.constant 0 : i32
          %dma_wait3A_224 = tpu.memref_slice %arg8[%run_scoped3A_210, %dma_wait3A_222, %dma_wait3A_223] : memref<2x128x128xf32, #tpu.memory_space<vmem>> -> memref<1x128x128xf32, #tpu.memory_space<vmem>>
          %dma_wait3A_225 = tpu.memref_squeeze %dma_wait3A_224 : memref<1x128x128xf32, #tpu.memory_space<vmem>> -> memref<128x128xf32, #tpu.memory_space<vmem>>
          %dma_wait3A_226 = arith.constant 0 : i32
          %dma_wait3A_227 = tpu.memref_slice %arg7[%scan3A_187, %dma_wait3A_226] : memref<40x128xi32, #tpu.memory_space<vmem>> -> memref<1x128xi32, #tpu.memory_space<vmem>>
          %dma_wait3A_228 = tpu.memref_squeeze %dma_wait3A_227 : memref<1x128xi32, #tpu.memory_space<vmem>> -> memref<128xi32, #tpu.memory_space<vmem>>
          %dma_wait3A_229 = arith.constant 0 : i32
          %dma_wait3A_230 = arith.constant 0 : i32
          %dma_wait3A_231 = tpu.memref_slice %arg9[%dma_wait3A_229, %dma_wait3A_230] : memref<10240x128xf32, #tpu.memory_space<vmem_shared>> -> memref<10240x128xf32, #tpu.memory_space<vmem_shared>>
          tpu.wait_indirect_dma semaphore(%run_scoped3A_211 : memref<!tpu.dma_semaphore, #tpu.memory_space<semaphore_mem>>) src(%dma_wait3A_225 : memref<128x128xf32, #tpu.memory_space<vmem>>) dst(%dma_wait3A_231 : memref<10240x128xf32, #tpu.memory_space<vmem_shared>>)
          tpu.yield
        }) : () -> ()
      }
      %scan3A_186 = arith.constant 4 : i32
    } else {
    }
    %barrier3A_130 = arith.constant 0 : index
    tpu.barrier barrier_id(%barrier3A_130)
    %mul3A_131 = arith.constant 640 : i32
    %mul3A_132 = arith.muli %arg1, %mul3A_131 : i32
    %mul3A_133 = arith.constant 640 : i32
    %mul3A_134 = arith.muli %arg1, %mul3A_133 : i32
    "tpu.region"() ({
      %run_scoped3A_135 = tpu.sem_alloc : memref<!tpu.dma_semaphore, #tpu.memory_space<semaphore_mem>>
      %dma_start3A = arith.constant 0 : i32
      %dma_start3A_136 = tpu.memref_slice %arg5[%arg0, %mul3A_134, %dma_start3A] : memref<2x10240x128xf32, #tpu.memory_space<hbm>> -> memref<1x640x128xf32, #tpu.memory_space<hbm>>
      %dma_start3A_137 = tpu.memref_squeeze %dma_start3A_136 : memref<1x640x128xf32, #tpu.memory_space<hbm>> -> memref<640x128xf32, #tpu.memory_space<hbm>>
      %dma_start3A_138 = arith.constant 0 : i32
      %dma_start3A_139 = tpu.memref_slice %arg9[%mul3A_132, %dma_start3A_138] : memref<10240x128xf32, #tpu.memory_space<vmem_shared>> -> memref<640x128xf32, #tpu.memory_space<vmem_shared>>
      tpu.enqueue_dma source(%dma_start3A_139 : memref<640x128xf32, #tpu.memory_space<vmem_shared>>) target(%dma_start3A_137 : memref<640x128xf32, #tpu.memory_space<hbm>>) target_semaphore(%run_scoped3A_135 : memref<!tpu.dma_semaphore, #tpu.memory_space<semaphore_mem>>)
      %dma_wait3A = arith.constant 0 : i32
      %dma_wait3A_140 = tpu.memref_slice %arg5[%arg0, %mul3A_134, %dma_wait3A] : memref<2x10240x128xf32, #tpu.memory_space<hbm>> -> memref<1x640x128xf32, #tpu.memory_space<hbm>>
      %dma_wait3A_141 = tpu.memref_squeeze %dma_wait3A_140 : memref<1x640x128xf32, #tpu.memory_space<hbm>> -> memref<640x128xf32, #tpu.memory_space<hbm>>
      %dma_wait3A_142 = arith.constant 0 : i32
      %dma_wait3A_143 = tpu.memref_slice %arg9[%mul3A_132, %dma_wait3A_142] : memref<10240x128xf32, #tpu.memory_space<vmem_shared>> -> memref<640x128xf32, #tpu.memory_space<vmem_shared>>
      tpu.wait_dma2 semaphore(%run_scoped3A_135 : memref<!tpu.dma_semaphore, #tpu.memory_space<semaphore_mem>>) src(%dma_wait3A_143 : memref<640x128xf32, #tpu.memory_space<vmem_shared>>) dst(%dma_wait3A_141 : memref<640x128xf32, #tpu.memory_space<hbm>>)
      tpu.yield
    }) : () -> ()
    return
  }
}

module attributes {stable_mosaic.version = 14 : i64} {
  func.func @_mm_body(%arg0: i32, %arg1: memref<2048x128xf32, #tpu.memory_space<vmem>>, %arg2: memref<128x128xf32, #tpu.memory_space<vmem>>, %arg3: memref<2048x128xf32, #tpu.memory_space<vmem>>) attributes {dimension_semantics = [#tpu.dimension_semantics<arbitrary>], iteration_bounds = array<i64: 5>, scalar_prefetch = 0 : i64, scratch_operands = 0 : i64, tpu.core_type = #tpu.core_type<tc>, window_params = [{transform_indices = @transform_0, window_bounds = array<i64: 2048, 128>}, {pipeline_mode = #tpu.pipeline_mode<synchronous>, transform_indices = @transform_1, window_bounds = array<i64: 128, 128>}, {transform_indices = @transform_2, window_bounds = array<i64: 2048, 128>}]} {
    %get3A = arith.constant 0 : index
    %get3A_0 = arith.constant 0 : index
    %get3A_1 = vector.load %arg1[%get3A, %get3A_0] : memref<2048x128xf32, #tpu.memory_space<vmem>>, vector<2048x128xf32>
    %get3A_2 = arith.constant 0 : index
    %get3A_3 = arith.constant 0 : index
    %get3A_4 = vector.load %arg2[%get3A_2, %get3A_3] : memref<128x128xf32, #tpu.memory_space<vmem>>, vector<128x128xf32>
    %dot_general3A = arith.constant dense<0.000000e+00> : vector<2048x128xf32>
    %dot_general3A_5 = tpu.matmul %get3A_1, %get3A_4, %dot_general3A {dimension_numbers = #tpu.dot_dimension_numbers<[1], [0], [0], [1], [0, 0, 1, 1], [], []>, precision = #tpu.contract_precision<fp32>, transpose_lhs_hint = false} : vector<2048x128xf32>, vector<128x128xf32>, vector<2048x128xf32> -> vector<2048x128xf32>
    %swap3A = arith.constant 0 : index
    %swap3A_6 = arith.constant 0 : index
    %swap3A_7 = vector.load %arg3[%swap3A, %swap3A_6] : memref<2048x128xf32, #tpu.memory_space<vmem>>, vector<2048x128xf32>
    tpu.vector_store %arg3[%swap3A, %swap3A_6], %dot_general3A_5 {strides = array<i32>} : memref<2048x128xf32, #tpu.memory_space<vmem>>, vector<2048x128xf32>,
    return
  }
  func.func @transform_0(%arg0: i32) -> (i32, i32) {
    %c0_i32 = arith.constant 0 : i32
    %c0_i32_0 = arith.constant 0 : i32
    return %arg0, %c0_i32 : i32, i32
  }
  func.func @transform_1(%arg0: i32) -> (i32, i32) {
    %c0_i32 = arith.constant 0 : i32
    %c0_i32_0 = arith.constant 0 : i32
    %c0_i32_1 = arith.constant 0 : i32
    return %c0_i32, %c0_i32_0 : i32, i32
  }
  func.func @transform_2(%arg0: i32) -> (i32, i32) {
    %c0_i32 = arith.constant 0 : i32
    %c0_i32_0 = arith.constant 0 : i32
    return %arg0, %c0_i32 : i32, i32
  }
}

module attributes {stable_mosaic.version = 14 : i64} {
  func.func @_scale_body(%arg0: i32, %arg1: memref<2048x128xf32, #tpu.memory_space<vmem>>, %arg2: memref<2x2048x1xf32, #tpu.memory_space<vmem>>, %arg3: memref<2048x128xf32, #tpu.memory_space<vmem>>, %arg4: memref<2048x1xf32, #tpu.memory_space<vmem>>) attributes {dimension_semantics = [#tpu.dimension_semantics<arbitrary>], iteration_bounds = array<i64: 5>, scalar_prefetch = 0 : i64, scratch_operands = 0 : i64, tpu.core_type = #tpu.core_type<tc>, window_params = [{transform_indices = @transform_0, window_bounds = array<i64: 2048, 128>}, {transform_indices = @transform_1, window_bounds = array<i64: 2, 2048, 1>}, {transform_indices = @transform_2, window_bounds = array<i64: 2048, 128>}, {transform_indices = @transform_3, window_bounds = array<i64: 2048, 1>}]} {
    %get3A = arith.constant 0 : index
    %get3A_0 = arith.constant 0 : index
    %get3A_1 = arith.constant 0 : index
    %get3A_2 = vector.load %arg2[%get3A, %get3A_0, %get3A_1] : memref<2x2048x1xf32, #tpu.memory_space<vmem>>, vector<1x2048x1xf32>
    %get3A_3 = vector.shape_cast %get3A_2 : vector<1x2048x1xf32> to vector<2048x1xf32>
    %get3A_4 = arith.constant 1 : index
    %get3A_5 = arith.constant 0 : index
    %get3A_6 = arith.constant 0 : index
    %get3A_7 = vector.load %arg2[%get3A_4, %get3A_5, %get3A_6] : memref<2x2048x1xf32, #tpu.memory_space<vmem>>, vector<1x2048x1xf32>
    %get3A_8 = vector.shape_cast %get3A_7 : vector<1x2048x1xf32> to vector<2048x1xf32>
    %add3A = arith.addf %get3A_3, %get3A_8 : vector<2048x1xf32>
    %add3A_9 = arith.constant 1.000000e+00 : f32
    %add3A_10 = vector.broadcast %add3A_9 : f32 to vector<2048x1xf32>
    %add3A_11 = arith.addf %add3A, %add3A_10 : vector<2048x1xf32>
    %rsqrt3A = math.rsqrt %add3A_11 : vector<2048x1xf32>
    %swap3A = arith.constant 0 : index
    %swap3A_12 = arith.constant 0 : index
    %swap3A_13 = vector.load %arg4[%swap3A, %swap3A_12] : memref<2048x1xf32, #tpu.memory_space<vmem>>, vector<2048x1xf32>
    tpu.vector_store %arg4[%swap3A, %swap3A_12], %rsqrt3A {strides = array<i32>} : memref<2048x1xf32, #tpu.memory_space<vmem>>, vector<2048x1xf32>,
    %get3A_14 = arith.constant 0 : index
    %get3A_15 = arith.constant 0 : index
    %get3A_16 = vector.load %arg1[%get3A_14, %get3A_15] : memref<2048x128xf32, #tpu.memory_space<vmem>>, vector<2048x128xf32>
    %mul3A = vector.broadcast %rsqrt3A : vector<2048x1xf32> to vector<2048x128xf32>
    %mul3A_17 = arith.mulf %get3A_16, %mul3A : vector<2048x128xf32>
    %swap3A_18 = arith.constant 0 : index
    %swap3A_19 = arith.constant 0 : index
    %swap3A_20 = vector.load %arg3[%swap3A_18, %swap3A_19] : memref<2048x128xf32, #tpu.memory_space<vmem>>, vector<2048x128xf32>
    tpu.vector_store %arg3[%swap3A_18, %swap3A_19], %mul3A_17 {strides = array<i32>} : memref<2048x128xf32, #tpu.memory_space<vmem>>, vector<2048x128xf32>,
    return
  }
  func.func @transform_0(%arg0: i32) -> (i32, i32) {
    %c0_i32 = arith.constant 0 : i32
    %c0_i32_0 = arith.constant 0 : i32
    return %arg0, %c0_i32 : i32, i32
  }
  func.func @transform_1(%arg0: i32) -> (i32, i32, i32) {
    %c0_i32 = arith.constant 0 : i32
    %c0_i32_0 = arith.constant 0 : i32
    %c0_i32_1 = arith.constant 0 : i32
    return %c0_i32, %arg0, %c0_i32_0 : i32, i32, i32
  }
  func.func @transform_2(%arg0: i32) -> (i32, i32) {
    %c0_i32 = arith.constant 0 : i32
    %c0_i32_0 = arith.constant 0 : i32
    return %arg0, %c0_i32 : i32, i32
  }
  func.func @transform_3(%arg0: i32) -> (i32, i32) {
    %c0_i32 = arith.constant 0 : i32
    %c0_i32_0 = arith.constant 0 : i32
    return %arg0, %c0_i32 : i32, i32
  }
}

module attributes {stable_mosaic.version = 14 : i64} {
  func.func @_layer_body(%arg0: i32, %arg1: memref<2x2048x128xf32, #tpu.memory_space<vmem>>, %arg2: memref<2048x128xf32, #tpu.memory_space<vmem>>, %arg3: memref<2048x1xf32, #tpu.memory_space<vmem>>, %arg4: memref<1x128xf32, #tpu.memory_space<vmem>>, %arg5: memref<128x128xf32, #tpu.memory_space<vmem>>, %arg6: memref<2048x128xf32, #tpu.memory_space<vmem>>) attributes {dimension_semantics = [#tpu.dimension_semantics<arbitrary>], iteration_bounds = array<i64: 5>, scalar_prefetch = 0 : i64, scratch_operands = 0 : i64, tpu.core_type = #tpu.core_type<tc>, window_params = [{transform_indices = @transform_0, window_bounds = array<i64: 2, 2048, 128>}, {transform_indices = @transform_1, window_bounds = array<i64: 2048, 128>}, {transform_indices = @transform_2, window_bounds = array<i64: 2048, 1>}, {pipeline_mode = #tpu.pipeline_mode<synchronous>, transform_indices = @transform_3, window_bounds = array<i64: 1, 128>}, {pipeline_mode = #tpu.pipeline_mode<synchronous>, transform_indices = @transform_4, window_bounds = array<i64: 128, 128>}, {transform_indices = @transform_5, window_bounds = array<i64: 2048, 128>}]} {
    %get3A = arith.constant 0 : index
    %get3A_0 = arith.constant 0 : index
    %get3A_1 = vector.load %arg3[%get3A, %get3A_0] : memref<2048x1xf32, #tpu.memory_space<vmem>>, vector<2048x1xf32>
    %get3A_2 = arith.constant 0 : index
    %get3A_3 = arith.constant 0 : index
    %get3A_4 = arith.constant 0 : index
    %get3A_5 = vector.load %arg1[%get3A_2, %get3A_3, %get3A_4] : memref<2x2048x128xf32, #tpu.memory_space<vmem>>, vector<1x2048x128xf32>
    %get3A_6 = vector.shape_cast %get3A_5 : vector<1x2048x128xf32> to vector<2048x128xf32>
    %get3A_7 = arith.constant 1 : index
    %get3A_8 = arith.constant 0 : index
    %get3A_9 = arith.constant 0 : index
    %get3A_10 = vector.load %arg1[%get3A_7, %get3A_8, %get3A_9] : memref<2x2048x128xf32, #tpu.memory_space<vmem>>, vector<1x2048x128xf32>
    %get3A_11 = vector.shape_cast %get3A_10 : vector<1x2048x128xf32> to vector<2048x128xf32>
    %add3A = arith.addf %get3A_6, %get3A_11 : vector<2048x128xf32>
    %get3A_12 = arith.constant 0 : index
    %get3A_13 = arith.constant 0 : index
    %get3A_14 = vector.load %arg2[%get3A_12, %get3A_13] : memref<2048x128xf32, #tpu.memory_space<vmem>>, vector<2048x128xf32>
    %add3A_15 = arith.addf %add3A, %get3A_14 : vector<2048x128xf32>
    %mul3A = vector.broadcast %get3A_1 : vector<2048x1xf32> to vector<2048x128xf32>
    %mul3A_16 = arith.mulf %add3A_15, %mul3A : vector<2048x128xf32>
    %get3A_17 = arith.constant 0 : index
    %get3A_18 = arith.constant 0 : index
    %get3A_19 = vector.load %arg4[%get3A_17, %get3A_18] : memref<1x128xf32, #tpu.memory_space<vmem>>, vector<1x128xf32>
    %add3A_20 = vector.broadcast %get3A_19 : vector<1x128xf32> to vector<2048x128xf32>
    %add3A_21 = arith.addf %mul3A_16, %add3A_20 : vector<2048x128xf32>
    %max3A = arith.constant 0.000000e+00 : f32
    %max3A_22 = vector.broadcast %max3A : f32 to vector<2048x128xf32>
    %max3A_23 = arith.maximumf %add3A_21, %max3A_22 : vector<2048x128xf32>
    %get3A_24 = arith.constant 0 : index
    %get3A_25 = arith.constant 0 : index
    %get3A_26 = vector.load %arg5[%get3A_24, %get3A_25] : memref<128x128xf32, #tpu.memory_space<vmem>>, vector<128x128xf32>
    %dot_general3A = arith.constant dense<0.000000e+00> : vector<2048x128xf32>
    %dot_general3A_27 = tpu.matmul %max3A_23, %get3A_26, %dot_general3A {dimension_numbers = #tpu.dot_dimension_numbers<[1], [0], [0], [1], [0, 0, 1, 1], [], []>, precision = #tpu.contract_precision<fp32>, transpose_lhs_hint = false} : vector<2048x128xf32>, vector<128x128xf32>, vector<2048x128xf32> -> vector<2048x128xf32>
    %mul3A_28 = vector.broadcast %get3A_1 : vector<2048x1xf32> to vector<2048x128xf32>
    %mul3A_29 = arith.mulf %dot_general3A_27, %mul3A_28 : vector<2048x128xf32>
    %swap3A = arith.constant 0 : index
    %swap3A_30 = arith.constant 0 : index
    %swap3A_31 = vector.load %arg6[%swap3A, %swap3A_30] : memref<2048x128xf32, #tpu.memory_space<vmem>>, vector<2048x128xf32>
    tpu.vector_store %arg6[%swap3A, %swap3A_30], %mul3A_29 {strides = array<i32>} : memref<2048x128xf32, #tpu.memory_space<vmem>>, vector<2048x128xf32>,
    return
  }
  func.func @transform_0(%arg0: i32) -> (i32, i32, i32) {
    %c0_i32 = arith.constant 0 : i32
    %c0_i32_0 = arith.constant 0 : i32
    %c0_i32_1 = arith.constant 0 : i32
    return %c0_i32, %arg0, %c0_i32_0 : i32, i32, i32
  }
  func.func @transform_1(%arg0: i32) -> (i32, i32) {
    %c0_i32 = arith.constant 0 : i32
    %c0_i32_0 = arith.constant 0 : i32
    return %arg0, %c0_i32 : i32, i32
  }
  func.func @transform_2(%arg0: i32) -> (i32, i32) {
    %c0_i32 = arith.constant 0 : i32
    %c0_i32_0 = arith.constant 0 : i32
    return %arg0, %c0_i32 : i32, i32
  }
  func.func @transform_3(%arg0: i32) -> (i32, i32) {
    %c0_i32 = arith.constant 0 : i32
    %c0_i32_0 = arith.constant 0 : i32
    %c0_i32_1 = arith.constant 0 : i32
    return %c0_i32, %c0_i32_0 : i32, i32
  }
  func.func @transform_4(%arg0: i32) -> (i32, i32) {
    %c0_i32 = arith.constant 0 : i32
    %c0_i32_0 = arith.constant 0 : i32
    %c0_i32_1 = arith.constant 0 : i32
    return %c0_i32, %c0_i32_0 : i32, i32
  }
  func.func @transform_5(%arg0: i32) -> (i32, i32) {
    %c0_i32 = arith.constant 0 : i32
    %c0_i32_0 = arith.constant 0 : i32
    return %arg0, %c0_i32 : i32, i32
  }
}

module attributes {stable_mosaic.version = 14 : i64} {
  func.func @_final_node_body(%arg0: i32, %arg1: memref<2x2048x128xf32, #tpu.memory_space<vmem>>, %arg2: memref<2048x128xf32, #tpu.memory_space<vmem>>, %arg3: memref<2048x1xf32, #tpu.memory_space<vmem>>, %arg4: memref<1x128xf32, #tpu.memory_space<vmem>>, %arg5: memref<128x128xf32, #tpu.memory_space<vmem>>, %arg6: memref<128x128xf32, #tpu.memory_space<vmem>>, %arg7: memref<2048x128xf32, #tpu.memory_space<vmem>>, %arg8: memref<2048x128xf32, #tpu.memory_space<vmem>>) attributes {dimension_semantics = [#tpu.dimension_semantics<arbitrary>], iteration_bounds = array<i64: 5>, scalar_prefetch = 0 : i64, scratch_operands = 0 : i64, tpu.core_type = #tpu.core_type<tc>, window_params = [{transform_indices = @transform_0, window_bounds = array<i64: 2, 2048, 128>}, {transform_indices = @transform_1, window_bounds = array<i64: 2048, 128>}, {transform_indices = @transform_2, window_bounds = array<i64: 2048, 1>}, {pipeline_mode = #tpu.pipeline_mode<synchronous>, transform_indices = @transform_3, window_bounds = array<i64: 1, 128>}, {pipeline_mode = #tpu.pipeline_mode<synchronous>, transform_indices = @transform_4, window_bounds = array<i64: 128, 128>}, {pipeline_mode = #tpu.pipeline_mode<synchronous>, transform_indices = @transform_5, window_bounds = array<i64: 128, 128>}, {transform_indices = @transform_6, window_bounds = array<i64: 2048, 128>}, {transform_indices = @transform_7, window_bounds = array<i64: 2048, 128>}]} {
    %get3A = arith.constant 0 : index
    %get3A_0 = arith.constant 0 : index
    %get3A_1 = vector.load %arg3[%get3A, %get3A_0] : memref<2048x1xf32, #tpu.memory_space<vmem>>, vector<2048x1xf32>
    %get3A_2 = arith.constant 0 : index
    %get3A_3 = arith.constant 0 : index
    %get3A_4 = arith.constant 0 : index
    %get3A_5 = vector.load %arg1[%get3A_2, %get3A_3, %get3A_4] : memref<2x2048x128xf32, #tpu.memory_space<vmem>>, vector<1x2048x128xf32>
    %get3A_6 = vector.shape_cast %get3A_5 : vector<1x2048x128xf32> to vector<2048x128xf32>
    %get3A_7 = arith.constant 1 : index
    %get3A_8 = arith.constant 0 : index
    %get3A_9 = arith.constant 0 : index
    %get3A_10 = vector.load %arg1[%get3A_7, %get3A_8, %get3A_9] : memref<2x2048x128xf32, #tpu.memory_space<vmem>>, vector<1x2048x128xf32>
    %get3A_11 = vector.shape_cast %get3A_10 : vector<1x2048x128xf32> to vector<2048x128xf32>
    %add3A = arith.addf %get3A_6, %get3A_11 : vector<2048x128xf32>
    %get3A_12 = arith.constant 0 : index
    %get3A_13 = arith.constant 0 : index
    %get3A_14 = vector.load %arg2[%get3A_12, %get3A_13] : memref<2048x128xf32, #tpu.memory_space<vmem>>, vector<2048x128xf32>
    %add3A_15 = arith.addf %add3A, %get3A_14 : vector<2048x128xf32>
    %mul3A = vector.broadcast %get3A_1 : vector<2048x1xf32> to vector<2048x128xf32>
    %mul3A_16 = arith.mulf %add3A_15, %mul3A : vector<2048x128xf32>
    %get3A_17 = arith.constant 0 : index
    %get3A_18 = arith.constant 0 : index
    %get3A_19 = vector.load %arg4[%get3A_17, %get3A_18] : memref<1x128xf32, #tpu.memory_space<vmem>>, vector<1x128xf32>
    %add3A_20 = vector.broadcast %get3A_19 : vector<1x128xf32> to vector<2048x128xf32>
    %add3A_21 = arith.addf %mul3A_16, %add3A_20 : vector<2048x128xf32>
    %max3A = arith.constant 0.000000e+00 : f32
    %max3A_22 = vector.broadcast %max3A : f32 to vector<2048x128xf32>
    %max3A_23 = arith.maximumf %add3A_21, %max3A_22 : vector<2048x128xf32>
    %get3A_24 = arith.constant 0 : index
    %get3A_25 = arith.constant 0 : index
    %get3A_26 = vector.load %arg5[%get3A_24, %get3A_25] : memref<128x128xf32, #tpu.memory_space<vmem>>, vector<128x128xf32>
    %dot_general3A = arith.constant dense<0.000000e+00> : vector<2048x128xf32>
    %dot_general3A_27 = tpu.matmul %max3A_23, %get3A_26, %dot_general3A {dimension_numbers = #tpu.dot_dimension_numbers<[1], [0], [0], [1], [0, 0, 1, 1], [], []>, precision = #tpu.contract_precision<fp32>, transpose_lhs_hint = false} : vector<2048x128xf32>, vector<128x128xf32>, vector<2048x128xf32> -> vector<2048x128xf32>
    %swap3A = arith.constant 0 : index
    %swap3A_28 = arith.constant 0 : index
    %swap3A_29 = vector.load %arg7[%swap3A, %swap3A_28] : memref<2048x128xf32, #tpu.memory_space<vmem>>, vector<2048x128xf32>
    tpu.vector_store %arg7[%swap3A, %swap3A_28], %dot_general3A_27 {strides = array<i32>} : memref<2048x128xf32, #tpu.memory_space<vmem>>, vector<2048x128xf32>,
    %get3A_30 = arith.constant 0 : index
    %get3A_31 = arith.constant 0 : index
    %get3A_32 = vector.load %arg6[%get3A_30, %get3A_31] : memref<128x128xf32, #tpu.memory_space<vmem>>, vector<128x128xf32>
    %dot_general3A_33 = arith.constant dense<0.000000e+00> : vector<2048x128xf32>
    %dot_general3A_34 = tpu.matmul %max3A_23, %get3A_32, %dot_general3A_33 {dimension_numbers = #tpu.dot_dimension_numbers<[1], [0], [0], [1], [0, 0, 1, 1], [], []>, precision = #tpu.contract_precision<fp32>, transpose_lhs_hint = false} : vector<2048x128xf32>, vector<128x128xf32>, vector<2048x128xf32> -> vector<2048x128xf32>
    %swap3A_35 = arith.constant 0 : index
    %swap3A_36 = arith.constant 0 : index
    %swap3A_37 = vector.load %arg8[%swap3A_35, %swap3A_36] : memref<2048x128xf32, #tpu.memory_space<vmem>>, vector<2048x128xf32>
    tpu.vector_store %arg8[%swap3A_35, %swap3A_36], %dot_general3A_34 {strides = array<i32>} : memref<2048x128xf32, #tpu.memory_space<vmem>>, vector<2048x128xf32>,
    return
  }
  func.func @transform_0(%arg0: i32) -> (i32, i32, i32) {
    %c0_i32 = arith.constant 0 : i32
    %c0_i32_0 = arith.constant 0 : i32
    %c0_i32_1 = arith.constant 0 : i32
    return %c0_i32, %arg0, %c0_i32_0 : i32, i32, i32
  }
  func.func @transform_1(%arg0: i32) -> (i32, i32) {
    %c0_i32 = arith.constant 0 : i32
    %c0_i32_0 = arith.constant 0 : i32
    return %arg0, %c0_i32 : i32, i32
  }
  func.func @transform_2(%arg0: i32) -> (i32, i32) {
    %c0_i32 = arith.constant 0 : i32
    %c0_i32_0 = arith.constant 0 : i32
    return %arg0, %c0_i32 : i32, i32
  }
  func.func @transform_3(%arg0: i32) -> (i32, i32) {
    %c0_i32 = arith.constant 0 : i32
    %c0_i32_0 = arith.constant 0 : i32
    %c0_i32_1 = arith.constant 0 : i32
    return %c0_i32, %c0_i32_0 : i32, i32
  }
  func.func @transform_4(%arg0: i32) -> (i32, i32) {
    %c0_i32 = arith.constant 0 : i32
    %c0_i32_0 = arith.constant 0 : i32
    %c0_i32_1 = arith.constant 0 : i32
    return %c0_i32, %c0_i32_0 : i32, i32
  }
  func.func @transform_5(%arg0: i32) -> (i32, i32) {
    %c0_i32 = arith.constant 0 : i32
    %c0_i32_0 = arith.constant 0 : i32
    %c0_i32_1 = arith.constant 0 : i32
    return %c0_i32, %c0_i32_0 : i32, i32
  }
  func.func @transform_6(%arg0: i32) -> (i32, i32) {
    %c0_i32 = arith.constant 0 : i32
    %c0_i32_0 = arith.constant 0 : i32
    return %arg0, %c0_i32 : i32, i32
  }
  func.func @transform_7(%arg0: i32) -> (i32, i32) {
    %c0_i32 = arith.constant 0 : i32
    %c0_i32_0 = arith.constant 0 : i32
    return %arg0, %c0_i32 : i32, i32
  }
}

module attributes {stable_mosaic.version = 14 : i64} {
  func.func @_edge_mlp_body(%arg0: i32, %arg1: memref<12800x128xf32, #tpu.memory_space<vmem>>, %arg2: memref<1x128xf32, #tpu.memory_space<vmem>>, %arg3: memref<128x16xf32, #tpu.memory_space<vmem>>, %arg4: memref<16x1xf32, #tpu.memory_space<vmem>>, %arg5: memref<16x12800xf32, #tpu.memory_space<vmem>>) attributes {dimension_semantics = [#tpu.dimension_semantics<arbitrary>], iteration_bounds = array<i64: 25>, scalar_prefetch = 0 : i64, scratch_operands = 0 : i64, tpu.core_type = #tpu.core_type<tc>, window_params = [{transform_indices = @transform_0, window_bounds = array<i64: 12800, 128>}, {pipeline_mode = #tpu.pipeline_mode<synchronous>, transform_indices = @transform_1, window_bounds = array<i64: 1, 128>}, {pipeline_mode = #tpu.pipeline_mode<synchronous>, transform_indices = @transform_2, window_bounds = array<i64: 128, 16>}, {pipeline_mode = #tpu.pipeline_mode<synchronous>, transform_indices = @transform_3, window_bounds = array<i64: 16, 1>}, {transform_indices = @transform_4, window_bounds = array<i64: 16, 12800>}]} {
    %get3A = arith.constant 0 : index
    %get3A_0 = arith.constant 0 : index
    %get3A_1 = vector.load %arg1[%get3A, %get3A_0] : memref<12800x128xf32, #tpu.memory_space<vmem>>, vector<12800x128xf32>
    %get3A_2 = arith.constant 0 : index
    %get3A_3 = arith.constant 0 : index
    %get3A_4 = vector.load %arg2[%get3A_2, %get3A_3] : memref<1x128xf32, #tpu.memory_space<vmem>>, vector<1x128xf32>
    %add3A = vector.broadcast %get3A_4 : vector<1x128xf32> to vector<12800x128xf32>
    %add3A_5 = arith.addf %get3A_1, %add3A : vector<12800x128xf32>
    %max3A = arith.constant 0.000000e+00 : f32
    %max3A_6 = vector.broadcast %max3A : f32 to vector<12800x128xf32>
    %max3A_7 = arith.maximumf %add3A_5, %max3A_6 : vector<12800x128xf32>
    %convert_element_type3A = arith.truncf %max3A_7 : vector<12800x128xf32> to vector<12800x128xbf16>
    %get3A_8 = arith.constant 0 : index
    %get3A_9 = arith.constant 0 : index
    %get3A_10 = vector.load %arg3[%get3A_8, %get3A_9] : memref<128x16xf32, #tpu.memory_space<vmem>>, vector<128x16xf32>
    %convert_element_type3A_11 = arith.truncf %get3A_10 : vector<128x16xf32> to vector<128x16xbf16>
    %dot_general3A = arith.constant dense<0.000000e+00> : vector<16x12800xf32>
    %dot_general3A_12 = tpu.matmul %convert_element_type3A_11, %convert_element_type3A, %dot_general3A {dimension_numbers = #tpu.dot_dimension_numbers<[0], [1], [1], [0], [0, 1, 1, 0], [], []>, transpose_lhs_hint = false} : vector<128x16xbf16>, vector<12800x128xbf16>, vector<16x12800xf32> -> vector<16x12800xf32>
    %get3A_13 = arith.constant 0 : index
    %get3A_14 = arith.constant 0 : index
    %get3A_15 = vector.load %arg4[%get3A_13, %get3A_14] : memref<16x1xf32, #tpu.memory_space<vmem>>, vector<16x1xf32>
    %add3A_16 = vector.broadcast %get3A_15 : vector<16x1xf32> to vector<16x12800xf32>
    %add3A_17 = arith.addf %dot_general3A_12, %add3A_16 : vector<16x12800xf32>
    %swap3A = arith.constant 0 : index
    %swap3A_18 = arith.constant 0 : index
    %swap3A_19 = vector.load %arg5[%swap3A, %swap3A_18] : memref<16x12800xf32, #tpu.memory_space<vmem>>, vector<16x12800xf32>
    tpu.vector_store %arg5[%swap3A, %swap3A_18], %add3A_17 {strides = array<i32>} : memref<16x12800xf32, #tpu.memory_space<vmem>>, vector<16x12800xf32>,
    return
  }
  func.func @transform_0(%arg0: i32) -> (i32, i32) {
    %c0_i32 = arith.constant 0 : i32
    %c0_i32_0 = arith.constant 0 : i32
    return %arg0, %c0_i32 : i32, i32
  }
  func.func @transform_1(%arg0: i32) -> (i32, i32) {
    %c0_i32 = arith.constant 0 : i32
    %c0_i32_0 = arith.constant 0 : i32
    %c0_i32_1 = arith.constant 0 : i32
    return %c0_i32, %c0_i32_0 : i32, i32
  }
  func.func @transform_2(%arg0: i32) -> (i32, i32) {
    %c0_i32 = arith.constant 0 : i32
    %c0_i32_0 = arith.constant 0 : i32
    %c0_i32_1 = arith.constant 0 : i32
    return %c0_i32, %c0_i32_0 : i32, i32
  }
  func.func @transform_3(%arg0: i32) -> (i32, i32) {
    %c0_i32 = arith.constant 0 : i32
    %c0_i32_0 = arith.constant 0 : i32
    %c0_i32_1 = arith.constant 0 : i32
    return %c0_i32, %c0_i32_0 : i32, i32
  }
  func.func @transform_4(%arg0: i32) -> (i32, i32) {
    %c0_i32 = arith.constant 0 : i32
    %c0_i32_0 = arith.constant 0 : i32
    return %c0_i32, %arg0 : i32, i32
  }
}

</mosaic_0001>

<sc_bundles>
// kernel: kernel.11.cloned.1.call-start
scs
__scs_entry_jumppad:
0x0: {  	(pc) =	sbr.rel $0x88, $3  }
0x1: {  	(tag) =	ssettag $0x0;
	lr =	simm.s32 $0x1  }
0x2: {  	[smem:$0x3F97] =	sst lr;
	_ =	strace $0xD0000000  }
0x3: {  	_ = 	snop  }
0x4: {  	_ = 	snop  }
0x5: {  	_ = 	snop  }
0x6: {  	_ = 	snop  }
0x7: {  	_ = 	snop  }
__scs_overlays_trampoline_lowered:
0x8: {  	[smem:$0x3FA6] =	sst s0  }
0x9: {  	[smem:$0x3FA7] =	sst s1  }
0xa: {  	[smem:$0x3FA8] =	sst s2  }
0xb: {  	[smem:$0x3FA9] =	sst s3  }
0xc: {  	[smem:$0x3FAA] =	sst s4  }
0xd: {  	[smem:$0x3FAB] =	sst s5  }
0xe: {  	[smem:$0x3FAC] =	sst s6  }
0xf: {  	[smem:$0x3FAD] =	sst s7  }
0x10: {  	[smem:$0x3FAE] =	sst s8  }
0x11: {  	[smem:$0x3FAF] =	sst s9;
	s0 =	simm.s32 @!p0 $0x0  }
0x12: {  	s1 =	sld [smem:$0x3F95];
	s0 =	simm.s32 @p0 $0x1  }
0x13: {  	[smem:$0x3FB0] =	sst s0;
	s0 =	simm.s32 @!p1 $0x0  }
0x14: {  	s2 =	sld [smem:$0x3F94];
	s0 =	simm.s32 @p1 $0x1  }
0x15: {  	[smem:$0x3FB1] =	sst s0;
	s0 =	simm.s32 @!p2 $0x0  }
0x16: {  	s3 =	sld [smem:$0x3FDB];
	s0 =	simm.s32 @p2 $0x1  }
0x17: {  	s4 =	simm.s32 $0x1BF5;
	[smem:$0x3FB3] =	sst s0  }
0x18: {  	s0 =	sld [smem:$0x3F96];
	_ =	swait.ge [sflag:s4], $0x0  }
0x19: {  	s7 =	sld [smem:$0x3F97]  }
0x1a: {  	s8 =	sadd.s32 $0xFFFFE003, lr  }
0x1b: {  	s9 =	sadd.s32 $0xFFFFFEF7, lr;
	s5 =	simm.s32 $0xFFFFFFFF;
	p2 =	slt.u32 s8, $0xFFFFF086  }
0x1c: {  	p1 =	slt.u32 s9, $0xF7A;
	s5 =	simm.s32 @!p2 $0x0  }
0x1d: {  	s5 =	simm.s32 @p1 $0x1;
	p0 =	seq.s32 s7, s2  }
0x1e: {  	s7 =	smul.u32 @!p0 $0xF7A, s2;
	p2 =	seq.s32 @!p0 s5, $0x0  }
0x1f: {  	s9 =	smul.u32 $0xF7A, s1;
	s8 =	simm.s32 @!p0 $0x1BF5;
	p2 =	por !p2, p0  }
0x20: {  	[sflag:s8] =	ssyncset.s32 @!p0 $0xFFFFF086;
	s6 =	sadd.s32 @!p0 s3, s7;
	s7 =	simm.s32 @!p0 $0x108  }
0x21: {  	s3 =	sadd.s32 s3, s9;
	s6 =	sadd.s32 @!p0 $0x88, s6;
	s7 =	simm.s32 @p2 $0x1082  }
0x22: {  	[simem:s7], [sflag:s8] =	dma.local @!p0 [hbm:s6], $0xF7A  }
0x23: {  	s9 =	sor.u32 $0xD0000000, s2;
	s6 =	simm.s32 $0x108;
	_ =	swait.ge @!p0 [sflag:s8], $0x0  }
0x24: {  	s3 =	sadd.s32 $0x88, s3;
	s6 =	simm.s32 @!p1 $0x1082;
	[sflag:s4] =	ssyncset.s32 $0xFFFFF086  }
0x25: {  	[simem:s6], [sflag:s4] =	dma.local [hbm:s3], $0xF7A  }
0x26: {  	[smem:$0x3F97] =	sst s1;
	(tag) =	ssettag s2;
	_ =	strace s9  }
0x27: {  	s1 =	sld [smem:$0x3FA7]  }
0x28: {  	s2 =	sld [smem:$0x3FA8]  }
0x29: {  	s4 =	sld [smem:$0x3FAA]  }
0x2a: {  	p0 =	seq.s32 s5, $0x0;
	s5 =	sld [smem:$0x3FAB]  }
0x2b: {  	s6 =	sld [smem:$0x3FAC]  }
0x2c: {  	s7 =	sld [smem:$0x3FAD]  }
0x2d: {  	s3 =	simm.s32 $0x108;
	s8 =	sld [smem:$0x3FAE]  }
0x2e: {  	s3 =	simm.s32 @!p0 $0x1082;
	s9 =	sld [smem:$0x3FAF]  }
0x2f: {  	lr =	sadd.s32 s0, s3;
	s0 =	sld [smem:$0x3FA6]  }
0x30: {  	s3 =	sld [smem:$0x3FA9]  }
0x31: {  	[smem:$0x3FB2] =	sst s10  }
0x32: {  	s10 =	sld [smem:$0x3FB0];
	_ =	sdelay $0x3  }
0x33: {  	p0 =	seq.s32 s10, $0x1;
	s10 =	sld [smem:$0x3FB2];
	_ =	sdelay $0x3  }
0x34: {  	[smem:$0x3FB2] =	sst s10  }
0x35: {  	s10 =	sld [smem:$0x3FB1];
	_ =	sdelay $0x3  }
0x36: {  	p1 =	seq.s32 s10, $0x1;
	s10 =	sld [smem:$0x3FB2];
	_ =	sdelay $0x3  }
0x37: {  	[smem:$0x3FB2] =	sst s10  }
0x38: {  	s10 =	sld [smem:$0x3FB3]  }
0x39: {  	_ = 	snop;
	(pc) =	sbr.ind lr, $3  }
0x3a: {  	_ = 	snop  }
0x3b: {  	_ = 	snop  }
0x3c: {  	p2 =	seq.s32 s10, $0x1;
	s10 =	sld [smem:$0x3FB2]  }
0x3d: {  	_ =	shalt  }
0x3e: {  	_ =	shalt  }
0x3f: {  	_ =	shalt  }
0x40: {  	_ =	shalt  }
0x41: {  	_ =	shalt  }
0x42: {  	_ =	shalt  }
0x43: {  	_ =	shalt  }
0x44: {  	_ =	shalt  }
0x45: {  	_ =	shalt  }
0x46: {  	_ =	shalt  }
0x47: {  	_ =	shalt  }
0x48: {  	_ =	shalt  }
0x49: {  	_ =	shalt  }
0x4a: {  	_ =	shalt  }
0x4b: {  	_ =	shalt  }
0x4c: {  	_ =	shalt  }
0x4d: {  	_ =	shalt  }
0x4e: {  	_ =	shalt  }
0x4f: {  	_ =	shalt  }
0x50: {  	_ =	shalt  }
0x51: {  	_ =	shalt  }
0x52: {  	_ =	shalt  }
0x53: {  	_ =	shalt  }
0x54: {  	_ =	shalt  }
0x55: {  	_ =	shalt  }
0x56: {  	_ =	shalt  }
0x57: {  	_ =	shalt  }
0x58: {  	_ =	shalt  }
0x59: {  	_ =	shalt  }
0x5a: {  	_ =	shalt  }
0x5b: {  	_ =	shalt  }
0x5c: {  	_ =	shalt  }
0x5d: {  	_ =	shalt  }
0x5e: {  	_ =	shalt  }
0x5f: {  	_ =	shalt  }
0x60: {  	_ =	shalt  }
0x61: {  	_ =	shalt  }
0x62: {  	_ =	shalt  }
0x63: {  	_ =	shalt  }
0x64: {  	_ =	shalt  }
0x65: {  	_ =	shalt  }
0x66: {  	_ =	shalt  }
0x67: {  	_ =	shalt  }
0x68: {  	_ =	shalt  }
0x69: {  	_ =	shalt  }
0x6a: {  	_ =	shalt  }
0x6b: {  	_ =	shalt  }
0x6c: {  	_ =	shalt  }
0x6d: {  	_ =	shalt  }
0x6e: {  	_ =	shalt  }
0x6f: {  	_ =	shalt  }
0x70: {  	_ =	shalt  }
0x71: {  	_ =	shalt  }
0x72: {  	_ =	shalt  }
0x73: {  	_ =	shalt  }
0x74: {  	_ =	shalt  }
0x75: {  	_ =	shalt  }
0x76: {  	_ =	shalt  }
0x77: {  	_ =	shalt  }
0x78: {  	_ =	shalt  }
0x79: {  	_ =	shalt  }
0x7a: {  	_ =	shalt  }
0x7b: {  	_ =	shalt  }
0x7c: {  	_ =	shalt  }
0x7d: {  	_ =	shalt  }
0x7e: {  	_ =	shalt  }
0x7f: {  	_ =	shalt  }
0x80: {  	_ =	shalt  }
0x81: {  	_ =	shalt  }
0x82: {  	_ =	shalt  }
0x83: {  	_ =	shalt  }
0x84: {  	_ =	shalt  }
0x85: {  	_ =	shalt  }
0x86: {  	_ =	shalt  }
0x87: {  	_ =	shalt  }
.Lfunc_end0:
.L_simem_size_0:
called_computation_lowered:
.L_overlay_start_0:
0x88: {  	s2 =	sld [smem:$0x3FD9]  }
0x89: {  	s3 =	sld [smem:$0x3FFE];
	_ =	sdelay $0x1  }
0x8a: {  	s1 =	srdreg.scid  }
0x8b: {  	s0 =	sand.u32 $0x1, s1  }
0x8c: {  	s16 =	sshll.u32 s0, $0xA;
	s2 =	sadd.s32 s3, s2  }
0x8d: {  	s2 =	sadd.s32 s2, s16  }
0x8e: {  	[smem:$0x3FBE] =	sst s2  }
0x8f: {  	_ = 	snop  }
0x90: {  	(tm) =	ssettm $0x1  }
0x91: {  	s17 =	sld [smem:$0x3FFB];
	_ =	sdelay $0x3  }
0x92: {  	_ =	strace s17  }
0x93: {  	s2 =	sld [smem:$0x3FFC];
	_ =	sdelay $0x3  }
0x94: {  	_ =	strace s2  }
0x95: {  	s2 =	sld [smem:$0x3FFD];
	_ =	sdelay $0x3  }
0x96: {  	_ =	strace s2  }
0x97: {  	_ =	strace $0x8FFFFFFF  }
0x98: {  	s18 =	sld [smem:$0x3FDB];
	_ =	sdelay $0x1  }
0x99: {  	s19 =	simm.s32 $_scs_section_size  }
0x9a: {  	s4 =	simm.s32 $_size__tile_overlayer_lowered;
	s5 =	simm.s32 $_tile_overlayer_lowered  }
0x9b: {  	s22 =	simm.s32 $0x1BFF;
	s21 =	sshll.u32 s5, $0x1;
	s2 =	sadd.s32 s19, s18  }
0x9c: {  	s6 =	simm.s32 $0x0;
	s20 =	sshll.u32 s4, $0x1;
	s4 =	sadd.s32 s21, s2  }
0x9d: {  	[timem:s6], [sflag:s22] =	dma.local [hbm:s4], s20  }
0x9e: {  	_ =	swait.ge [sflag:s22], s20  }
0x9f: {  	s3 =	ssub.s32 $0x0, s20;
	[sflag:s22] =	ssyncset.done $0x0  }
0xa0: {  	[sflag:s22] =	ssyncadd.s32 s3;
	_ =	sdelay $0x1  }
0xa1: {  	s23 =	simm.s32 $0x1B8B  }
0xa2: {  	_ =	swait.ge [sflag:s23], $0x1  }
0xa3: {  	[sflag:s23] =	ssyncset.done $0x0  }
0xa4: {  	s25 =	simm.s32 $0x1B8E;
	s24 =	sld [smem:$0x3FFE];
	[sflag:s23] =	ssyncadd.s32 $0xFFFFFFFF  }
0xa5: {  	s26 =	simm.s32 $execute0_lowered;
	[smem:$0x3FD2] =	sst s25  }
0xa6: {  	s4 =	sshll.u32 s26, $0x1;
	_ =	strace $0x80000046;
	[dreg:$0x1] =	wrdreg $0xFFFFFFFF  }
0xa7: {  	s28 =	simm.s32 $_size_execute0_lowered;
	s2 =	sadd.s32 s2, s4;
	[dreg:$0x0] =	wrdreg $0x0  }
0xa8: {  	s4 =	sshll.u32 s28, $0x1;
	[dreg:$0x2] =	wrdreg s2  }
0xa9: {  	[dreg:$0x3] =	wrdreg s4  }
0xaa: {  	[dreg:$0x4] =	wrdreg $0xC0  }
0xab: {  	_ =	task [dreg:s6], $0x5FFFF  }
0xac: {  	[dreg:$0x1] =	wrdreg $0xFFFFFFFF  }
0xad: {  	[dreg:$0x0] =	wrdreg $0x60  }
0xae: {  	[dreg:$0x2] =	wrdreg s24  }
0xaf: {  	[dreg:$0x3] =	wrdreg $0x17000  }
0xb0: {  	[dreg:$0x4] =	wrdreg $0x9  }
0xb1: {  	_ =	task.clear_ibuf [dreg:s6], $0x5FFFF;
	_ =	strace $0x90000046  }
0xb2: {  	s29 =	simm.s32 $0x9;
	_ =	strace $0x80000048  }
0xb3: {  	_ =	swait.ge [sflag:s29], $0x1  }
0xb4: {  	[sflag:s29] =	ssyncadd.s32 $0xFFFFFFFF  }
0xb5: {  	_ =	strace $0x90000048  }
0xb6: {  	_ =	sfence  }
0xb7: {  	s30 =	sld [smem:$0x0];
	_ =	sdelay $0x2  }
0xb8: {  	s31 =	sshll.u32 s1, $0xD;
	s1 =	sshrl.u32 s1, $0x2  }
0xb9: {  	s3 =	sand.u32 $0x4000, s31;
	s1 =	sadd.s32 s1, s30  }
0xba: {  	s0 =	sor.u32 s3, s0;
	s1 =	sshll.u32 s1, $0x11  }
0xbb: {  	s0 =	sor.u32 s1, s0  }
0xbc: {  	s0 =	sadd.s32 $0x8F2B, s0  }
0xbd: {  	[sflag:s0] =	ssyncadd.remote.s32 $0x1  }
0xbe: {  	_ =	sfence.sel $0xFFFF  }
0xbf: {  	[dreg:$0x0] =	wrdreg $0xFFFFFFFF;
	(pc) =	sbr.abs _section_cstart, $3  }
0xc0: {  	[dreg:$0x1] =	wrdreg $0xFFFFFFFF  }
0xc1: {  	_ =	task.clear_ibuf [dreg:s6], $0x2FFFF;
	_ =	strace $0x9FFFFFFF  }
0xc2: {  	(tm) =	ssettm $0x7FFFFFFF  }
0xc3: {  	_ =	shalt  }
tec
execute0_lowered:
.L_overlay_start_1:
0x0: {  	(tag) =	ssettag $0x1  }
0x1: {  	s0 =	stileid.u32  }
0x2: {  	s1 =	srdreg.scid;
	s9 =	rddreg [dreg:$0x0];
	s5 =	simm.s32 $0x0  }
0x3: {  	s18 =	simm.s32 $0x1400;
	s19 =	simm.s32 $0x20;
	s2 =	smul.u32 $0x9C, s0  }
0x4: {  	s20 =	simm.s32 $0x10;
	s21 =	simm.s32 $0x0;
	s8 =	smul.u32 $0x500, s0  }
0x5: {  	s7 =	sand.u32 $0x1, s1;
	[smem:$0x7FF] =	sst s5;
	s30 =	smul.u32 $0xA00, s0  }
0x6: {  	p1 =	seq.s32 s0, $0xF;
	s1 =	ssub.s32 $0x0, s7;
	s29 =	sshll.u32 s7, $0x7  }
0x7: {  	s16 =	ssub.s32 $0x2, s7;
	p0 =	seq.s32 s7, $0x1;
	s3 =	sadd.s32 $0x9C, s2  }
0x8: {  	s1 =	sand.u32 $0x9C, s1;
	s11 =	sshrl.u32 s2, $0x4;
	s2 =	rddreg [dreg:$0x1]  }
0x9: {  	s17 =	sshrl.u32 s16, $0x1;
	p0 =	por !p1, !p0;
	s12 =	sshrl.u32 s3, $0x4  }
0xa: {  	s13 =	sadd.s32 s11, s1;
	s16 =	ssub.s32 s16, s17;
	s1 =	sadd.s32 s1, s12  }
0xb: {  	p0 =	por !p0, !p0;
	s3 =	sshll.u32 s13, $0x3;
	s4 =	sshll.u32 s1, $0x3  }
0xc: {  	s17 =	simm.s32 $0x80;
	s11 =	ssub.s32 s12, s11;
	s6 =	ssub.s32 s4, s3  }
0xd: {  	s12 =	smax.u32 s16, $0x1;
	s13 =	sshll.u32 s13, $0xA;
	s10 =	sadd.s32 $0x27, s6  }
0xe: {  	s16 =	simm.s32 $0x1;
	s1 =	rddreg [dreg:$0x2];
	s14 =	sshll.u32 s10, $0x10  }
0xf: {  	_ =	strace $0x80000047;
	s11 =	sshll.u32 s11, $0x3;
	s14 =	sshra.s32 s14, $0x10  }
0x10: {  	s6 =	sor.u32 s29, s8;
	s8 =	sshrl.u32 s30, $0x2;
	s14 =	smul.u32 $0x6667, s14  }
.Ltmp0:
0x11: {  	s15 =	sshrl.u32 s6, $0x3;
	s6 =	sadd.s32 $0xD000, s9;
	(pc) =	sbr.rel .LBB2_1-.Ltmp0, $4  }
0x12: {  	s10 =	sshra.s32 s10, $0x1F;
	s31 =	sshrl.u32 s14, $0x1F;
	s14 =	sshra.s32 s14, $0x14  }
0x13: {  	s7 =	sadd.s32 s8, s2;
	s15 =	sadd.s32 s15, s9;
	s14 =	sadd.s32 s31, s14  }
0x14: {  	s9 =	sadd.s32 $0x16C00, s9;
	s8 =	sadd.s32 s14, s10;
	s10 =	sadd.s32 $0x16E00, s15  }
0x15: {  	v0 =	vimm.f32 $1.000000000e+00;
	v1 =	vimm.f32 $0.0e+00;
	s14 =	simm.s32 $0x1480;
	s15 =	simm.s32 $0x2;
	p1 =	slt.s32 s8, $0x1  }
.LBB2_7:
0x16: {  	s22 =	simm.s32 @p0 $0x0;
	s23 =	simm.s32 @p0 $0x1  }
0x17: {  	[tilespmem:s22], [sflag:$0x1] =	stream.linear.gather @p0 [hbm4b:s9+s22], $0x200, $0x38;
	[tilespmem:$0x1980] =	vst v63  }
0x18: {  	_ =	swait.ge @p0 [sflag:s23], $0x200  }
0x19: {  	[sflag:s23] =	ssyncset.done @p0 $0x0  }
0x1a: {  	s24 =	simm.s32 @p0 $0x1400;
	[sflag:s23] =	ssyncadd.s32 @p0 $0xFFFFFE00;
	s23 =	simm.s32 @p0 $0x80  }
0x1b: {  	[spmem:s2] =	stream.indirect.scatter.add.f32 @p0 [tilespmem:s24], [sflag:$0x2], $0x1, s22, s23, $0xb8;
	[tilespmem:$0x1980] =	vst v63  }
0x1c: {  	s22 =	simm.s32 @p0 $0x2  }
0x1d: {  	_ =	swait.ge @p0 [sflag:s22], $0x80  }
0x1e: {  	[sflag:s22] =	ssyncset.done @p0 $0x0  }
0x1f: {  	[sflag:s22] =	ssyncadd.s32 @p0 $0xFFFFFF80  }
0x20: {  	[spmem:s2] =	stream.indirect.scatter.add.f32 @p0 [tilespmem:s24], [sflag:$0x2], $0x1, s23, s23, $0xb8;
	[tilespmem:$0x1980] =	vst v63  }
0x21: {  	_ =	swait.ge @p0 [sflag:s22], $0x80  }
0x22: {  	[sflag:s22] =	ssyncset.done @p0 $0x0  }
0x23: {  	s25 =	simm.s32 @p0 $0x100;
	[sflag:s22] =	ssyncadd.s32 @p0 $0xFFFFFF80  }
0x24: {  	[spmem:s2] =	stream.indirect.scatter.add.f32 @p0 [tilespmem:s24], [sflag:$0x2], $0x1, s25, s23, $0xb8;
	[tilespmem:$0x1980] =	vst v63  }
0x25: {  	_ =	swait.ge @p0 [sflag:s22], $0x80  }
0x26: {  	[sflag:s22] =	ssyncset.done @p0 $0x0  }
0x27: {  	s25 =	simm.s32 @p0 $0x180;
	[sflag:s22] =	ssyncadd.s32 @p0 $0xFFFFFF80  }
0x28: {  	[spmem:s2] =	stream.indirect.scatter.add.f32 @p0 [tilespmem:s24], [sflag:$0x2], $0x1, s25, s23, $0xb8;
	[tilespmem:$0x1980] =	vst v63  }
0x29: {  	_ =	swait.ge @p0 [sflag:s22], $0x80  }
0x2a: {  	s30 =	sshll.u32 s0, $0x6;
	s21 =	sadd.s32 $0x1, s21;
	[sflag:s22] =	ssyncset.done @p0 $0x0  }
0x2b: {  	s31 =	sshrl.u32 s7, $0x3;
	p2 =	sne.s32 s21, s12;
	[sflag:s22] =	ssyncadd.s32 @p0 $0xFFFFFF80  }
.Ltmp1:
0x2c: {  	s22 =	sor.u32 $0x1C02, s30;
	[bflag:$0x0] =	sbarrier.arrive $0xFFFF;
	(pc) =	sbr.rel @!p2 .LBB2_8-.Ltmp1, $4  }
0x2d: {  	[hbm:s10@s19], [sflag:s22] =	dma.strided [spmem:s31@s20], $0x50, s16, $0x10   }
0x2e: {  	_ =	swait.ge [sflag:s15], $0x50  }
0x2f: {  	[sflag:s15] =	ssyncset.done $0x0  }
0x30: {  	[sflag:s15] =	ssyncadd.s32 $0xFFFFFFB0  }
.LBB2_1:
0x31: {  	[tilespmem:$0x1400] =	vst v0  }
0x32: {  	[tilespmem:$0x1410] =	vst v0  }
0x33: {  	[tilespmem:$0x1420] =	vst v0  }
0x34: {  	[tilespmem:$0x1430] =	vst v0  }
0x35: {  	[tilespmem:$0x1440] =	vst v0  }
0x36: {  	[tilespmem:$0x1450] =	vst v0  }
0x37: {  	[tilespmem:$0x1460] =	vst v0  }
0x38: {  	[tilespmem:$0x1470] =	vst v0  }
0x39: {  	[tilespmem:$0x1480] =	vst v1  }
0x3a: {  	[tilespmem:$0x1490] =	vst v1  }
0x3b: {  	[tilespmem:$0x14A0] =	vst v1  }
0x3c: {  	[tilespmem:$0x14B0] =	vst v1  }
0x3d: {  	[tilespmem:$0x14C0] =	vst v1  }
0x3e: {  	[tilespmem:$0x14D0] =	vst v1  }
0x3f: {  	[tilespmem:$0x14E0] =	vst v1  }
0x40: {  	[tilespmem:$0x14F0] =	vst v1  }
0x41: {  	[tilespmem:$0x1500] =	vst v1  }
0x42: {  	[tilespmem:$0x1510] =	vst v1  }
0x43: {  	[tilespmem:$0x1520] =	vst v1  }
0x44: {  	[tilespmem:$0x1530] =	vst v1  }
0x45: {  	[tilespmem:$0x1540] =	vst v1  }
0x46: {  	[tilespmem:$0x1550] =	vst v1  }
0x47: {  	[tilespmem:$0x1560] =	vst v1  }
0x48: {  	[tilespmem:$0x1570] =	vst v1  }
0x49: {  	[tilespmem:$0x1580] =	vst v1  }
0x4a: {  	[tilespmem:$0x1590] =	vst v1  }
0x4b: {  	[tilespmem:$0x15A0] =	vst v1  }
0x4c: {  	[tilespmem:$0x15B0] =	vst v1  }
0x4d: {  	[tilespmem:$0x15C0] =	vst v1  }
0x4e: {  	[tilespmem:$0x15D0] =	vst v1  }
0x4f: {  	[tilespmem:$0x15E0] =	vst v1  }
0x50: {  	[tilespmem:$0x15F0] =	vst v1  }
0x51: {  	[tilespmem:$0x1600] =	vst v1  }
0x52: {  	[tilespmem:$0x1610] =	vst v1  }
0x53: {  	[tilespmem:$0x1620] =	vst v1  }
0x54: {  	[tilespmem:$0x1630] =	vst v1  }
0x55: {  	[tilespmem:$0x1640] =	vst v1  }
0x56: {  	[tilespmem:$0x1650] =	vst v1  }
0x57: {  	[tilespmem:$0x1660] =	vst v1  }
0x58: {  	[tilespmem:$0x1670] =	vst v1  }
0x59: {  	[tilespmem:$0x1680] =	vst v1  }
0x5a: {  	[tilespmem:$0x1690] =	vst v1  }
0x5b: {  	[tilespmem:$0x16A0] =	vst v1  }
0x5c: {  	[tilespmem:$0x16B0] =	vst v1  }
0x5d: {  	[tilespmem:$0x16C0] =	vst v1  }
0x5e: {  	[tilespmem:$0x16D0] =	vst v1  }
0x5f: {  	[tilespmem:$0x16E0] =	vst v1  }
0x60: {  	[tilespmem:$0x16F0] =	vst v1  }
0x61: {  	[spmem:s7] =	stream.linear.scatter [tilespmem:s14], [sflag:$0x2], $0x280, $0x38;
	[tilespmem:$0x1980] =	vst v63  }
.Ltmp2:
0x62: {  	_ =	swait.ge [sflag:s15], $0x280;
	(pc) =	sbr.rel @!p1 .LBB2_2-.Ltmp2, $4  }
.Ltmp3:
0x63: {  	[sflag:s15] =	ssyncset.done $0x0;
	(pc) =	sbr.rel @p1 .LBB2_7-.Ltmp3, $4  }
0x64: {  	[sflag:s15] =	ssyncadd.s32 $0xFFFFFD80  }
0x65: {  	s22 =	smov.u32 s3;
	[bflag:$0x0] =	sbarrier.arrive $0xFFFF  }
0x66: {  	s23 =	smov.u32 s13;
	s24 =	smov.u32 s11;
	s25 =	simm.s32 $0x0  }
0x67: {  	_ = 	snop  }
.LBB2_5:
0x68: {  	[sflag:s15] =	ssyncadd.s32 $0xFFFFFF80  }
.LBB2_6:
0x69: {  	s25 =	sadd.s32 $0x1, s25  }
0x6a: {  	p2 =	sne.s32 s25, s8  }
.Ltmp4:
0x6b: {  	_ = 	snop;
	(pc) =	sbr.rel @!p2 .LBB2_7-.Ltmp4, $2  }
0x6c: {  	_ =	sdelay $0x2  }
0x6d: {  	s24 =	sadd.s32 $0xFFFFFFD8, s24;
	s23 =	sadd.s32 $0x1400, s23;
	s22 =	sadd.s32 $0x28, s22  }
.LBB2_2:
0x6e: {  	s26 =	smul.u32 $0x28, s25;
	_ =	sdelay $0x1  }
0x6f: {  	s26 =	sadd.s32 s3, s26  }
0x70: {  	p2 =	slt.s32 s26, $0x998  }
0x71: {  	s28 =	ssub.s32 s4, s26;
	s26 =	simm.s32 @!p2 $0x998  }
0x72: {  	p2 =	slt.s32 s28, $0x1;
	s26 =	sshll.u32 s26, $0x4  }
.Ltmp5:
0x73: {  	s26 =	sadd.s32 s6, s26;
	(pc) =	sbr.rel @p2 .LBB2_6-.Ltmp5, $4  }
0x74: {  	[tilespmem:s5], [sflag:$0x1] =	stream.linear.gather [hbm4b:s26+s5], $0x1400, $0x38;
	[tilespmem:$0x1980] =	vst v63  }
0x75: {  	_ =	swait.ge [sflag:s16], $0x1400  }
0x76: {  	[sflag:s16] =	ssyncset.done $0x0  }
0x77: {  	[sflag:s16] =	ssyncadd.s32 $0xFFFFEC00  }
0x78: {  	p2 =	slt.s32 s22, $0x998;
	s26 =	smov.u32 s22  }
0x79: {  	s28 =	smov.u32 s24;
	s26 =	simm.s32 @!p2 $0x998;
	p2 =	sgt.s32 s24, $0x1  }
0x7a: {  	s28 =	simm.s32 @!p2 $0x1  }
0x7b: {  	s26 =	sshll.u32 s26, $0x9;
	s28 =	smin.u32 s28, $0x28  }
0x7c: {  	s26 =	ssub.s32 $0x0, s26;
	p2 =	sne.s32 s28, $0x1  }
.Ltmp6:
0x7d: {  	s26 =	sshra.s32 s26, $0x2;
	(pc) =	sbr.rel @!p2 .LBB2_5-.Ltmp6, $4  }
0x7e: {  	s26 =	sadd.s32 s26, s23  }
0x7f: {  	[spmem:s2] =	stream.indirect.scatter.add.f32 [tilespmem:s18], [sflag:$0x2], $0x1, s26, s17, $0xb8;
	[tilespmem:$0x1980] =	vst v63  }
0x80: {  	_ =	swait.ge [sflag:s15], $0x80  }
0x81: {  	s28 =	sadd.s32 $0xFFFFFFFF, s28;
	[sflag:s15] =	ssyncset.done $0x0  }
.LBB2_4:
0x82: {  	p2 =	sne.s32 s28, $0x1;
	[sflag:s15] =	ssyncadd.s32 $0xFFFFFF80;
	s26 =	sadd.s32 $0x80, s26  }
.Ltmp7:
0x83: {  	s28 =	sadd.s32 $0xFFFFFFFF, s28;
	(pc) =	sbr.rel @p2 .LBB2_4-.Ltmp7, $4  }
0x84: {  	_ = 	snop  }
0x85: {  	[spmem:s2] =	stream.indirect.scatter.add.f32 [tilespmem:s18], [sflag:$0x2], $0x1, s26, s17, $0xb8;
	[tilespmem:$0x1980] =	vst v63  }
0x86: {  	_ =	swait.ge [sflag:s15], $0x80  }
0x87: {  	[sflag:s15] =	ssyncset.done $0x0  }
.Ltmp8:
0x88: {  	_ = 	snop;
	(pc) =	sbr.rel .LBB2_5-.Ltmp8, $1  }
0x89: {  	_ =	sdelay $0x3  }
.LBB2_8:
0x8a: {  	_ =	sfence.sel $0x180000  }
0x8b: {  	[bflag:$0x0] =	sbarrier.arrive $0xFFFF  }
0x8c: {  	p0 =	sne.s32 s0, $0x0;
	_ =	strace $0x90000047  }
0x8d: {  	s0 =	sadd.s32 @!p0 $0x100000, s1;
	[bflag:$0x2] =	sbarrier.arrive $0xFFFF  }
0x8e: {  	[sflag:s0] =	ssyncadd.tile.s32 @!p0 $0x1;
	_ =	shalt  }
.Lfunc_end2:
_tile_overlayer_lowered:
.L_overlay_start_2:
0x8f: {  	(tag) =	ssettag $0x2  }
0x90: {  	s0 =	rddreg [dreg:$0x0];
	s2 =	stileid.u32  }
0x91: {  	s1 =	rddreg [dreg:$0x1];
	p0 =	sne.s32 s2, $0x0  }
0x92: {  	s3 =	rddreg [dreg:$0x2];
	[bflag:$0x3] =	sbarrier.arrive $0xFFFF;
	s2 =	simm.s32 @!p0 $0x1C02  }
0x93: {  	[timem:s3], [sflag:s2] =	dma.local @!p0 [hbm:s0], s1  }
0x94: {  	s0 =	simm.s32 @!p0 $0x2  }
0x95: {  	_ =	swait.ge @!p0 [sflag:s0], s1  }
0x96: {  	s1 =	ssub.s32 @!p0 $0x0, s1;
	[sflag:s0] =	ssyncset.done @!p0 $0x0  }
0x97: {  	[sflag:s0] =	ssyncadd.s32 @!p0 s1  }
0x98: {  	[bflag:$0x3] =	sbarrier.arrive $0xFFFF  }
0x99: {  	_ =	shalt  }

// kernel: kernel.14.cloned.1.call-start
scs
__scs_entry_jumppad:
0x0: {  	(pc) =	sbr.rel $0x88, $3  }
0x1: {  	(tag) =	ssettag $0x0;
	lr =	simm.s32 $0x1  }
0x2: {  	[smem:$0x3F97] =	sst lr;
	_ =	strace $0xD0000000  }
0x3: {  	_ = 	snop  }
0x4: {  	_ = 	snop  }
0x5: {  	_ = 	snop  }
0x6: {  	_ = 	snop  }
0x7: {  	_ = 	snop  }
__scs_overlays_trampoline_lowered:
0x8: {  	[smem:$0x3FA6] =	sst s0  }
0x9: {  	[smem:$0x3FA7] =	sst s1  }
0xa: {  	[smem:$0x3FA8] =	sst s2  }
0xb: {  	[smem:$0x3FA9] =	sst s3  }
0xc: {  	[smem:$0x3FAA] =	sst s4  }
0xd: {  	[smem:$0x3FAB] =	sst s5  }
0xe: {  	[smem:$0x3FAC] =	sst s6  }
0xf: {  	[smem:$0x3FAD] =	sst s7  }
0x10: {  	[smem:$0x3FAE] =	sst s8  }
0x11: {  	[smem:$0x3FAF] =	sst s9;
	s0 =	simm.s32 @!p0 $0x0  }
0x12: {  	s1 =	sld [smem:$0x3F95];
	s0 =	simm.s32 @p0 $0x1  }
0x13: {  	[smem:$0x3FB0] =	sst s0;
	s0 =	simm.s32 @!p1 $0x0  }
0x14: {  	s2 =	sld [smem:$0x3F94];
	s0 =	simm.s32 @p1 $0x1  }
0x15: {  	[smem:$0x3FB1] =	sst s0;
	s0 =	simm.s32 @!p2 $0x0  }
0x16: {  	s3 =	sld [smem:$0x3FDB];
	s0 =	simm.s32 @p2 $0x1  }
0x17: {  	s4 =	simm.s32 $0x1BF5;
	[smem:$0x3FB3] =	sst s0  }
0x18: {  	s0 =	sld [smem:$0x3F96];
	_ =	swait.ge [sflag:s4], $0x0  }
0x19: {  	s7 =	sld [smem:$0x3F97]  }
0x1a: {  	s8 =	sadd.s32 $0xFFFFE003, lr  }
0x1b: {  	s9 =	sadd.s32 $0xFFFFFEF7, lr;
	s5 =	simm.s32 $0xFFFFFFFF;
	p2 =	slt.u32 s8, $0xFFFFF086  }
0x1c: {  	p1 =	slt.u32 s9, $0xF7A;
	s5 =	simm.s32 @!p2 $0x0  }
0x1d: {  	s5 =	simm.s32 @p1 $0x1;
	p0 =	seq.s32 s7, s2  }
0x1e: {  	s7 =	smul.u32 @!p0 $0xF7A, s2;
	p2 =	seq.s32 @!p0 s5, $0x0  }
0x1f: {  	s9 =	smul.u32 $0xF7A, s1;
	s8 =	simm.s32 @!p0 $0x1BF5;
	p2 =	por !p2, p0  }
0x20: {  	[sflag:s8] =	ssyncset.s32 @!p0 $0xFFFFF086;
	s6 =	sadd.s32 @!p0 s3, s7;
	s7 =	simm.s32 @!p0 $0x108  }
0x21: {  	s3 =	sadd.s32 s3, s9;
	s6 =	sadd.s32 @!p0 $0x88, s6;
	s7 =	simm.s32 @p2 $0x1082  }
0x22: {  	[simem:s7], [sflag:s8] =	dma.local @!p0 [hbm:s6], $0xF7A  }
0x23: {  	s9 =	sor.u32 $0xD0000000, s2;
	s6 =	simm.s32 $0x108;
	_ =	swait.ge @!p0 [sflag:s8], $0x0  }
0x24: {  	s3 =	sadd.s32 $0x88, s3;
	s6 =	simm.s32 @!p1 $0x1082;
	[sflag:s4] =	ssyncset.s32 $0xFFFFF086  }
0x25: {  	[simem:s6], [sflag:s4] =	dma.local [hbm:s3], $0xF7A  }
0x26: {  	[smem:$0x3F97] =	sst s1;
	(tag) =	ssettag s2;
	_ =	strace s9  }
0x27: {  	s1 =	sld [smem:$0x3FA7]  }
0x28: {  	s2 =	sld [smem:$0x3FA8]  }
0x29: {  	s4 =	sld [smem:$0x3FAA]  }
0x2a: {  	p0 =	seq.s32 s5, $0x0;
	s5 =	sld [smem:$0x3FAB]  }
0x2b: {  	s6 =	sld [smem:$0x3FAC]  }
0x2c: {  	s7 =	sld [smem:$0x3FAD]  }
0x2d: {  	s3 =	simm.s32 $0x108;
	s8 =	sld [smem:$0x3FAE]  }
0x2e: {  	s3 =	simm.s32 @!p0 $0x1082;
	s9 =	sld [smem:$0x3FAF]  }
0x2f: {  	lr =	sadd.s32 s0, s3;
	s0 =	sld [smem:$0x3FA6]  }
0x30: {  	s3 =	sld [smem:$0x3FA9]  }
0x31: {  	[smem:$0x3FB2] =	sst s10  }
0x32: {  	s10 =	sld [smem:$0x3FB0];
	_ =	sdelay $0x3  }
0x33: {  	p0 =	seq.s32 s10, $0x1;
	s10 =	sld [smem:$0x3FB2];
	_ =	sdelay $0x3  }
0x34: {  	[smem:$0x3FB2] =	sst s10  }
0x35: {  	s10 =	sld [smem:$0x3FB1];
	_ =	sdelay $0x3  }
0x36: {  	p1 =	seq.s32 s10, $0x1;
	s10 =	sld [smem:$0x3FB2];
	_ =	sdelay $0x3  }
0x37: {  	[smem:$0x3FB2] =	sst s10  }
0x38: {  	s10 =	sld [smem:$0x3FB3]  }
0x39: {  	_ = 	snop;
	(pc) =	sbr.ind lr, $3  }
0x3a: {  	_ = 	snop  }
0x3b: {  	_ = 	snop  }
0x3c: {  	p2 =	seq.s32 s10, $0x1;
	s10 =	sld [smem:$0x3FB2]  }
0x3d: {  	_ =	shalt  }
0x3e: {  	_ =	shalt  }
0x3f: {  	_ =	shalt  }
0x40: {  	_ =	shalt  }
0x41: {  	_ =	shalt  }
0x42: {  	_ =	shalt  }
0x43: {  	_ =	shalt  }
0x44: {  	_ =	shalt  }
0x45: {  	_ =	shalt  }
0x46: {  	_ =	shalt  }
0x47: {  	_ =	shalt  }
0x48: {  	_ =	shalt  }
0x49: {  	_ =	shalt  }
0x4a: {  	_ =	shalt  }
0x4b: {  	_ =	shalt  }
0x4c: {  	_ =	shalt  }
0x4d: {  	_ =	shalt  }
0x4e: {  	_ =	shalt  }
0x4f: {  	_ =	shalt  }
0x50: {  	_ =	shalt  }
0x51: {  	_ =	shalt  }
0x52: {  	_ =	shalt  }
0x53: {  	_ =	shalt  }
0x54: {  	_ =	shalt  }
0x55: {  	_ =	shalt  }
0x56: {  	_ =	shalt  }
0x57: {  	_ =	shalt  }
0x58: {  	_ =	shalt  }
0x59: {  	_ =	shalt  }
0x5a: {  	_ =	shalt  }
0x5b: {  	_ =	shalt  }
0x5c: {  	_ =	shalt  }
0x5d: {  	_ =	shalt  }
0x5e: {  	_ =	shalt  }
0x5f: {  	_ =	shalt  }
0x60: {  	_ =	shalt  }
0x61: {  	_ =	shalt  }
0x62: {  	_ =	shalt  }
0x63: {  	_ =	shalt  }
0x64: {  	_ =	shalt  }
0x65: {  	_ =	shalt  }
0x66: {  	_ =	shalt  }
0x67: {  	_ =	shalt  }
0x68: {  	_ =	shalt  }
0x69: {  	_ =	shalt  }
0x6a: {  	_ =	shalt  }
0x6b: {  	_ =	shalt  }
0x6c: {  	_ =	shalt  }
0x6d: {  	_ =	shalt  }
0x6e: {  	_ =	shalt  }
0x6f: {  	_ =	shalt  }
0x70: {  	_ =	shalt  }
0x71: {  	_ =	shalt  }
0x72: {  	_ =	shalt  }
0x73: {  	_ =	shalt  }
0x74: {  	_ =	shalt  }
0x75: {  	_ =	shalt  }
0x76: {  	_ =	shalt  }
0x77: {  	_ =	shalt  }
0x78: {  	_ =	shalt  }
0x79: {  	_ =	shalt  }
0x7a: {  	_ =	shalt  }
0x7b: {  	_ =	shalt  }
0x7c: {  	_ =	shalt  }
0x7d: {  	_ =	shalt  }
0x7e: {  	_ =	shalt  }
0x7f: {  	_ =	shalt  }
0x80: {  	_ =	shalt  }
0x81: {  	_ =	shalt  }
0x82: {  	_ =	shalt  }
0x83: {  	_ =	shalt  }
0x84: {  	_ =	shalt  }
0x85: {  	_ =	shalt  }
0x86: {  	_ =	shalt  }
0x87: {  	_ =	shalt  }
.Lfunc_end0:
.L_simem_size_0:
called_computation.1_lowered:
.L_overlay_start_0:
0x88: {  	s2 =	sld [smem:$0x3FD9]  }
0x89: {  	s3 =	sld [smem:$0x3FFE];
	_ =	sdelay $0x1  }
0x8a: {  	s1 =	srdreg.scid  }
0x8b: {  	s0 =	sand.u32 $0x1, s1  }
0x8c: {  	s17 =	sshll.u32 s0, $0xA;
	s2 =	sadd.s32 s3, s2  }
0x8d: {  	s2 =	sadd.s32 s2, s17  }
0x8e: {  	[smem:$0x3FBE] =	sst s2  }
0x8f: {  	_ = 	snop  }
0x90: {  	s2 =	sld [smem:$0x3FD0];
	(tm) =	ssettm $0x1  }
0x91: {  	s18 =	sld [smem:$0x3FFB];
	_ =	sdelay $0x3  }
0x92: {  	_ =	strace s18  }
0x93: {  	s3 =	sld [smem:$0x3FFC];
	_ =	sdelay $0x3  }
0x94: {  	_ =	strace s3  }
0x95: {  	s3 =	sld [smem:$0x3FFD];
	_ =	sdelay $0x3  }
0x96: {  	_ =	strace s3  }
0x97: {  	_ =	strace $0x8FFFFFFF  }
0x98: {  	s19 =	sld [smem:$0x3FDB];
	_ =	sdelay $0x1  }
0x99: {  	s4 =	simm.s32 $_scs_section_size  }
0x9a: {  	s5 =	simm.s32 $_size__tile_overlayer_lowered;
	s6 =	simm.s32 $_tile_overlayer_lowered  }
0x9b: {  	s22 =	simm.s32 $0x1BFF;
	s21 =	sshll.u32 s6, $0x1;
	s3 =	sadd.s32 s4, s19  }
0x9c: {  	s7 =	simm.s32 $0x0;
	s20 =	sshll.u32 s5, $0x1;
	s5 =	sadd.s32 s21, s3  }
0x9d: {  	[timem:s7], [sflag:s22] =	dma.local [hbm:s5], s20  }
0x9e: {  	_ =	swait.ge [sflag:s22], s20  }
0x9f: {  	s4 =	ssub.s32 $0x0, s20;
	[sflag:s22] =	ssyncset.done $0x0  }
0xa0: {  	[sflag:s22] =	ssyncadd.s32 s4;
	_ =	sdelay $0x1  }
0xa1: {  	s23 =	simm.s32 $0x1B8B  }
0xa2: {  	_ =	swait.ge [sflag:s23], $0x1  }
0xa3: {  	[sflag:s23] =	ssyncset.done $0x0  }
0xa4: {  	s25 =	simm.s32 $0x1B8E;
	s24 =	sld [smem:$0x3FFE];
	[sflag:s23] =	ssyncadd.s32 $0xFFFFFFFF  }
0xa5: {  	s26 =	simm.s32 $execute0_lowered;
	[smem:$0x3FD2] =	sst s25  }
0xa6: {  	s5 =	sshll.u32 s26, $0x1;
	_ =	strace $0x80000049;
	[dreg:$0x1] =	wrdreg $0xFFFFFFFF  }
0xa7: {  	s28 =	simm.s32 $_size_execute0_lowered;
	s3 =	sadd.s32 s3, s5;
	[dreg:$0x0] =	wrdreg $0x0  }
0xa8: {  	s5 =	sshll.u32 s28, $0x1;
	[dreg:$0x2] =	wrdreg s3  }
0xa9: {  	[dreg:$0x3] =	wrdreg s5  }
0xaa: {  	[dreg:$0x4] =	wrdreg $0xC0  }
0xab: {  	_ =	task [dreg:s7], $0x5FFFF  }
0xac: {  	[dreg:$0x1] =	wrdreg $0xFFFFFFFF  }
0xad: {  	[dreg:$0x0] =	wrdreg $0x60  }
0xae: {  	[dreg:$0x2] =	wrdreg s24  }
0xaf: {  	[dreg:$0x3] =	wrdreg s2  }
0xb0: {  	[dreg:$0x4] =	wrdreg $0xA8000  }
0xb1: {  	[dreg:$0x5] =	wrdreg $0x9  }
0xb2: {  	_ =	task.clear_ibuf [dreg:s7], $0x6FFFF;
	_ =	strace $0x90000049  }
0xb3: {  	s29 =	simm.s32 $0x9;
	_ =	strace $0x8000004B  }
0xb4: {  	_ =	swait.ge [sflag:s29], $0x1  }
0xb5: {  	[sflag:s29] =	ssyncadd.s32 $0xFFFFFFFF  }
0xb6: {  	_ =	strace $0x9000004B  }
0xb7: {  	_ =	sfence  }
0xb8: {  	s30 =	sld [smem:$0x0];
	_ =	sdelay $0x2  }
0xb9: {  	s31 =	sshll.u32 s1, $0xD;
	s1 =	sshrl.u32 s1, $0x2  }
0xba: {  	s3 =	sand.u32 $0x4000, s31;
	s1 =	sadd.s32 s1, s30  }
0xbb: {  	s0 =	sor.u32 s3, s0;
	s1 =	sshll.u32 s1, $0x11  }
0xbc: {  	s0 =	sor.u32 s1, s0  }
0xbd: {  	s0 =	sadd.s32 $0x8F2B, s0  }
0xbe: {  	[sflag:s0] =	ssyncadd.remote.s32 $0x1  }
0xbf: {  	_ =	sfence.sel $0xFFFF  }
0xc0: {  	[dreg:$0x0] =	wrdreg $0xFFFFFFFF;
	(pc) =	sbr.abs _section_cstart, $3  }
0xc1: {  	[dreg:$0x1] =	wrdreg $0xFFFFFFFF  }
0xc2: {  	_ =	task.clear_ibuf [dreg:s7], $0x2FFFF;
	_ =	strace $0x9FFFFFFF  }
0xc3: {  	(tm) =	ssettm $0x7FFFFFFF  }
tec
execute0_lowered:
.L_overlay_start_1:
0x0: {  	(tag) =	ssettag $0x1  }
0x1: {  	s0 =	rddreg [dreg:$0x0]  }
0x2: {  	s1 =	rddreg [dreg:$0x1];
	s18 =	stileid.u32  }
0x3: {  	s3 =	srdreg.scid;
	s2 =	rddreg [dreg:$0x2]  }
0x4: {  	s30 =	simm.s32 $0x0;
	s28 =	simm.s32 $0x0;
	s4 =	smul.u32 $0x9C, s18  }
0x5: {  	s29 =	simm.s32 $0x0;
	s3 =	sand.u32 $0x1, s3;
	s9 =	smul.u32 $0x50000, s18  }
0x6: {  	[smem:$0x7FF] =	sst s30;
	s7 =	sadd.s32 $0x3200, s0;
	s22 =	smul.u32 $0x14000, s18  }
0x7: {  	p1 =	seq.s32 s18, $0xF;
	s24 =	sadd.s32 $0xCE00, s0;
	s5 =	ssub.s32 $0x0, s3  }
0x8: {  	_ =	strace $0x8000004A;
	s14 =	ssub.s32 $0x2, s3;
	p0 =	seq.s32 s3, $0x1  }
0x9: {  	[dreg:$0x8] =	wrdreg s24;
	s24 =	simm.s32 $0x1400;
	s6 =	sadd.s32 $0x9C, s4  }
0xa: {  	s5 =	sand.u32 $0x9C, s5;
	s10 =	sshrl.u32 s4, $0x4;
	s16 =	sshrl.u32 s14, $0x1  }
0xb: {  	s9 =	sshrl.u32 s9, $0x2;
	p0 =	por !p1, !p0;
	s11 =	sshrl.u32 s6, $0x4  }
0xc: {  	s12 =	sadd.s32 s10, s5;
	s6 =	sadd.s32 $0x16E00, s0;
	s9 =	sadd.s32 s9, s2  }
0xd: {  	s16 =	ssub.s32 s14, s16;
	p0 =	por !p0, !p0;
	s17 =	sadd.s32 $0x4000, s9  }
0xe: {  	s5 =	sadd.s32 s5, s11;
	s19 =	sadd.s32 $0x8000, s9;
	[dreg:$0x4] =	wrdreg s17  }
0xf: {  	s4 =	sshll.u32 s12, $0x3;
	s20 =	sadd.s32 $0xC000, s9;
	[dreg:$0x5] =	wrdreg s19  }
0x10: {  	s30 =	smax.u32 s16, $0x1;
	s5 =	sshll.u32 s5, $0x3;
	[dreg:$0x6] =	wrdreg s20  }
0x11: {  	s17 =	smul.u32 $0x140000, s3;
	s19 =	sadd.s32 $0x10000, s9;
	[dreg:$0xc] =	wrdreg s30  }
0x12: {  	s26 =	ssub.s32 s11, s10;
	s8 =	ssub.s32 s5, s4;
	[dreg:$0x7] =	wrdreg s19  }
0x13: {  	s13 =	sadd.s32 $0x27, s8;
	s8 =	sadd.s32 $0xD000, s0;
	s23 =	sadd.s32 s22, s17  }
0x14: {  	s0 =	sadd.s32 $0x16C00, s0;
	s22 =	simm.s32 $0x2800;
	s15 =	sshll.u32 s13, $0x10  }
0x15: {  	s13 =	sshra.s32 s13, $0x1F;
	s3 =	sshrl.u32 s23, $0x3;
	s15 =	sshra.s32 s15, $0x10  }
0x16: {  	[dreg:$0x9] =	wrdreg s0;
	s0 =	sshll.u32 s26, $0x3;
	s31 =	smul.u32 $0x6667, s15  }
.Ltmp0:
0x17: {  	s23 =	simm.s32 $0x2;
	s25 =	sadd.s32 s1, s3;
	(pc) =	sbr.rel .LBB2_1-.Ltmp0, $4  }
0x18: {  	[dreg:$0xb] =	wrdreg s0;
	s21 =	sshrl.u32 s31, $0x1F;
	s14 =	sshra.s32 s31, $0x14  }
0x19: {  	s26 =	simm.s32 $0x1;
	[dreg:$0xa] =	wrdreg s25;
	s14 =	sadd.s32 s21, s14  }
0x1a: {  	s25 =	simm.s32 $0x80;
	s31 =	sshll.u32 s12, $0xA;
	s14 =	sadd.s32 s14, s13  }
0x1b: {  	v0 =	vimm.f32 $0.0e+00;
	s1 =	sadd.s32 $0x1400, s31;
	s21 =	sor.u32 $0x80, s31;
	p1 =	slt.s32 s14, $0x1  }
.LBB2_9:
0x1c: {  	s0 =	simm.s32 @p0 $0x0;
	s3 =	rddreg [dreg:$0x8]  }
0x1d: {  	[tilespmem:s0], [sflag:$0x1] =	stream.linear.gather @p0 [hbm4b:s3+s0], $0x200, $0x38;
	[tilespmem:$0x1E800] =	vst v63  }
0x1e: {  	s3 =	simm.s32 @p0 $0x1  }
0x1f: {  	_ =	swait.ge @p0 [sflag:s3], $0x200  }
0x20: {  	[sflag:s3] =	ssyncset.done @p0 $0x0  }
0x21: {  	s10 =	simm.s32 @p0 $0x1400;
	s11 =	rddreg [dreg:$0x9];
	[sflag:s3] =	ssyncadd.s32 @p0 $0xFFFFFE00  }
0x22: {  	[tilespmem:s10], [sflag:$0x1] =	stream.linear.gather @p0 [hbm4b:s11+s0], $0x200, $0x38;
	[tilespmem:$0x1E800] =	vst v63  }
0x23: {  	_ =	swait.ge @p0 [sflag:s3], $0x200  }
0x24: {  	[sflag:s3] =	ssyncset.done @p0 $0x0  }
0x25: {  	s12 =	simm.s32 @p0 $0x2800;
	s11 =	simm.s32 @p0 $0x80;
	[sflag:s3] =	ssyncadd.s32 @p0 $0xFFFFFE00  }
0x26: {  	[tilespmem:s12], [sflag:$0x1] =	stream.indirect.gather @p0 [hbm4b:s6+s11], $0x80, s0, s11, $0xb8;
	[tilespmem:$0x1E800] =	vst v63  }
0x27: {  	_ =	swait.ge @p0 [sflag:s3], $0x4000  }
0x28: {  	[sflag:s3] =	ssyncset.done @p0 $0x0  }
0x29: {  	s0 =	simm.s32 @p0 $0x2;
	[sflag:s3] =	ssyncadd.s32 @p0 $0xFFFFC000  }
0x2a: {  	[spmem:s2] =	stream.indirect.scatter.add.f32 @p0 [tilespmem:s12], [sflag:$0x2], $0x80, s10, s11, $0xb8;
	[tilespmem:$0x1E800] =	vst v63  }
0x2b: {  	_ =	swait.ge @p0 [sflag:s0], $0x4000  }
0x2c: {  	[sflag:s0] =	ssyncset.done @p0 $0x0  }
0x2d: {  	[sflag:s0] =	ssyncadd.s32 @p0 $0xFFFFC000  }
0x2e: {  	[tilespmem:s12], [sflag:$0x1] =	stream.indirect.gather @p0 [hbm4b:s6+s11], $0x80, s11, s11, $0xb8;
	[tilespmem:$0x1E800] =	vst v63  }
0x2f: {  	_ =	swait.ge @p0 [sflag:s3], $0x4000  }
0x30: {  	[sflag:s3] =	ssyncset.done @p0 $0x0  }
0x31: {  	s10 =	simm.s32 @p0 $0x1480;
	[sflag:s3] =	ssyncadd.s32 @p0 $0xFFFFC000  }
0x32: {  	[spmem:s2] =	stream.indirect.scatter.add.f32 @p0 [tilespmem:s12], [sflag:$0x2], $0x80, s10, s11, $0xb8;
	[tilespmem:$0x1E800] =	vst v63  }
0x33: {  	_ =	swait.ge @p0 [sflag:s0], $0x4000  }
0x34: {  	[sflag:s0] =	ssyncset.done @p0 $0x0  }
0x35: {  	s10 =	simm.s32 @p0 $0x100;
	[sflag:s0] =	ssyncadd.s32 @p0 $0xFFFFC000  }
0x36: {  	[tilespmem:s12], [sflag:$0x1] =	stream.indirect.gather @p0 [hbm4b:s6+s11], $0x80, s10, s11, $0xb8;
	[tilespmem:$0x1E800] =	vst v63  }
0x37: {  	_ =	swait.ge @p0 [sflag:s3], $0x4000  }
0x38: {  	[sflag:s3] =	ssyncset.done @p0 $0x0  }
0x39: {  	s10 =	simm.s32 @p0 $0x1500;
	[sflag:s3] =	ssyncadd.s32 @p0 $0xFFFFC000  }
0x3a: {  	[spmem:s2] =	stream.indirect.scatter.add.f32 @p0 [tilespmem:s12], [sflag:$0x2], $0x80, s10, s11, $0xb8;
	[tilespmem:$0x1E800] =	vst v63  }
0x3b: {  	_ =	swait.ge @p0 [sflag:s0], $0x4000  }
0x3c: {  	[sflag:s0] =	ssyncset.done @p0 $0x0  }
0x3d: {  	s10 =	simm.s32 @p0 $0x180;
	[sflag:s0] =	ssyncadd.s32 @p0 $0xFFFFC000  }
0x3e: {  	[tilespmem:s12], [sflag:$0x1] =	stream.indirect.gather @p0 [hbm4b:s6+s11], $0x80, s10, s11, $0xb8;
	[tilespmem:$0x1E800] =	vst v63  }
0x3f: {  	_ =	swait.ge @p0 [sflag:s3], $0x4000  }
0x40: {  	[sflag:s3] =	ssyncset.done @p0 $0x0  }
0x41: {  	[sflag:s3] =	ssyncadd.s32 @p0 $0xFFFFC000;
	s3 =	simm.s32 @p0 $0x1580  }
0x42: {  	[spmem:s2] =	stream.indirect.scatter.add.f32 @p0 [tilespmem:s12], [sflag:$0x2], $0x80, s3, s11, $0xb8;
	[tilespmem:$0x1E800] =	vst v63  }
0x43: {  	_ =	swait.ge @p0 [sflag:s0], $0x4000  }
0x44: {  	[sflag:s0] =	ssyncset.done @p0 $0x0  }
0x45: {  	s19 =	stileid.u32;
	[sflag:s0] =	ssyncadd.s32 @p0 $0xFFFFC000  }
0x46: {  	s0 =	sshll.u32 s19, $0x6;
	[bflag:$0x0] =	sbarrier.arrive $0xFFFF  }
0x47: {  	s20 =	sshrl.u32 s9, $0x3;
	s0 =	sor.u32 $0x1C02, s0;
	s30 =	rddreg [dreg:$0xa]  }
0x48: {  	[hbm:s30], [sflag:s0] =	dma.local [spmem:s20], $0x2800  }
0x49: {  	_ =	swait.ge [sflag:s23], $0x2800  }
0x4a: {  	s28 =	sadd.s32 $0x1, s28;
	s31 =	rddreg [dreg:$0xc]  }
0x4b: {  	p2 =	sne.s32 s28, s31  }
.Ltmp1:
0x4c: {  	_ = 	snop;
	(pc) =	sbr.rel @!p2 .LBB2_10-.Ltmp1, $3  }
0x4d: {  	_ =	sdelay $0x1  }
0x4e: {  	[sflag:s23] =	ssyncset.done $0x0  }
0x4f: {  	[sflag:s23] =	ssyncadd.s32 $0xFFFFD800  }
.LBB2_1:
0x50: {  	s0 =	simm.s32 $0x0  }
0x51: {  	s3 =	sand.u32 $0xFE00, s0  }
0x52: {  	s10 =	sand.u32 $0x70, s0;
	s11 =	sshrl.u32 s3, $0x2  }
0x53: {  	s3 =	simm.s32 $0x40;
	s11 =	sor.u32 s10, s11;
	s10 =	simm.s32 $0x0  }
.LBB2_2:
0x54: {  	p2 =	sne.s32 s3, $0xFFC0  }
0x55: {  	[tilespmem:s11+$0x2800] =	vst v0;
	s10 =	sadd.s32 $0x10, s10;
	s11 =	smov.u32 s3;
	s3 =	sadd.s32 $0x40, s3  }
.Ltmp2:
0x56: {  	(pc) =	sbr.rel @p2 .LBB2_2-.Ltmp2, $4  }
0x57: {  	_ = 	snop  }
0x58: {  	s11 =	sand.u32 $0xFE00, s11  }
0x59: {  	s12 =	sand.u32 $0x70, s10;
	s11 =	sshrl.u32 s11, $0x2  }
0x5a: {  	s11 =	sor.u32 s12, s11  }
0x5b: {  	[tilespmem:s11+$0x2800] =	vst v0  }
0x5c: {  	[spmem:s9] =	stream.linear.scatter [tilespmem:s22], [sflag:$0x2], $0x4000, $0x38;
	[tilespmem:$0x1E800] =	vst v63  }
0x5d: {  	_ =	swait.ge [sflag:s23], $0x4000  }
0x5e: {  	[sflag:s23] =	ssyncset.done $0x0  }
0x5f: {  	s0 =	rddreg [dreg:$0x4];
	[sflag:s23] =	ssyncadd.s32 $0xFFFFC000  }
0x60: {  	[spmem:s0] =	stream.linear.scatter [tilespmem:s22], [sflag:$0x2], $0x4000, $0x38;
	[tilespmem:$0x1E800] =	vst v63  }
0x61: {  	_ =	swait.ge [sflag:s23], $0x4000  }
0x62: {  	[sflag:s23] =	ssyncset.done $0x0  }
0x63: {  	s18 =	rddreg [dreg:$0x5];
	[sflag:s23] =	ssyncadd.s32 $0xFFFFC000  }
0x64: {  	[spmem:s18] =	stream.linear.scatter [tilespmem:s22], [sflag:$0x2], $0x4000, $0x38;
	[tilespmem:$0x1E800] =	vst v63  }
0x65: {  	_ =	swait.ge [sflag:s23], $0x4000  }
0x66: {  	[sflag:s23] =	ssyncset.done $0x0  }
0x67: {  	s19 =	rddreg [dreg:$0x6];
	[sflag:s23] =	ssyncadd.s32 $0xFFFFC000  }
0x68: {  	[spmem:s19] =	stream.linear.scatter [tilespmem:s22], [sflag:$0x2], $0x4000, $0x38;
	[tilespmem:$0x1E800] =	vst v63  }
0x69: {  	_ =	swait.ge [sflag:s23], $0x4000  }
0x6a: {  	[sflag:s23] =	ssyncset.done $0x0  }
0x6b: {  	s20 =	rddreg [dreg:$0x7];
	[sflag:s23] =	ssyncadd.s32 $0xFFFFC000  }
0x6c: {  	[spmem:s20] =	stream.linear.scatter [tilespmem:s22], [sflag:$0x2], $0x4000, $0x38;
	[tilespmem:$0x1E800] =	vst v63  }
.Ltmp3:
0x6d: {  	_ =	swait.ge [sflag:s23], $0x4000;
	(pc) =	sbr.rel @!p1 .LBB2_4-.Ltmp3, $4  }
.Ltmp4:
0x6e: {  	[sflag:s23] =	ssyncset.done $0x0;
	(pc) =	sbr.rel @p1 .LBB2_9-.Ltmp4, $4  }
0x6f: {  	[sflag:s23] =	ssyncadd.s32 $0xFFFFC000  }
0x70: {  	s30 =	smov.u32 s21;
	s31 =	smov.u32 s4;
	[bflag:$0x0] =	sbarrier.arrive $0xFFFF  }
0x71: {  	s3 =	simm.s32 $0x0;
	s20 =	smov.u32 s1;
	s18 =	rddreg [dreg:$0xb]  }
0x72: {  	_ = 	snop  }
.LBB2_7:
0x73: {  	[sflag:s23] =	ssyncadd.s32 $0xFFFFC000  }
.LBB2_8:
0x74: {  	s3 =	sadd.s32 $0x1, s3  }
0x75: {  	p2 =	sne.s32 s3, s14  }
.Ltmp5:
0x76: {  	_ = 	snop;
	(pc) =	sbr.rel @!p2 .LBB2_9-.Ltmp5, $3  }
0x77: {  	_ =	sdelay $0x1  }
0x78: {  	s18 =	sadd.s32 $0xFFFFFFD8, s18  }
0x79: {  	s20 =	sadd.s32 $0x1400, s20;
	s31 =	sadd.s32 $0x28, s31;
	s30 =	sadd.s32 $0x1400, s30  }
.LBB2_4:
0x7a: {  	s10 =	smul.u32 $0x28, s3;
	_ =	sdelay $0x1  }
0x7b: {  	s10 =	sadd.s32 s4, s10  }
0x7c: {  	p2 =	slt.s32 s10, $0x998;
	s11 =	smov.u32 s10  }
0x7d: {  	s11 =	simm.s32 @!p2 $0x998  }
0x7e: {  	s12 =	sshll.u32 s11, $0x4  }
0x7f: {  	s19 =	simm.s32 $0x1;
	s13 =	sadd.s32 s7, s12  }
0x80: {  	[tilespmem:s29], [sflag:$0x1] =	stream.linear.gather [hbm4b:s13+s29], $0x1400, $0x38;
	[tilespmem:$0x1E800] =	vst v63  }
0x81: {  	_ =	swait.ge [sflag:s19], $0x1400  }
0x82: {  	s11 =	ssub.s32 s10, s11;
	s10 =	ssub.s32 s5, s10;
	[sflag:s19] =	ssyncset.done $0x0  }
0x83: {  	s12 =	sadd.s32 s8, s12;
	p2 =	slt.s32 s10, $0x1;
	[sflag:s19] =	ssyncadd.s32 $0xFFFFEC00  }
0x84: {  	[tilespmem:s24], [sflag:$0x1] =	stream.linear.gather [hbm4b:s12+s29], $0x1400, $0x38;
	[tilespmem:$0x1E800] =	vst v63  }
.Ltmp6:
0x85: {  	_ = 	snop;
	(pc) =	sbr.rel @p2 .LBB2_8-.Ltmp6, $4  }
0x86: {  	_ =	swait.ge [sflag:s19], $0x1400  }
0x87: {  	s11 =	sshll.u32 s11, $0x9;
	[sflag:s19] =	ssyncset.done $0x0  }
0x88: {  	s11 =	sshra.s32 s11, $0x2;
	[sflag:s19] =	ssyncadd.s32 $0xFFFFEC00  }
0x89: {  	[tilespmem:s22], [sflag:$0x1] =	stream.indirect.gather [hbm4b:s6+s25], $0x80, s11, s25, $0xb8;
	[tilespmem:$0x1E800] =	vst v63  }
0x8a: {  	p2 =	slt.s32 s31, $0x998  }
0x8b: {  	s11 =	smov.u32 s31;
	p3 =	sgt.s32 s18, $0x1;
	s12 =	smov.u32 s18  }
0x8c: {  	_ =	swait.ge [sflag:s26], $0x4000;
	s11 =	simm.s32 @!p2 $0x998;
	p2 =	slt.s32 s10, $0x28  }
0x8d: {  	s12 =	simm.s32 @!p3 $0x1;
	[sflag:s26] =	ssyncset.done $0x0;
	s10 =	simm.s32 @!p2 $0x28  }
0x8e: {  	s11 =	sshll.u32 s11, $0x9;
	s12 =	smin.u32 s12, $0x28;
	p2 =	sle.s32 s10, $0x1  }
0x8f: {  	[sflag:s26] =	ssyncadd.s32 $0xFFFFC000;
	s11 =	ssub.s32 $0x0, s11;
	s13 =	sxor.u32 @!p2 $0xFFFFFFFF, s29  }
0x90: {  	s12 =	sshll.u32 s12, $0xE;
	s11 =	sshra.s32 s11, $0x2;
	s13 =	sand.u32 @!p2 $0x4000, s13  }
0x91: {  	s17 =	simm.s32 @!p2 $0x80;
	s15 =	sadd.s32 s11, s30;
	s13 =	sor.u32 @!p2 $0x2800, s13  }
0x92: {  	[tilespmem:s13], [sflag:$0x1] =	stream.indirect.gather @!p2 [hbm4b:s6+s17], $0x80, s15, s17, $0xb8;
	[tilespmem:$0x1E800] =	vst v63  }
0x93: {  	p2 =	sne.s32 s12, $0x4000  }
.Ltmp7:
0x94: {  	s16 =	sand.u32 $0x4000, s29;
	(pc) =	sbr.rel @!p2 .LBB2_7-.Ltmp7, $4  }
0x95: {  	s19 =	sor.u32 $0x2800, s16;
	s11 =	sadd.s32 s11, s20  }
0x96: {  	[spmem:s2] =	stream.indirect.scatter.add.f32 [tilespmem:s19], [sflag:$0x2], $0x80, s11, s25, $0xb8;
	[tilespmem:$0x1E800] =	vst v63  }
0x97: {  	s16 =	simm.s32 $0x2;
	_ =	swait.ge [sflag:s23], $0x4000  }
0x98: {  	s13 =	simm.s32 $0x4000;
	s15 =	sadd.s32 $0x80, s15;
	[sflag:s23] =	ssyncset.done $0x0  }
.LBB2_6:
0x99: {  	[sflag:s23] =	ssyncadd.s32 $0xFFFFC000  }
0x9a: {  	s11 =	sadd.s32 $0x80, s11;
	s17 =	smov.u32 s13;
	s13 =	sadd.s32 $0x4000, s13  }
0x9b: {  	p3 =	sge.s32 s16, s10;
	p2 =	sne.s32 s12, s13  }
0x9c: {  	s19 =	sxor.u32 @!p3 $0xFFFFFFFF, s17;
	_ =	swait.ge [sflag:s26], $0x4000  }
0x9d: {  	s17 =	sand.u32 $0x4000, s17;
	s19 =	sand.u32 @!p3 $0x4000, s19;
	[sflag:s26] =	ssyncset.done $0x0  }
0x9e: {  	s0 =	simm.s32 @!p3 $0x80;
	s19 =	sor.u32 @!p3 $0x2800, s19;
	[sflag:s26] =	ssyncadd.s32 $0xFFFFC000  }
0x9f: {  	[tilespmem:s19], [sflag:$0x1] =	stream.indirect.gather @!p3 [hbm4b:s6+s0], $0x80, s15, s0, $0xb8;
	[tilespmem:$0x1E800] =	vst v63  }
.Ltmp8:
0xa0: {  	_ = 	snop;
	(pc) =	sbr.rel @p2 .LBB2_6-.Ltmp8, $4  }
0xa1: {  	s0 =	sor.u32 $0x2800, s17  }
0xa2: {  	[spmem:s2] =	stream.indirect.scatter.add.f32 [tilespmem:s0], [sflag:$0x2], $0x80, s11, s25, $0xb8;
	[tilespmem:$0x1E800] =	vst v63  }
0xa3: {  	_ =	swait.ge [sflag:s23], $0x4000  }
0xa4: {  	s16 =	sadd.s32 $0x1, s16;
	s15 =	sadd.s32 $0x80, s15;
	[sflag:s23] =	ssyncset.done $0x0  }
.Ltmp9:
0xa5: {  	_ = 	snop;
	(pc) =	sbr.rel .LBB2_7-.Ltmp9, $1  }
0xa6: {  	_ =	sdelay $0x3  }
.LBB2_10:
0xa7: {  	_ =	sfence.sel $0x180000  }
0xa8: {  	[bflag:$0x0] =	sbarrier.arrive $0xFFFF  }
0xa9: {  	_ =	strace $0x9000004A  }
0xaa: {  	s0 =	stileid.u32;
	[bflag:$0x2] =	sbarrier.arrive $0xFFFF  }
0xab: {  	p0 =	sne.s32 s0, $0x0;
	s0 =	rddreg [dreg:$0x3]  }
0xac: {  	s0 =	sadd.s32 @!p0 $0x100000, s0  }
0xad: {  	[sflag:s0] =	ssyncadd.tile.s32 @!p0 $0x1;
	_ =	shalt  }
.Lfunc_end2:
_tile_overlayer_lowered:
.L_overlay_start_2:
0xae: {  	(tag) =	ssettag $0x2  }
0xaf: {  	s0 =	rddreg [dreg:$0x0];
	s2 =	stileid.u32  }
0xb0: {  	s1 =	rddreg [dreg:$0x1];
	p0 =	sne.s32 s2, $0x0  }
0xb1: {  	s3 =	rddreg [dreg:$0x2];
	[bflag:$0x3] =	sbarrier.arrive $0xFFFF;
	s2 =	simm.s32 @!p0 $0x1C02  }
0xb2: {  	[timem:s3], [sflag:s2] =	dma.local @!p0 [hbm:s0], s1  }
0xb3: {  	s0 =	simm.s32 @!p0 $0x2  }
0xb4: {  	_ =	swait.ge @!p0 [sflag:s0], s1  }
0xb5: {  	s1 =	ssub.s32 @!p0 $0x0, s1;
	[sflag:s0] =	ssyncset.done @!p0 $0x0  }
0xb6: {  	[sflag:s0] =	ssyncadd.s32 @!p0 s1  }
0xb7: {  	[bflag:$0x3] =	sbarrier.arrive $0xFFFF  }
0xb8: {  	_ =	shalt  }

// kernel: kernel.17.cloned.1.call-start
scs
__scs_entry_jumppad:
0x0: {  	(pc) =	sbr.rel $0x88, $3  }
0x1: {  	(tag) =	ssettag $0x0;
	lr =	simm.s32 $0x1  }
0x2: {  	[smem:$0x3F97] =	sst lr;
	_ =	strace $0xD0000000  }
0x3: {  	_ = 	snop  }
0x4: {  	_ = 	snop  }
0x5: {  	_ = 	snop  }
0x6: {  	_ = 	snop  }
0x7: {  	_ = 	snop  }
__scs_overlays_trampoline_lowered:
0x8: {  	[smem:$0x3FA6] =	sst s0  }
0x9: {  	[smem:$0x3FA7] =	sst s1  }
0xa: {  	[smem:$0x3FA8] =	sst s2  }
0xb: {  	[smem:$0x3FA9] =	sst s3  }
0xc: {  	[smem:$0x3FAA] =	sst s4  }
0xd: {  	[smem:$0x3FAB] =	sst s5  }
0xe: {  	[smem:$0x3FAC] =	sst s6  }
0xf: {  	[smem:$0x3FAD] =	sst s7  }
0x10: {  	[smem:$0x3FAE] =	sst s8  }
0x11: {  	[smem:$0x3FAF] =	sst s9;
	s0 =	simm.s32 @!p0 $0x0  }
0x12: {  	s1 =	sld [smem:$0x3F95];
	s0 =	simm.s32 @p0 $0x1  }
0x13: {  	[smem:$0x3FB0] =	sst s0;
	s0 =	simm.s32 @!p1 $0x0  }
0x14: {  	s2 =	sld [smem:$0x3F94];
	s0 =	simm.s32 @p1 $0x1  }
0x15: {  	[smem:$0x3FB1] =	sst s0;
	s0 =	simm.s32 @!p2 $0x0  }
0x16: {  	s3 =	sld [smem:$0x3FDB];
	s0 =	simm.s32 @p2 $0x1  }
0x17: {  	s4 =	simm.s32 $0x1BF5;
	[smem:$0x3FB3] =	sst s0  }
0x18: {  	s0 =	sld [smem:$0x3F96];
	_ =	swait.ge [sflag:s4], $0x0  }
0x19: {  	s7 =	sld [smem:$0x3F97]  }
0x1a: {  	s8 =	sadd.s32 $0xFFFFE003, lr  }
0x1b: {  	s9 =	sadd.s32 $0xFFFFFEF7, lr;
	s5 =	simm.s32 $0xFFFFFFFF;
	p2 =	slt.u32 s8, $0xFFFFF086  }
0x1c: {  	p1 =	slt.u32 s9, $0xF7A;
	s5 =	simm.s32 @!p2 $0x0  }
0x1d: {  	s5 =	simm.s32 @p1 $0x1;
	p0 =	seq.s32 s7, s2  }
0x1e: {  	s7 =	smul.u32 @!p0 $0xF7A, s2;
	p2 =	seq.s32 @!p0 s5, $0x0  }
0x1f: {  	s9 =	smul.u32 $0xF7A, s1;
	s8 =	simm.s32 @!p0 $0x1BF5;
	p2 =	por !p2, p0  }
0x20: {  	[sflag:s8] =	ssyncset.s32 @!p0 $0xFFFFF086;
	s6 =	sadd.s32 @!p0 s3, s7;
	s7 =	simm.s32 @!p0 $0x108  }
0x21: {  	s3 =	sadd.s32 s3, s9;
	s6 =	sadd.s32 @!p0 $0x88, s6;
	s7 =	simm.s32 @p2 $0x1082  }
0x22: {  	[simem:s7], [sflag:s8] =	dma.local @!p0 [hbm:s6], $0xF7A  }
0x23: {  	s9 =	sor.u32 $0xD0000000, s2;
	s6 =	simm.s32 $0x108;
	_ =	swait.ge @!p0 [sflag:s8], $0x0  }
0x24: {  	s3 =	sadd.s32 $0x88, s3;
	s6 =	simm.s32 @!p1 $0x1082;
	[sflag:s4] =	ssyncset.s32 $0xFFFFF086  }
0x25: {  	[simem:s6], [sflag:s4] =	dma.local [hbm:s3], $0xF7A  }
0x26: {  	[smem:$0x3F97] =	sst s1;
	(tag) =	ssettag s2;
	_ =	strace s9  }
0x27: {  	s1 =	sld [smem:$0x3FA7]  }
0x28: {  	s2 =	sld [smem:$0x3FA8]  }
0x29: {  	s4 =	sld [smem:$0x3FAA]  }
0x2a: {  	p0 =	seq.s32 s5, $0x0;
	s5 =	sld [smem:$0x3FAB]  }
0x2b: {  	s6 =	sld [smem:$0x3FAC]  }
0x2c: {  	s7 =	sld [smem:$0x3FAD]  }
0x2d: {  	s3 =	simm.s32 $0x108;
	s8 =	sld [smem:$0x3FAE]  }
0x2e: {  	s3 =	simm.s32 @!p0 $0x1082;
	s9 =	sld [smem:$0x3FAF]  }
0x2f: {  	lr =	sadd.s32 s0, s3;
	s0 =	sld [smem:$0x3FA6]  }
0x30: {  	s3 =	sld [smem:$0x3FA9]  }
0x31: {  	[smem:$0x3FB2] =	sst s10  }
0x32: {  	s10 =	sld [smem:$0x3FB0];
	_ =	sdelay $0x3  }
0x33: {  	p0 =	seq.s32 s10, $0x1;
	s10 =	sld [smem:$0x3FB2];
	_ =	sdelay $0x3  }
0x34: {  	[smem:$0x3FB2] =	sst s10  }
0x35: {  	s10 =	sld [smem:$0x3FB1];
	_ =	sdelay $0x3  }
0x36: {  	p1 =	seq.s32 s10, $0x1;
	s10 =	sld [smem:$0x3FB2];
	_ =	sdelay $0x3  }
0x37: {  	[smem:$0x3FB2] =	sst s10  }
0x38: {  	s10 =	sld [smem:$0x3FB3]  }
0x39: {  	_ = 	snop;
	(pc) =	sbr.ind lr, $3  }
0x3a: {  	_ = 	snop  }
0x3b: {  	_ = 	snop  }
0x3c: {  	p2 =	seq.s32 s10, $0x1;
	s10 =	sld [smem:$0x3FB2]  }
0x3d: {  	_ =	shalt  }
0x3e: {  	_ =	shalt  }
0x3f: {  	_ =	shalt  }
0x40: {  	_ =	shalt  }
0x41: {  	_ =	shalt  }
0x42: {  	_ =	shalt  }
0x43: {  	_ =	shalt  }
0x44: {  	_ =	shalt  }
0x45: {  	_ =	shalt  }
0x46: {  	_ =	shalt  }
0x47: {  	_ =	shalt  }
0x48: {  	_ =	shalt  }
0x49: {  	_ =	shalt  }
0x4a: {  	_ =	shalt  }
0x4b: {  	_ =	shalt  }
0x4c: {  	_ =	shalt  }
0x4d: {  	_ =	shalt  }
0x4e: {  	_ =	shalt  }
0x4f: {  	_ =	shalt  }
0x50: {  	_ =	shalt  }
0x51: {  	_ =	shalt  }
0x52: {  	_ =	shalt  }
0x53: {  	_ =	shalt  }
0x54: {  	_ =	shalt  }
0x55: {  	_ =	shalt  }
0x56: {  	_ =	shalt  }
0x57: {  	_ =	shalt  }
0x58: {  	_ =	shalt  }
0x59: {  	_ =	shalt  }
0x5a: {  	_ =	shalt  }
0x5b: {  	_ =	shalt  }
0x5c: {  	_ =	shalt  }
0x5d: {  	_ =	shalt  }
0x5e: {  	_ =	shalt  }
0x5f: {  	_ =	shalt  }
0x60: {  	_ =	shalt  }
0x61: {  	_ =	shalt  }
0x62: {  	_ =	shalt  }
0x63: {  	_ =	shalt  }
0x64: {  	_ =	shalt  }
0x65: {  	_ =	shalt  }
0x66: {  	_ =	shalt  }
0x67: {  	_ =	shalt  }
0x68: {  	_ =	shalt  }
0x69: {  	_ =	shalt  }
0x6a: {  	_ =	shalt  }
0x6b: {  	_ =	shalt  }
0x6c: {  	_ =	shalt  }
0x6d: {  	_ =	shalt  }
0x6e: {  	_ =	shalt  }
0x6f: {  	_ =	shalt  }
0x70: {  	_ =	shalt  }
0x71: {  	_ =	shalt  }
0x72: {  	_ =	shalt  }
0x73: {  	_ =	shalt  }
0x74: {  	_ =	shalt  }
0x75: {  	_ =	shalt  }
0x76: {  	_ =	shalt  }
0x77: {  	_ =	shalt  }
0x78: {  	_ =	shalt  }
0x79: {  	_ =	shalt  }
0x7a: {  	_ =	shalt  }
0x7b: {  	_ =	shalt  }
0x7c: {  	_ =	shalt  }
0x7d: {  	_ =	shalt  }
0x7e: {  	_ =	shalt  }
0x7f: {  	_ =	shalt  }
0x80: {  	_ =	shalt  }
0x81: {  	_ =	shalt  }
0x82: {  	_ =	shalt  }
0x83: {  	_ =	shalt  }
0x84: {  	_ =	shalt  }
0x85: {  	_ =	shalt  }
0x86: {  	_ =	shalt  }
0x87: {  	_ =	shalt  }
.Lfunc_end0:
.L_simem_size_0:
called_computation.2_lowered:
.L_overlay_start_0:
0x88: {  	s2 =	sld [smem:$0x3FD9]  }
0x89: {  	s3 =	sld [smem:$0x3FFE];
	_ =	sdelay $0x1  }
0x8a: {  	s1 =	srdreg.scid  }
0x8b: {  	s0 =	sand.u32 $0x1, s1  }
0x8c: {  	s17 =	sshll.u32 s0, $0xA;
	s2 =	sadd.s32 s3, s2  }
0x8d: {  	s2 =	sadd.s32 s2, s17  }
0x8e: {  	[smem:$0x3FBE] =	sst s2  }
0x8f: {  	_ = 	snop  }
0x90: {  	s2 =	sld [smem:$0x3FD0];
	(tm) =	ssettm $0x1  }
0x91: {  	s18 =	sld [smem:$0x3FFB];
	_ =	sdelay $0x3  }
0x92: {  	_ =	strace s18  }
0x93: {  	s3 =	sld [smem:$0x3FFC];
	_ =	sdelay $0x3  }
0x94: {  	_ =	strace s3  }
0x95: {  	s3 =	sld [smem:$0x3FFD];
	_ =	sdelay $0x3  }
0x96: {  	_ =	strace s3  }
0x97: {  	_ =	strace $0x8FFFFFFF  }
0x98: {  	s19 =	sld [smem:$0x3FDB];
	_ =	sdelay $0x1  }
0x99: {  	s4 =	simm.s32 $_scs_section_size  }
0x9a: {  	s5 =	simm.s32 $_size__tile_overlayer_lowered;
	s6 =	simm.s32 $_tile_overlayer_lowered  }
0x9b: {  	s22 =	simm.s32 $0x1BFF;
	s21 =	sshll.u32 s6, $0x1;
	s3 =	sadd.s32 s4, s19  }
0x9c: {  	s7 =	simm.s32 $0x0;
	s20 =	sshll.u32 s5, $0x1;
	s5 =	sadd.s32 s21, s3  }
0x9d: {  	[timem:s7], [sflag:s22] =	dma.local [hbm:s5], s20  }
0x9e: {  	_ =	swait.ge [sflag:s22], s20  }
0x9f: {  	s4 =	ssub.s32 $0x0, s20;
	[sflag:s22] =	ssyncset.done $0x0  }
0xa0: {  	[sflag:s22] =	ssyncadd.s32 s4;
	_ =	sdelay $0x1  }
0xa1: {  	s23 =	simm.s32 $0x1B8B  }
0xa2: {  	_ =	swait.ge [sflag:s23], $0x1  }
0xa3: {  	[sflag:s23] =	ssyncset.done $0x0  }
0xa4: {  	s25 =	simm.s32 $0x1B8E;
	s24 =	sld [smem:$0x3FFE];
	[sflag:s23] =	ssyncadd.s32 $0xFFFFFFFF  }
0xa5: {  	s26 =	simm.s32 $execute0_lowered;
	[smem:$0x3FD2] =	sst s25  }
0xa6: {  	s5 =	sshll.u32 s26, $0x1;
	_ =	strace $0x8000004C;
	[dreg:$0x1] =	wrdreg $0xFFFFFFFF  }
0xa7: {  	s28 =	simm.s32 $_size_execute0_lowered;
	s3 =	sadd.s32 s3, s5;
	[dreg:$0x0] =	wrdreg $0x0  }
0xa8: {  	s5 =	sshll.u32 s28, $0x1;
	[dreg:$0x2] =	wrdreg s3  }
0xa9: {  	[dreg:$0x3] =	wrdreg s5  }
0xaa: {  	[dreg:$0x4] =	wrdreg $0xC0  }
0xab: {  	_ =	task [dreg:s7], $0x5FFFF  }
0xac: {  	[dreg:$0x1] =	wrdreg $0xFFFFFFFF  }
0xad: {  	[dreg:$0x0] =	wrdreg $0x60  }
0xae: {  	[dreg:$0x2] =	wrdreg s24  }
0xaf: {  	[dreg:$0x3] =	wrdreg s2  }
0xb0: {  	[dreg:$0x4] =	wrdreg $0xA8000  }
0xb1: {  	[dreg:$0x5] =	wrdreg $0x9  }
0xb2: {  	_ =	task.clear_ibuf [dreg:s7], $0x6FFFF;
	_ =	strace $0x9000004C  }
0xb3: {  	s29 =	simm.s32 $0x9;
	_ =	strace $0x8000004E  }
0xb4: {  	_ =	swait.ge [sflag:s29], $0x1  }
0xb5: {  	[sflag:s29] =	ssyncadd.s32 $0xFFFFFFFF  }
0xb6: {  	_ =	strace $0x9000004E  }
0xb7: {  	_ =	sfence  }
0xb8: {  	s30 =	sld [smem:$0x0];
	_ =	sdelay $0x2  }
0xb9: {  	s31 =	sshll.u32 s1, $0xD;
	s1 =	sshrl.u32 s1, $0x2  }
0xba: {  	s3 =	sand.u32 $0x4000, s31;
	s1 =	sadd.s32 s1, s30  }
0xbb: {  	s0 =	sor.u32 s3, s0;
	s1 =	sshll.u32 s1, $0x11  }
0xbc: {  	s0 =	sor.u32 s1, s0  }
0xbd: {  	s0 =	sadd.s32 $0x8F2B, s0  }
0xbe: {  	[sflag:s0] =	ssyncadd.remote.s32 $0x1  }
0xbf: {  	_ =	sfence.sel $0xFFFF  }
0xc0: {  	[dreg:$0x0] =	wrdreg $0xFFFFFFFF;
	(pc) =	sbr.abs _section_cstart, $3  }
0xc1: {  	[dreg:$0x1] =	wrdreg $0xFFFFFFFF  }
0xc2: {  	_ =	task.clear_ibuf [dreg:s7], $0x2FFFF;
	_ =	strace $0x9FFFFFFF  }
0xc3: {  	(tm) =	ssettm $0x7FFFFFFF  }
tec
execute0_lowered:
.L_overlay_start_1:
0x0: {  	(tag) =	ssettag $0x1  }
0x1: {  	s0 =	rddreg [dreg:$0x0]  }
0x2: {  	s1 =	rddreg [dreg:$0x1];
	s18 =	stileid.u32  }
0x3: {  	s3 =	srdreg.scid;
	s2 =	rddreg [dreg:$0x2]  }
0x4: {  	s30 =	simm.s32 $0x0;
	s28 =	simm.s32 $0x0;
	s4 =	smul.u32 $0x9C, s18  }
0x5: {  	s29 =	simm.s32 $0x0;
	s3 =	sand.u32 $0x1, s3;
	s9 =	smul.u32 $0x50000, s18  }
0x6: {  	[smem:$0x7FF] =	sst s30;
	s7 =	sadd.s32 $0x3200, s0;
	s22 =	smul.u32 $0x14000, s18  }
0x7: {  	p1 =	seq.s32 s18, $0xF;
	s24 =	sadd.s32 $0xCE00, s0;
	s5 =	ssub.s32 $0x0, s3  }
0x8: {  	_ =	strace $0x8000004D;
	s14 =	ssub.s32 $0x2, s3;
	p0 =	seq.s32 s3, $0x1  }
0x9: {  	[dreg:$0x8] =	wrdreg s24;
	s24 =	simm.s32 $0x1400;
	s6 =	sadd.s32 $0x9C, s4  }
0xa: {  	s5 =	sand.u32 $0x9C, s5;
	s10 =	sshrl.u32 s4, $0x4;
	s16 =	sshrl.u32 s14, $0x1  }
0xb: {  	s9 =	sshrl.u32 s9, $0x2;
	p0 =	por !p1, !p0;
	s11 =	sshrl.u32 s6, $0x4  }
0xc: {  	s12 =	sadd.s32 s10, s5;
	s6 =	sadd.s32 $0x16E00, s0;
	s9 =	sadd.s32 s9, s2  }
0xd: {  	s16 =	ssub.s32 s14, s16;
	p0 =	por !p0, !p0;
	s17 =	sadd.s32 $0x4000, s9  }
0xe: {  	s5 =	sadd.s32 s5, s11;
	s19 =	sadd.s32 $0x8000, s9;
	[dreg:$0x4] =	wrdreg s17  }
0xf: {  	s4 =	sshll.u32 s12, $0x3;
	s20 =	sadd.s32 $0xC000, s9;
	[dreg:$0x5] =	wrdreg s19  }
0x10: {  	s30 =	smax.u32 s16, $0x1;
	s5 =	sshll.u32 s5, $0x3;
	[dreg:$0x6] =	wrdreg s20  }
0x11: {  	s17 =	smul.u32 $0x140000, s3;
	s19 =	sadd.s32 $0x10000, s9;
	[dreg:$0xc] =	wrdreg s30  }
0x12: {  	s26 =	ssub.s32 s11, s10;
	s8 =	ssub.s32 s5, s4;
	[dreg:$0x7] =	wrdreg s19  }
0x13: {  	s13 =	sadd.s32 $0x27, s8;
	s8 =	sadd.s32 $0xD000, s0;
	s23 =	sadd.s32 s22, s17  }
0x14: {  	s0 =	sadd.s32 $0x16C00, s0;
	s22 =	simm.s32 $0x2800;
	s15 =	sshll.u32 s13, $0x10  }
0x15: {  	s13 =	sshra.s32 s13, $0x1F;
	s3 =	sshrl.u32 s23, $0x3;
	s15 =	sshra.s32 s15, $0x10  }
0x16: {  	[dreg:$0x9] =	wrdreg s0;
	s0 =	sshll.u32 s26, $0x3;
	s31 =	smul.u32 $0x6667, s15  }
.Ltmp0:
0x17: {  	s23 =	simm.s32 $0x2;
	s25 =	sadd.s32 s1, s3;
	(pc) =	sbr.rel .LBB2_1-.Ltmp0, $4  }
0x18: {  	[dreg:$0xb] =	wrdreg s0;
	s21 =	sshrl.u32 s31, $0x1F;
	s14 =	sshra.s32 s31, $0x14  }
0x19: {  	s26 =	simm.s32 $0x1;
	[dreg:$0xa] =	wrdreg s25;
	s14 =	sadd.s32 s21, s14  }
0x1a: {  	s25 =	simm.s32 $0x80;
	s31 =	sshll.u32 s12, $0xA;
	s14 =	sadd.s32 s14, s13  }
0x1b: {  	v0 =	vimm.f32 $0.0e+00;
	s1 =	sadd.s32 $0x1400, s31;
	s21 =	sor.u32 $0x80, s31;
	p1 =	slt.s32 s14, $0x1  }
.LBB2_9:
0x1c: {  	s0 =	simm.s32 @p0 $0x0;
	s3 =	rddreg [dreg:$0x8]  }
0x1d: {  	[tilespmem:s0], [sflag:$0x1] =	stream.linear.gather @p0 [hbm4b:s3+s0], $0x200, $0x38;
	[tilespmem:$0x1E800] =	vst v63  }
0x1e: {  	s3 =	simm.s32 @p0 $0x1  }
0x1f: {  	_ =	swait.ge @p0 [sflag:s3], $0x200  }
0x20: {  	[sflag:s3] =	ssyncset.done @p0 $0x0  }
0x21: {  	s10 =	simm.s32 @p0 $0x1400;
	s11 =	rddreg [dreg:$0x9];
	[sflag:s3] =	ssyncadd.s32 @p0 $0xFFFFFE00  }
0x22: {  	[tilespmem:s10], [sflag:$0x1] =	stream.linear.gather @p0 [hbm4b:s11+s0], $0x200, $0x38;
	[tilespmem:$0x1E800] =	vst v63  }
0x23: {  	_ =	swait.ge @p0 [sflag:s3], $0x200  }
0x24: {  	[sflag:s3] =	ssyncset.done @p0 $0x0  }
0x25: {  	s12 =	simm.s32 @p0 $0x2800;
	s11 =	simm.s32 @p0 $0x80;
	[sflag:s3] =	ssyncadd.s32 @p0 $0xFFFFFE00  }
0x26: {  	[tilespmem:s12], [sflag:$0x1] =	stream.indirect.gather @p0 [hbm4b:s6+s11], $0x80, s0, s11, $0xb8;
	[tilespmem:$0x1E800] =	vst v63  }
0x27: {  	_ =	swait.ge @p0 [sflag:s3], $0x4000  }
0x28: {  	[sflag:s3] =	ssyncset.done @p0 $0x0  }
0x29: {  	s0 =	simm.s32 @p0 $0x2;
	[sflag:s3] =	ssyncadd.s32 @p0 $0xFFFFC000  }
0x2a: {  	[spmem:s2] =	stream.indirect.scatter.add.f32 @p0 [tilespmem:s12], [sflag:$0x2], $0x80, s10, s11, $0xb8;
	[tilespmem:$0x1E800] =	vst v63  }
0x2b: {  	_ =	swait.ge @p0 [sflag:s0], $0x4000  }
0x2c: {  	[sflag:s0] =	ssyncset.done @p0 $0x0  }
0x2d: {  	[sflag:s0] =	ssyncadd.s32 @p0 $0xFFFFC000  }
0x2e: {  	[tilespmem:s12], [sflag:$0x1] =	stream.indirect.gather @p0 [hbm4b:s6+s11], $0x80, s11, s11, $0xb8;
	[tilespmem:$0x1E800] =	vst v63  }
0x2f: {  	_ =	swait.ge @p0 [sflag:s3], $0x4000  }
0x30: {  	[sflag:s3] =	ssyncset.done @p0 $0x0  }
0x31: {  	s10 =	simm.s32 @p0 $0x1480;
	[sflag:s3] =	ssyncadd.s32 @p0 $0xFFFFC000  }
0x32: {  	[spmem:s2] =	stream.indirect.scatter.add.f32 @p0 [tilespmem:s12], [sflag:$0x2], $0x80, s10, s11, $0xb8;
	[tilespmem:$0x1E800] =	vst v63  }
0x33: {  	_ =	swait.ge @p0 [sflag:s0], $0x4000  }
0x34: {  	[sflag:s0] =	ssyncset.done @p0 $0x0  }
0x35: {  	s10 =	simm.s32 @p0 $0x100;
	[sflag:s0] =	ssyncadd.s32 @p0 $0xFFFFC000  }
0x36: {  	[tilespmem:s12], [sflag:$0x1] =	stream.indirect.gather @p0 [hbm4b:s6+s11], $0x80, s10, s11, $0xb8;
	[tilespmem:$0x1E800] =	vst v63  }
0x37: {  	_ =	swait.ge @p0 [sflag:s3], $0x4000  }
0x38: {  	[sflag:s3] =	ssyncset.done @p0 $0x0  }
0x39: {  	s10 =	simm.s32 @p0 $0x1500;
	[sflag:s3] =	ssyncadd.s32 @p0 $0xFFFFC000  }
0x3a: {  	[spmem:s2] =	stream.indirect.scatter.add.f32 @p0 [tilespmem:s12], [sflag:$0x2], $0x80, s10, s11, $0xb8;
	[tilespmem:$0x1E800] =	vst v63  }
0x3b: {  	_ =	swait.ge @p0 [sflag:s0], $0x4000  }
0x3c: {  	[sflag:s0] =	ssyncset.done @p0 $0x0  }
0x3d: {  	s10 =	simm.s32 @p0 $0x180;
	[sflag:s0] =	ssyncadd.s32 @p0 $0xFFFFC000  }
0x3e: {  	[tilespmem:s12], [sflag:$0x1] =	stream.indirect.gather @p0 [hbm4b:s6+s11], $0x80, s10, s11, $0xb8;
	[tilespmem:$0x1E800] =	vst v63  }
0x3f: {  	_ =	swait.ge @p0 [sflag:s3], $0x4000  }
0x40: {  	[sflag:s3] =	ssyncset.done @p0 $0x0  }
0x41: {  	[sflag:s3] =	ssyncadd.s32 @p0 $0xFFFFC000;
	s3 =	simm.s32 @p0 $0x1580  }
0x42: {  	[spmem:s2] =	stream.indirect.scatter.add.f32 @p0 [tilespmem:s12], [sflag:$0x2], $0x80, s3, s11, $0xb8;
	[tilespmem:$0x1E800] =	vst v63  }
0x43: {  	_ =	swait.ge @p0 [sflag:s0], $0x4000  }
0x44: {  	[sflag:s0] =	ssyncset.done @p0 $0x0  }
0x45: {  	s19 =	stileid.u32;
	[sflag:s0] =	ssyncadd.s32 @p0 $0xFFFFC000  }
0x46: {  	s0 =	sshll.u32 s19, $0x6;
	[bflag:$0x0] =	sbarrier.arrive $0xFFFF  }
0x47: {  	s20 =	sshrl.u32 s9, $0x3;
	s0 =	sor.u32 $0x1C02, s0;
	s30 =	rddreg [dreg:$0xa]  }
0x48: {  	[hbm:s30], [sflag:s0] =	dma.local [spmem:s20], $0x2800  }
0x49: {  	_ =	swait.ge [sflag:s23], $0x2800  }
0x4a: {  	s28 =	sadd.s32 $0x1, s28;
	s31 =	rddreg [dreg:$0xc]  }
0x4b: {  	p2 =	sne.s32 s28, s31  }
.Ltmp1:
0x4c: {  	_ = 	snop;
	(pc) =	sbr.rel @!p2 .LBB2_10-.Ltmp1, $3  }
0x4d: {  	_ =	sdelay $0x1  }
0x4e: {  	[sflag:s23] =	ssyncset.done $0x0  }
0x4f: {  	[sflag:s23] =	ssyncadd.s32 $0xFFFFD800  }
.LBB2_1:
0x50: {  	s0 =	simm.s32 $0x0  }
0x51: {  	s3 =	sand.u32 $0xFE00, s0  }
0x52: {  	s10 =	sand.u32 $0x70, s0;
	s11 =	sshrl.u32 s3, $0x2  }
0x53: {  	s3 =	simm.s32 $0x40;
	s11 =	sor.u32 s10, s11;
	s10 =	simm.s32 $0x0  }
.LBB2_2:
0x54: {  	p2 =	sne.s32 s3, $0xFFC0  }
0x55: {  	[tilespmem:s11+$0x2800] =	vst v0;
	s10 =	sadd.s32 $0x10, s10;
	s11 =	smov.u32 s3;
	s3 =	sadd.s32 $0x40, s3  }
.Ltmp2:
0x56: {  	(pc) =	sbr.rel @p2 .LBB2_2-.Ltmp2, $4  }
0x57: {  	_ = 	snop  }
0x58: {  	s11 =	sand.u32 $0xFE00, s11  }
0x59: {  	s12 =	sand.u32 $0x70, s10;
	s11 =	sshrl.u32 s11, $0x2  }
0x5a: {  	s11 =	sor.u32 s12, s11  }
0x5b: {  	[tilespmem:s11+$0x2800] =	vst v0  }
0x5c: {  	[spmem:s9] =	stream.linear.scatter [tilespmem:s22], [sflag:$0x2], $0x4000, $0x38;
	[tilespmem:$0x1E800] =	vst v63  }
0x5d: {  	_ =	swait.ge [sflag:s23], $0x4000  }
0x5e: {  	[sflag:s23] =	ssyncset.done $0x0  }
0x5f: {  	s0 =	rddreg [dreg:$0x4];
	[sflag:s23] =	ssyncadd.s32 $0xFFFFC000  }
0x60: {  	[spmem:s0] =	stream.linear.scatter [tilespmem:s22], [sflag:$0x2], $0x4000, $0x38;
	[tilespmem:$0x1E800] =	vst v63  }
0x61: {  	_ =	swait.ge [sflag:s23], $0x4000  }
0x62: {  	[sflag:s23] =	ssyncset.done $0x0  }
0x63: {  	s18 =	rddreg [dreg:$0x5];
	[sflag:s23] =	ssyncadd.s32 $0xFFFFC000  }
0x64: {  	[spmem:s18] =	stream.linear.scatter [tilespmem:s22], [sflag:$0x2], $0x4000, $0x38;
	[tilespmem:$0x1E800] =	vst v63  }
0x65: {  	_ =	swait.ge [sflag:s23], $0x4000  }
0x66: {  	[sflag:s23] =	ssyncset.done $0x0  }
0x67: {  	s19 =	rddreg [dreg:$0x6];
	[sflag:s23] =	ssyncadd.s32 $0xFFFFC000  }
0x68: {  	[spmem:s19] =	stream.linear.scatter [tilespmem:s22], [sflag:$0x2], $0x4000, $0x38;
	[tilespmem:$0x1E800] =	vst v63  }
0x69: {  	_ =	swait.ge [sflag:s23], $0x4000  }
0x6a: {  	[sflag:s23] =	ssyncset.done $0x0  }
0x6b: {  	s20 =	rddreg [dreg:$0x7];
	[sflag:s23] =	ssyncadd.s32 $0xFFFFC000  }
0x6c: {  	[spmem:s20] =	stream.linear.scatter [tilespmem:s22], [sflag:$0x2], $0x4000, $0x38;
	[tilespmem:$0x1E800] =	vst v63  }
.Ltmp3:
0x6d: {  	_ =	swait.ge [sflag:s23], $0x4000;
	(pc) =	sbr.rel @!p1 .LBB2_4-.Ltmp3, $4  }
.Ltmp4:
0x6e: {  	[sflag:s23] =	ssyncset.done $0x0;
	(pc) =	sbr.rel @p1 .LBB2_9-.Ltmp4, $4  }
0x6f: {  	[sflag:s23] =	ssyncadd.s32 $0xFFFFC000  }
0x70: {  	s30 =	smov.u32 s21;
	s31 =	smov.u32 s4;
	[bflag:$0x0] =	sbarrier.arrive $0xFFFF  }
0x71: {  	s3 =	simm.s32 $0x0;
	s20 =	smov.u32 s1;
	s18 =	rddreg [dreg:$0xb]  }
0x72: {  	_ = 	snop  }
.LBB2_7:
0x73: {  	[sflag:s23] =	ssyncadd.s32 $0xFFFFC000  }
.LBB2_8:
0x74: {  	s3 =	sadd.s32 $0x1, s3  }
0x75: {  	p2 =	sne.s32 s3, s14  }
.Ltmp5:
0x76: {  	_ = 	snop;
	(pc) =	sbr.rel @!p2 .LBB2_9-.Ltmp5, $3  }
0x77: {  	_ =	sdelay $0x1  }
0x78: {  	s18 =	sadd.s32 $0xFFFFFFD8, s18  }
0x79: {  	s20 =	sadd.s32 $0x1400, s20;
	s31 =	sadd.s32 $0x28, s31;
	s30 =	sadd.s32 $0x1400, s30  }
.LBB2_4:
0x7a: {  	s10 =	smul.u32 $0x28, s3;
	_ =	sdelay $0x1  }
0x7b: {  	s10 =	sadd.s32 s4, s10  }
0x7c: {  	p2 =	slt.s32 s10, $0x998;
	s11 =	smov.u32 s10  }
0x7d: {  	s11 =	simm.s32 @!p2 $0x998  }
0x7e: {  	s12 =	sshll.u32 s11, $0x4  }
0x7f: {  	s19 =	simm.s32 $0x1;
	s13 =	sadd.s32 s7, s12  }
0x80: {  	[tilespmem:s29], [sflag:$0x1] =	stream.linear.gather [hbm4b:s13+s29], $0x1400, $0x38;
	[tilespmem:$0x1E800] =	vst v63  }
0x81: {  	_ =	swait.ge [sflag:s19], $0x1400  }
0x82: {  	s11 =	ssub.s32 s10, s11;
	s10 =	ssub.s32 s5, s10;
	[sflag:s19] =	ssyncset.done $0x0  }
0x83: {  	s12 =	sadd.s32 s8, s12;
	p2 =	slt.s32 s10, $0x1;
	[sflag:s19] =	ssyncadd.s32 $0xFFFFEC00  }
0x84: {  	[tilespmem:s24], [sflag:$0x1] =	stream.linear.gather [hbm4b:s12+s29], $0x1400, $0x38;
	[tilespmem:$0x1E800] =	vst v63  }
.Ltmp6:
0x85: {  	_ = 	snop;
	(pc) =	sbr.rel @p2 .LBB2_8-.Ltmp6, $4  }
0x86: {  	_ =	swait.ge [sflag:s19], $0x1400  }
0x87: {  	s11 =	sshll.u32 s11, $0x9;
	[sflag:s19] =	ssyncset.done $0x0  }
0x88: {  	s11 =	sshra.s32 s11, $0x2;
	[sflag:s19] =	ssyncadd.s32 $0xFFFFEC00  }
0x89: {  	[tilespmem:s22], [sflag:$0x1] =	stream.indirect.gather [hbm4b:s6+s25], $0x80, s11, s25, $0xb8;
	[tilespmem:$0x1E800] =	vst v63  }
0x8a: {  	p2 =	slt.s32 s31, $0x998  }
0x8b: {  	s11 =	smov.u32 s31;
	p3 =	sgt.s32 s18, $0x1;
	s12 =	smov.u32 s18  }
0x8c: {  	_ =	swait.ge [sflag:s26], $0x4000;
	s11 =	simm.s32 @!p2 $0x998;
	p2 =	slt.s32 s10, $0x28  }
0x8d: {  	s12 =	simm.s32 @!p3 $0x1;
	[sflag:s26] =	ssyncset.done $0x0;
	s10 =	simm.s32 @!p2 $0x28  }
0x8e: {  	s11 =	sshll.u32 s11, $0x9;
	s12 =	smin.u32 s12, $0x28;
	p2 =	sle.s32 s10, $0x1  }
0x8f: {  	[sflag:s26] =	ssyncadd.s32 $0xFFFFC000;
	s11 =	ssub.s32 $0x0, s11;
	s13 =	sxor.u32 @!p2 $0xFFFFFFFF, s29  }
0x90: {  	s12 =	sshll.u32 s12, $0xE;
	s11 =	sshra.s32 s11, $0x2;
	s13 =	sand.u32 @!p2 $0x4000, s13  }
0x91: {  	s17 =	simm.s32 @!p2 $0x80;
	s15 =	sadd.s32 s11, s30;
	s13 =	sor.u32 @!p2 $0x2800, s13  }
0x92: {  	[tilespmem:s13], [sflag:$0x1] =	stream.indirect.gather @!p2 [hbm4b:s6+s17], $0x80, s15, s17, $0xb8;
	[tilespmem:$0x1E800] =	vst v63  }
0x93: {  	p2 =	sne.s32 s12, $0x4000  }
.Ltmp7:
0x94: {  	s16 =	sand.u32 $0x4000, s29;
	(pc) =	sbr.rel @!p2 .LBB2_7-.Ltmp7, $4  }
0x95: {  	s19 =	sor.u32 $0x2800, s16;
	s11 =	sadd.s32 s11, s20  }
0x96: {  	[spmem:s2] =	stream.indirect.scatter.add.f32 [tilespmem:s19], [sflag:$0x2], $0x80, s11, s25, $0xb8;
	[tilespmem:$0x1E800] =	vst v63  }
0x97: {  	s16 =	simm.s32 $0x2;
	_ =	swait.ge [sflag:s23], $0x4000  }
0x98: {  	s13 =	simm.s32 $0x4000;
	s15 =	sadd.s32 $0x80, s15;
	[sflag:s23] =	ssyncset.done $0x0  }
.LBB2_6:
0x99: {  	[sflag:s23] =	ssyncadd.s32 $0xFFFFC000  }
0x9a: {  	s11 =	sadd.s32 $0x80, s11;
	s17 =	smov.u32 s13;
	s13 =	sadd.s32 $0x4000, s13  }
0x9b: {  	p3 =	sge.s32 s16, s10;
	p2 =	sne.s32 s12, s13  }
0x9c: {  	s19 =	sxor.u32 @!p3 $0xFFFFFFFF, s17;
	_ =	swait.ge [sflag:s26], $0x4000  }
0x9d: {  	s17 =	sand.u32 $0x4000, s17;
	s19 =	sand.u32 @!p3 $0x4000, s19;
	[sflag:s26] =	ssyncset.done $0x0  }
0x9e: {  	s0 =	simm.s32 @!p3 $0x80;
	s19 =	sor.u32 @!p3 $0x2800, s19;
	[sflag:s26] =	ssyncadd.s32 $0xFFFFC000  }
0x9f: {  	[tilespmem:s19], [sflag:$0x1] =	stream.indirect.gather @!p3 [hbm4b:s6+s0], $0x80, s15, s0, $0xb8;
	[tilespmem:$0x1E800] =	vst v63  }
.Ltmp8:
0xa0: {  	_ = 	snop;
	(pc) =	sbr.rel @p2 .LBB2_6-.Ltmp8, $4  }
0xa1: {  	s0 =	sor.u32 $0x2800, s17  }
0xa2: {  	[spmem:s2] =	stream.indirect.scatter.add.f32 [tilespmem:s0], [sflag:$0x2], $0x80, s11, s25, $0xb8;
	[tilespmem:$0x1E800] =	vst v63  }
0xa3: {  	_ =	swait.ge [sflag:s23], $0x4000  }
0xa4: {  	s16 =	sadd.s32 $0x1, s16;
	s15 =	sadd.s32 $0x80, s15;
	[sflag:s23] =	ssyncset.done $0x0  }
.Ltmp9:
0xa5: {  	_ = 	snop;
	(pc) =	sbr.rel .LBB2_7-.Ltmp9, $1  }
0xa6: {  	_ =	sdelay $0x3  }
.LBB2_10:
0xa7: {  	_ =	sfence.sel $0x180000  }
0xa8: {  	[bflag:$0x0] =	sbarrier.arrive $0xFFFF  }
0xa9: {  	_ =	strace $0x9000004D  }
0xaa: {  	s0 =	stileid.u32;
	[bflag:$0x2] =	sbarrier.arrive $0xFFFF  }
0xab: {  	p0 =	sne.s32 s0, $0x0;
	s0 =	rddreg [dreg:$0x3]  }
0xac: {  	s0 =	sadd.s32 @!p0 $0x100000, s0  }
0xad: {  	[sflag:s0] =	ssyncadd.tile.s32 @!p0 $0x1;
	_ =	shalt  }
.Lfunc_end2:
_tile_overlayer_lowered:
.L_overlay_start_2:
0xae: {  	(tag) =	ssettag $0x2  }
0xaf: {  	s0 =	rddreg [dreg:$0x0];
	s2 =	stileid.u32  }
0xb0: {  	s1 =	rddreg [dreg:$0x1];
	p0 =	sne.s32 s2, $0x0  }
0xb1: {  	s3 =	rddreg [dreg:$0x2];
	[bflag:$0x3] =	sbarrier.arrive $0xFFFF;
	s2 =	simm.s32 @!p0 $0x1C02  }
0xb2: {  	[timem:s3], [sflag:s2] =	dma.local @!p0 [hbm:s0], s1  }
0xb3: {  	s0 =	simm.s32 @!p0 $0x2  }
0xb4: {  	_ =	swait.ge @!p0 [sflag:s0], s1  }
0xb5: {  	s1 =	ssub.s32 @!p0 $0x0, s1;
	[sflag:s0] =	ssyncset.done @!p0 $0x0  }
0xb6: {  	[sflag:s0] =	ssyncadd.s32 @!p0 s1  }
0xb7: {  	[bflag:$0x3] =	sbarrier.arrive $0xFFFF  }
0xb8: {  	_ =	shalt  }

// kernel: kernel.20.cloned.1.call-start
scs
__scs_entry_jumppad:
0x0: {  	(pc) =	sbr.rel $0x88, $3  }
0x1: {  	(tag) =	ssettag $0x0;
	lr =	simm.s32 $0x1  }
0x2: {  	[smem:$0x3F97] =	sst lr;
	_ =	strace $0xD0000000  }
0x3: {  	_ = 	snop  }
0x4: {  	_ = 	snop  }
0x5: {  	_ = 	snop  }
0x6: {  	_ = 	snop  }
0x7: {  	_ = 	snop  }
__scs_overlays_trampoline_lowered:
0x8: {  	[smem:$0x3FA6] =	sst s0  }
0x9: {  	[smem:$0x3FA7] =	sst s1  }
0xa: {  	[smem:$0x3FA8] =	sst s2  }
0xb: {  	[smem:$0x3FA9] =	sst s3  }
0xc: {  	[smem:$0x3FAA] =	sst s4  }
0xd: {  	[smem:$0x3FAB] =	sst s5  }
0xe: {  	[smem:$0x3FAC] =	sst s6  }
0xf: {  	[smem:$0x3FAD] =	sst s7  }
0x10: {  	[smem:$0x3FAE] =	sst s8  }
0x11: {  	[smem:$0x3FAF] =	sst s9;
	s0 =	simm.s32 @!p0 $0x0  }
0x12: {  	s1 =	sld [smem:$0x3F95];
	s0 =	simm.s32 @p0 $0x1  }
0x13: {  	[smem:$0x3FB0] =	sst s0;
	s0 =	simm.s32 @!p1 $0x0  }
0x14: {  	s2 =	sld [smem:$0x3F94];
	s0 =	simm.s32 @p1 $0x1  }
0x15: {  	[smem:$0x3FB1] =	sst s0;
	s0 =	simm.s32 @!p2 $0x0  }
0x16: {  	s3 =	sld [smem:$0x3FDB];
	s0 =	simm.s32 @p2 $0x1  }
0x17: {  	s4 =	simm.s32 $0x1BF5;
	[smem:$0x3FB3] =	sst s0  }
0x18: {  	s0 =	sld [smem:$0x3F96];
	_ =	swait.ge [sflag:s4], $0x0  }
0x19: {  	s7 =	sld [smem:$0x3F97]  }
0x1a: {  	s8 =	sadd.s32 $0xFFFFE003, lr  }
0x1b: {  	s9 =	sadd.s32 $0xFFFFFEF7, lr;
	s5 =	simm.s32 $0xFFFFFFFF;
	p2 =	slt.u32 s8, $0xFFFFF086  }
0x1c: {  	p1 =	slt.u32 s9, $0xF7A;
	s5 =	simm.s32 @!p2 $0x0  }
0x1d: {  	s5 =	simm.s32 @p1 $0x1;
	p0 =	seq.s32 s7, s2  }
0x1e: {  	s7 =	smul.u32 @!p0 $0xF7A, s2;
	p2 =	seq.s32 @!p0 s5, $0x0  }
0x1f: {  	s9 =	smul.u32 $0xF7A, s1;
	s8 =	simm.s32 @!p0 $0x1BF5;
	p2 =	por !p2, p0  }
0x20: {  	[sflag:s8] =	ssyncset.s32 @!p0 $0xFFFFF086;
	s6 =	sadd.s32 @!p0 s3, s7;
	s7 =	simm.s32 @!p0 $0x108  }
0x21: {  	s3 =	sadd.s32 s3, s9;
	s6 =	sadd.s32 @!p0 $0x88, s6;
	s7 =	simm.s32 @p2 $0x1082  }
0x22: {  	[simem:s7], [sflag:s8] =	dma.local @!p0 [hbm:s6], $0xF7A  }
0x23: {  	s9 =	sor.u32 $0xD0000000, s2;
	s6 =	simm.s32 $0x108;
	_ =	swait.ge @!p0 [sflag:s8], $0x0  }
0x24: {  	s3 =	sadd.s32 $0x88, s3;
	s6 =	simm.s32 @!p1 $0x1082;
	[sflag:s4] =	ssyncset.s32 $0xFFFFF086  }
0x25: {  	[simem:s6], [sflag:s4] =	dma.local [hbm:s3], $0xF7A  }
0x26: {  	[smem:$0x3F97] =	sst s1;
	(tag) =	ssettag s2;
	_ =	strace s9  }
0x27: {  	s1 =	sld [smem:$0x3FA7]  }
0x28: {  	s2 =	sld [smem:$0x3FA8]  }
0x29: {  	s4 =	sld [smem:$0x3FAA]  }
0x2a: {  	p0 =	seq.s32 s5, $0x0;
	s5 =	sld [smem:$0x3FAB]  }
0x2b: {  	s6 =	sld [smem:$0x3FAC]  }
0x2c: {  	s7 =	sld [smem:$0x3FAD]  }
0x2d: {  	s3 =	simm.s32 $0x108;
	s8 =	sld [smem:$0x3FAE]  }
0x2e: {  	s3 =	simm.s32 @!p0 $0x1082;
	s9 =	sld [smem:$0x3FAF]  }
0x2f: {  	lr =	sadd.s32 s0, s3;
	s0 =	sld [smem:$0x3FA6]  }
0x30: {  	s3 =	sld [smem:$0x3FA9]  }
0x31: {  	[smem:$0x3FB2] =	sst s10  }
0x32: {  	s10 =	sld [smem:$0x3FB0];
	_ =	sdelay $0x3  }
0x33: {  	p0 =	seq.s32 s10, $0x1;
	s10 =	sld [smem:$0x3FB2];
	_ =	sdelay $0x3  }
0x34: {  	[smem:$0x3FB2] =	sst s10  }
0x35: {  	s10 =	sld [smem:$0x3FB1];
	_ =	sdelay $0x3  }
0x36: {  	p1 =	seq.s32 s10, $0x1;
	s10 =	sld [smem:$0x3FB2];
	_ =	sdelay $0x3  }
0x37: {  	[smem:$0x3FB2] =	sst s10  }
0x38: {  	s10 =	sld [smem:$0x3FB3]  }
0x39: {  	_ = 	snop;
	(pc) =	sbr.ind lr, $3  }
0x3a: {  	_ = 	snop  }
0x3b: {  	_ = 	snop  }
0x3c: {  	p2 =	seq.s32 s10, $0x1;
	s10 =	sld [smem:$0x3FB2]  }
0x3d: {  	_ =	shalt  }
0x3e: {  	_ =	shalt  }
0x3f: {  	_ =	shalt  }
0x40: {  	_ =	shalt  }
0x41: {  	_ =	shalt  }
0x42: {  	_ =	shalt  }
0x43: {  	_ =	shalt  }
0x44: {  	_ =	shalt  }
0x45: {  	_ =	shalt  }
0x46: {  	_ =	shalt  }
0x47: {  	_ =	shalt  }
0x48: {  	_ =	shalt  }
0x49: {  	_ =	shalt  }
0x4a: {  	_ =	shalt  }
0x4b: {  	_ =	shalt  }
0x4c: {  	_ =	shalt  }
0x4d: {  	_ =	shalt  }
0x4e: {  	_ =	shalt  }
0x4f: {  	_ =	shalt  }
0x50: {  	_ =	shalt  }
0x51: {  	_ =	shalt  }
0x52: {  	_ =	shalt  }
0x53: {  	_ =	shalt  }
0x54: {  	_ =	shalt  }
0x55: {  	_ =	shalt  }
0x56: {  	_ =	shalt  }
0x57: {  	_ =	shalt  }
0x58: {  	_ =	shalt  }
0x59: {  	_ =	shalt  }
0x5a: {  	_ =	shalt  }
0x5b: {  	_ =	shalt  }
0x5c: {  	_ =	shalt  }
0x5d: {  	_ =	shalt  }
0x5e: {  	_ =	shalt  }
0x5f: {  	_ =	shalt  }
0x60: {  	_ =	shalt  }
0x61: {  	_ =	shalt  }
0x62: {  	_ =	shalt  }
0x63: {  	_ =	shalt  }
0x64: {  	_ =	shalt  }
0x65: {  	_ =	shalt  }
0x66: {  	_ =	shalt  }
0x67: {  	_ =	shalt  }
0x68: {  	_ =	shalt  }
0x69: {  	_ =	shalt  }
0x6a: {  	_ =	shalt  }
0x6b: {  	_ =	shalt  }
0x6c: {  	_ =	shalt  }
0x6d: {  	_ =	shalt  }
0x6e: {  	_ =	shalt  }
0x6f: {  	_ =	shalt  }
0x70: {  	_ =	shalt  }
0x71: {  	_ =	shalt  }
0x72: {  	_ =	shalt  }
0x73: {  	_ =	shalt  }
0x74: {  	_ =	shalt  }
0x75: {  	_ =	shalt  }
0x76: {  	_ =	shalt  }
0x77: {  	_ =	shalt  }
0x78: {  	_ =	shalt  }
0x79: {  	_ =	shalt  }
0x7a: {  	_ =	shalt  }
0x7b: {  	_ =	shalt  }
0x7c: {  	_ =	shalt  }
0x7d: {  	_ =	shalt  }
0x7e: {  	_ =	shalt  }
0x7f: {  	_ =	shalt  }
0x80: {  	_ =	shalt  }
0x81: {  	_ =	shalt  }
0x82: {  	_ =	shalt  }
0x83: {  	_ =	shalt  }
0x84: {  	_ =	shalt  }
0x85: {  	_ =	shalt  }
0x86: {  	_ =	shalt  }
0x87: {  	_ =	shalt  }
.Lfunc_end0:
.L_simem_size_0:
called_computation.3_lowered:
.L_overlay_start_0:
0x88: {  	s2 =	sld [smem:$0x3FD9]  }
0x89: {  	s3 =	sld [smem:$0x3FFE];
	_ =	sdelay $0x1  }
0x8a: {  	s1 =	srdreg.scid  }
0x8b: {  	s0 =	sand.u32 $0x1, s1  }
0x8c: {  	s17 =	sshll.u32 s0, $0xA;
	s2 =	sadd.s32 s3, s2  }
0x8d: {  	s2 =	sadd.s32 s2, s17  }
0x8e: {  	[smem:$0x3FBE] =	sst s2  }
0x8f: {  	_ = 	snop  }
0x90: {  	s2 =	sld [smem:$0x3FD0];
	(tm) =	ssettm $0x1  }
0x91: {  	s18 =	sld [smem:$0x3FFB];
	_ =	sdelay $0x3  }
0x92: {  	_ =	strace s18  }
0x93: {  	s3 =	sld [smem:$0x3FFC];
	_ =	sdelay $0x3  }
0x94: {  	_ =	strace s3  }
0x95: {  	s3 =	sld [smem:$0x3FFD];
	_ =	sdelay $0x3  }
0x96: {  	_ =	strace s3  }
0x97: {  	_ =	strace $0x8FFFFFFF  }
0x98: {  	s19 =	sld [smem:$0x3FDB];
	_ =	sdelay $0x1  }
0x99: {  	s4 =	simm.s32 $_scs_section_size  }
0x9a: {  	s5 =	simm.s32 $_size__tile_overlayer_lowered;
	s6 =	simm.s32 $_tile_overlayer_lowered  }
0x9b: {  	s22 =	simm.s32 $0x1BFF;
	s21 =	sshll.u32 s6, $0x1;
	s3 =	sadd.s32 s4, s19  }
0x9c: {  	s7 =	simm.s32 $0x0;
	s20 =	sshll.u32 s5, $0x1;
	s5 =	sadd.s32 s21, s3  }
0x9d: {  	[timem:s7], [sflag:s22] =	dma.local [hbm:s5], s20  }
0x9e: {  	_ =	swait.ge [sflag:s22], s20  }
0x9f: {  	s4 =	ssub.s32 $0x0, s20;
	[sflag:s22] =	ssyncset.done $0x0  }
0xa0: {  	[sflag:s22] =	ssyncadd.s32 s4;
	_ =	sdelay $0x1  }
0xa1: {  	s23 =	simm.s32 $0x1B8B  }
0xa2: {  	_ =	swait.ge [sflag:s23], $0x1  }
0xa3: {  	[sflag:s23] =	ssyncset.done $0x0  }
0xa4: {  	s25 =	simm.s32 $0x1B8E;
	s24 =	sld [smem:$0x3FFE];
	[sflag:s23] =	ssyncadd.s32 $0xFFFFFFFF  }
0xa5: {  	s26 =	simm.s32 $execute0_lowered;
	[smem:$0x3FD2] =	sst s25  }
0xa6: {  	s5 =	sshll.u32 s26, $0x1;
	_ =	strace $0x8000004F;
	[dreg:$0x1] =	wrdreg $0xFFFFFFFF  }
0xa7: {  	s28 =	simm.s32 $_size_execute0_lowered;
	s3 =	sadd.s32 s3, s5;
	[dreg:$0x0] =	wrdreg $0x0  }
0xa8: {  	s5 =	sshll.u32 s28, $0x1;
	[dreg:$0x2] =	wrdreg s3  }
0xa9: {  	[dreg:$0x3] =	wrdreg s5  }
0xaa: {  	[dreg:$0x4] =	wrdreg $0xC0  }
0xab: {  	_ =	task [dreg:s7], $0x5FFFF  }
0xac: {  	[dreg:$0x1] =	wrdreg $0xFFFFFFFF  }
0xad: {  	[dreg:$0x0] =	wrdreg $0x60  }
0xae: {  	[dreg:$0x2] =	wrdreg s2  }
0xaf: {  	[dreg:$0x3] =	wrdreg s24  }
0xb0: {  	[dreg:$0x4] =	wrdreg $0x9  }
0xb1: {  	_ =	task.clear_ibuf [dreg:s7], $0x5FFFF;
	_ =	strace $0x9000004F  }
0xb2: {  	s29 =	simm.s32 $0x9;
	_ =	strace $0x80000051  }
0xb3: {  	_ =	swait.ge [sflag:s29], $0x1  }
0xb4: {  	[sflag:s29] =	ssyncadd.s32 $0xFFFFFFFF  }
0xb5: {  	_ =	strace $0x90000051  }
0xb6: {  	_ =	sfence  }
0xb7: {  	s30 =	sld [smem:$0x0];
	_ =	sdelay $0x2  }
0xb8: {  	s31 =	sshll.u32 s1, $0xD;
	s1 =	sshrl.u32 s1, $0x2  }
0xb9: {  	s3 =	sand.u32 $0x4000, s31;
	s1 =	sadd.s32 s1, s30  }
0xba: {  	s0 =	sor.u32 s3, s0;
	s1 =	sshll.u32 s1, $0x11  }
0xbb: {  	s0 =	sor.u32 s1, s0  }
0xbc: {  	s0 =	sadd.s32 $0x8F2B, s0  }
0xbd: {  	[sflag:s0] =	ssyncadd.remote.s32 $0x1  }
0xbe: {  	_ =	sfence.sel $0xFFFF  }
0xbf: {  	[dreg:$0x0] =	wrdreg $0xFFFFFFFF;
	(pc) =	sbr.abs _section_cstart, $3  }
0xc0: {  	[dreg:$0x1] =	wrdreg $0xFFFFFFFF  }
0xc1: {  	_ =	task.clear_ibuf [dreg:s7], $0x2FFFF;
	_ =	strace $0x9FFFFFFF  }
0xc2: {  	(tm) =	ssettm $0x7FFFFFFF  }
0xc3: {  	_ =	shalt  }
tec
execute0_lowered:
.L_overlay_start_1:
0x0: {  	(tag) =	ssettag $0x1  }
0x1: {  	s16 =	stileid.u32;
	s4 =	rddreg [dreg:$0x0]  }
0x2: {  	s0 =	srdreg.scid;
	s5 =	rddreg [dreg:$0x1];
	s28 =	simm.s32 $0x2  }
0x3: {  	s31 =	simm.s32 $0x0;
	s1 =	smul.u32 $0x9C, s16;
	s2 =	sand.u32 $0x1, s0  }
0x4: {  	s8 =	sadd.s32 $0x3200, s5;
	s9 =	sadd.s32 $0xD000, s5;
	p1 =	seq.s32 s16, $0xF  }
0x5: {  	s22 =	sadd.s32 $0xCE00, s5;
	s0 =	ssub.s32 $0x0, s2;
	s3 =	sadd.s32 $0x9C, s1  }
0x6: {  	s0 =	sand.u32 $0x9C, s0;
	s1 =	sshrl.u32 s1, $0x4;
	s3 =	sshrl.u32 s3, $0x4  }
0x7: {  	s23 =	sadd.s32 $0x16C00, s5;
	s1 =	sadd.s32 s1, s0;
	s3 =	sadd.s32 s0, s3  }
0x8: {  	s24 =	sadd.s32 $0x51EE00, s5;
	s0 =	sshll.u32 s1, $0x3;
	s3 =	sshll.u32 s3, $0x3  }
0x9: {  	s25 =	sadd.s32 $0x51F600, s5;
	s26 =	sadd.s32 $0x51FE00, s5;
	s6 =	ssub.s32 s3, s0  }
0xa: {  	[dreg:$0x3] =	wrdreg s6;
	s11 =	sadd.s32 $0x27, s6;
	s6 =	simm.s32 $0x0  }
0xb: {  	s12 =	ssub.s32 $0x2, s2;
	p0 =	seq.s32 s2, $0x1;
	[smem:$0x7FF] =	sst s6  }
0xc: {  	s15 =	sshrl.u32 s12, $0x1;
	_ =	strace $0x80000050;
	[dreg:$0x4] =	wrdreg s22  }
0xd: {  	p0 =	por !p1, !p0;
	s21 =	ssub.s32 s12, s15;
	[dreg:$0x5] =	wrdreg s23  }
0xe: {  	p0 =	por !p0, !p0;
	s2 =	smax.u32 s21, $0x1;
	[dreg:$0x6] =	wrdreg s24  }
0xf: {  	s29 =	sshll.u32 s1, $0xE;
	s1 =	sshll.u32 s1, $0xA;
	[dreg:$0x7] =	wrdreg s2  }
0x10: {  	s30 =	sor.u32 $0x100, s1;
	s1 =	sadd.s32 $0x1480, s1;
	[dreg:$0x8] =	wrdreg s25  }
0x11: {  	s7 =	sshll.u32 s11, $0x10;
	s11 =	sshra.s32 s11, $0x1F;
	[dreg:$0x9] =	wrdreg s26  }
0x12: {  	s7 =	sshra.s32 s7, $0x10;
	s2 =	sor.u32 $0x800, s29;
	[dreg:$0xc] =	wrdreg s30  }
0x13: {  	[dreg:$0xd] =	wrdreg s1;
	s22 =	simm.s32 $0x1;
	s10 =	smul.u32 $0x6667, s7  }
.Ltmp0:
0x14: {  	s23 =	simm.s32 $0x1400;
	s24 =	simm.s32 $0x80;
	(pc) =	sbr.rel .LBB2_1-.Ltmp0, $4  }
0x15: {  	s25 =	simm.s32 $0x2800;
	s13 =	sshrl.u32 s10, $0x1F;
	s14 =	sshra.s32 s10, $0x14  }
0x16: {  	s7 =	sadd.s32 $0x16E00, s5;
	[dreg:$0xb] =	wrdreg s2;
	s13 =	sadd.s32 s13, s14  }
0x17: {  	s10 =	sadd.s32 $0x3EE00, s5;
	s5 =	sadd.s32 $0x520600, s5;
	s11 =	sadd.s32 s13, s11  }
0x18: {  	s26 =	simm.s32 $0x3;
	[dreg:$0xa] =	wrdreg s5;
	p1 =	slt.s32 s11, $0x1  }
.LBB2_9:
0x19: {  	s31 =	sadd.s32 $0x1, s31;
	s1 =	rddreg [dreg:$0x7]  }
0x1a: {  	p2 =	sne.s32 s31, s1  }
.Ltmp1:
0x1b: {  	_ = 	snop;
	(pc) =	sbr.rel @!p2 .LBB2_10-.Ltmp1, $1  }
0x1c: {  	_ =	sdelay $0x3  }
.LBB2_1:
.Ltmp2:
0x1d: {  	(pc) =	sbr.rel @!p1 .LBB2_2-.Ltmp2, $4  }
0x1e: {  	s21 =	rddreg [dreg:$0xd]  }
0x1f: {  	s20 =	rddreg [dreg:$0xc]  }
0x20: {  	s19 =	rddreg [dreg:$0xb]  }
0x21: {  	s2 =	smov.u32 s0;
	s5 =	rddreg [dreg:$0x3];
	s14 =	simm.s32 $0x0  }
.LBB2_7:
.Ltmp3:
0x22: {  	(pc) =	sbr.rel @!p0 .LBB2_9-.Ltmp3, $1  }
0x23: {  	_ =	sdelay $0x3  }
0x24: {  	s1 =	rddreg [dreg:$0x4]  }
0x25: {  	[tilespmem:s6], [sflag:$0x1] =	stream.linear.gather [hbm4b:s1+s6], $0x200, $0x38;
	[tilespmem:$0xA800] =	vst v63  }
0x26: {  	_ =	swait.ge [sflag:s22], $0x200  }
0x27: {  	[sflag:s22] =	ssyncset.done $0x0  }
0x28: {  	s14 =	rddreg [dreg:$0x5];
	[sflag:s22] =	ssyncadd.s32 $0xFFFFFE00  }
0x29: {  	[tilespmem:s23], [sflag:$0x1] =	stream.linear.gather [hbm4b:s14+s6], $0x200, $0x38;
	[tilespmem:$0xA800] =	vst v63  }
0x2a: {  	_ =	swait.ge [sflag:s22], $0x200  }
0x2b: {  	[sflag:s22] =	ssyncset.done $0x0  }
0x2c: {  	[sflag:s22] =	ssyncadd.s32 $0xFFFFFE00  }
0x2d: {  	[tilespmem:s25], [sflag:$0x1] =	stream.indirect.gather [hbm4b:s4+s24], $0x80, s6, s24, $0xb8;
	[tilespmem:$0xA800] =	vst v63  }
0x2e: {  	_ =	swait.ge [sflag:s22], $0x4000  }
0x2f: {  	[sflag:s22] =	ssyncset.done $0x0  }
0x30: {  	[sflag:s22] =	ssyncadd.s32 $0xFFFFC000  }
0x31: {  	[tilespmem:s25], [sflag:$0x2] =	stream.indirect.gather.add.f32 [hbm:s7], $0x80, s23, s24, $0xb8;
	[tilespmem:$0xA800] =	vst v63  }
0x32: {  	_ =	swait.ge [sflag:s28], $0x4000  }
0x33: {  	[sflag:s28] =	ssyncset.done $0x0  }
0x34: {  	s2 =	simm.s32 $0x4;
	s15 =	rddreg [dreg:$0x6];
	[sflag:s28] =	ssyncadd.s32 $0xFFFFC000  }
0x35: {  	[hbm4b:s15+s6] =	stream.linear.scatter [tilespmem:s25], [sflag:$0x4], $0x4000, $0x38;
	[tilespmem:$0xA800] =	vst v63  }
0x36: {  	_ =	swait.ge [sflag:s2], $0x4000  }
0x37: {  	[sflag:s2] =	ssyncset.done $0x0  }
0x38: {  	[sflag:s2] =	ssyncadd.s32 $0xFFFFC000  }
0x39: {  	[tilespmem:s25], [sflag:$0x1] =	stream.indirect.gather [hbm4b:s4+s24], $0x80, s24, s24, $0xb8;
	[tilespmem:$0xA800] =	vst v63  }
0x3a: {  	_ =	swait.ge [sflag:s22], $0x4000  }
0x3b: {  	[sflag:s22] =	ssyncset.done $0x0  }
0x3c: {  	s16 =	simm.s32 $0x1480;
	[sflag:s22] =	ssyncadd.s32 $0xFFFFC000  }
0x3d: {  	[tilespmem:s25], [sflag:$0x2] =	stream.indirect.gather.add.f32 [hbm:s7], $0x80, s16, s24, $0xb8;
	[tilespmem:$0xA800] =	vst v63  }
0x3e: {  	_ =	swait.ge [sflag:s28], $0x4000  }
0x3f: {  	[sflag:s28] =	ssyncset.done $0x0  }
0x40: {  	s17 =	rddreg [dreg:$0x8];
	[sflag:s28] =	ssyncadd.s32 $0xFFFFC000  }
0x41: {  	[hbm4b:s17+s6] =	stream.linear.scatter [tilespmem:s25], [sflag:$0x4], $0x4000, $0x38;
	[tilespmem:$0xA800] =	vst v63  }
0x42: {  	_ =	swait.ge [sflag:s2], $0x4000  }
0x43: {  	[sflag:s2] =	ssyncset.done $0x0  }
0x44: {  	s18 =	simm.s32 $0x100;
	[sflag:s2] =	ssyncadd.s32 $0xFFFFC000  }
0x45: {  	[tilespmem:s25], [sflag:$0x1] =	stream.indirect.gather [hbm4b:s4+s24], $0x80, s18, s24, $0xb8;
	[tilespmem:$0xA800] =	vst v63  }
0x46: {  	_ =	swait.ge [sflag:s22], $0x4000  }
0x47: {  	[sflag:s22] =	ssyncset.done $0x0  }
0x48: {  	s19 =	simm.s32 $0x1500;
	[sflag:s22] =	ssyncadd.s32 $0xFFFFC000  }
0x49: {  	[tilespmem:s25], [sflag:$0x2] =	stream.indirect.gather.add.f32 [hbm:s7], $0x80, s19, s24, $0xb8;
	[tilespmem:$0xA800] =	vst v63  }
0x4a: {  	_ =	swait.ge [sflag:s28], $0x4000  }
0x4b: {  	[sflag:s28] =	ssyncset.done $0x0  }
0x4c: {  	s20 =	rddreg [dreg:$0x9];
	[sflag:s28] =	ssyncadd.s32 $0xFFFFC000  }
0x4d: {  	[hbm4b:s20+s6] =	stream.linear.scatter [tilespmem:s25], [sflag:$0x4], $0x4000, $0x38;
	[tilespmem:$0xA800] =	vst v63  }
0x4e: {  	_ =	swait.ge [sflag:s2], $0x4000  }
0x4f: {  	[sflag:s2] =	ssyncset.done $0x0  }
0x50: {  	s21 =	simm.s32 $0x180;
	[sflag:s2] =	ssyncadd.s32 $0xFFFFC000  }
0x51: {  	[tilespmem:s25], [sflag:$0x1] =	stream.indirect.gather [hbm4b:s4+s24], $0x80, s21, s24, $0xb8;
	[tilespmem:$0xA800] =	vst v63  }
0x52: {  	_ =	swait.ge [sflag:s22], $0x4000  }
0x53: {  	[sflag:s22] =	ssyncset.done $0x0  }
0x54: {  	s29 =	simm.s32 $0x1580;
	[sflag:s22] =	ssyncadd.s32 $0xFFFFC000  }
0x55: {  	[tilespmem:s25], [sflag:$0x2] =	stream.indirect.gather.add.f32 [hbm:s7], $0x80, s29, s24, $0xb8;
	[tilespmem:$0xA800] =	vst v63  }
0x56: {  	_ =	swait.ge [sflag:s28], $0x4000  }
0x57: {  	[sflag:s28] =	ssyncset.done $0x0  }
.Ltmp4:
0x58: {  	s30 =	rddreg [dreg:$0xa];
	[sflag:s28] =	ssyncadd.s32 $0xFFFFC000;
	(pc) =	sbr.rel .LBB2_9-.Ltmp4, $4  }
0x59: {  	[hbm4b:s30+s6] =	stream.linear.scatter [tilespmem:s25], [sflag:$0x4], $0x4000, $0x38;
	[tilespmem:$0xA800] =	vst v63  }
0x5a: {  	_ =	swait.ge [sflag:s2], $0x4000  }
0x5b: {  	[sflag:s2] =	ssyncset.done $0x0  }
0x5c: {  	[sflag:s2] =	ssyncadd.s32 $0xFFFFC000  }
.LBB2_5:
0x5d: {  	[hbm4b:s1+s6] =	stream.linear.scatter [tilespmem:s13], [sflag:$0x3], $0x4000, $0x38;
	[tilespmem:$0xA800] =	vst v63  }
.LBB2_6:
0x5e: {  	s14 =	sadd.s32 $0x1, s14  }
0x5f: {  	p2 =	sne.s32 s14, s11  }
.Ltmp5:
0x60: {  	_ = 	snop;
	(pc) =	sbr.rel @!p2 .LBB2_7-.Ltmp5, $4  }
0x61: {  	_ = 	snop  }
0x62: {  	_ =	swait.ge [sflag:s26], $0x4000;
	s5 =	sadd.s32 $0xFFFFFFD8, s5  }
0x63: {  	s19 =	sadd.s32 $0x14000, s19;
	s20 =	sadd.s32 $0x1400, s20;
	[sflag:s26] =	ssyncset.done $0x0  }
0x64: {  	s2 =	sadd.s32 $0x28, s2;
	s21 =	sadd.s32 $0x1400, s21;
	[sflag:s26] =	ssyncadd.s32 $0xFFFFC000  }
.LBB2_2:
0x65: {  	s1 =	smul.u32 $0x28, s14;
	_ =	sdelay $0x1  }
0x66: {  	s1 =	sadd.s32 s0, s1  }
0x67: {  	p2 =	slt.s32 s1, $0x998;
	s12 =	smov.u32 s1  }
0x68: {  	s12 =	simm.s32 @!p2 $0x998  }
0x69: {  	s13 =	sshll.u32 s12, $0x4  }
0x6a: {  	s15 =	sadd.s32 s8, s13  }
0x6b: {  	[tilespmem:s6], [sflag:$0x1] =	stream.linear.gather [hbm4b:s15+s6], $0x1400, $0x38;
	[tilespmem:$0xA800] =	vst v63  }
0x6c: {  	_ =	swait.ge [sflag:s22], $0x1400  }
0x6d: {  	[sflag:s22] =	ssyncset.done $0x0  }
0x6e: {  	s13 =	sadd.s32 s9, s13;
	[sflag:s22] =	ssyncadd.s32 $0xFFFFEC00  }
0x6f: {  	[tilespmem:s23], [sflag:$0x1] =	stream.linear.gather [hbm4b:s13+s6], $0x1400, $0x38;
	[tilespmem:$0xA800] =	vst v63  }
0x70: {  	s16 =	ssub.s32 s3, s1;
	s12 =	ssub.s32 s1, s12;
	_ =	swait.ge [sflag:s22], $0x1400  }
0x71: {  	p2 =	slt.s32 s16, $0x1;
	s13 =	sshll.u32 s12, $0x9;
	[sflag:s22] =	ssyncset.done $0x0  }
0x72: {  	s12 =	simm.s32 @!p2 $0x1;
	s15 =	sshra.s32 s13, $0x2;
	[sflag:s22] =	ssyncadd.s32 $0xFFFFEC00  }
0x73: {  	[tilespmem:s25], [sflag:$0x1] =	stream.indirect.gather [hbm4b:s4+s24], $0x80, s15, s24, $0xb8;
	[tilespmem:$0xA800] =	vst v63  }
0x74: {  	_ =	swait.ge @!p2 [sflag:s12], $0x4000  }
0x75: {  	s17 =	simm.s32 @!p2 $0x80;
	s13 =	sshra.s32 @!p2 s13, $0x2;
	[sflag:s12] =	ssyncset.done @!p2 $0x0  }
0x76: {  	s18 =	simm.s32 @!p2 $0x2800;
	s13 =	sadd.s32 @!p2 $0x1400, s13;
	[sflag:s12] =	ssyncadd.s32 @!p2 $0xFFFFC000  }
0x77: {  	[tilespmem:s18], [sflag:$0x2] =	stream.indirect.gather.add.f32 @!p2 [hbm:s7], $0x80, s13, s17, $0xb8;
	[tilespmem:$0xA800] =	vst v63  }
0x78: {  	s13 =	sadd.s32 @!p2 $0x80, s15;
	s15 =	simm.s32 @!p2 $0x6800  }
0x79: {  	[tilespmem:s15], [sflag:$0x1] =	stream.indirect.gather @!p2 [hbm4b:s4+s17], $0x80, s13, s17, $0xb8;
	[tilespmem:$0xA800] =	vst v63  }
0x7a: {  	p3 =	sgt.s32 s5, $0x1;
	s1 =	sshll.u32 @!p2 s1, $0xB;
	s13 =	simm.s32 @!p2 $0x2  }
0x7b: {  	s1 =	sand.u32 @!p2 $0x1FFFC000, s1;
	s15 =	smov.u32 s5;
	_ =	swait.ge @!p2 [sflag:s13], $0x4000  }
0x7c: {  	s1 =	sadd.s32 @!p2 s10, s1;
	s15 =	simm.s32 @!p3 $0x1;
	[sflag:s13] =	ssyncset.done @!p2 $0x0  }
0x7d: {  	p3 =	seq.s32 @!p2 s15, $0x1;
	[sflag:s13] =	ssyncadd.s32 @!p2 $0xFFFFC000;
	s13 =	simm.s32 @!p2 $0x0  }
0x7e: {  	[hbm4b:s1+s13] =	stream.linear.scatter @!p2 [tilespmem:s18], [sflag:$0x3], $0x4000, $0x38;
	[tilespmem:$0xA800] =	vst v63  }
0x7f: {  	p2 =	por p2, p3  }
.Ltmp6:
0x80: {  	_ = 	snop;
	(pc) =	sbr.rel @p2 .LBB2_6-.Ltmp6, $1  }
0x81: {  	_ =	sdelay $0x3  }
0x82: {  	p2 =	slt.s32 s2, $0x998;
	s1 =	smov.u32 s2  }
0x83: {  	s12 =	sand.u32 $0x1, s12;
	_ =	swait.ge [sflag:s22], $0x4000;
	s1 =	simm.s32 @!p2 $0x998  }
0x84: {  	p2 =	slt.s32 s16, $0x28;
	s13 =	sshll.u32 s12, $0xE;
	s1 =	sshll.u32 s1, $0x9  }
0x85: {  	[sflag:s22] =	ssyncset.done $0x0;
	s16 =	simm.s32 @!p2 $0x28;
	s1 =	ssub.s32 $0x0, s1  }
0x86: {  	s13 =	sor.u32 $0x2800, s13;
	[sflag:s22] =	ssyncadd.s32 $0xFFFFC000;
	s1 =	sshra.s32 s1, $0x2  }
0x87: {  	p2 =	sle.s32 s16, $0x2;
	s30 =	sadd.s32 s1, s20;
	s1 =	sadd.s32 s1, s21  }
0x88: {  	[tilespmem:s13], [sflag:$0x2] =	stream.indirect.gather.add.f32 [hbm:s7], $0x80, s1, s24, $0xb8;
	[tilespmem:$0xA800] =	vst v63  }
0x89: {  	s12 =	sshll.u32 @!p2 s12, $0xE;
	_ =	swait.ge [sflag:s26], $0x4000  }
0x8a: {  	s17 =	smin.u32 s15, $0x28;
	s12 =	sxor.u32 @!p2 $0x4000, s12;
	[sflag:s26] =	ssyncset.done $0x0  }
0x8b: {  	s15 =	simm.s32 @!p2 $0x80;
	s12 =	sor.u32 @!p2 $0x2800, s12;
	[sflag:s26] =	ssyncadd.s32 $0xFFFFC000  }
0x8c: {  	[tilespmem:s12], [sflag:$0x1] =	stream.indirect.gather @!p2 [hbm4b:s4+s15], $0x80, s30, s15, $0xb8;
	[tilespmem:$0xA800] =	vst v63  }
0x8d: {  	p2 =	sne.s32 s17, $0x2  }
.Ltmp7:
0x8e: {  	_ = 	snop;
	(pc) =	sbr.rel @!p2 .LBB2_5-.Ltmp7, $4  }
0x8f: {  	_ = 	snop  }
0x90: {  	s18 =	simm.s32 $0x2;
	s29 =	sand.u32 $0x1FFFF800, s19;
	_ =	swait.ge [sflag:s28], $0x4000  }
0x91: {  	s15 =	sadd.s32 $0x80, s1;
	s12 =	sadd.s32 $0x80, s30;
	[sflag:s28] =	ssyncset.done $0x0  }
0x92: {  	s1 =	sadd.s32 s10, s29;
	s30 =	sadd.s32 $0x800, s19;
	[sflag:s28] =	ssyncadd.s32 $0xFFFFC000  }
.LBB2_4:
0x93: {  	[hbm4b:s1+s6] =	stream.linear.scatter [tilespmem:s13], [sflag:$0x3], $0x4000, $0x38;
	[tilespmem:$0xA800] =	vst v63  }
0x94: {  	s1 =	sand.u32 $0x1, s18;
	s18 =	sadd.s32 $0x1, s18;
	_ =	swait.ge [sflag:s22], $0x4000  }
0x95: {  	s13 =	sshll.u32 s1, $0xE;
	p2 =	sne.s32 s17, s18;
	[sflag:s22] =	ssyncset.done $0x0  }
0x96: {  	p3 =	sge.s32 s18, s16;
	s13 =	sor.u32 $0x2800, s13;
	[sflag:s22] =	ssyncadd.s32 $0xFFFFC000  }
0x97: {  	[tilespmem:s13], [sflag:$0x2] =	stream.indirect.gather.add.f32 [hbm:s7], $0x80, s15, s24, $0xb8;
	[tilespmem:$0xA800] =	vst v63  }
0x98: {  	s1 =	sshll.u32 @!p3 s1, $0xE;
	_ =	swait.ge [sflag:s26], $0x4000  }
0x99: {  	s29 =	simm.s32 @!p3 $0x80;
	s1 =	sxor.u32 @!p3 $0x4000, s1;
	[sflag:s26] =	ssyncset.done $0x0  }
.Ltmp8:
0x9a: {  	s1 =	sor.u32 @!p3 $0x2800, s1;
	[sflag:s26] =	ssyncadd.s32 $0xFFFFC000;
	(pc) =	sbr.rel @p2 .LBB2_4-.Ltmp8, $4  }
0x9b: {  	[tilespmem:s1], [sflag:$0x1] =	stream.indirect.gather @!p3 [hbm4b:s4+s29], $0x80, s12, s29, $0xb8;
	[tilespmem:$0xA800] =	vst v63  }
0x9c: {  	s15 =	sadd.s32 $0x80, s15;
	_ =	swait.ge [sflag:s28], $0x4000  }
0x9d: {  	s1 =	sand.u32 $0x1FFFF800, s30;
	s12 =	sadd.s32 $0x80, s12;
	[sflag:s28] =	ssyncset.done $0x0  }
0x9e: {  	s30 =	sadd.s32 $0x800, s30;
	s1 =	sadd.s32 s10, s1;
	[sflag:s28] =	ssyncadd.s32 $0xFFFFC000  }
.Ltmp9:
0x9f: {  	_ = 	snop;
	(pc) =	sbr.rel .LBB2_5-.Ltmp9, $1  }
0xa0: {  	_ =	sdelay $0x3  }
.LBB2_10:
0xa1: {  	_ =	sfence.sel $0x180000  }
0xa2: {  	[bflag:$0x0] =	sbarrier.arrive $0xFFFF  }
0xa3: {  	_ =	strace $0x90000050  }
0xa4: {  	s0 =	stileid.u32;
	[bflag:$0x2] =	sbarrier.arrive $0xFFFF  }
0xa5: {  	p0 =	sne.s32 s0, $0x0;
	s0 =	rddreg [dreg:$0x2]  }
0xa6: {  	s0 =	sadd.s32 @!p0 $0x100000, s0  }
0xa7: {  	[sflag:s0] =	ssyncadd.tile.s32 @!p0 $0x1;
	_ =	shalt  }
.Lfunc_end2:
_tile_overlayer_lowered:
.L_overlay_start_2:
0xa8: {  	(tag) =	ssettag $0x2  }
0xa9: {  	s0 =	rddreg [dreg:$0x0];
	s2 =	stileid.u32  }
0xaa: {  	s1 =	rddreg [dreg:$0x1];
	p0 =	sne.s32 s2, $0x0  }
0xab: {  	s3 =	rddreg [dreg:$0x2];
	[bflag:$0x3] =	sbarrier.arrive $0xFFFF;
	s2 =	simm.s32 @!p0 $0x1C04  }
0xac: {  	[timem:s3], [sflag:s2] =	dma.local @!p0 [hbm:s0], s1  }
0xad: {  	s0 =	simm.s32 @!p0 $0x4  }
0xae: {  	_ =	swait.ge @!p0 [sflag:s0], s1  }
0xaf: {  	s1 =	ssub.s32 @!p0 $0x0, s1;
	[sflag:s0] =	ssyncset.done @!p0 $0x0  }
0xb0: {  	[sflag:s0] =	ssyncadd.s32 @!p0 s1  }
0xb1: {  	[bflag:$0x3] =	sbarrier.arrive $0xFFFF  }
0xb2: {  	_ =	shalt  }

</sc_bundles>
